<compile_context>
chip_gen: v7x
topology: tpu7x:2x2x1
jax: 0.10.2.dev20260603
libtpu: 0.0.44.dev20260713+nightly
codegen_flags: <defaults>
</compile_context>

<pallas_src>
import jax
import jax.numpy as jnp
import numpy as np
from jax.experimental import pallas as pl
from jax.experimental.pallas import tpu as pltpu
from jax.experimental.pallas import tpu_sc as plsc

SEQ = 200
BATCH = 6
BPAD = 8
EMBED = 128
HIDDEN = 512
GW = 128
NIDX = SEQ * BPAD
NP1 = 7 * GW
STEPS1 = NP1 // BPAD
STEPS2 = SEQ - STEPS1
NP2 = 6 * GW
CW = 128


def _interleave_gates(w):
    lead = w.shape[:-1]
    w = w.reshape(*lead, 4, HIDDEN // CW, CW)
    w = jnp.swapaxes(w, -3, -2)
    return w.reshape(*lead, 4 * HIDDEN)


def _sc_gather(table, idx2):
    n = idx2.shape[1]
    mesh = plsc.VectorSubcoreMesh(core_axis_name="c", subcore_axis_name="s")

    nw = n // GW
    half = max(nw // 2, 1)

    @pl.kernel(out_type=jax.ShapeDtypeStruct((n, EMBED), table.dtype),
               mesh=mesh)
    def gather_kernel(table_hbm, idx_hbm, out_hbm):
        def body(i_vmem, o_vmem):
            pltpu.sync_copy(table_hbm.at[i_vmem.at[0]], o_vmem)

        pltpu.emit_pipeline(
            body,
            grid=(nw // half, half),
            in_specs=[pl.BlockSpec((1, GW), lambda i, j: (0, i * half + j))],
            out_specs=[pl.BlockSpec((GW, EMBED),
                                    lambda i, j: (i * half + j, 0))],
            core_axis_name=("c", "s"),
            dimension_semantics=(pltpu.PARALLEL, pltpu.PARALLEL),
        )(idx_hbm, out_hbm)

    return gather_kernel(table, idx2)


def _xproj(emb_ref, wih_ref, b2_ref, xproj_ref):
    xproj_ref[...] = (
        jnp.dot(emb_ref[...].astype(jnp.bfloat16), wih_ref[...],
                preferred_element_type=jnp.float32)
        + b2_ref[...]
    )


def _steps(xproj_ref, whh_ref, h, c, nsteps, unroll):
    def step(t, carry):
        h, c = carry
        gates = xproj_ref[pl.ds(t * BPAD, BPAD), :] + jnp.dot(
            h.astype(jnp.bfloat16), whh_ref[...],
            preferred_element_type=jnp.float32,
        )
        hs, cs = [], []
        for k in range(HIDDEN // CW):
            base = 4 * CW * k
            ik = jax.nn.sigmoid(gates[:, base:base + CW])
            fk = jax.nn.sigmoid(gates[:, base + CW:base + 2 * CW])
            gk = jnp.tanh(gates[:, base + 2 * CW:base + 3 * CW])
            ok = jax.nn.sigmoid(gates[:, base + 3 * CW:base + 4 * CW])
            ck = fk * c[:, k * CW:(k + 1) * CW] + ik * gk
            cs.append(ck)
            hs.append(ok * jnp.tanh(ck))
        h = jnp.concatenate(hs, axis=1)
        c = jnp.concatenate(cs, axis=1)
        return (h, c)

    return jax.lax.fori_loop(0, nsteps, step, (h, c), unroll=unroll)


def _lstm1_kernel(emb_ref, wih_ref, whh_ref, b2_ref, hc_ref, xproj_ref):
    _xproj(emb_ref, wih_ref, b2_ref, xproj_ref)
    h0 = jnp.zeros((BPAD, HIDDEN), jnp.float32)
    c0 = jnp.zeros((BPAD, HIDDEN), jnp.float32)
    h, c = _steps(xproj_ref, whh_ref, h0, c0, STEPS1, 16)
    hc_ref[...] = jnp.concatenate([h, c], axis=0)


def _lstm2_kernel(emb_ref, wih_ref, whh_ref, b2_ref, hc_ref, wout_ref,
                  bout_ref, wm_ref, bres_ref, out_ref, xproj_ref):
    _xproj(emb_ref, wih_ref, b2_ref, xproj_ref)
    h, c = _steps(xproj_ref, whh_ref, hc_ref[:BPAD, :], hc_ref[BPAD:, :],
                  STEPS2, 8)

    out = jnp.dot(h, wout_ref[...], preferred_element_type=jnp.float32) \
        + bout_ref[...]
    res = jnp.sum(out[None, :, :] * wm_ref[...], axis=(1, 2))
    out_ref[...] = res.reshape(1, 2) + bres_ref[...]


def kernel(input_data, table, W_ih, W_hh, b_ih, b_hh, W_out, b_out, W_res, b_res):
    idx = jnp.pad(input_data, ((0, 0), (0, BPAD - BATCH)))
    flat_idx = idx.reshape(-1)
    idx1 = flat_idx[:NP1].reshape(1, NP1)
    idx2 = jnp.pad(flat_idx[NP1:], (0, NP1 + NP2 - NIDX)).reshape(1, NP2)
    emb1 = _sc_gather(table, idx1)
    emb2 = _sc_gather(table, idx2)

    b2 = _interleave_gates(b_ih + b_hh).reshape(1, 4 * HIDDEN)
    wih = _interleave_gates(W_ih.T).astype(jnp.bfloat16)
    whh = _interleave_gates(W_hh.T).astype(jnp.bfloat16)
    Wm = jnp.pad(W_res.reshape(2, BATCH, 2), ((0, 0), (0, BPAD - BATCH), (0, 0)))

    hc = pl.pallas_call(
        _lstm1_kernel,
        out_shape=jax.ShapeDtypeStruct((2 * BPAD, HIDDEN), jnp.float32),
        scratch_shapes=[pltpu.VMEM((NP1, 4 * HIDDEN), jnp.float32)],
    )(emb1, wih, whh, b2)

    res = pl.pallas_call(
        _lstm2_kernel,
        out_shape=jax.ShapeDtypeStruct((1, 2), jnp.float32),
        scratch_shapes=[pltpu.VMEM((NP2, 4 * HIDDEN), jnp.float32)],
    )(emb2, wih, whh, b2, hc, W_out.T, b_out.reshape(1, 2), Wm,
      b_res.reshape(1, 2))
    return res

# --- scband reference (transcript-rebuilt; emitter-appended) ---
"""Pipeline reference for scband-neural-network-75411035783302 (READ-ONLY COPY).

The authoritative reference and input builder live on the scoring server;
editing this copy changes nothing except your own understanding.
"""

import jax, jax.numpy as jnp
import numpy as np

NUM_WORDS = 100000
EMBED = 128
HIDDEN = 512
SEQ = 200
BATCH = 6


def setup_inputs(seed: int = 0) -> dict:
    key = jax.random.key(seed)
    ks = jax.random.split(key, 10)
    inp = {}
    inp["input_data"] = jax.random.randint(ks[0], (SEQ, BATCH), 0, NUM_WORDS, dtype=jnp.int32)
    inp["table"] = jax.random.normal(ks[1], (NUM_WORDS, EMBED), dtype=jnp.float32)
    k_ih = 1.0 / np.sqrt(HIDDEN)
    inp["W_ih"] = jax.random.uniform(ks[2], (4 * HIDDEN, EMBED), minval=-k_ih, maxval=k_ih, dtype=jnp.float32)
    inp["W_hh"] = jax.random.uniform(ks[3], (4 * HIDDEN, HIDDEN), minval=-k_ih, maxval=k_ih, dtype=jnp.float32)
    inp["b_ih"] = jax.random.uniform(ks[4], (4 * HIDDEN,), minval=-k_ih, maxval=k_ih, dtype=jnp.float32)
    inp["b_hh"] = jax.random.uniform(ks[5], (4 * HIDDEN,), minval=-k_ih, maxval=k_ih, dtype=jnp.float32)
    k_out = 1.0 / np.sqrt(HIDDEN)
    inp["W_out"] = jax.random.uniform(ks[6], (2, HIDDEN), minval=-k_out, maxval=k_out, dtype=jnp.float32)
    inp["b_out"] = jax.random.uniform(ks[7], (2,), minval=-k_out, maxval=k_out, dtype=jnp.float32)
    k_res = 1.0 / np.sqrt(12.0)
    inp["W_res"] = jax.random.uniform(ks[8], (2, 12), minval=-k_res, maxval=k_res, dtype=jnp.float32)
    inp["b_res"] = jax.random.uniform(ks[9], (2,), minval=-k_res, maxval=k_res, dtype=jnp.float32)
    return inp


def _lstm(emb, W_ih, W_hh, b_ih, b_hh):
    # emb: [S, B, E]; PyTorch LSTM gate order: i, f, g, o
    H = W_hh.shape[1]
    B = emb.shape[1]
    h0 = jnp.zeros((B, H), dtype=emb.dtype)
    c0 = jnp.zeros((B, H), dtype=emb.dtype)

    def step(carry, x_t):
        h, c = carry
        gates = x_t @ W_ih.T + b_ih + h @ W_hh.T + b_hh
        i, f, g, o = jnp.split(gates, 4, axis=-1)
        i = jax.nn.sigmoid(i)
        f = jax.nn.sigmoid(f)
        g = jnp.tanh(g)
        o = jax.nn.sigmoid(o)
        c = f * c + i * g
        h = o * jnp.tanh(c)
        return (h, c), h

    (_, _), hs = jax.lax.scan(step, (h0, c0), emb)
    return hs


def reference(input_data, table, W_ih, W_hh, b_ih, b_hh, W_out, b_out, W_res, b_res):
    emb = jnp.take(table, input_data, axis=0)  # [S, B, E] embedding lookup (gather)
    hs = _lstm(emb, W_ih, W_hh, b_ih, b_hh)    # [S, B, H]
    h_last = hs[-1]                             # [B, H] == lstm_output[-1]
    out = h_last @ W_out.T + b_out              # [B, 2]
    flat = out.reshape(-1)                      # [12]
    res = flat @ W_res.T + b_res                # [2]
    return res[None, :]                         # [1, 2]

if __name__ == "__main__":
    import jax
    _d = setup_inputs()
    print(jax.jit(kernel)(*tuple(_d.values())))

</pallas_src>

<mosaic_0001>
#map = affine_map<(d0, d1) -> (0, 0)>
module attributes {stable_mosaic.version = 14 : i64} {
  func.func @gather_kernel(%arg0: i32, %arg1: i32, %arg2: memref<100000x128xf32, #tpu.memory_space<hbm>>, %arg3: memref<1x768xi32, #tpu.memory_space<hbm>>, %arg4: memref<768x128xf32, #tpu.memory_space<hbm>>) attributes {dimension_semantics = [#tpu.dimension_semantics<core_parallel>, #tpu.dimension_semantics<subcore_parallel>], iteration_bounds = array<i64: 2, 16>, scalar_prefetch = 0 : i64, scratch_operands = 0 : i64, tpu.core_type = #tpu.core_type<sc_vector_subcore>, window_params = [{transform_indices = #map}, {transform_indices = #map}, {transform_indices = #map}]} {
    %mul3A = arith.constant 1 : i32
    %mul3A_0 = arith.muli %arg1, %mul3A : i32
    %add3A = arith.constant 0 : i32
    %add3A_1 = arith.addi %add3A, %mul3A_0 : i32
    %mul3A_2 = arith.constant 16 : i32
    %mul3A_3 = arith.muli %arg0, %mul3A_2 : i32
    %add3A_4 = arith.addi %add3A_1, %mul3A_3 : i32
    %lt3A = arith.constant 3 : i32
    %lt3A_5 = arith.cmpi slt, %add3A_4, %lt3A : i32
    %jit3A = arith.constant 1 : i32
    %jit3A_6 = arith.constant 0 : i32
    %select_n3A = arith.select %lt3A_5, %jit3A, %jit3A_6 : i32
    %lt3A_7 = arith.constant 3 : i32
    %lt3A_8 = arith.cmpi slt, %add3A_4, %lt3A_7 : i32
    %mul3A_9 = arith.muli %add3A_4, %select_n3A : i32
    %mul3A_10 = arith.constant 0 : i32
    %mul3A_11 = arith.muli %add3A_4, %mul3A_10 : i32
    %add3A_12 = arith.constant 3 : i32
    %add3A_13 = arith.addi %mul3A_11, %add3A_12 : i32
    %select_n3A_14 = arith.select %lt3A_8, %mul3A_9, %add3A_13 : i32
    %mul3A_15 = arith.constant 2 : i32
    %mul3A_16 = arith.muli %mul3A_15, %select_n3A : i32
    "tpu.region"() ({
      %run_scoped3A = memref.alloca() : memref<2x1x128xi32, #tpu.memory_space<vmem>>
      %run_scoped3A_17 = tpu.sem_alloc : memref<2x!tpu.dma_semaphore, #tpu.memory_space<semaphore_mem>>
      %run_scoped3A_18 = memref.alloca() : memref<2x128x128xf32, #tpu.memory_space<vmem>>
      %run_scoped3A_19 = tpu.sem_alloc : memref<2x!tpu.dma_semaphore, #tpu.memory_space<semaphore_mem>>
      %gt3A = arith.constant 0 : i32
      %gt3A_20 = arith.cmpi sgt, %mul3A_16, %gt3A : i32
      %convert_element_type3A = arith.extui %gt3A_20 : i1 to i32
      %cond3A = arith.constant 0 : i32
      %cond3A_21 = arith.cmpi ne, %convert_element_type3A, %cond3A : i32
      scf.if %cond3A_21 {
        %mul3A_22 = arith.constant 2 : i32
        %mul3A_23 = arith.muli %mul3A_22, %select_n3A : i32
        %sub3A = arith.constant 1 : i32
        %sub3A_24 = arith.subi %mul3A_23, %sub3A : i32
        %eq3A = arith.constant 0 : i32
        %eq3A_25 = arith.cmpi eq, %sub3A_24, %eq3A : i32
        %add3A_26 = arith.constant 0 : i32
        %add3A_27 = arith.addi %add3A_26, %select_n3A_14 : i32
        %select_n3A_28 = arith.constant true
        %select_n3A_29 = arith.constant 0 : i32
        %select_n3A_30 = arith.constant -1 : i32
        %select_n3A_31 = arith.select %select_n3A_28, %select_n3A_30, %select_n3A_29 : i32
        %eq3A_32 = arith.constant -1 : i32
        %eq3A_33 = arith.cmpi eq, %select_n3A_31, %eq3A_32 : i32
        %sub3A_34 = arith.constant 1 : i32
        %sub3A_35 = arith.subi %select_n3A, %sub3A_34 : i32
        %select_n3A_36 = arith.select %eq3A_33, %sub3A_35, %select_n3A_31 : i32
        %select_n3A_37 = arith.constant 0 : i32
        %select_n3A_38 = arith.constant -1 : i32
        %select_n3A_39 = arith.select %eq3A_33, %select_n3A_38, %select_n3A_37 : i32
        %eq3A_40 = arith.constant -1 : i32
        %eq3A_41 = arith.cmpi eq, %select_n3A_39, %eq3A_40 : i32
        %select_n3A_42 = arith.constant 1 : i32
        %select_n3A_43 = arith.select %eq3A_41, %select_n3A_42, %select_n3A_39 : i32
        %add3A_44 = arith.constant 0 : i32
        %add3A_45 = arith.addi %select_n3A_43, %add3A_44 : i32
        %add3A_46 = arith.addi %select_n3A_36, %select_n3A_14 : i32
        %select_n3A_47 = arith.constant true
        %select_n3A_48 = arith.constant 0 : i32
        %select_n3A_49 = arith.constant 1 : i32
        %select_n3A_50 = arith.select %select_n3A_47, %select_n3A_49, %select_n3A_48 : i32
        %eq3A_51 = arith.cmpi eq, %select_n3A_50, %select_n3A : i32
        %select_n3A_52 = arith.constant 0 : i32
        %select_n3A_53 = arith.select %eq3A_51, %select_n3A_52, %select_n3A_50 : i32
        %select_n3A_54 = arith.constant 0 : i32
        %select_n3A_55 = arith.constant 1 : i32
        %select_n3A_56 = arith.select %eq3A_51, %select_n3A_55, %select_n3A_54 : i32
        %eq3A_57 = arith.constant 2 : i32
        %eq3A_58 = arith.cmpi eq, %select_n3A_56, %eq3A_57 : i32
        %select_n3A_59 = arith.constant 0 : i32
        %select_n3A_60 = arith.select %eq3A_58, %select_n3A_59, %select_n3A_56 : i32
        %add3A_61 = arith.constant 0 : i32
        %add3A_62 = arith.addi %select_n3A_60, %add3A_61 : i32
        %add3A_63 = arith.addi %select_n3A_53, %select_n3A_14 : i32
        %add3A_64 = arith.constant 1 : i32
        %add3A_65 = arith.addi %select_n3A_53, %add3A_64 : i32
        %select_n3A_66 = arith.constant true
        %select_n3A_67 = arith.select %select_n3A_66, %add3A_65, %select_n3A_53 : i32
        %eq3A_68 = arith.cmpi eq, %select_n3A_67, %select_n3A : i32
        %select_n3A_69 = arith.constant 0 : i32
        %select_n3A_70 = arith.select %eq3A_68, %select_n3A_69, %select_n3A_67 : i32
        %add3A_71 = arith.constant 1 : i32
        %add3A_72 = arith.addi %select_n3A_60, %add3A_71 : i32
        %select_n3A_73 = arith.select %eq3A_68, %add3A_72, %select_n3A_60 : i32
        %eq3A_74 = arith.constant 2 : i32
        %eq3A_75 = arith.cmpi eq, %select_n3A_73, %eq3A_74 : i32
        %select_n3A_76 = arith.constant 0 : i32
        %select_n3A_77 = arith.select %eq3A_75, %select_n3A_76, %select_n3A_73 : i32
        %add3A_78 = arith.constant 0 : i32
        %add3A_79 = arith.addi %select_n3A_77, %add3A_78 : i32
        %add3A_80 = arith.addi %select_n3A_70, %select_n3A_14 : i32
        "tpu.trace_start"() <{level = 10 : i32, message = "ep_initialize_0"}> : () -> ()
        %rem3A = arith.constant 0 : i32
        %rem3A_81 = arith.constant 2 : i32
        %rem3A_82 = arith.remui %rem3A, %rem3A_81 : i32
        %add3A_83 = arith.constant 0 : i32
        %add3A_84 = arith.addi %add3A_83, %add3A_27 : i32
        %mul3A_85 = arith.constant 128 : i32
        %mul3A_86 = arith.muli %mul3A_85, %add3A_84 : i32
        %dma_start3A = arith.constant 0 : i32
        %dma_start3A_87 = arith.constant 0 : i32
        %dma_start3A_88 = tpu.memref_slice %run_scoped3A[%rem3A_82, %dma_start3A, %dma_start3A_87] : memref<2x1x128xi32, #tpu.memory_space<vmem>> -> memref<1x1x128xi32, #tpu.memory_space<vmem>>
        %dma_start3A_89 = tpu.memref_squeeze %dma_start3A_88 : memref<1x1x128xi32, #tpu.memory_space<vmem>> -> memref<1x128xi32, #tpu.memory_space<vmem>>
        %dma_start3A_90 = arith.constant 0 : i32
        %dma_start3A_91 = tpu.memref_slice %arg3[%dma_start3A_90, %mul3A_86] : memref<1x768xi32, #tpu.memory_space<hbm>> -> memref<1x128xi32, #tpu.memory_space<hbm>>
        %dma_start3A_92 = tpu.memref_slice %run_scoped3A_17[%rem3A_82] : memref<2x!tpu.dma_semaphore, #tpu.memory_space<semaphore_mem>> -> memref<1x!tpu.dma_semaphore, #tpu.memory_space<semaphore_mem>>
        %dma_start3A_93 = tpu.memref_squeeze %dma_start3A_92 : memref<1x!tpu.dma_semaphore, #tpu.memory_space<semaphore_mem>> -> memref<!tpu.dma_semaphore, #tpu.memory_space<semaphore_mem>>
        %dma_start3A_94 = arith.constant 0 : i32
        %dma_start3A_95 = arith.constant 0 : i32
        %dma_start3A_96 = tpu.memref_slice %run_scoped3A[%rem3A_82, %dma_start3A_94, %dma_start3A_95] : memref<2x1x128xi32, #tpu.memory_space<vmem>> -> memref<1x1x128xi32, #tpu.memory_space<vmem>>
        %dma_start3A_97 = tpu.memref_squeeze %dma_start3A_96 : memref<1x1x128xi32, #tpu.memory_space<vmem>> -> memref<1x128xi32, #tpu.memory_space<vmem>>
        %dma_start3A_98 = arith.constant 0 : i32
        %dma_start3A_99 = tpu.memref_slice %arg3[%dma_start3A_98, %mul3A_86] : memref<1x768xi32, #tpu.memory_space<hbm>> -> memref<1x128xi32, #tpu.memory_space<hbm>>
        tpu.enqueue_dma source(%dma_start3A_99 : memref<1x128xi32, #tpu.memory_space<hbm>>) target(%dma_start3A_97 : memref<1x128xi32, #tpu.memory_space<vmem>>) target_semaphore(%dma_start3A_93 : memref<!tpu.dma_semaphore, #tpu.memory_space<semaphore_mem>>)
        %add3A_100 = arith.constant 0 : i32
        %add3A_101 = arith.constant 1 : i32
        %add3A_102 = arith.addi %add3A_100, %add3A_101 : i32
        %select_n3A_103 = arith.constant true
        %select_n3A_104 = arith.constant 0 : i32
        %select_n3A_105 = arith.select %select_n3A_103, %add3A_102, %select_n3A_104 : i32
        %while3A = arith.constant 0 : i32
        %while3A_106 = arith.constant 0 : i32
        %while3A_107 = arith.constant 0 : i32
        %while3A_108 = arith.constant 0 : i32
        %while3A_109 = arith.constant 0 : i32
        %while3A_110 = arith.constant 0 : i32
        "tpu.trace_stop"() : () -> ()
        %while3A_111 = arith.subi %mul3A_16, %while3A : i32
        %while3A_112 = arith.addi %while3A, %while3A_111 : i32
        %while3A_113 = arith.constant 1 : i32
        %while3A_114 = arith.divsi %while3A_111, %while3A_113 : i32
        %while3A_115 = arith.muli %while3A_114, %while3A_113 : i32
        %while3A_116 = arith.addi %while3A, %while3A_115 : i32
        %while3A_117 = arith.constant 1 : i32
        %while3A_118:6 = scf.for %while3A_208 = %while3A to %while3A_116 step %while3A_117 iter_args(%while3A_209 = %select_n3A_105, %while3A_210 = %while3A_106, %while3A_211 = %while3A_107, %while3A_212 = %while3A_108, %while3A_213 = %while3A_109, %while3A_214 = %while3A_110) -> (i32, i32, i32, i32, i32, i32)  : i32 {
          %mul3A_215 = arith.constant 2 : i32
          %mul3A_216 = arith.muli %mul3A_215, %select_n3A : i32
          %eq3A_217 = arith.constant 0 : i32
          %eq3A_218 = arith.cmpi eq, %while3A_208, %eq3A_217 : i32
          %sub3A_219 = arith.constant 1 : i32
          %sub3A_220 = arith.subi %mul3A_216, %sub3A_219 : i32
          %eq3A_221 = arith.cmpi eq, %while3A_208, %sub3A_220 : i32
          %add3A_222 = arith.constant 0 : i32
          %add3A_223 = arith.addi %while3A_213, %add3A_222 : i32
          %add3A_224 = arith.addi %while3A_214, %select_n3A_14 : i32
          %sub3A_225 = arith.constant 1 : i32
          %sub3A_226 = arith.subi %while3A_214, %sub3A_225 : i32
          %select_n3A_227 = arith.constant true
          %select_n3A_228 = arith.select %select_n3A_227, %sub3A_226, %while3A_214 : i32
          %eq3A_229 = arith.constant -1 : i32
          %eq3A_230 = arith.cmpi eq, %select_n3A_228, %eq3A_229 : i32
          %sub3A_231 = arith.constant 1 : i32
          %sub3A_232 = arith.subi %select_n3A, %sub3A_231 : i32
          %select_n3A_233 = arith.select %eq3A_230, %sub3A_232, %select_n3A_228 : i32
          %sub3A_234 = arith.constant 1 : i32
          %sub3A_235 = arith.subi %while3A_213, %sub3A_234 : i32
          %select_n3A_236 = arith.select %eq3A_230, %sub3A_235, %while3A_213 : i32
          %eq3A_237 = arith.constant -1 : i32
          %eq3A_238 = arith.cmpi eq, %select_n3A_236, %eq3A_237 : i32
          %select_n3A_239 = arith.constant 1 : i32
          %select_n3A_240 = arith.select %eq3A_238, %select_n3A_239, %select_n3A_236 : i32
          %add3A_241 = arith.constant 0 : i32
          %add3A_242 = arith.addi %select_n3A_240, %add3A_241 : i32
          %add3A_243 = arith.addi %select_n3A_233, %select_n3A_14 : i32
          %add3A_244 = arith.constant 1 : i32
          %add3A_245 = arith.addi %while3A_214, %add3A_244 : i32
          %select_n3A_246 = arith.constant true
          %select_n3A_247 = arith.select %select_n3A_246, %add3A_245, %while3A_214 : i32
          %eq3A_248 = arith.cmpi eq, %select_n3A_247, %select_n3A : i32
          %select_n3A_249 = arith.constant 0 : i32
          %select_n3A_250 = arith.select %eq3A_248, %select_n3A_249, %select_n3A_247 : i32
          %add3A_251 = arith.constant 1 : i32
          %add3A_252 = arith.addi %while3A_213, %add3A_251 : i32
          %select_n3A_253 = arith.select %eq3A_248, %add3A_252, %while3A_213 : i32
          %eq3A_254 = arith.constant 2 : i32
          %eq3A_255 = arith.cmpi eq, %select_n3A_253, %eq3A_254 : i32
          %select_n3A_256 = arith.constant 0 : i32
          %select_n3A_257 = arith.select %eq3A_255, %select_n3A_256, %select_n3A_253 : i32
          %add3A_258 = arith.constant 0 : i32
          %add3A_259 = arith.addi %select_n3A_257, %add3A_258 : i32
          %add3A_260 = arith.addi %select_n3A_250, %select_n3A_14 : i32
          %add3A_261 = arith.constant 1 : i32
          %add3A_262 = arith.addi %select_n3A_250, %add3A_261 : i32
          %select_n3A_263 = arith.constant true
          %select_n3A_264 = arith.select %select_n3A_263, %add3A_262, %select_n3A_250 : i32
          %eq3A_265 = arith.cmpi eq, %select_n3A_264, %select_n3A : i32
          %select_n3A_266 = arith.constant 0 : i32
          %select_n3A_267 = arith.select %eq3A_265, %select_n3A_266, %select_n3A_264 : i32
          %add3A_268 = arith.constant 1 : i32
          %add3A_269 = arith.addi %select_n3A_257, %add3A_268 : i32
          %select_n3A_270 = arith.select %eq3A_265, %add3A_269, %select_n3A_257 : i32
          %eq3A_271 = arith.constant 2 : i32
          %eq3A_272 = arith.cmpi eq, %select_n3A_270, %eq3A_271 : i32
          %select_n3A_273 = arith.constant 0 : i32
          %select_n3A_274 = arith.select %eq3A_272, %select_n3A_273, %select_n3A_270 : i32
          %add3A_275 = arith.constant 0 : i32
          %add3A_276 = arith.addi %select_n3A_274, %add3A_275 : i32
          %add3A_277 = arith.addi %select_n3A_267, %select_n3A_14 : i32
          %mul3A_278 = arith.constant 3 : i32
          %mul3A_279 = arith.muli %add3A_223, %mul3A_278 : i32
          %add3A_280 = arith.addi %mul3A_279, %add3A_224 : i32
          %mul3A_281 = arith.constant 3 : i32
          %mul3A_282 = arith.muli %add3A_259, %mul3A_281 : i32
          %add3A_283 = arith.addi %mul3A_282, %add3A_260 : i32
          %ne3A = arith.cmpi ne, %add3A_280, %add3A_283 : i32
          %or3A = arith.constant false
          %or3A_284 = arith.ori %or3A, %ne3A : i1
          %sub3A_285 = arith.constant 2 : i32
          %sub3A_286 = arith.subi %mul3A_216, %sub3A_285 : i32
          %add3A_287 = arith.constant 1 : i32
          %add3A_288 = arith.addi %sub3A_286, %add3A_287 : i32
          %ge3A = arith.cmpi sge, %while3A_208, %add3A_288 : i32
          %not3A = arith.constant true
          %not3A_289 = arith.xori %ge3A, %not3A : i1
          %and3A = arith.andi %or3A_284, %not3A_289 : i1
          %convert_element_type3A_290 = arith.extui %and3A : i1 to i32
          %cond3A_291 = arith.constant 0 : i32
          %cond3A_292 = arith.cmpi ne, %convert_element_type3A_290, %cond3A_291 : i32
          scf.if %cond3A_292 {
            "tpu.trace_start"() <{level = 10 : i32, message = "ep_copy_in"}> : () -> ()
            %rem3A_451 = arith.constant 2 : i32
            %rem3A_452 = arith.remui %while3A_209, %rem3A_451 : i32
            %mul3A_453 = arith.constant 3 : i32
            %mul3A_454 = arith.muli %add3A_259, %mul3A_453 : i32
            %add3A_455 = arith.addi %mul3A_454, %add3A_260 : i32
            %mul3A_456 = arith.constant 128 : i32
            %mul3A_457 = arith.muli %mul3A_456, %add3A_455 : i32
            %dma_start3A_458 = arith.constant 0 : i32
            %dma_start3A_459 = arith.constant 0 : i32
            %dma_start3A_460 = tpu.memref_slice %run_scoped3A[%rem3A_452, %dma_start3A_458, %dma_start3A_459] : memref<2x1x128xi32, #tpu.memory_space<vmem>> -> memref<1x1x128xi32, #tpu.memory_space<vmem>>
            %dma_start3A_461 = tpu.memref_squeeze %dma_start3A_460 : memref<1x1x128xi32, #tpu.memory_space<vmem>> -> memref<1x128xi32, #tpu.memory_space<vmem>>
            %dma_start3A_462 = arith.constant 0 : i32
            %dma_start3A_463 = tpu.memref_slice %arg3[%dma_start3A_462, %mul3A_457] : memref<1x768xi32, #tpu.memory_space<hbm>> -> memref<1x128xi32, #tpu.memory_space<hbm>>
            %dma_start3A_464 = tpu.memref_slice %run_scoped3A_17[%rem3A_452] : memref<2x!tpu.dma_semaphore, #tpu.memory_space<semaphore_mem>> -> memref<1x!tpu.dma_semaphore, #tpu.memory_space<semaphore_mem>>
            %dma_start3A_465 = tpu.memref_squeeze %dma_start3A_464 : memref<1x!tpu.dma_semaphore, #tpu.memory_space<semaphore_mem>> -> memref<!tpu.dma_semaphore, #tpu.memory_space<semaphore_mem>>
            %dma_start3A_466 = arith.constant 0 : i32
            %dma_start3A_467 = arith.constant 0 : i32
            %dma_start3A_468 = tpu.memref_slice %run_scoped3A[%rem3A_452, %dma_start3A_466, %dma_start3A_467] : memref<2x1x128xi32, #tpu.memory_space<vmem>> -> memref<1x1x128xi32, #tpu.memory_space<vmem>>
            %dma_start3A_469 = tpu.memref_squeeze %dma_start3A_468 : memref<1x1x128xi32, #tpu.memory_space<vmem>> -> memref<1x128xi32, #tpu.memory_space<vmem>>
            %dma_start3A_470 = arith.constant 0 : i32
            %dma_start3A_471 = tpu.memref_slice %arg3[%dma_start3A_470, %mul3A_457] : memref<1x768xi32, #tpu.memory_space<hbm>> -> memref<1x128xi32, #tpu.memory_space<hbm>>
            tpu.enqueue_dma source(%dma_start3A_471 : memref<1x128xi32, #tpu.memory_space<hbm>>) target(%dma_start3A_469 : memref<1x128xi32, #tpu.memory_space<vmem>>) target_semaphore(%dma_start3A_465 : memref<!tpu.dma_semaphore, #tpu.memory_space<semaphore_mem>>)
            "tpu.trace_stop"() : () -> ()
          } else {
          }
          %and3A_293 = arith.constant true
          %and3A_294 = arith.andi %and3A, %and3A_293 : i1
          %add3A_295 = arith.constant 1 : i32
          %add3A_296 = arith.addi %while3A_209, %add3A_295 : i32
          %select_n3A_297 = arith.select %and3A_294, %add3A_296, %while3A_209 : i32
          %mul3A_298 = arith.constant 3 : i32
          %mul3A_299 = arith.muli %add3A_223, %mul3A_298 : i32
          %add3A_300 = arith.addi %mul3A_299, %add3A_224 : i32
          %mul3A_301 = arith.constant 3 : i32
          %mul3A_302 = arith.muli %add3A_259, %mul3A_301 : i32
          %add3A_303 = arith.addi %mul3A_302, %add3A_260 : i32
          %ne3A_304 = arith.cmpi ne, %add3A_300, %add3A_303 : i32
          %or3A_305 = arith.constant false
          %or3A_306 = arith.ori %or3A_305, %ne3A_304 : i1
          %or3A_307 = arith.constant false
          %or3A_308 = arith.ori %or3A_306, %or3A_307 : i1
          %sub3A_309 = arith.constant 2 : i32
          %sub3A_310 = arith.subi %mul3A_216, %sub3A_309 : i32
          %add3A_311 = arith.constant 1 : i32
          %add3A_312 = arith.addi %sub3A_310, %add3A_311 : i32
          %ge3A_313 = arith.cmpi sge, %while3A_208, %add3A_312 : i32
          %not3A_314 = arith.constant true
          %not3A_315 = arith.xori %ge3A_313, %not3A_314 : i1
          %and3A_316 = arith.andi %or3A_308, %not3A_315 : i1
          %mul3A_317 = arith.constant 3 : i32
          %mul3A_318 = arith.muli %add3A_223, %mul3A_317 : i32
          %add3A_319 = arith.addi %mul3A_318, %add3A_224 : i32
          %mul3A_320 = arith.constant 3 : i32
          %mul3A_321 = arith.muli %add3A_242, %mul3A_320 : i32
          %add3A_322 = arith.addi %mul3A_321, %add3A_243 : i32
          %ne3A_323 = arith.cmpi ne, %add3A_319, %add3A_322 : i32
          %or3A_324 = arith.constant false
          %or3A_325 = arith.ori %or3A_324, %ne3A_323 : i1
          %or3A_326 = arith.ori %or3A_325, %eq3A_218 : i1
          %convert_element_type3A_327 = arith.extui %or3A_326 : i1 to i32
          %cond3A_328 = arith.constant 0 : i32
          %cond3A_329 = arith.cmpi ne, %convert_element_type3A_327, %cond3A_328 : i32
          scf.if %cond3A_329 {
            "tpu.trace_start"() <{level = 10 : i32, message = "ep_wait_in"}> : () -> ()
            %mul3A_451 = arith.constant 3 : i32
            %mul3A_452 = arith.muli %add3A_223, %mul3A_451 : i32
            %add3A_453 = arith.addi %mul3A_452, %add3A_224 : i32
            %mul3A_454 = arith.constant 128 : i32
            %mul3A_455 = arith.muli %mul3A_454, %add3A_453 : i32
            %rem3A_456 = arith.constant 2 : i32
            %rem3A_457 = arith.remui %while3A_210, %rem3A_456 : i32
            %dma_wait3A = arith.constant 0 : i32
            %dma_wait3A_458 = arith.constant 0 : i32
            %dma_wait3A_459 = tpu.memref_slice %run_scoped3A[%rem3A_457, %dma_wait3A, %dma_wait3A_458] : memref<2x1x128xi32, #tpu.memory_space<vmem>> -> memref<1x1x128xi32, #tpu.memory_space<vmem>>
            %dma_wait3A_460 = tpu.memref_squeeze %dma_wait3A_459 : memref<1x1x128xi32, #tpu.memory_space<vmem>> -> memref<1x128xi32, #tpu.memory_space<vmem>>
            %dma_wait3A_461 = arith.constant 0 : i32
            %dma_wait3A_462 = tpu.memref_slice %arg3[%dma_wait3A_461, %mul3A_455] : memref<1x768xi32, #tpu.memory_space<hbm>> -> memref<1x128xi32, #tpu.memory_space<hbm>>
            %dma_wait3A_463 = tpu.memref_slice %run_scoped3A_17[%rem3A_457] : memref<2x!tpu.dma_semaphore, #tpu.memory_space<semaphore_mem>> -> memref<1x!tpu.dma_semaphore, #tpu.memory_space<semaphore_mem>>
            %dma_wait3A_464 = tpu.memref_squeeze %dma_wait3A_463 : memref<1x!tpu.dma_semaphore, #tpu.memory_space<semaphore_mem>> -> memref<!tpu.dma_semaphore, #tpu.memory_space<semaphore_mem>>
            %dma_wait3A_465 = arith.constant 0 : i32
            %dma_wait3A_466 = arith.constant 0 : i32
            %dma_wait3A_467 = tpu.memref_slice %run_scoped3A[%rem3A_457, %dma_wait3A_465, %dma_wait3A_466] : memref<2x1x128xi32, #tpu.memory_space<vmem>> -> memref<1x1x128xi32, #tpu.memory_space<vmem>>
            %dma_wait3A_468 = tpu.memref_squeeze %dma_wait3A_467 : memref<1x1x128xi32, #tpu.memory_space<vmem>> -> memref<1x128xi32, #tpu.memory_space<vmem>>
            %dma_wait3A_469 = arith.constant 0 : i32
            %dma_wait3A_470 = tpu.memref_slice %arg3[%dma_wait3A_469, %mul3A_455] : memref<1x768xi32, #tpu.memory_space<hbm>> -> memref<1x128xi32, #tpu.memory_space<hbm>>
            tpu.wait_dma2 semaphore(%dma_wait3A_464 : memref<!tpu.dma_semaphore, #tpu.memory_space<semaphore_mem>>) src(%dma_wait3A_470 : memref<1x128xi32, #tpu.memory_space<hbm>>) dst(%dma_wait3A_468 : memref<1x128xi32, #tpu.memory_space<vmem>>)
            "tpu.trace_stop"() : () -> ()
          } else {
          }
          %mul3A_330 = arith.constant 3 : i32
          %mul3A_331 = arith.muli %add3A_223, %mul3A_330 : i32
          %add3A_332 = arith.addi %mul3A_331, %add3A_224 : i32
          %mul3A_333 = arith.constant 3 : i32
          %mul3A_334 = arith.muli %add3A_242, %mul3A_333 : i32
          %add3A_335 = arith.addi %mul3A_334, %add3A_243 : i32
          %ne3A_336 = arith.cmpi ne, %add3A_332, %add3A_335 : i32
          %or3A_337 = arith.constant false
          %or3A_338 = arith.ori %or3A_337, %ne3A_336 : i1
          %or3A_339 = arith.constant false
          %or3A_340 = arith.ori %or3A_338, %or3A_339 : i1
          %or3A_341 = arith.ori %or3A_340, %eq3A_218 : i1
          %convert_element_type3A_342 = arith.extui %or3A_341 : i1 to i32
          %cond3A_343 = arith.constant 0 : i32
          %cond3A_344 = arith.cmpi ne, %convert_element_type3A_342, %cond3A_343 : i32
          scf.if %cond3A_344 {
          } else {
          }
          %rem3A_345 = arith.constant 2 : i32
          %rem3A_346 = arith.remui %while3A_210, %rem3A_345 : i32
          %rem3A_347 = arith.constant 2 : i32
          %rem3A_348 = arith.remui %while3A_211, %rem3A_347 : i32
          %run_scoped3A_349 = arith.constant 0 : i32
          "tpu.trace_start"() <{level = 10 : i32, message = "ep_run_kernel"}> : () -> ()
          "tpu.region"() ({
            %run_scoped3A_451 = tpu.sem_alloc : memref<!tpu.dma_semaphore, #tpu.memory_space<semaphore_mem>>
            %dma_start3A_452 = arith.constant 0 : i32
            %dma_start3A_453 = arith.constant 0 : i32
            %dma_start3A_454 = tpu.memref_slice %run_scoped3A_18[%rem3A_348, %dma_start3A_452, %dma_start3A_453] : memref<2x128x128xf32, #tpu.memory_space<vmem>> -> memref<1x128x128xf32, #tpu.memory_space<vmem>>
            %dma_start3A_455 = tpu.memref_squeeze %dma_start3A_454 : memref<1x128x128xf32, #tpu.memory_space<vmem>> -> memref<128x128xf32, #tpu.memory_space<vmem>>
            %dma_start3A_456 = arith.constant 0 : i32
            %dma_start3A_457 = arith.constant 0 : i32
            %dma_start3A_458 = tpu.memref_slice %run_scoped3A[%rem3A_346, %dma_start3A_456, %dma_start3A_457] : memref<2x1x128xi32, #tpu.memory_space<vmem>> -> memref<1x1x128xi32, #tpu.memory_space<vmem>>
            %dma_start3A_459 = tpu.memref_squeeze %dma_start3A_458 : memref<1x1x128xi32, #tpu.memory_space<vmem>> -> memref<1x128xi32, #tpu.memory_space<vmem>>
            %dma_start3A_460 = arith.constant 0 : i32
            %dma_start3A_461 = tpu.memref_slice %dma_start3A_459[%run_scoped3A_349, %dma_start3A_460] : memref<1x128xi32, #tpu.memory_space<vmem>> -> memref<1x128xi32, #tpu.memory_space<vmem>>
            %dma_start3A_462 = tpu.memref_squeeze %dma_start3A_461 : memref<1x128xi32, #tpu.memory_space<vmem>> -> memref<128xi32, #tpu.memory_space<vmem>>
            %dma_start3A_463 = arith.constant 0 : i32
            %dma_start3A_464 = arith.constant 0 : i32
            %dma_start3A_465 = tpu.memref_slice %arg2[%dma_start3A_463, %dma_start3A_464] : memref<100000x128xf32, #tpu.memory_space<hbm>> -> memref<100000x128xf32, #tpu.memory_space<hbm>>
            tpu.enqueue_indirect_dma source(%dma_start3A_465 : memref<100000x128xf32, #tpu.memory_space<hbm>>) target(%dma_start3A_455 : memref<128x128xf32, #tpu.memory_space<vmem>>) offsets(%dma_start3A_462 : memref<128xi32, #tpu.memory_space<vmem>>) semaphore(%run_scoped3A_451 : memref<!tpu.dma_semaphore, #tpu.memory_space<semaphore_mem>>)
            %dma_wait3A = arith.constant 0 : i32
            %dma_wait3A_466 = arith.constant 0 : i32
            %dma_wait3A_467 = tpu.memref_slice %run_scoped3A_18[%rem3A_348, %dma_wait3A, %dma_wait3A_466] : memref<2x128x128xf32, #tpu.memory_space<vmem>> -> memref<1x128x128xf32, #tpu.memory_space<vmem>>
            %dma_wait3A_468 = tpu.memref_squeeze %dma_wait3A_467 : memref<1x128x128xf32, #tpu.memory_space<vmem>> -> memref<128x128xf32, #tpu.memory_space<vmem>>
            %dma_wait3A_469 = arith.constant 0 : i32
            %dma_wait3A_470 = arith.constant 0 : i32
            %dma_wait3A_471 = tpu.memref_slice %run_scoped3A[%rem3A_346, %dma_wait3A_469, %dma_wait3A_470] : memref<2x1x128xi32, #tpu.memory_space<vmem>> -> memref<1x1x128xi32, #tpu.memory_space<vmem>>
            %dma_wait3A_472 = tpu.memref_squeeze %dma_wait3A_471 : memref<1x1x128xi32, #tpu.memory_space<vmem>> -> memref<1x128xi32, #tpu.memory_space<vmem>>
            %dma_wait3A_473 = arith.constant 0 : i32
            %dma_wait3A_474 = tpu.memref_slice %dma_wait3A_472[%run_scoped3A_349, %dma_wait3A_473] : memref<1x128xi32, #tpu.memory_space<vmem>> -> memref<1x128xi32, #tpu.memory_space<vmem>>
            %dma_wait3A_475 = tpu.memref_squeeze %dma_wait3A_474 : memref<1x128xi32, #tpu.memory_space<vmem>> -> memref<128xi32, #tpu.memory_space<vmem>>
            %dma_wait3A_476 = arith.constant 0 : i32
            %dma_wait3A_477 = arith.constant 0 : i32
            %dma_wait3A_478 = tpu.memref_slice %arg2[%dma_wait3A_476, %dma_wait3A_477] : memref<100000x128xf32, #tpu.memory_space<hbm>> -> memref<100000x128xf32, #tpu.memory_space<hbm>>
            tpu.wait_indirect_dma semaphore(%run_scoped3A_451 : memref<!tpu.dma_semaphore, #tpu.memory_space<semaphore_mem>>) src(%dma_wait3A_478 : memref<100000x128xf32, #tpu.memory_space<hbm>>) dst(%dma_wait3A_468 : memref<128x128xf32, #tpu.memory_space<vmem>>)
            tpu.yield
          }) : () -> ()
          "tpu.trace_stop"() : () -> ()
          %mul3A_350 = arith.constant 3 : i32
          %mul3A_351 = arith.muli %add3A_223, %mul3A_350 : i32
          %add3A_352 = arith.addi %mul3A_351, %add3A_224 : i32
          %mul3A_353 = arith.constant 3 : i32
          %mul3A_354 = arith.muli %add3A_259, %mul3A_353 : i32
          %add3A_355 = arith.addi %mul3A_354, %add3A_260 : i32
          %ne3A_356 = arith.cmpi ne, %add3A_352, %add3A_355 : i32
          %or3A_357 = arith.constant false
          %or3A_358 = arith.ori %or3A_357, %ne3A_356 : i1
          %or3A_359 = arith.ori %or3A_358, %eq3A_221 : i1
          %convert_element_type3A_360 = arith.extui %or3A_359 : i1 to i32
          %cond3A_361 = arith.constant 0 : i32
          %cond3A_362 = arith.cmpi ne, %convert_element_type3A_360, %cond3A_361 : i32
          scf.if %cond3A_362 {
          } else {
          }
          %and3A_363 = arith.constant false
          %and3A_364 = arith.andi %or3A_359, %and3A_363 : i1
          %mul3A_365 = arith.constant 3 : i32
          %mul3A_366 = arith.muli %add3A_223, %mul3A_365 : i32
          %add3A_367 = arith.addi %mul3A_366, %add3A_224 : i32
          %mul3A_368 = arith.constant 3 : i32
          %mul3A_369 = arith.muli %add3A_259, %mul3A_368 : i32
          %add3A_370 = arith.addi %mul3A_369, %add3A_260 : i32
          %ne3A_371 = arith.cmpi ne, %add3A_367, %add3A_370 : i32
          %or3A_372 = arith.constant false
          %or3A_373 = arith.ori %or3A_372, %ne3A_371 : i1
          %or3A_374 = arith.constant false
          %or3A_375 = arith.ori %or3A_373, %or3A_374 : i1
          %or3A_376 = arith.ori %or3A_375, %eq3A_221 : i1
          %convert_element_type3A_377 = arith.extui %or3A_376 : i1 to i32
          %cond3A_378 = arith.constant 0 : i32
          %cond3A_379 = arith.cmpi ne, %convert_element_type3A_377, %cond3A_378 : i32
          scf.if %cond3A_379 {
            "tpu.trace_start"() <{level = 10 : i32, message = "ep_copy_out"}> : () -> ()
            %rem3A_451 = arith.constant 2 : i32
            %rem3A_452 = arith.remui %while3A_211, %rem3A_451 : i32
            %mul3A_453 = arith.constant 3 : i32
            %mul3A_454 = arith.muli %add3A_223, %mul3A_453 : i32
            %add3A_455 = arith.addi %mul3A_454, %add3A_224 : i32
            %mul3A_456 = arith.constant 128 : i32
            %mul3A_457 = arith.muli %mul3A_456, %add3A_455 : i32
            %dma_start3A_458 = arith.constant 0 : i32
            %dma_start3A_459 = arith.constant 0 : i32
            %dma_start3A_460 = tpu.memref_slice %run_scoped3A_18[%rem3A_452, %dma_start3A_458, %dma_start3A_459] : memref<2x128x128xf32, #tpu.memory_space<vmem>> -> memref<1x128x128xf32, #tpu.memory_space<vmem>>
            %dma_start3A_461 = tpu.memref_squeeze %dma_start3A_460 : memref<1x128x128xf32, #tpu.memory_space<vmem>> -> memref<128x128xf32, #tpu.memory_space<vmem>>
            %dma_start3A_462 = arith.constant 0 : i32
            %dma_start3A_463 = tpu.memref_slice %arg4[%mul3A_457, %dma_start3A_462] : memref<768x128xf32, #tpu.memory_space<hbm>> -> memref<128x128xf32, #tpu.memory_space<hbm>>
            %dma_start3A_464 = tpu.memref_slice %run_scoped3A_19[%rem3A_452] : memref<2x!tpu.dma_semaphore, #tpu.memory_space<semaphore_mem>> -> memref<1x!tpu.dma_semaphore, #tpu.memory_space<semaphore_mem>>
            %dma_start3A_465 = tpu.memref_squeeze %dma_start3A_464 : memref<1x!tpu.dma_semaphore, #tpu.memory_space<semaphore_mem>> -> memref<!tpu.dma_semaphore, #tpu.memory_space<semaphore_mem>>
            %dma_start3A_466 = arith.constant 0 : i32
            %dma_start3A_467 = tpu.memref_slice %arg4[%mul3A_457, %dma_start3A_466] : memref<768x128xf32, #tpu.memory_space<hbm>> -> memref<128x128xf32, #tpu.memory_space<hbm>>
            %dma_start3A_468 = arith.constant 0 : i32
            %dma_start3A_469 = arith.constant 0 : i32
            %dma_start3A_470 = tpu.memref_slice %run_scoped3A_18[%rem3A_452, %dma_start3A_468, %dma_start3A_469] : memref<2x128x128xf32, #tpu.memory_space<vmem>> -> memref<1x128x128xf32, #tpu.memory_space<vmem>>
            %dma_start3A_471 = tpu.memref_squeeze %dma_start3A_470 : memref<1x128x128xf32, #tpu.memory_space<vmem>> -> memref<128x128xf32, #tpu.memory_space<vmem>>
            tpu.enqueue_dma source(%dma_start3A_471 : memref<128x128xf32, #tpu.memory_space<vmem>>) target(%dma_start3A_467 : memref<128x128xf32, #tpu.memory_space<hbm>>) target_semaphore(%dma_start3A_465 : memref<!tpu.dma_semaphore, #tpu.memory_space<semaphore_mem>>)
            "tpu.trace_stop"() : () -> ()
          } else {
          }
          %and3A_380 = arith.constant true
          %and3A_381 = arith.andi %or3A_376, %and3A_380 : i1
          %add3A_382 = arith.constant 1 : i32
          %add3A_383 = arith.addi %while3A_211, %add3A_382 : i32
          %select_n3A_384 = arith.select %and3A_381, %add3A_383, %while3A_211 : i32
          %mul3A_385 = arith.constant 3 : i32
          %mul3A_386 = arith.muli %add3A_223, %mul3A_385 : i32
          %add3A_387 = arith.addi %mul3A_386, %add3A_224 : i32
          %mul3A_388 = arith.constant 3 : i32
          %mul3A_389 = arith.muli %add3A_242, %mul3A_388 : i32
          %add3A_390 = arith.addi %mul3A_389, %add3A_243 : i32
          %ne3A_391 = arith.cmpi ne, %add3A_387, %add3A_390 : i32
          %or3A_392 = arith.constant false
          %or3A_393 = arith.ori %or3A_392, %ne3A_391 : i1
          %not3A_394 = arith.constant true
          %not3A_395 = arith.xori %eq3A_218, %not3A_394 : i1
          %and3A_396 = arith.andi %or3A_393, %not3A_395 : i1
          %convert_element_type3A_397 = arith.extui %and3A_396 : i1 to i32
          %cond3A_398 = arith.constant 0 : i32
          %cond3A_399 = arith.cmpi ne, %convert_element_type3A_397, %cond3A_398 : i32
          scf.if %cond3A_399 {
          } else {
          }
          %and3A_400 = arith.constant false
          %and3A_401 = arith.andi %and3A_396, %and3A_400 : i1
          %mul3A_402 = arith.constant 3 : i32
          %mul3A_403 = arith.muli %add3A_223, %mul3A_402 : i32
          %add3A_404 = arith.addi %mul3A_403, %add3A_224 : i32
          %mul3A_405 = arith.constant 3 : i32
          %mul3A_406 = arith.muli %add3A_242, %mul3A_405 : i32
          %add3A_407 = arith.addi %mul3A_406, %add3A_243 : i32
          %ne3A_408 = arith.cmpi ne, %add3A_404, %add3A_407 : i32
          %or3A_409 = arith.constant false
          %or3A_410 = arith.ori %or3A_409, %ne3A_408 : i1
          %or3A_411 = arith.constant false
          %or3A_412 = arith.ori %or3A_410, %or3A_411 : i1
          %not3A_413 = arith.constant true
          %not3A_414 = arith.xori %eq3A_218, %not3A_413 : i1
          %and3A_415 = arith.andi %or3A_412, %not3A_414 : i1
          %convert_element_type3A_416 = arith.extui %and3A_415 : i1 to i32
          %cond3A_417 = arith.constant 0 : i32
          %cond3A_418 = arith.cmpi ne, %convert_element_type3A_416, %cond3A_417 : i32
          scf.if %cond3A_418 {
            "tpu.trace_start"() <{level = 10 : i32, message = "ep_wait_out"}> : () -> ()
            %rem3A_451 = arith.constant 2 : i32
            %rem3A_452 = arith.remui %while3A_212, %rem3A_451 : i32
            %mul3A_453 = arith.constant 3 : i32
            %mul3A_454 = arith.muli %add3A_242, %mul3A_453 : i32
            %add3A_455 = arith.addi %mul3A_454, %add3A_243 : i32
            %mul3A_456 = arith.constant 128 : i32
            %mul3A_457 = arith.muli %mul3A_456, %add3A_455 : i32
            %dma_wait3A = arith.constant 0 : i32
            %dma_wait3A_458 = arith.constant 0 : i32
            %dma_wait3A_459 = tpu.memref_slice %run_scoped3A_18[%rem3A_452, %dma_wait3A, %dma_wait3A_458] : memref<2x128x128xf32, #tpu.memory_space<vmem>> -> memref<1x128x128xf32, #tpu.memory_space<vmem>>
            %dma_wait3A_460 = tpu.memref_squeeze %dma_wait3A_459 : memref<1x128x128xf32, #tpu.memory_space<vmem>> -> memref<128x128xf32, #tpu.memory_space<vmem>>
            %dma_wait3A_461 = arith.constant 0 : i32
            %dma_wait3A_462 = tpu.memref_slice %arg4[%mul3A_457, %dma_wait3A_461] : memref<768x128xf32, #tpu.memory_space<hbm>> -> memref<128x128xf32, #tpu.memory_space<hbm>>
            %dma_wait3A_463 = tpu.memref_slice %run_scoped3A_19[%rem3A_452] : memref<2x!tpu.dma_semaphore, #tpu.memory_space<semaphore_mem>> -> memref<1x!tpu.dma_semaphore, #tpu.memory_space<semaphore_mem>>
            %dma_wait3A_464 = tpu.memref_squeeze %dma_wait3A_463 : memref<1x!tpu.dma_semaphore, #tpu.memory_space<semaphore_mem>> -> memref<!tpu.dma_semaphore, #tpu.memory_space<semaphore_mem>>
            %dma_wait3A_465 = arith.constant 0 : i32
            %dma_wait3A_466 = tpu.memref_slice %arg4[%mul3A_457, %dma_wait3A_465] : memref<768x128xf32, #tpu.memory_space<hbm>> -> memref<128x128xf32, #tpu.memory_space<hbm>>
            %dma_wait3A_467 = arith.constant 0 : i32
            %dma_wait3A_468 = arith.constant 0 : i32
            %dma_wait3A_469 = tpu.memref_slice %run_scoped3A_18[%rem3A_452, %dma_wait3A_467, %dma_wait3A_468] : memref<2x128x128xf32, #tpu.memory_space<vmem>> -> memref<1x128x128xf32, #tpu.memory_space<vmem>>
            %dma_wait3A_470 = tpu.memref_squeeze %dma_wait3A_469 : memref<1x128x128xf32, #tpu.memory_space<vmem>> -> memref<128x128xf32, #tpu.memory_space<vmem>>
            tpu.wait_dma2 semaphore(%dma_wait3A_464 : memref<!tpu.dma_semaphore, #tpu.memory_space<semaphore_mem>>) src(%dma_wait3A_470 : memref<128x128xf32, #tpu.memory_space<vmem>>) dst(%dma_wait3A_466 : memref<128x128xf32, #tpu.memory_space<hbm>>)
            "tpu.trace_stop"() : () -> ()
          } else {
          }
          %and3A_419 = arith.constant true
          %and3A_420 = arith.andi %and3A_415, %and3A_419 : i1
          %add3A_421 = arith.constant 1 : i32
          %add3A_422 = arith.addi %while3A_212, %add3A_421 : i32
          %select_n3A_423 = arith.select %and3A_420, %add3A_422, %while3A_212 : i32
          %mul3A_424 = arith.constant 3 : i32
          %mul3A_425 = arith.muli %add3A_223, %mul3A_424 : i32
          %add3A_426 = arith.addi %mul3A_425, %add3A_224 : i32
          %mul3A_427 = arith.constant 3 : i32
          %mul3A_428 = arith.muli %add3A_259, %mul3A_427 : i32
          %add3A_429 = arith.addi %mul3A_428, %add3A_260 : i32
          %ne3A_430 = arith.cmpi ne, %add3A_426, %add3A_429 : i32
          %or3A_431 = arith.constant false
          %or3A_432 = arith.ori %or3A_431, %ne3A_430 : i1
          %or3A_433 = arith.ori %or3A_432, %eq3A_221 : i1
          %add3A_434 = arith.constant 1 : i32
          %add3A_435 = arith.addi %while3A_210, %add3A_434 : i32
          %select_n3A_436 = arith.select %or3A_433, %add3A_435, %while3A_210 : i32
          %add3A_437 = arith.constant 1 : i32
          %add3A_438 = arith.addi %while3A_214, %add3A_437 : i32
          %select_n3A_439 = arith.constant true
          %select_n3A_440 = arith.select %select_n3A_439, %add3A_438, %while3A_214 : i32
          %eq3A_441 = arith.cmpi eq, %select_n3A_440, %select_n3A : i32
          %select_n3A_442 = arith.constant 0 : i32
          %select_n3A_443 = arith.select %eq3A_441, %select_n3A_442, %select_n3A_440 : i32
          %add3A_444 = arith.constant 1 : i32
          %add3A_445 = arith.addi %while3A_213, %add3A_444 : i32
          %select_n3A_446 = arith.select %eq3A_441, %add3A_445, %while3A_213 : i32
          %eq3A_447 = arith.constant 2 : i32
          %eq3A_448 = arith.cmpi eq, %select_n3A_446, %eq3A_447 : i32
          %select_n3A_449 = arith.constant 0 : i32
          %select_n3A_450 = arith.select %eq3A_448, %select_n3A_449, %select_n3A_446 : i32
          scf.yield %select_n3A_297, %select_n3A_436, %select_n3A_384, %select_n3A_423, %select_n3A_450, %select_n3A_443 : i32, i32, i32, i32, i32, i32
        }
        %while3A_119 = arith.constant 1 : i32
        %while3A_120:6 = scf.for %while3A_208 = %while3A_116 to %while3A_112 step %while3A_119 iter_args(%while3A_209 = %while3A_118#0, %while3A_210 = %while3A_118#1, %while3A_211 = %while3A_118#2, %while3A_212 = %while3A_118#3, %while3A_213 = %while3A_118#4, %while3A_214 = %while3A_118#5) -> (i32, i32, i32, i32, i32, i32)  : i32 {
          %mul3A_215 = arith.constant 2 : i32
          %mul3A_216 = arith.muli %mul3A_215, %select_n3A : i32
          %eq3A_217 = arith.constant 0 : i32
          %eq3A_218 = arith.cmpi eq, %while3A_208, %eq3A_217 : i32
          %sub3A_219 = arith.constant 1 : i32
          %sub3A_220 = arith.subi %mul3A_216, %sub3A_219 : i32
          %eq3A_221 = arith.cmpi eq, %while3A_208, %sub3A_220 : i32
          %add3A_222 = arith.constant 0 : i32
          %add3A_223 = arith.addi %while3A_213, %add3A_222 : i32
          %add3A_224 = arith.addi %while3A_214, %select_n3A_14 : i32
          %sub3A_225 = arith.constant 1 : i32
          %sub3A_226 = arith.subi %while3A_214, %sub3A_225 : i32
          %select_n3A_227 = arith.constant true
          %select_n3A_228 = arith.select %select_n3A_227, %sub3A_226, %while3A_214 : i32
          %eq3A_229 = arith.constant -1 : i32
          %eq3A_230 = arith.cmpi eq, %select_n3A_228, %eq3A_229 : i32
          %sub3A_231 = arith.constant 1 : i32
          %sub3A_232 = arith.subi %select_n3A, %sub3A_231 : i32
          %select_n3A_233 = arith.select %eq3A_230, %sub3A_232, %select_n3A_228 : i32
          %sub3A_234 = arith.constant 1 : i32
          %sub3A_235 = arith.subi %while3A_213, %sub3A_234 : i32
          %select_n3A_236 = arith.select %eq3A_230, %sub3A_235, %while3A_213 : i32
          %eq3A_237 = arith.constant -1 : i32
          %eq3A_238 = arith.cmpi eq, %select_n3A_236, %eq3A_237 : i32
          %select_n3A_239 = arith.constant 1 : i32
          %select_n3A_240 = arith.select %eq3A_238, %select_n3A_239, %select_n3A_236 : i32
          %add3A_241 = arith.constant 0 : i32
          %add3A_242 = arith.addi %select_n3A_240, %add3A_241 : i32
          %add3A_243 = arith.addi %select_n3A_233, %select_n3A_14 : i32
          %add3A_244 = arith.constant 1 : i32
          %add3A_245 = arith.addi %while3A_214, %add3A_244 : i32
          %select_n3A_246 = arith.constant true
          %select_n3A_247 = arith.select %select_n3A_246, %add3A_245, %while3A_214 : i32
          %eq3A_248 = arith.cmpi eq, %select_n3A_247, %select_n3A : i32
          %select_n3A_249 = arith.constant 0 : i32
          %select_n3A_250 = arith.select %eq3A_248, %select_n3A_249, %select_n3A_247 : i32
          %add3A_251 = arith.constant 1 : i32
          %add3A_252 = arith.addi %while3A_213, %add3A_251 : i32
          %select_n3A_253 = arith.select %eq3A_248, %add3A_252, %while3A_213 : i32
          %eq3A_254 = arith.constant 2 : i32
          %eq3A_255 = arith.cmpi eq, %select_n3A_253, %eq3A_254 : i32
          %select_n3A_256 = arith.constant 0 : i32
          %select_n3A_257 = arith.select %eq3A_255, %select_n3A_256, %select_n3A_253 : i32
          %add3A_258 = arith.constant 0 : i32
          %add3A_259 = arith.addi %select_n3A_257, %add3A_258 : i32
          %add3A_260 = arith.addi %select_n3A_250, %select_n3A_14 : i32
          %add3A_261 = arith.constant 1 : i32
          %add3A_262 = arith.addi %select_n3A_250, %add3A_261 : i32
          %select_n3A_263 = arith.constant true
          %select_n3A_264 = arith.select %select_n3A_263, %add3A_262, %select_n3A_250 : i32
          %eq3A_265 = arith.cmpi eq, %select_n3A_264, %select_n3A : i32
          %select_n3A_266 = arith.constant 0 : i32
          %select_n3A_267 = arith.select %eq3A_265, %select_n3A_266, %select_n3A_264 : i32
          %add3A_268 = arith.constant 1 : i32
          %add3A_269 = arith.addi %select_n3A_257, %add3A_268 : i32
          %select_n3A_270 = arith.select %eq3A_265, %add3A_269, %select_n3A_257 : i32
          %eq3A_271 = arith.constant 2 : i32
          %eq3A_272 = arith.cmpi eq, %select_n3A_270, %eq3A_271 : i32
          %select_n3A_273 = arith.constant 0 : i32
          %select_n3A_274 = arith.select %eq3A_272, %select_n3A_273, %select_n3A_270 : i32
          %add3A_275 = arith.constant 0 : i32
          %add3A_276 = arith.addi %select_n3A_274, %add3A_275 : i32
          %add3A_277 = arith.addi %select_n3A_267, %select_n3A_14 : i32
          %mul3A_278 = arith.constant 3 : i32
          %mul3A_279 = arith.muli %add3A_223, %mul3A_278 : i32
          %add3A_280 = arith.addi %mul3A_279, %add3A_224 : i32
          %mul3A_281 = arith.constant 3 : i32
          %mul3A_282 = arith.muli %add3A_259, %mul3A_281 : i32
          %add3A_283 = arith.addi %mul3A_282, %add3A_260 : i32
          %ne3A = arith.cmpi ne, %add3A_280, %add3A_283 : i32
          %or3A = arith.constant false
          %or3A_284 = arith.ori %or3A, %ne3A : i1
          %sub3A_285 = arith.constant 2 : i32
          %sub3A_286 = arith.subi %mul3A_216, %sub3A_285 : i32
          %add3A_287 = arith.constant 1 : i32
          %add3A_288 = arith.addi %sub3A_286, %add3A_287 : i32
          %ge3A = arith.cmpi sge, %while3A_208, %add3A_288 : i32
          %not3A = arith.constant true
          %not3A_289 = arith.xori %ge3A, %not3A : i1
          %and3A = arith.andi %or3A_284, %not3A_289 : i1
          %convert_element_type3A_290 = arith.extui %and3A : i1 to i32
          %cond3A_291 = arith.constant 0 : i32
          %cond3A_292 = arith.cmpi ne, %convert_element_type3A_290, %cond3A_291 : i32
          scf.if %cond3A_292 {
            "tpu.trace_start"() <{level = 10 : i32, message = "ep_copy_in"}> : () -> ()
            %rem3A_451 = arith.constant 2 : i32
            %rem3A_452 = arith.remui %while3A_209, %rem3A_451 : i32
            %mul3A_453 = arith.constant 3 : i32
            %mul3A_454 = arith.muli %add3A_259, %mul3A_453 : i32
            %add3A_455 = arith.addi %mul3A_454, %add3A_260 : i32
            %mul3A_456 = arith.constant 128 : i32
            %mul3A_457 = arith.muli %mul3A_456, %add3A_455 : i32
            %dma_start3A_458 = arith.constant 0 : i32
            %dma_start3A_459 = arith.constant 0 : i32
            %dma_start3A_460 = tpu.memref_slice %run_scoped3A[%rem3A_452, %dma_start3A_458, %dma_start3A_459] : memref<2x1x128xi32, #tpu.memory_space<vmem>> -> memref<1x1x128xi32, #tpu.memory_space<vmem>>
            %dma_start3A_461 = tpu.memref_squeeze %dma_start3A_460 : memref<1x1x128xi32, #tpu.memory_space<vmem>> -> memref<1x128xi32, #tpu.memory_space<vmem>>
            %dma_start3A_462 = arith.constant 0 : i32
            %dma_start3A_463 = tpu.memref_slice %arg3[%dma_start3A_462, %mul3A_457] : memref<1x768xi32, #tpu.memory_space<hbm>> -> memref<1x128xi32, #tpu.memory_space<hbm>>
            %dma_start3A_464 = tpu.memref_slice %run_scoped3A_17[%rem3A_452] : memref<2x!tpu.dma_semaphore, #tpu.memory_space<semaphore_mem>> -> memref<1x!tpu.dma_semaphore, #tpu.memory_space<semaphore_mem>>
            %dma_start3A_465 = tpu.memref_squeeze %dma_start3A_464 : memref<1x!tpu.dma_semaphore, #tpu.memory_space<semaphore_mem>> -> memref<!tpu.dma_semaphore, #tpu.memory_space<semaphore_mem>>
            %dma_start3A_466 = arith.constant 0 : i32
            %dma_start3A_467 = arith.constant 0 : i32
            %dma_start3A_468 = tpu.memref_slice %run_scoped3A[%rem3A_452, %dma_start3A_466, %dma_start3A_467] : memref<2x1x128xi32, #tpu.memory_space<vmem>> -> memref<1x1x128xi32, #tpu.memory_space<vmem>>
            %dma_start3A_469 = tpu.memref_squeeze %dma_start3A_468 : memref<1x1x128xi32, #tpu.memory_space<vmem>> -> memref<1x128xi32, #tpu.memory_space<vmem>>
            %dma_start3A_470 = arith.constant 0 : i32
            %dma_start3A_471 = tpu.memref_slice %arg3[%dma_start3A_470, %mul3A_457] : memref<1x768xi32, #tpu.memory_space<hbm>> -> memref<1x128xi32, #tpu.memory_space<hbm>>
            tpu.enqueue_dma source(%dma_start3A_471 : memref<1x128xi32, #tpu.memory_space<hbm>>) target(%dma_start3A_469 : memref<1x128xi32, #tpu.memory_space<vmem>>) target_semaphore(%dma_start3A_465 : memref<!tpu.dma_semaphore, #tpu.memory_space<semaphore_mem>>)
            "tpu.trace_stop"() : () -> ()
          } else {
          }
          %and3A_293 = arith.constant true
          %and3A_294 = arith.andi %and3A, %and3A_293 : i1
          %add3A_295 = arith.constant 1 : i32
          %add3A_296 = arith.addi %while3A_209, %add3A_295 : i32
          %select_n3A_297 = arith.select %and3A_294, %add3A_296, %while3A_209 : i32
          %mul3A_298 = arith.constant 3 : i32
          %mul3A_299 = arith.muli %add3A_223, %mul3A_298 : i32
          %add3A_300 = arith.addi %mul3A_299, %add3A_224 : i32
          %mul3A_301 = arith.constant 3 : i32
          %mul3A_302 = arith.muli %add3A_259, %mul3A_301 : i32
          %add3A_303 = arith.addi %mul3A_302, %add3A_260 : i32
          %ne3A_304 = arith.cmpi ne, %add3A_300, %add3A_303 : i32
          %or3A_305 = arith.constant false
          %or3A_306 = arith.ori %or3A_305, %ne3A_304 : i1
          %or3A_307 = arith.constant false
          %or3A_308 = arith.ori %or3A_306, %or3A_307 : i1
          %sub3A_309 = arith.constant 2 : i32
          %sub3A_310 = arith.subi %mul3A_216, %sub3A_309 : i32
          %add3A_311 = arith.constant 1 : i32
          %add3A_312 = arith.addi %sub3A_310, %add3A_311 : i32
          %ge3A_313 = arith.cmpi sge, %while3A_208, %add3A_312 : i32
          %not3A_314 = arith.constant true
          %not3A_315 = arith.xori %ge3A_313, %not3A_314 : i1
          %and3A_316 = arith.andi %or3A_308, %not3A_315 : i1
          %mul3A_317 = arith.constant 3 : i32
          %mul3A_318 = arith.muli %add3A_223, %mul3A_317 : i32
          %add3A_319 = arith.addi %mul3A_318, %add3A_224 : i32
          %mul3A_320 = arith.constant 3 : i32
          %mul3A_321 = arith.muli %add3A_242, %mul3A_320 : i32
          %add3A_322 = arith.addi %mul3A_321, %add3A_243 : i32
          %ne3A_323 = arith.cmpi ne, %add3A_319, %add3A_322 : i32
          %or3A_324 = arith.constant false
          %or3A_325 = arith.ori %or3A_324, %ne3A_323 : i1
          %or3A_326 = arith.ori %or3A_325, %eq3A_218 : i1
          %convert_element_type3A_327 = arith.extui %or3A_326 : i1 to i32
          %cond3A_328 = arith.constant 0 : i32
          %cond3A_329 = arith.cmpi ne, %convert_element_type3A_327, %cond3A_328 : i32
          scf.if %cond3A_329 {
            "tpu.trace_start"() <{level = 10 : i32, message = "ep_wait_in"}> : () -> ()
            %mul3A_451 = arith.constant 3 : i32
            %mul3A_452 = arith.muli %add3A_223, %mul3A_451 : i32
            %add3A_453 = arith.addi %mul3A_452, %add3A_224 : i32
            %mul3A_454 = arith.constant 128 : i32
            %mul3A_455 = arith.muli %mul3A_454, %add3A_453 : i32
            %rem3A_456 = arith.constant 2 : i32
            %rem3A_457 = arith.remui %while3A_210, %rem3A_456 : i32
            %dma_wait3A = arith.constant 0 : i32
            %dma_wait3A_458 = arith.constant 0 : i32
            %dma_wait3A_459 = tpu.memref_slice %run_scoped3A[%rem3A_457, %dma_wait3A, %dma_wait3A_458] : memref<2x1x128xi32, #tpu.memory_space<vmem>> -> memref<1x1x128xi32, #tpu.memory_space<vmem>>
            %dma_wait3A_460 = tpu.memref_squeeze %dma_wait3A_459 : memref<1x1x128xi32, #tpu.memory_space<vmem>> -> memref<1x128xi32, #tpu.memory_space<vmem>>
            %dma_wait3A_461 = arith.constant 0 : i32
            %dma_wait3A_462 = tpu.memref_slice %arg3[%dma_wait3A_461, %mul3A_455] : memref<1x768xi32, #tpu.memory_space<hbm>> -> memref<1x128xi32, #tpu.memory_space<hbm>>
            %dma_wait3A_463 = tpu.memref_slice %run_scoped3A_17[%rem3A_457] : memref<2x!tpu.dma_semaphore, #tpu.memory_space<semaphore_mem>> -> memref<1x!tpu.dma_semaphore, #tpu.memory_space<semaphore_mem>>
            %dma_wait3A_464 = tpu.memref_squeeze %dma_wait3A_463 : memref<1x!tpu.dma_semaphore, #tpu.memory_space<semaphore_mem>> -> memref<!tpu.dma_semaphore, #tpu.memory_space<semaphore_mem>>
            %dma_wait3A_465 = arith.constant 0 : i32
            %dma_wait3A_466 = arith.constant 0 : i32
            %dma_wait3A_467 = tpu.memref_slice %run_scoped3A[%rem3A_457, %dma_wait3A_465, %dma_wait3A_466] : memref<2x1x128xi32, #tpu.memory_space<vmem>> -> memref<1x1x128xi32, #tpu.memory_space<vmem>>
            %dma_wait3A_468 = tpu.memref_squeeze %dma_wait3A_467 : memref<1x1x128xi32, #tpu.memory_space<vmem>> -> memref<1x128xi32, #tpu.memory_space<vmem>>
            %dma_wait3A_469 = arith.constant 0 : i32
            %dma_wait3A_470 = tpu.memref_slice %arg3[%dma_wait3A_469, %mul3A_455] : memref<1x768xi32, #tpu.memory_space<hbm>> -> memref<1x128xi32, #tpu.memory_space<hbm>>
            tpu.wait_dma2 semaphore(%dma_wait3A_464 : memref<!tpu.dma_semaphore, #tpu.memory_space<semaphore_mem>>) src(%dma_wait3A_470 : memref<1x128xi32, #tpu.memory_space<hbm>>) dst(%dma_wait3A_468 : memref<1x128xi32, #tpu.memory_space<vmem>>)
            "tpu.trace_stop"() : () -> ()
          } else {
          }
          %mul3A_330 = arith.constant 3 : i32
          %mul3A_331 = arith.muli %add3A_223, %mul3A_330 : i32
          %add3A_332 = arith.addi %mul3A_331, %add3A_224 : i32
          %mul3A_333 = arith.constant 3 : i32
          %mul3A_334 = arith.muli %add3A_242, %mul3A_333 : i32
          %add3A_335 = arith.addi %mul3A_334, %add3A_243 : i32
          %ne3A_336 = arith.cmpi ne, %add3A_332, %add3A_335 : i32
          %or3A_337 = arith.constant false
          %or3A_338 = arith.ori %or3A_337, %ne3A_336 : i1
          %or3A_339 = arith.constant false
          %or3A_340 = arith.ori %or3A_338, %or3A_339 : i1
          %or3A_341 = arith.ori %or3A_340, %eq3A_218 : i1
          %convert_element_type3A_342 = arith.extui %or3A_341 : i1 to i32
          %cond3A_343 = arith.constant 0 : i32
          %cond3A_344 = arith.cmpi ne, %convert_element_type3A_342, %cond3A_343 : i32
          scf.if %cond3A_344 {
          } else {
          }
          %rem3A_345 = arith.constant 2 : i32
          %rem3A_346 = arith.remui %while3A_210, %rem3A_345 : i32
          %rem3A_347 = arith.constant 2 : i32
          %rem3A_348 = arith.remui %while3A_211, %rem3A_347 : i32
          %run_scoped3A_349 = arith.constant 0 : i32
          "tpu.trace_start"() <{level = 10 : i32, message = "ep_run_kernel"}> : () -> ()
          "tpu.region"() ({
            %run_scoped3A_451 = tpu.sem_alloc : memref<!tpu.dma_semaphore, #tpu.memory_space<semaphore_mem>>
            %dma_start3A_452 = arith.constant 0 : i32
            %dma_start3A_453 = arith.constant 0 : i32
            %dma_start3A_454 = tpu.memref_slice %run_scoped3A_18[%rem3A_348, %dma_start3A_452, %dma_start3A_453] : memref<2x128x128xf32, #tpu.memory_space<vmem>> -> memref<1x128x128xf32, #tpu.memory_space<vmem>>
            %dma_start3A_455 = tpu.memref_squeeze %dma_start3A_454 : memref<1x128x128xf32, #tpu.memory_space<vmem>> -> memref<128x128xf32, #tpu.memory_space<vmem>>
            %dma_start3A_456 = arith.constant 0 : i32
            %dma_start3A_457 = arith.constant 0 : i32
            %dma_start3A_458 = tpu.memref_slice %run_scoped3A[%rem3A_346, %dma_start3A_456, %dma_start3A_457] : memref<2x1x128xi32, #tpu.memory_space<vmem>> -> memref<1x1x128xi32, #tpu.memory_space<vmem>>
            %dma_start3A_459 = tpu.memref_squeeze %dma_start3A_458 : memref<1x1x128xi32, #tpu.memory_space<vmem>> -> memref<1x128xi32, #tpu.memory_space<vmem>>
            %dma_start3A_460 = arith.constant 0 : i32
            %dma_start3A_461 = tpu.memref_slice %dma_start3A_459[%run_scoped3A_349, %dma_start3A_460] : memref<1x128xi32, #tpu.memory_space<vmem>> -> memref<1x128xi32, #tpu.memory_space<vmem>>
            %dma_start3A_462 = tpu.memref_squeeze %dma_start3A_461 : memref<1x128xi32, #tpu.memory_space<vmem>> -> memref<128xi32, #tpu.memory_space<vmem>>
            %dma_start3A_463 = arith.constant 0 : i32
            %dma_start3A_464 = arith.constant 0 : i32
            %dma_start3A_465 = tpu.memref_slice %arg2[%dma_start3A_463, %dma_start3A_464] : memref<100000x128xf32, #tpu.memory_space<hbm>> -> memref<100000x128xf32, #tpu.memory_space<hbm>>
            tpu.enqueue_indirect_dma source(%dma_start3A_465 : memref<100000x128xf32, #tpu.memory_space<hbm>>) target(%dma_start3A_455 : memref<128x128xf32, #tpu.memory_space<vmem>>) offsets(%dma_start3A_462 : memref<128xi32, #tpu.memory_space<vmem>>) semaphore(%run_scoped3A_451 : memref<!tpu.dma_semaphore, #tpu.memory_space<semaphore_mem>>)
            %dma_wait3A = arith.constant 0 : i32
            %dma_wait3A_466 = arith.constant 0 : i32
            %dma_wait3A_467 = tpu.memref_slice %run_scoped3A_18[%rem3A_348, %dma_wait3A, %dma_wait3A_466] : memref<2x128x128xf32, #tpu.memory_space<vmem>> -> memref<1x128x128xf32, #tpu.memory_space<vmem>>
            %dma_wait3A_468 = tpu.memref_squeeze %dma_wait3A_467 : memref<1x128x128xf32, #tpu.memory_space<vmem>> -> memref<128x128xf32, #tpu.memory_space<vmem>>
            %dma_wait3A_469 = arith.constant 0 : i32
            %dma_wait3A_470 = arith.constant 0 : i32
            %dma_wait3A_471 = tpu.memref_slice %run_scoped3A[%rem3A_346, %dma_wait3A_469, %dma_wait3A_470] : memref<2x1x128xi32, #tpu.memory_space<vmem>> -> memref<1x1x128xi32, #tpu.memory_space<vmem>>
            %dma_wait3A_472 = tpu.memref_squeeze %dma_wait3A_471 : memref<1x1x128xi32, #tpu.memory_space<vmem>> -> memref<1x128xi32, #tpu.memory_space<vmem>>
            %dma_wait3A_473 = arith.constant 0 : i32
            %dma_wait3A_474 = tpu.memref_slice %dma_wait3A_472[%run_scoped3A_349, %dma_wait3A_473] : memref<1x128xi32, #tpu.memory_space<vmem>> -> memref<1x128xi32, #tpu.memory_space<vmem>>
            %dma_wait3A_475 = tpu.memref_squeeze %dma_wait3A_474 : memref<1x128xi32, #tpu.memory_space<vmem>> -> memref<128xi32, #tpu.memory_space<vmem>>
            %dma_wait3A_476 = arith.constant 0 : i32
            %dma_wait3A_477 = arith.constant 0 : i32
            %dma_wait3A_478 = tpu.memref_slice %arg2[%dma_wait3A_476, %dma_wait3A_477] : memref<100000x128xf32, #tpu.memory_space<hbm>> -> memref<100000x128xf32, #tpu.memory_space<hbm>>
            tpu.wait_indirect_dma semaphore(%run_scoped3A_451 : memref<!tpu.dma_semaphore, #tpu.memory_space<semaphore_mem>>) src(%dma_wait3A_478 : memref<100000x128xf32, #tpu.memory_space<hbm>>) dst(%dma_wait3A_468 : memref<128x128xf32, #tpu.memory_space<vmem>>)
            tpu.yield
          }) : () -> ()
          "tpu.trace_stop"() : () -> ()
          %mul3A_350 = arith.constant 3 : i32
          %mul3A_351 = arith.muli %add3A_223, %mul3A_350 : i32
          %add3A_352 = arith.addi %mul3A_351, %add3A_224 : i32
          %mul3A_353 = arith.constant 3 : i32
          %mul3A_354 = arith.muli %add3A_259, %mul3A_353 : i32
          %add3A_355 = arith.addi %mul3A_354, %add3A_260 : i32
          %ne3A_356 = arith.cmpi ne, %add3A_352, %add3A_355 : i32
          %or3A_357 = arith.constant false
          %or3A_358 = arith.ori %or3A_357, %ne3A_356 : i1
          %or3A_359 = arith.ori %or3A_358, %eq3A_221 : i1
          %convert_element_type3A_360 = arith.extui %or3A_359 : i1 to i32
          %cond3A_361 = arith.constant 0 : i32
          %cond3A_362 = arith.cmpi ne, %convert_element_type3A_360, %cond3A_361 : i32
          scf.if %cond3A_362 {
          } else {
          }
          %and3A_363 = arith.constant false
          %and3A_364 = arith.andi %or3A_359, %and3A_363 : i1
          %mul3A_365 = arith.constant 3 : i32
          %mul3A_366 = arith.muli %add3A_223, %mul3A_365 : i32
          %add3A_367 = arith.addi %mul3A_366, %add3A_224 : i32
          %mul3A_368 = arith.constant 3 : i32
          %mul3A_369 = arith.muli %add3A_259, %mul3A_368 : i32
          %add3A_370 = arith.addi %mul3A_369, %add3A_260 : i32
          %ne3A_371 = arith.cmpi ne, %add3A_367, %add3A_370 : i32
          %or3A_372 = arith.constant false
          %or3A_373 = arith.ori %or3A_372, %ne3A_371 : i1
          %or3A_374 = arith.constant false
          %or3A_375 = arith.ori %or3A_373, %or3A_374 : i1
          %or3A_376 = arith.ori %or3A_375, %eq3A_221 : i1
          %convert_element_type3A_377 = arith.extui %or3A_376 : i1 to i32
          %cond3A_378 = arith.constant 0 : i32
          %cond3A_379 = arith.cmpi ne, %convert_element_type3A_377, %cond3A_378 : i32
          scf.if %cond3A_379 {
            "tpu.trace_start"() <{level = 10 : i32, message = "ep_copy_out"}> : () -> ()
            %rem3A_451 = arith.constant 2 : i32
            %rem3A_452 = arith.remui %while3A_211, %rem3A_451 : i32
            %mul3A_453 = arith.constant 3 : i32
            %mul3A_454 = arith.muli %add3A_223, %mul3A_453 : i32
            %add3A_455 = arith.addi %mul3A_454, %add3A_224 : i32
            %mul3A_456 = arith.constant 128 : i32
            %mul3A_457 = arith.muli %mul3A_456, %add3A_455 : i32
            %dma_start3A_458 = arith.constant 0 : i32
            %dma_start3A_459 = arith.constant 0 : i32
            %dma_start3A_460 = tpu.memref_slice %run_scoped3A_18[%rem3A_452, %dma_start3A_458, %dma_start3A_459] : memref<2x128x128xf32, #tpu.memory_space<vmem>> -> memref<1x128x128xf32, #tpu.memory_space<vmem>>
            %dma_start3A_461 = tpu.memref_squeeze %dma_start3A_460 : memref<1x128x128xf32, #tpu.memory_space<vmem>> -> memref<128x128xf32, #tpu.memory_space<vmem>>
            %dma_start3A_462 = arith.constant 0 : i32
            %dma_start3A_463 = tpu.memref_slice %arg4[%mul3A_457, %dma_start3A_462] : memref<768x128xf32, #tpu.memory_space<hbm>> -> memref<128x128xf32, #tpu.memory_space<hbm>>
            %dma_start3A_464 = tpu.memref_slice %run_scoped3A_19[%rem3A_452] : memref<2x!tpu.dma_semaphore, #tpu.memory_space<semaphore_mem>> -> memref<1x!tpu.dma_semaphore, #tpu.memory_space<semaphore_mem>>
            %dma_start3A_465 = tpu.memref_squeeze %dma_start3A_464 : memref<1x!tpu.dma_semaphore, #tpu.memory_space<semaphore_mem>> -> memref<!tpu.dma_semaphore, #tpu.memory_space<semaphore_mem>>
            %dma_start3A_466 = arith.constant 0 : i32
            %dma_start3A_467 = tpu.memref_slice %arg4[%mul3A_457, %dma_start3A_466] : memref<768x128xf32, #tpu.memory_space<hbm>> -> memref<128x128xf32, #tpu.memory_space<hbm>>
            %dma_start3A_468 = arith.constant 0 : i32
            %dma_start3A_469 = arith.constant 0 : i32
            %dma_start3A_470 = tpu.memref_slice %run_scoped3A_18[%rem3A_452, %dma_start3A_468, %dma_start3A_469] : memref<2x128x128xf32, #tpu.memory_space<vmem>> -> memref<1x128x128xf32, #tpu.memory_space<vmem>>
            %dma_start3A_471 = tpu.memref_squeeze %dma_start3A_470 : memref<1x128x128xf32, #tpu.memory_space<vmem>> -> memref<128x128xf32, #tpu.memory_space<vmem>>
            tpu.enqueue_dma source(%dma_start3A_471 : memref<128x128xf32, #tpu.memory_space<vmem>>) target(%dma_start3A_467 : memref<128x128xf32, #tpu.memory_space<hbm>>) target_semaphore(%dma_start3A_465 : memref<!tpu.dma_semaphore, #tpu.memory_space<semaphore_mem>>)
            "tpu.trace_stop"() : () -> ()
          } else {
          }
          %and3A_380 = arith.constant true
          %and3A_381 = arith.andi %or3A_376, %and3A_380 : i1
          %add3A_382 = arith.constant 1 : i32
          %add3A_383 = arith.addi %while3A_211, %add3A_382 : i32
          %select_n3A_384 = arith.select %and3A_381, %add3A_383, %while3A_211 : i32
          %mul3A_385 = arith.constant 3 : i32
          %mul3A_386 = arith.muli %add3A_223, %mul3A_385 : i32
          %add3A_387 = arith.addi %mul3A_386, %add3A_224 : i32
          %mul3A_388 = arith.constant 3 : i32
          %mul3A_389 = arith.muli %add3A_242, %mul3A_388 : i32
          %add3A_390 = arith.addi %mul3A_389, %add3A_243 : i32
          %ne3A_391 = arith.cmpi ne, %add3A_387, %add3A_390 : i32
          %or3A_392 = arith.constant false
          %or3A_393 = arith.ori %or3A_392, %ne3A_391 : i1
          %not3A_394 = arith.constant true
          %not3A_395 = arith.xori %eq3A_218, %not3A_394 : i1
          %and3A_396 = arith.andi %or3A_393, %not3A_395 : i1
          %convert_element_type3A_397 = arith.extui %and3A_396 : i1 to i32
          %cond3A_398 = arith.constant 0 : i32
          %cond3A_399 = arith.cmpi ne, %convert_element_type3A_397, %cond3A_398 : i32
          scf.if %cond3A_399 {
          } else {
          }
          %and3A_400 = arith.constant false
          %and3A_401 = arith.andi %and3A_396, %and3A_400 : i1
          %mul3A_402 = arith.constant 3 : i32
          %mul3A_403 = arith.muli %add3A_223, %mul3A_402 : i32
          %add3A_404 = arith.addi %mul3A_403, %add3A_224 : i32
          %mul3A_405 = arith.constant 3 : i32
          %mul3A_406 = arith.muli %add3A_242, %mul3A_405 : i32
          %add3A_407 = arith.addi %mul3A_406, %add3A_243 : i32
          %ne3A_408 = arith.cmpi ne, %add3A_404, %add3A_407 : i32
          %or3A_409 = arith.constant false
          %or3A_410 = arith.ori %or3A_409, %ne3A_408 : i1
          %or3A_411 = arith.constant false
          %or3A_412 = arith.ori %or3A_410, %or3A_411 : i1
          %not3A_413 = arith.constant true
          %not3A_414 = arith.xori %eq3A_218, %not3A_413 : i1
          %and3A_415 = arith.andi %or3A_412, %not3A_414 : i1
          %convert_element_type3A_416 = arith.extui %and3A_415 : i1 to i32
          %cond3A_417 = arith.constant 0 : i32
          %cond3A_418 = arith.cmpi ne, %convert_element_type3A_416, %cond3A_417 : i32
          scf.if %cond3A_418 {
            "tpu.trace_start"() <{level = 10 : i32, message = "ep_wait_out"}> : () -> ()
            %rem3A_451 = arith.constant 2 : i32
            %rem3A_452 = arith.remui %while3A_212, %rem3A_451 : i32
            %mul3A_453 = arith.constant 3 : i32
            %mul3A_454 = arith.muli %add3A_242, %mul3A_453 : i32
            %add3A_455 = arith.addi %mul3A_454, %add3A_243 : i32
            %mul3A_456 = arith.constant 128 : i32
            %mul3A_457 = arith.muli %mul3A_456, %add3A_455 : i32
            %dma_wait3A = arith.constant 0 : i32
            %dma_wait3A_458 = arith.constant 0 : i32
            %dma_wait3A_459 = tpu.memref_slice %run_scoped3A_18[%rem3A_452, %dma_wait3A, %dma_wait3A_458] : memref<2x128x128xf32, #tpu.memory_space<vmem>> -> memref<1x128x128xf32, #tpu.memory_space<vmem>>
            %dma_wait3A_460 = tpu.memref_squeeze %dma_wait3A_459 : memref<1x128x128xf32, #tpu.memory_space<vmem>> -> memref<128x128xf32, #tpu.memory_space<vmem>>
            %dma_wait3A_461 = arith.constant 0 : i32
            %dma_wait3A_462 = tpu.memref_slice %arg4[%mul3A_457, %dma_wait3A_461] : memref<768x128xf32, #tpu.memory_space<hbm>> -> memref<128x128xf32, #tpu.memory_space<hbm>>
            %dma_wait3A_463 = tpu.memref_slice %run_scoped3A_19[%rem3A_452] : memref<2x!tpu.dma_semaphore, #tpu.memory_space<semaphore_mem>> -> memref<1x!tpu.dma_semaphore, #tpu.memory_space<semaphore_mem>>
            %dma_wait3A_464 = tpu.memref_squeeze %dma_wait3A_463 : memref<1x!tpu.dma_semaphore, #tpu.memory_space<semaphore_mem>> -> memref<!tpu.dma_semaphore, #tpu.memory_space<semaphore_mem>>
            %dma_wait3A_465 = arith.constant 0 : i32
            %dma_wait3A_466 = tpu.memref_slice %arg4[%mul3A_457, %dma_wait3A_465] : memref<768x128xf32, #tpu.memory_space<hbm>> -> memref<128x128xf32, #tpu.memory_space<hbm>>
            %dma_wait3A_467 = arith.constant 0 : i32
            %dma_wait3A_468 = arith.constant 0 : i32
            %dma_wait3A_469 = tpu.memref_slice %run_scoped3A_18[%rem3A_452, %dma_wait3A_467, %dma_wait3A_468] : memref<2x128x128xf32, #tpu.memory_space<vmem>> -> memref<1x128x128xf32, #tpu.memory_space<vmem>>
            %dma_wait3A_470 = tpu.memref_squeeze %dma_wait3A_469 : memref<1x128x128xf32, #tpu.memory_space<vmem>> -> memref<128x128xf32, #tpu.memory_space<vmem>>
            tpu.wait_dma2 semaphore(%dma_wait3A_464 : memref<!tpu.dma_semaphore, #tpu.memory_space<semaphore_mem>>) src(%dma_wait3A_470 : memref<128x128xf32, #tpu.memory_space<vmem>>) dst(%dma_wait3A_466 : memref<128x128xf32, #tpu.memory_space<hbm>>)
            "tpu.trace_stop"() : () -> ()
          } else {
          }
          %and3A_419 = arith.constant true
          %and3A_420 = arith.andi %and3A_415, %and3A_419 : i1
          %add3A_421 = arith.constant 1 : i32
          %add3A_422 = arith.addi %while3A_212, %add3A_421 : i32
          %select_n3A_423 = arith.select %and3A_420, %add3A_422, %while3A_212 : i32
          %mul3A_424 = arith.constant 3 : i32
          %mul3A_425 = arith.muli %add3A_223, %mul3A_424 : i32
          %add3A_426 = arith.addi %mul3A_425, %add3A_224 : i32
          %mul3A_427 = arith.constant 3 : i32
          %mul3A_428 = arith.muli %add3A_259, %mul3A_427 : i32
          %add3A_429 = arith.addi %mul3A_428, %add3A_260 : i32
          %ne3A_430 = arith.cmpi ne, %add3A_426, %add3A_429 : i32
          %or3A_431 = arith.constant false
          %or3A_432 = arith.ori %or3A_431, %ne3A_430 : i1
          %or3A_433 = arith.ori %or3A_432, %eq3A_221 : i1
          %add3A_434 = arith.constant 1 : i32
          %add3A_435 = arith.addi %while3A_210, %add3A_434 : i32
          %select_n3A_436 = arith.select %or3A_433, %add3A_435, %while3A_210 : i32
          %add3A_437 = arith.constant 1 : i32
          %add3A_438 = arith.addi %while3A_214, %add3A_437 : i32
          %select_n3A_439 = arith.constant true
          %select_n3A_440 = arith.select %select_n3A_439, %add3A_438, %while3A_214 : i32
          %eq3A_441 = arith.cmpi eq, %select_n3A_440, %select_n3A : i32
          %select_n3A_442 = arith.constant 0 : i32
          %select_n3A_443 = arith.select %eq3A_441, %select_n3A_442, %select_n3A_440 : i32
          %add3A_444 = arith.constant 1 : i32
          %add3A_445 = arith.addi %while3A_213, %add3A_444 : i32
          %select_n3A_446 = arith.select %eq3A_441, %add3A_445, %while3A_213 : i32
          %eq3A_447 = arith.constant 2 : i32
          %eq3A_448 = arith.cmpi eq, %select_n3A_446, %eq3A_447 : i32
          %select_n3A_449 = arith.constant 0 : i32
          %select_n3A_450 = arith.select %eq3A_448, %select_n3A_449, %select_n3A_446 : i32
          scf.yield %select_n3A_297, %select_n3A_436, %select_n3A_384, %select_n3A_423, %select_n3A_450, %select_n3A_443 : i32, i32, i32, i32, i32, i32
        }
        %sub3A_121 = arith.constant 1 : i32
        %sub3A_122 = arith.subi %while3A_120#5, %sub3A_121 : i32
        %select_n3A_123 = arith.constant true
        %select_n3A_124 = arith.select %select_n3A_123, %sub3A_122, %while3A_120#5 : i32
        %eq3A_125 = arith.constant -1 : i32
        %eq3A_126 = arith.cmpi eq, %select_n3A_124, %eq3A_125 : i32
        %sub3A_127 = arith.constant 1 : i32
        %sub3A_128 = arith.subi %select_n3A, %sub3A_127 : i32
        %select_n3A_129 = arith.select %eq3A_126, %sub3A_128, %select_n3A_124 : i32
        %sub3A_130 = arith.constant 1 : i32
        %sub3A_131 = arith.subi %while3A_120#4, %sub3A_130 : i32
        %select_n3A_132 = arith.select %eq3A_126, %sub3A_131, %while3A_120#4 : i32
        %eq3A_133 = arith.constant -1 : i32
        %eq3A_134 = arith.cmpi eq, %select_n3A_132, %eq3A_133 : i32
        %select_n3A_135 = arith.constant 1 : i32
        %select_n3A_136 = arith.select %eq3A_134, %select_n3A_135, %select_n3A_132 : i32
        %sub3A_137 = arith.constant 1 : i32
        %sub3A_138 = arith.subi %mul3A_16, %sub3A_137 : i32
        %mul3A_139 = arith.constant 2 : i32
        %mul3A_140 = arith.muli %mul3A_139, %select_n3A : i32
        %eq3A_141 = arith.constant 0 : i32
        %eq3A_142 = arith.cmpi eq, %sub3A_138, %eq3A_141 : i32
        %sub3A_143 = arith.constant 1 : i32
        %sub3A_144 = arith.subi %mul3A_140, %sub3A_143 : i32
        %eq3A_145 = arith.cmpi eq, %sub3A_138, %sub3A_144 : i32
        %add3A_146 = arith.constant 0 : i32
        %add3A_147 = arith.addi %select_n3A_136, %add3A_146 : i32
        %add3A_148 = arith.addi %select_n3A_129, %select_n3A_14 : i32
        %sub3A_149 = arith.constant 1 : i32
        %sub3A_150 = arith.subi %select_n3A_129, %sub3A_149 : i32
        %select_n3A_151 = arith.constant true
        %select_n3A_152 = arith.select %select_n3A_151, %sub3A_150, %select_n3A_129 : i32
        %eq3A_153 = arith.constant -1 : i32
        %eq3A_154 = arith.cmpi eq, %select_n3A_152, %eq3A_153 : i32
        %sub3A_155 = arith.constant 1 : i32
        %sub3A_156 = arith.subi %select_n3A, %sub3A_155 : i32
        %select_n3A_157 = arith.select %eq3A_154, %sub3A_156, %select_n3A_152 : i32
        %sub3A_158 = arith.constant 1 : i32
        %sub3A_159 = arith.subi %select_n3A_136, %sub3A_158 : i32
        %select_n3A_160 = arith.select %eq3A_154, %sub3A_159, %select_n3A_136 : i32
        %eq3A_161 = arith.constant -1 : i32
        %eq3A_162 = arith.cmpi eq, %select_n3A_160, %eq3A_161 : i32
        %select_n3A_163 = arith.constant 1 : i32
        %select_n3A_164 = arith.select %eq3A_162, %select_n3A_163, %select_n3A_160 : i32
        %add3A_165 = arith.constant 0 : i32
        %add3A_166 = arith.addi %select_n3A_164, %add3A_165 : i32
        %add3A_167 = arith.addi %select_n3A_157, %select_n3A_14 : i32
        %add3A_168 = arith.constant 1 : i32
        %add3A_169 = arith.addi %select_n3A_129, %add3A_168 : i32
        %select_n3A_170 = arith.constant true
        %select_n3A_171 = arith.select %select_n3A_170, %add3A_169, %select_n3A_129 : i32
        %eq3A_172 = arith.cmpi eq, %select_n3A_171, %select_n3A : i32
        %select_n3A_173 = arith.constant 0 : i32
        %select_n3A_174 = arith.select %eq3A_172, %select_n3A_173, %select_n3A_171 : i32
        %add3A_175 = arith.constant 1 : i32
        %add3A_176 = arith.addi %select_n3A_136, %add3A_175 : i32
        %select_n3A_177 = arith.select %eq3A_172, %add3A_176, %select_n3A_136 : i32
        %eq3A_178 = arith.constant 2 : i32
        %eq3A_179 = arith.cmpi eq, %select_n3A_177, %eq3A_178 : i32
        %select_n3A_180 = arith.constant 0 : i32
        %select_n3A_181 = arith.select %eq3A_179, %select_n3A_180, %select_n3A_177 : i32
        %add3A_182 = arith.constant 0 : i32
        %add3A_183 = arith.addi %select_n3A_181, %add3A_182 : i32
        %add3A_184 = arith.addi %select_n3A_174, %select_n3A_14 : i32
        %add3A_185 = arith.constant 1 : i32
        %add3A_186 = arith.addi %select_n3A_174, %add3A_185 : i32
        %select_n3A_187 = arith.constant true
        %select_n3A_188 = arith.select %select_n3A_187, %add3A_186, %select_n3A_174 : i32
        %eq3A_189 = arith.cmpi eq, %select_n3A_188, %select_n3A : i32
        %select_n3A_190 = arith.constant 0 : i32
        %select_n3A_191 = arith.select %eq3A_189, %select_n3A_190, %select_n3A_188 : i32
        %add3A_192 = arith.constant 1 : i32
        %add3A_193 = arith.addi %select_n3A_181, %add3A_192 : i32
        %select_n3A_194 = arith.select %eq3A_189, %add3A_193, %select_n3A_181 : i32
        %eq3A_195 = arith.constant 2 : i32
        %eq3A_196 = arith.cmpi eq, %select_n3A_194, %eq3A_195 : i32
        %select_n3A_197 = arith.constant 0 : i32
        %select_n3A_198 = arith.select %eq3A_196, %select_n3A_197, %select_n3A_194 : i32
        %add3A_199 = arith.constant 0 : i32
        %add3A_200 = arith.addi %select_n3A_198, %add3A_199 : i32
        %add3A_201 = arith.addi %select_n3A_191, %select_n3A_14 : i32
        %convert_element_type3A_202 = arith.extui %eq3A_145 : i1 to i32
        %cond3A_203 = arith.constant 0 : i32
        %cond3A_204 = arith.cmpi ne, %convert_element_type3A_202, %cond3A_203 : i32
        scf.if %cond3A_204 {
        } else {
        }
        %convert_element_type3A_205 = arith.extui %eq3A_145 : i1 to i32
        %cond3A_206 = arith.constant 0 : i32
        %cond3A_207 = arith.cmpi ne, %convert_element_type3A_205, %cond3A_206 : i32
        scf.if %cond3A_207 {
          "tpu.trace_start"() <{level = 10 : i32, message = "ep_finalize"}> : () -> ()
          %rem3A_208 = arith.constant 2 : i32
          %rem3A_209 = arith.remui %while3A_120#3, %rem3A_208 : i32
          %mul3A_210 = arith.constant 3 : i32
          %mul3A_211 = arith.muli %add3A_147, %mul3A_210 : i32
          %add3A_212 = arith.addi %mul3A_211, %add3A_148 : i32
          %mul3A_213 = arith.constant 128 : i32
          %mul3A_214 = arith.muli %mul3A_213, %add3A_212 : i32
          %dma_wait3A = arith.constant 0 : i32
          %dma_wait3A_215 = arith.constant 0 : i32
          %dma_wait3A_216 = tpu.memref_slice %run_scoped3A_18[%rem3A_209, %dma_wait3A, %dma_wait3A_215] : memref<2x128x128xf32, #tpu.memory_space<vmem>> -> memref<1x128x128xf32, #tpu.memory_space<vmem>>
          %dma_wait3A_217 = tpu.memref_squeeze %dma_wait3A_216 : memref<1x128x128xf32, #tpu.memory_space<vmem>> -> memref<128x128xf32, #tpu.memory_space<vmem>>
          %dma_wait3A_218 = arith.constant 0 : i32
          %dma_wait3A_219 = tpu.memref_slice %arg4[%mul3A_214, %dma_wait3A_218] : memref<768x128xf32, #tpu.memory_space<hbm>> -> memref<128x128xf32, #tpu.memory_space<hbm>>
          %dma_wait3A_220 = tpu.memref_slice %run_scoped3A_19[%rem3A_209] : memref<2x!tpu.dma_semaphore, #tpu.memory_space<semaphore_mem>> -> memref<1x!tpu.dma_semaphore, #tpu.memory_space<semaphore_mem>>
          %dma_wait3A_221 = tpu.memref_squeeze %dma_wait3A_220 : memref<1x!tpu.dma_semaphore, #tpu.memory_space<semaphore_mem>> -> memref<!tpu.dma_semaphore, #tpu.memory_space<semaphore_mem>>
          %dma_wait3A_222 = arith.constant 0 : i32
          %dma_wait3A_223 = tpu.memref_slice %arg4[%mul3A_214, %dma_wait3A_222] : memref<768x128xf32, #tpu.memory_space<hbm>> -> memref<128x128xf32, #tpu.memory_space<hbm>>
          %dma_wait3A_224 = arith.constant 0 : i32
          %dma_wait3A_225 = arith.constant 0 : i32
          %dma_wait3A_226 = tpu.memref_slice %run_scoped3A_18[%rem3A_209, %dma_wait3A_224, %dma_wait3A_225] : memref<2x128x128xf32, #tpu.memory_space<vmem>> -> memref<1x128x128xf32, #tpu.memory_space<vmem>>
          %dma_wait3A_227 = tpu.memref_squeeze %dma_wait3A_226 : memref<1x128x128xf32, #tpu.memory_space<vmem>> -> memref<128x128xf32, #tpu.memory_space<vmem>>
          tpu.wait_dma2 semaphore(%dma_wait3A_221 : memref<!tpu.dma_semaphore, #tpu.memory_space<semaphore_mem>>) src(%dma_wait3A_227 : memref<128x128xf32, #tpu.memory_space<vmem>>) dst(%dma_wait3A_223 : memref<128x128xf32, #tpu.memory_space<hbm>>)
          "tpu.trace_stop"() : () -> ()
        } else {
        }
      } else {
      }
      tpu.yield
    }) : () -> ()
    return
  }
}

#map = affine_map<(d0, d1) -> (0, 0)>
module attributes {stable_mosaic.version = 14 : i64} {
  func.func @gather_kernel(%arg0: i32, %arg1: i32, %arg2: memref<100000x128xf32, #tpu.memory_space<hbm>>, %arg3: memref<1x896xi32, #tpu.memory_space<hbm>>, %arg4: memref<896x128xf32, #tpu.memory_space<hbm>>) attributes {dimension_semantics = [#tpu.dimension_semantics<core_parallel>, #tpu.dimension_semantics<subcore_parallel>], iteration_bounds = array<i64: 2, 16>, scalar_prefetch = 0 : i64, scratch_operands = 0 : i64, tpu.core_type = #tpu.core_type<sc_vector_subcore>, window_params = [{transform_indices = #map}, {transform_indices = #map}, {transform_indices = #map}]} {
    %mul3A = arith.constant 1 : i32
    %mul3A_0 = arith.muli %arg1, %mul3A : i32
    %add3A = arith.constant 0 : i32
    %add3A_1 = arith.addi %add3A, %mul3A_0 : i32
    %mul3A_2 = arith.constant 16 : i32
    %mul3A_3 = arith.muli %arg0, %mul3A_2 : i32
    %add3A_4 = arith.addi %add3A_1, %mul3A_3 : i32
    %lt3A = arith.constant 3 : i32
    %lt3A_5 = arith.cmpi slt, %add3A_4, %lt3A : i32
    %jit3A = arith.constant 1 : i32
    %jit3A_6 = arith.constant 0 : i32
    %select_n3A = arith.select %lt3A_5, %jit3A, %jit3A_6 : i32
    %lt3A_7 = arith.constant 3 : i32
    %lt3A_8 = arith.cmpi slt, %add3A_4, %lt3A_7 : i32
    %mul3A_9 = arith.muli %add3A_4, %select_n3A : i32
    %mul3A_10 = arith.constant 0 : i32
    %mul3A_11 = arith.muli %add3A_4, %mul3A_10 : i32
    %add3A_12 = arith.constant 3 : i32
    %add3A_13 = arith.addi %mul3A_11, %add3A_12 : i32
    %select_n3A_14 = arith.select %lt3A_8, %mul3A_9, %add3A_13 : i32
    %mul3A_15 = arith.constant 2 : i32
    %mul3A_16 = arith.muli %mul3A_15, %select_n3A : i32
    "tpu.region"() ({
      %run_scoped3A = memref.alloca() : memref<2x1x128xi32, #tpu.memory_space<vmem>>
      %run_scoped3A_17 = tpu.sem_alloc : memref<2x!tpu.dma_semaphore, #tpu.memory_space<semaphore_mem>>
      %run_scoped3A_18 = memref.alloca() : memref<2x128x128xf32, #tpu.memory_space<vmem>>
      %run_scoped3A_19 = tpu.sem_alloc : memref<2x!tpu.dma_semaphore, #tpu.memory_space<semaphore_mem>>
      %gt3A = arith.constant 0 : i32
      %gt3A_20 = arith.cmpi sgt, %mul3A_16, %gt3A : i32
      %convert_element_type3A = arith.extui %gt3A_20 : i1 to i32
      %cond3A = arith.constant 0 : i32
      %cond3A_21 = arith.cmpi ne, %convert_element_type3A, %cond3A : i32
      scf.if %cond3A_21 {
        %mul3A_22 = arith.constant 2 : i32
        %mul3A_23 = arith.muli %mul3A_22, %select_n3A : i32
        %sub3A = arith.constant 1 : i32
        %sub3A_24 = arith.subi %mul3A_23, %sub3A : i32
        %eq3A = arith.constant 0 : i32
        %eq3A_25 = arith.cmpi eq, %sub3A_24, %eq3A : i32
        %add3A_26 = arith.constant 0 : i32
        %add3A_27 = arith.addi %add3A_26, %select_n3A_14 : i32
        %select_n3A_28 = arith.constant true
        %select_n3A_29 = arith.constant 0 : i32
        %select_n3A_30 = arith.constant -1 : i32
        %select_n3A_31 = arith.select %select_n3A_28, %select_n3A_30, %select_n3A_29 : i32
        %eq3A_32 = arith.constant -1 : i32
        %eq3A_33 = arith.cmpi eq, %select_n3A_31, %eq3A_32 : i32
        %sub3A_34 = arith.constant 1 : i32
        %sub3A_35 = arith.subi %select_n3A, %sub3A_34 : i32
        %select_n3A_36 = arith.select %eq3A_33, %sub3A_35, %select_n3A_31 : i32
        %select_n3A_37 = arith.constant 0 : i32
        %select_n3A_38 = arith.constant -1 : i32
        %select_n3A_39 = arith.select %eq3A_33, %select_n3A_38, %select_n3A_37 : i32
        %eq3A_40 = arith.constant -1 : i32
        %eq3A_41 = arith.cmpi eq, %select_n3A_39, %eq3A_40 : i32
        %select_n3A_42 = arith.constant 1 : i32
        %select_n3A_43 = arith.select %eq3A_41, %select_n3A_42, %select_n3A_39 : i32
        %add3A_44 = arith.constant 0 : i32
        %add3A_45 = arith.addi %select_n3A_43, %add3A_44 : i32
        %add3A_46 = arith.addi %select_n3A_36, %select_n3A_14 : i32
        %select_n3A_47 = arith.constant true
        %select_n3A_48 = arith.constant 0 : i32
        %select_n3A_49 = arith.constant 1 : i32
        %select_n3A_50 = arith.select %select_n3A_47, %select_n3A_49, %select_n3A_48 : i32
        %eq3A_51 = arith.cmpi eq, %select_n3A_50, %select_n3A : i32
        %select_n3A_52 = arith.constant 0 : i32
        %select_n3A_53 = arith.select %eq3A_51, %select_n3A_52, %select_n3A_50 : i32
        %select_n3A_54 = arith.constant 0 : i32
        %select_n3A_55 = arith.constant 1 : i32
        %select_n3A_56 = arith.select %eq3A_51, %select_n3A_55, %select_n3A_54 : i32
        %eq3A_57 = arith.constant 2 : i32
        %eq3A_58 = arith.cmpi eq, %select_n3A_56, %eq3A_57 : i32
        %select_n3A_59 = arith.constant 0 : i32
        %select_n3A_60 = arith.select %eq3A_58, %select_n3A_59, %select_n3A_56 : i32
        %add3A_61 = arith.constant 0 : i32
        %add3A_62 = arith.addi %select_n3A_60, %add3A_61 : i32
        %add3A_63 = arith.addi %select_n3A_53, %select_n3A_14 : i32
        %add3A_64 = arith.constant 1 : i32
        %add3A_65 = arith.addi %select_n3A_53, %add3A_64 : i32
        %select_n3A_66 = arith.constant true
        %select_n3A_67 = arith.select %select_n3A_66, %add3A_65, %select_n3A_53 : i32
        %eq3A_68 = arith.cmpi eq, %select_n3A_67, %select_n3A : i32
        %select_n3A_69 = arith.constant 0 : i32
        %select_n3A_70 = arith.select %eq3A_68, %select_n3A_69, %select_n3A_67 : i32
        %add3A_71 = arith.constant 1 : i32
        %add3A_72 = arith.addi %select_n3A_60, %add3A_71 : i32
        %select_n3A_73 = arith.select %eq3A_68, %add3A_72, %select_n3A_60 : i32
        %eq3A_74 = arith.constant 2 : i32
        %eq3A_75 = arith.cmpi eq, %select_n3A_73, %eq3A_74 : i32
        %select_n3A_76 = arith.constant 0 : i32
        %select_n3A_77 = arith.select %eq3A_75, %select_n3A_76, %select_n3A_73 : i32
        %add3A_78 = arith.constant 0 : i32
        %add3A_79 = arith.addi %select_n3A_77, %add3A_78 : i32
        %add3A_80 = arith.addi %select_n3A_70, %select_n3A_14 : i32
        "tpu.trace_start"() <{level = 10 : i32, message = "ep_initialize_0"}> : () -> ()
        %rem3A = arith.constant 0 : i32
        %rem3A_81 = arith.constant 2 : i32
        %rem3A_82 = arith.remui %rem3A, %rem3A_81 : i32
        %add3A_83 = arith.constant 0 : i32
        %add3A_84 = arith.addi %add3A_83, %add3A_27 : i32
        %mul3A_85 = arith.constant 128 : i32
        %mul3A_86 = arith.muli %mul3A_85, %add3A_84 : i32
        %dma_start3A = arith.constant 0 : i32
        %dma_start3A_87 = arith.constant 0 : i32
        %dma_start3A_88 = tpu.memref_slice %run_scoped3A[%rem3A_82, %dma_start3A, %dma_start3A_87] : memref<2x1x128xi32, #tpu.memory_space<vmem>> -> memref<1x1x128xi32, #tpu.memory_space<vmem>>
        %dma_start3A_89 = tpu.memref_squeeze %dma_start3A_88 : memref<1x1x128xi32, #tpu.memory_space<vmem>> -> memref<1x128xi32, #tpu.memory_space<vmem>>
        %dma_start3A_90 = arith.constant 0 : i32
        %dma_start3A_91 = tpu.memref_slice %arg3[%dma_start3A_90, %mul3A_86] : memref<1x896xi32, #tpu.memory_space<hbm>> -> memref<1x128xi32, #tpu.memory_space<hbm>>
        %dma_start3A_92 = tpu.memref_slice %run_scoped3A_17[%rem3A_82] : memref<2x!tpu.dma_semaphore, #tpu.memory_space<semaphore_mem>> -> memref<1x!tpu.dma_semaphore, #tpu.memory_space<semaphore_mem>>
        %dma_start3A_93 = tpu.memref_squeeze %dma_start3A_92 : memref<1x!tpu.dma_semaphore, #tpu.memory_space<semaphore_mem>> -> memref<!tpu.dma_semaphore, #tpu.memory_space<semaphore_mem>>
        %dma_start3A_94 = arith.constant 0 : i32
        %dma_start3A_95 = arith.constant 0 : i32
        %dma_start3A_96 = tpu.memref_slice %run_scoped3A[%rem3A_82, %dma_start3A_94, %dma_start3A_95] : memref<2x1x128xi32, #tpu.memory_space<vmem>> -> memref<1x1x128xi32, #tpu.memory_space<vmem>>
        %dma_start3A_97 = tpu.memref_squeeze %dma_start3A_96 : memref<1x1x128xi32, #tpu.memory_space<vmem>> -> memref<1x128xi32, #tpu.memory_space<vmem>>
        %dma_start3A_98 = arith.constant 0 : i32
        %dma_start3A_99 = tpu.memref_slice %arg3[%dma_start3A_98, %mul3A_86] : memref<1x896xi32, #tpu.memory_space<hbm>> -> memref<1x128xi32, #tpu.memory_space<hbm>>
        tpu.enqueue_dma source(%dma_start3A_99 : memref<1x128xi32, #tpu.memory_space<hbm>>) target(%dma_start3A_97 : memref<1x128xi32, #tpu.memory_space<vmem>>) target_semaphore(%dma_start3A_93 : memref<!tpu.dma_semaphore, #tpu.memory_space<semaphore_mem>>)
        %add3A_100 = arith.constant 0 : i32
        %add3A_101 = arith.constant 1 : i32
        %add3A_102 = arith.addi %add3A_100, %add3A_101 : i32
        %select_n3A_103 = arith.constant true
        %select_n3A_104 = arith.constant 0 : i32
        %select_n3A_105 = arith.select %select_n3A_103, %add3A_102, %select_n3A_104 : i32
        %while3A = arith.constant 0 : i32
        %while3A_106 = arith.constant 0 : i32
        %while3A_107 = arith.constant 0 : i32
        %while3A_108 = arith.constant 0 : i32
        %while3A_109 = arith.constant 0 : i32
        %while3A_110 = arith.constant 0 : i32
        "tpu.trace_stop"() : () -> ()
        %while3A_111 = arith.subi %mul3A_16, %while3A : i32
        %while3A_112 = arith.addi %while3A, %while3A_111 : i32
        %while3A_113 = arith.constant 1 : i32
        %while3A_114 = arith.divsi %while3A_111, %while3A_113 : i32
        %while3A_115 = arith.muli %while3A_114, %while3A_113 : i32
        %while3A_116 = arith.addi %while3A, %while3A_115 : i32
        %while3A_117 = arith.constant 1 : i32
        %while3A_118:6 = scf.for %while3A_208 = %while3A to %while3A_116 step %while3A_117 iter_args(%while3A_209 = %select_n3A_105, %while3A_210 = %while3A_106, %while3A_211 = %while3A_107, %while3A_212 = %while3A_108, %while3A_213 = %while3A_109, %while3A_214 = %while3A_110) -> (i32, i32, i32, i32, i32, i32)  : i32 {
          %mul3A_215 = arith.constant 2 : i32
          %mul3A_216 = arith.muli %mul3A_215, %select_n3A : i32
          %eq3A_217 = arith.constant 0 : i32
          %eq3A_218 = arith.cmpi eq, %while3A_208, %eq3A_217 : i32
          %sub3A_219 = arith.constant 1 : i32
          %sub3A_220 = arith.subi %mul3A_216, %sub3A_219 : i32
          %eq3A_221 = arith.cmpi eq, %while3A_208, %sub3A_220 : i32
          %add3A_222 = arith.constant 0 : i32
          %add3A_223 = arith.addi %while3A_213, %add3A_222 : i32
          %add3A_224 = arith.addi %while3A_214, %select_n3A_14 : i32
          %sub3A_225 = arith.constant 1 : i32
          %sub3A_226 = arith.subi %while3A_214, %sub3A_225 : i32
          %select_n3A_227 = arith.constant true
          %select_n3A_228 = arith.select %select_n3A_227, %sub3A_226, %while3A_214 : i32
          %eq3A_229 = arith.constant -1 : i32
          %eq3A_230 = arith.cmpi eq, %select_n3A_228, %eq3A_229 : i32
          %sub3A_231 = arith.constant 1 : i32
          %sub3A_232 = arith.subi %select_n3A, %sub3A_231 : i32
          %select_n3A_233 = arith.select %eq3A_230, %sub3A_232, %select_n3A_228 : i32
          %sub3A_234 = arith.constant 1 : i32
          %sub3A_235 = arith.subi %while3A_213, %sub3A_234 : i32
          %select_n3A_236 = arith.select %eq3A_230, %sub3A_235, %while3A_213 : i32
          %eq3A_237 = arith.constant -1 : i32
          %eq3A_238 = arith.cmpi eq, %select_n3A_236, %eq3A_237 : i32
          %select_n3A_239 = arith.constant 1 : i32
          %select_n3A_240 = arith.select %eq3A_238, %select_n3A_239, %select_n3A_236 : i32
          %add3A_241 = arith.constant 0 : i32
          %add3A_242 = arith.addi %select_n3A_240, %add3A_241 : i32
          %add3A_243 = arith.addi %select_n3A_233, %select_n3A_14 : i32
          %add3A_244 = arith.constant 1 : i32
          %add3A_245 = arith.addi %while3A_214, %add3A_244 : i32
          %select_n3A_246 = arith.constant true
          %select_n3A_247 = arith.select %select_n3A_246, %add3A_245, %while3A_214 : i32
          %eq3A_248 = arith.cmpi eq, %select_n3A_247, %select_n3A : i32
          %select_n3A_249 = arith.constant 0 : i32
          %select_n3A_250 = arith.select %eq3A_248, %select_n3A_249, %select_n3A_247 : i32
          %add3A_251 = arith.constant 1 : i32
          %add3A_252 = arith.addi %while3A_213, %add3A_251 : i32
          %select_n3A_253 = arith.select %eq3A_248, %add3A_252, %while3A_213 : i32
          %eq3A_254 = arith.constant 2 : i32
          %eq3A_255 = arith.cmpi eq, %select_n3A_253, %eq3A_254 : i32
          %select_n3A_256 = arith.constant 0 : i32
          %select_n3A_257 = arith.select %eq3A_255, %select_n3A_256, %select_n3A_253 : i32
          %add3A_258 = arith.constant 0 : i32
          %add3A_259 = arith.addi %select_n3A_257, %add3A_258 : i32
          %add3A_260 = arith.addi %select_n3A_250, %select_n3A_14 : i32
          %add3A_261 = arith.constant 1 : i32
          %add3A_262 = arith.addi %select_n3A_250, %add3A_261 : i32
          %select_n3A_263 = arith.constant true
          %select_n3A_264 = arith.select %select_n3A_263, %add3A_262, %select_n3A_250 : i32
          %eq3A_265 = arith.cmpi eq, %select_n3A_264, %select_n3A : i32
          %select_n3A_266 = arith.constant 0 : i32
          %select_n3A_267 = arith.select %eq3A_265, %select_n3A_266, %select_n3A_264 : i32
          %add3A_268 = arith.constant 1 : i32
          %add3A_269 = arith.addi %select_n3A_257, %add3A_268 : i32
          %select_n3A_270 = arith.select %eq3A_265, %add3A_269, %select_n3A_257 : i32
          %eq3A_271 = arith.constant 2 : i32
          %eq3A_272 = arith.cmpi eq, %select_n3A_270, %eq3A_271 : i32
          %select_n3A_273 = arith.constant 0 : i32
          %select_n3A_274 = arith.select %eq3A_272, %select_n3A_273, %select_n3A_270 : i32
          %add3A_275 = arith.constant 0 : i32
          %add3A_276 = arith.addi %select_n3A_274, %add3A_275 : i32
          %add3A_277 = arith.addi %select_n3A_267, %select_n3A_14 : i32
          %mul3A_278 = arith.constant 3 : i32
          %mul3A_279 = arith.muli %add3A_223, %mul3A_278 : i32
          %add3A_280 = arith.addi %mul3A_279, %add3A_224 : i32
          %mul3A_281 = arith.constant 3 : i32
          %mul3A_282 = arith.muli %add3A_259, %mul3A_281 : i32
          %add3A_283 = arith.addi %mul3A_282, %add3A_260 : i32
          %ne3A = arith.cmpi ne, %add3A_280, %add3A_283 : i32
          %or3A = arith.constant false
          %or3A_284 = arith.ori %or3A, %ne3A : i1
          %sub3A_285 = arith.constant 2 : i32
          %sub3A_286 = arith.subi %mul3A_216, %sub3A_285 : i32
          %add3A_287 = arith.constant 1 : i32
          %add3A_288 = arith.addi %sub3A_286, %add3A_287 : i32
          %ge3A = arith.cmpi sge, %while3A_208, %add3A_288 : i32
          %not3A = arith.constant true
          %not3A_289 = arith.xori %ge3A, %not3A : i1
          %and3A = arith.andi %or3A_284, %not3A_289 : i1
          %convert_element_type3A_290 = arith.extui %and3A : i1 to i32
          %cond3A_291 = arith.constant 0 : i32
          %cond3A_292 = arith.cmpi ne, %convert_element_type3A_290, %cond3A_291 : i32
          scf.if %cond3A_292 {
            "tpu.trace_start"() <{level = 10 : i32, message = "ep_copy_in"}> : () -> ()
            %rem3A_451 = arith.constant 2 : i32
            %rem3A_452 = arith.remui %while3A_209, %rem3A_451 : i32
            %mul3A_453 = arith.constant 3 : i32
            %mul3A_454 = arith.muli %add3A_259, %mul3A_453 : i32
            %add3A_455 = arith.addi %mul3A_454, %add3A_260 : i32
            %mul3A_456 = arith.constant 128 : i32
            %mul3A_457 = arith.muli %mul3A_456, %add3A_455 : i32
            %dma_start3A_458 = arith.constant 0 : i32
            %dma_start3A_459 = arith.constant 0 : i32
            %dma_start3A_460 = tpu.memref_slice %run_scoped3A[%rem3A_452, %dma_start3A_458, %dma_start3A_459] : memref<2x1x128xi32, #tpu.memory_space<vmem>> -> memref<1x1x128xi32, #tpu.memory_space<vmem>>
            %dma_start3A_461 = tpu.memref_squeeze %dma_start3A_460 : memref<1x1x128xi32, #tpu.memory_space<vmem>> -> memref<1x128xi32, #tpu.memory_space<vmem>>
            %dma_start3A_462 = arith.constant 0 : i32
            %dma_start3A_463 = tpu.memref_slice %arg3[%dma_start3A_462, %mul3A_457] : memref<1x896xi32, #tpu.memory_space<hbm>> -> memref<1x128xi32, #tpu.memory_space<hbm>>
            %dma_start3A_464 = tpu.memref_slice %run_scoped3A_17[%rem3A_452] : memref<2x!tpu.dma_semaphore, #tpu.memory_space<semaphore_mem>> -> memref<1x!tpu.dma_semaphore, #tpu.memory_space<semaphore_mem>>
            %dma_start3A_465 = tpu.memref_squeeze %dma_start3A_464 : memref<1x!tpu.dma_semaphore, #tpu.memory_space<semaphore_mem>> -> memref<!tpu.dma_semaphore, #tpu.memory_space<semaphore_mem>>
            %dma_start3A_466 = arith.constant 0 : i32
            %dma_start3A_467 = arith.constant 0 : i32
            %dma_start3A_468 = tpu.memref_slice %run_scoped3A[%rem3A_452, %dma_start3A_466, %dma_start3A_467] : memref<2x1x128xi32, #tpu.memory_space<vmem>> -> memref<1x1x128xi32, #tpu.memory_space<vmem>>
            %dma_start3A_469 = tpu.memref_squeeze %dma_start3A_468 : memref<1x1x128xi32, #tpu.memory_space<vmem>> -> memref<1x128xi32, #tpu.memory_space<vmem>>
            %dma_start3A_470 = arith.constant 0 : i32
            %dma_start3A_471 = tpu.memref_slice %arg3[%dma_start3A_470, %mul3A_457] : memref<1x896xi32, #tpu.memory_space<hbm>> -> memref<1x128xi32, #tpu.memory_space<hbm>>
            tpu.enqueue_dma source(%dma_start3A_471 : memref<1x128xi32, #tpu.memory_space<hbm>>) target(%dma_start3A_469 : memref<1x128xi32, #tpu.memory_space<vmem>>) target_semaphore(%dma_start3A_465 : memref<!tpu.dma_semaphore, #tpu.memory_space<semaphore_mem>>)
            "tpu.trace_stop"() : () -> ()
          } else {
          }
          %and3A_293 = arith.constant true
          %and3A_294 = arith.andi %and3A, %and3A_293 : i1
          %add3A_295 = arith.constant 1 : i32
          %add3A_296 = arith.addi %while3A_209, %add3A_295 : i32
          %select_n3A_297 = arith.select %and3A_294, %add3A_296, %while3A_209 : i32
          %mul3A_298 = arith.constant 3 : i32
          %mul3A_299 = arith.muli %add3A_223, %mul3A_298 : i32
          %add3A_300 = arith.addi %mul3A_299, %add3A_224 : i32
          %mul3A_301 = arith.constant 3 : i32
          %mul3A_302 = arith.muli %add3A_259, %mul3A_301 : i32
          %add3A_303 = arith.addi %mul3A_302, %add3A_260 : i32
          %ne3A_304 = arith.cmpi ne, %add3A_300, %add3A_303 : i32
          %or3A_305 = arith.constant false
          %or3A_306 = arith.ori %or3A_305, %ne3A_304 : i1
          %or3A_307 = arith.constant false
          %or3A_308 = arith.ori %or3A_306, %or3A_307 : i1
          %sub3A_309 = arith.constant 2 : i32
          %sub3A_310 = arith.subi %mul3A_216, %sub3A_309 : i32
          %add3A_311 = arith.constant 1 : i32
          %add3A_312 = arith.addi %sub3A_310, %add3A_311 : i32
          %ge3A_313 = arith.cmpi sge, %while3A_208, %add3A_312 : i32
          %not3A_314 = arith.constant true
          %not3A_315 = arith.xori %ge3A_313, %not3A_314 : i1
          %and3A_316 = arith.andi %or3A_308, %not3A_315 : i1
          %mul3A_317 = arith.constant 3 : i32
          %mul3A_318 = arith.muli %add3A_223, %mul3A_317 : i32
          %add3A_319 = arith.addi %mul3A_318, %add3A_224 : i32
          %mul3A_320 = arith.constant 3 : i32
          %mul3A_321 = arith.muli %add3A_242, %mul3A_320 : i32
          %add3A_322 = arith.addi %mul3A_321, %add3A_243 : i32
          %ne3A_323 = arith.cmpi ne, %add3A_319, %add3A_322 : i32
          %or3A_324 = arith.constant false
          %or3A_325 = arith.ori %or3A_324, %ne3A_323 : i1
          %or3A_326 = arith.ori %or3A_325, %eq3A_218 : i1
          %convert_element_type3A_327 = arith.extui %or3A_326 : i1 to i32
          %cond3A_328 = arith.constant 0 : i32
          %cond3A_329 = arith.cmpi ne, %convert_element_type3A_327, %cond3A_328 : i32
          scf.if %cond3A_329 {
            "tpu.trace_start"() <{level = 10 : i32, message = "ep_wait_in"}> : () -> ()
            %mul3A_451 = arith.constant 3 : i32
            %mul3A_452 = arith.muli %add3A_223, %mul3A_451 : i32
            %add3A_453 = arith.addi %mul3A_452, %add3A_224 : i32
            %mul3A_454 = arith.constant 128 : i32
            %mul3A_455 = arith.muli %mul3A_454, %add3A_453 : i32
            %rem3A_456 = arith.constant 2 : i32
            %rem3A_457 = arith.remui %while3A_210, %rem3A_456 : i32
            %dma_wait3A = arith.constant 0 : i32
            %dma_wait3A_458 = arith.constant 0 : i32
            %dma_wait3A_459 = tpu.memref_slice %run_scoped3A[%rem3A_457, %dma_wait3A, %dma_wait3A_458] : memref<2x1x128xi32, #tpu.memory_space<vmem>> -> memref<1x1x128xi32, #tpu.memory_space<vmem>>
            %dma_wait3A_460 = tpu.memref_squeeze %dma_wait3A_459 : memref<1x1x128xi32, #tpu.memory_space<vmem>> -> memref<1x128xi32, #tpu.memory_space<vmem>>
            %dma_wait3A_461 = arith.constant 0 : i32
            %dma_wait3A_462 = tpu.memref_slice %arg3[%dma_wait3A_461, %mul3A_455] : memref<1x896xi32, #tpu.memory_space<hbm>> -> memref<1x128xi32, #tpu.memory_space<hbm>>
            %dma_wait3A_463 = tpu.memref_slice %run_scoped3A_17[%rem3A_457] : memref<2x!tpu.dma_semaphore, #tpu.memory_space<semaphore_mem>> -> memref<1x!tpu.dma_semaphore, #tpu.memory_space<semaphore_mem>>
            %dma_wait3A_464 = tpu.memref_squeeze %dma_wait3A_463 : memref<1x!tpu.dma_semaphore, #tpu.memory_space<semaphore_mem>> -> memref<!tpu.dma_semaphore, #tpu.memory_space<semaphore_mem>>
            %dma_wait3A_465 = arith.constant 0 : i32
            %dma_wait3A_466 = arith.constant 0 : i32
            %dma_wait3A_467 = tpu.memref_slice %run_scoped3A[%rem3A_457, %dma_wait3A_465, %dma_wait3A_466] : memref<2x1x128xi32, #tpu.memory_space<vmem>> -> memref<1x1x128xi32, #tpu.memory_space<vmem>>
            %dma_wait3A_468 = tpu.memref_squeeze %dma_wait3A_467 : memref<1x1x128xi32, #tpu.memory_space<vmem>> -> memref<1x128xi32, #tpu.memory_space<vmem>>
            %dma_wait3A_469 = arith.constant 0 : i32
            %dma_wait3A_470 = tpu.memref_slice %arg3[%dma_wait3A_469, %mul3A_455] : memref<1x896xi32, #tpu.memory_space<hbm>> -> memref<1x128xi32, #tpu.memory_space<hbm>>
            tpu.wait_dma2 semaphore(%dma_wait3A_464 : memref<!tpu.dma_semaphore, #tpu.memory_space<semaphore_mem>>) src(%dma_wait3A_470 : memref<1x128xi32, #tpu.memory_space<hbm>>) dst(%dma_wait3A_468 : memref<1x128xi32, #tpu.memory_space<vmem>>)
            "tpu.trace_stop"() : () -> ()
          } else {
          }
          %mul3A_330 = arith.constant 3 : i32
          %mul3A_331 = arith.muli %add3A_223, %mul3A_330 : i32
          %add3A_332 = arith.addi %mul3A_331, %add3A_224 : i32
          %mul3A_333 = arith.constant 3 : i32
          %mul3A_334 = arith.muli %add3A_242, %mul3A_333 : i32
          %add3A_335 = arith.addi %mul3A_334, %add3A_243 : i32
          %ne3A_336 = arith.cmpi ne, %add3A_332, %add3A_335 : i32
          %or3A_337 = arith.constant false
          %or3A_338 = arith.ori %or3A_337, %ne3A_336 : i1
          %or3A_339 = arith.constant false
          %or3A_340 = arith.ori %or3A_338, %or3A_339 : i1
          %or3A_341 = arith.ori %or3A_340, %eq3A_218 : i1
          %convert_element_type3A_342 = arith.extui %or3A_341 : i1 to i32
          %cond3A_343 = arith.constant 0 : i32
          %cond3A_344 = arith.cmpi ne, %convert_element_type3A_342, %cond3A_343 : i32
          scf.if %cond3A_344 {
          } else {
          }
          %rem3A_345 = arith.constant 2 : i32
          %rem3A_346 = arith.remui %while3A_210, %rem3A_345 : i32
          %rem3A_347 = arith.constant 2 : i32
          %rem3A_348 = arith.remui %while3A_211, %rem3A_347 : i32
          %run_scoped3A_349 = arith.constant 0 : i32
          "tpu.trace_start"() <{level = 10 : i32, message = "ep_run_kernel"}> : () -> ()
          "tpu.region"() ({
            %run_scoped3A_451 = tpu.sem_alloc : memref<!tpu.dma_semaphore, #tpu.memory_space<semaphore_mem>>
            %dma_start3A_452 = arith.constant 0 : i32
            %dma_start3A_453 = arith.constant 0 : i32
            %dma_start3A_454 = tpu.memref_slice %run_scoped3A_18[%rem3A_348, %dma_start3A_452, %dma_start3A_453] : memref<2x128x128xf32, #tpu.memory_space<vmem>> -> memref<1x128x128xf32, #tpu.memory_space<vmem>>
            %dma_start3A_455 = tpu.memref_squeeze %dma_start3A_454 : memref<1x128x128xf32, #tpu.memory_space<vmem>> -> memref<128x128xf32, #tpu.memory_space<vmem>>
            %dma_start3A_456 = arith.constant 0 : i32
            %dma_start3A_457 = arith.constant 0 : i32
            %dma_start3A_458 = tpu.memref_slice %run_scoped3A[%rem3A_346, %dma_start3A_456, %dma_start3A_457] : memref<2x1x128xi32, #tpu.memory_space<vmem>> -> memref<1x1x128xi32, #tpu.memory_space<vmem>>
            %dma_start3A_459 = tpu.memref_squeeze %dma_start3A_458 : memref<1x1x128xi32, #tpu.memory_space<vmem>> -> memref<1x128xi32, #tpu.memory_space<vmem>>
            %dma_start3A_460 = arith.constant 0 : i32
            %dma_start3A_461 = tpu.memref_slice %dma_start3A_459[%run_scoped3A_349, %dma_start3A_460] : memref<1x128xi32, #tpu.memory_space<vmem>> -> memref<1x128xi32, #tpu.memory_space<vmem>>
            %dma_start3A_462 = tpu.memref_squeeze %dma_start3A_461 : memref<1x128xi32, #tpu.memory_space<vmem>> -> memref<128xi32, #tpu.memory_space<vmem>>
            %dma_start3A_463 = arith.constant 0 : i32
            %dma_start3A_464 = arith.constant 0 : i32
            %dma_start3A_465 = tpu.memref_slice %arg2[%dma_start3A_463, %dma_start3A_464] : memref<100000x128xf32, #tpu.memory_space<hbm>> -> memref<100000x128xf32, #tpu.memory_space<hbm>>
            tpu.enqueue_indirect_dma source(%dma_start3A_465 : memref<100000x128xf32, #tpu.memory_space<hbm>>) target(%dma_start3A_455 : memref<128x128xf32, #tpu.memory_space<vmem>>) offsets(%dma_start3A_462 : memref<128xi32, #tpu.memory_space<vmem>>) semaphore(%run_scoped3A_451 : memref<!tpu.dma_semaphore, #tpu.memory_space<semaphore_mem>>)
            %dma_wait3A = arith.constant 0 : i32
            %dma_wait3A_466 = arith.constant 0 : i32
            %dma_wait3A_467 = tpu.memref_slice %run_scoped3A_18[%rem3A_348, %dma_wait3A, %dma_wait3A_466] : memref<2x128x128xf32, #tpu.memory_space<vmem>> -> memref<1x128x128xf32, #tpu.memory_space<vmem>>
            %dma_wait3A_468 = tpu.memref_squeeze %dma_wait3A_467 : memref<1x128x128xf32, #tpu.memory_space<vmem>> -> memref<128x128xf32, #tpu.memory_space<vmem>>
            %dma_wait3A_469 = arith.constant 0 : i32
            %dma_wait3A_470 = arith.constant 0 : i32
            %dma_wait3A_471 = tpu.memref_slice %run_scoped3A[%rem3A_346, %dma_wait3A_469, %dma_wait3A_470] : memref<2x1x128xi32, #tpu.memory_space<vmem>> -> memref<1x1x128xi32, #tpu.memory_space<vmem>>
            %dma_wait3A_472 = tpu.memref_squeeze %dma_wait3A_471 : memref<1x1x128xi32, #tpu.memory_space<vmem>> -> memref<1x128xi32, #tpu.memory_space<vmem>>
            %dma_wait3A_473 = arith.constant 0 : i32
            %dma_wait3A_474 = tpu.memref_slice %dma_wait3A_472[%run_scoped3A_349, %dma_wait3A_473] : memref<1x128xi32, #tpu.memory_space<vmem>> -> memref<1x128xi32, #tpu.memory_space<vmem>>
            %dma_wait3A_475 = tpu.memref_squeeze %dma_wait3A_474 : memref<1x128xi32, #tpu.memory_space<vmem>> -> memref<128xi32, #tpu.memory_space<vmem>>
            %dma_wait3A_476 = arith.constant 0 : i32
            %dma_wait3A_477 = arith.constant 0 : i32
            %dma_wait3A_478 = tpu.memref_slice %arg2[%dma_wait3A_476, %dma_wait3A_477] : memref<100000x128xf32, #tpu.memory_space<hbm>> -> memref<100000x128xf32, #tpu.memory_space<hbm>>
            tpu.wait_indirect_dma semaphore(%run_scoped3A_451 : memref<!tpu.dma_semaphore, #tpu.memory_space<semaphore_mem>>) src(%dma_wait3A_478 : memref<100000x128xf32, #tpu.memory_space<hbm>>) dst(%dma_wait3A_468 : memref<128x128xf32, #tpu.memory_space<vmem>>)
            tpu.yield
          }) : () -> ()
          "tpu.trace_stop"() : () -> ()
          %mul3A_350 = arith.constant 3 : i32
          %mul3A_351 = arith.muli %add3A_223, %mul3A_350 : i32
          %add3A_352 = arith.addi %mul3A_351, %add3A_224 : i32
          %mul3A_353 = arith.constant 3 : i32
          %mul3A_354 = arith.muli %add3A_259, %mul3A_353 : i32
          %add3A_355 = arith.addi %mul3A_354, %add3A_260 : i32
          %ne3A_356 = arith.cmpi ne, %add3A_352, %add3A_355 : i32
          %or3A_357 = arith.constant false
          %or3A_358 = arith.ori %or3A_357, %ne3A_356 : i1
          %or3A_359 = arith.ori %or3A_358, %eq3A_221 : i1
          %convert_element_type3A_360 = arith.extui %or3A_359 : i1 to i32
          %cond3A_361 = arith.constant 0 : i32
          %cond3A_362 = arith.cmpi ne, %convert_element_type3A_360, %cond3A_361 : i32
          scf.if %cond3A_362 {
          } else {
          }
          %and3A_363 = arith.constant false
          %and3A_364 = arith.andi %or3A_359, %and3A_363 : i1
          %mul3A_365 = arith.constant 3 : i32
          %mul3A_366 = arith.muli %add3A_223, %mul3A_365 : i32
          %add3A_367 = arith.addi %mul3A_366, %add3A_224 : i32
          %mul3A_368 = arith.constant 3 : i32
          %mul3A_369 = arith.muli %add3A_259, %mul3A_368 : i32
          %add3A_370 = arith.addi %mul3A_369, %add3A_260 : i32
          %ne3A_371 = arith.cmpi ne, %add3A_367, %add3A_370 : i32
          %or3A_372 = arith.constant false
          %or3A_373 = arith.ori %or3A_372, %ne3A_371 : i1
          %or3A_374 = arith.constant false
          %or3A_375 = arith.ori %or3A_373, %or3A_374 : i1
          %or3A_376 = arith.ori %or3A_375, %eq3A_221 : i1
          %convert_element_type3A_377 = arith.extui %or3A_376 : i1 to i32
          %cond3A_378 = arith.constant 0 : i32
          %cond3A_379 = arith.cmpi ne, %convert_element_type3A_377, %cond3A_378 : i32
          scf.if %cond3A_379 {
            "tpu.trace_start"() <{level = 10 : i32, message = "ep_copy_out"}> : () -> ()
            %rem3A_451 = arith.constant 2 : i32
            %rem3A_452 = arith.remui %while3A_211, %rem3A_451 : i32
            %mul3A_453 = arith.constant 3 : i32
            %mul3A_454 = arith.muli %add3A_223, %mul3A_453 : i32
            %add3A_455 = arith.addi %mul3A_454, %add3A_224 : i32
            %mul3A_456 = arith.constant 128 : i32
            %mul3A_457 = arith.muli %mul3A_456, %add3A_455 : i32
            %dma_start3A_458 = arith.constant 0 : i32
            %dma_start3A_459 = arith.constant 0 : i32
            %dma_start3A_460 = tpu.memref_slice %run_scoped3A_18[%rem3A_452, %dma_start3A_458, %dma_start3A_459] : memref<2x128x128xf32, #tpu.memory_space<vmem>> -> memref<1x128x128xf32, #tpu.memory_space<vmem>>
            %dma_start3A_461 = tpu.memref_squeeze %dma_start3A_460 : memref<1x128x128xf32, #tpu.memory_space<vmem>> -> memref<128x128xf32, #tpu.memory_space<vmem>>
            %dma_start3A_462 = arith.constant 0 : i32
            %dma_start3A_463 = tpu.memref_slice %arg4[%mul3A_457, %dma_start3A_462] : memref<896x128xf32, #tpu.memory_space<hbm>> -> memref<128x128xf32, #tpu.memory_space<hbm>>
            %dma_start3A_464 = tpu.memref_slice %run_scoped3A_19[%rem3A_452] : memref<2x!tpu.dma_semaphore, #tpu.memory_space<semaphore_mem>> -> memref<1x!tpu.dma_semaphore, #tpu.memory_space<semaphore_mem>>
            %dma_start3A_465 = tpu.memref_squeeze %dma_start3A_464 : memref<1x!tpu.dma_semaphore, #tpu.memory_space<semaphore_mem>> -> memref<!tpu.dma_semaphore, #tpu.memory_space<semaphore_mem>>
            %dma_start3A_466 = arith.constant 0 : i32
            %dma_start3A_467 = tpu.memref_slice %arg4[%mul3A_457, %dma_start3A_466] : memref<896x128xf32, #tpu.memory_space<hbm>> -> memref<128x128xf32, #tpu.memory_space<hbm>>
            %dma_start3A_468 = arith.constant 0 : i32
            %dma_start3A_469 = arith.constant 0 : i32
            %dma_start3A_470 = tpu.memref_slice %run_scoped3A_18[%rem3A_452, %dma_start3A_468, %dma_start3A_469] : memref<2x128x128xf32, #tpu.memory_space<vmem>> -> memref<1x128x128xf32, #tpu.memory_space<vmem>>
            %dma_start3A_471 = tpu.memref_squeeze %dma_start3A_470 : memref<1x128x128xf32, #tpu.memory_space<vmem>> -> memref<128x128xf32, #tpu.memory_space<vmem>>
            tpu.enqueue_dma source(%dma_start3A_471 : memref<128x128xf32, #tpu.memory_space<vmem>>) target(%dma_start3A_467 : memref<128x128xf32, #tpu.memory_space<hbm>>) target_semaphore(%dma_start3A_465 : memref<!tpu.dma_semaphore, #tpu.memory_space<semaphore_mem>>)
            "tpu.trace_stop"() : () -> ()
          } else {
          }
          %and3A_380 = arith.constant true
          %and3A_381 = arith.andi %or3A_376, %and3A_380 : i1
          %add3A_382 = arith.constant 1 : i32
          %add3A_383 = arith.addi %while3A_211, %add3A_382 : i32
          %select_n3A_384 = arith.select %and3A_381, %add3A_383, %while3A_211 : i32
          %mul3A_385 = arith.constant 3 : i32
          %mul3A_386 = arith.muli %add3A_223, %mul3A_385 : i32
          %add3A_387 = arith.addi %mul3A_386, %add3A_224 : i32
          %mul3A_388 = arith.constant 3 : i32
          %mul3A_389 = arith.muli %add3A_242, %mul3A_388 : i32
          %add3A_390 = arith.addi %mul3A_389, %add3A_243 : i32
          %ne3A_391 = arith.cmpi ne, %add3A_387, %add3A_390 : i32
          %or3A_392 = arith.constant false
          %or3A_393 = arith.ori %or3A_392, %ne3A_391 : i1
          %not3A_394 = arith.constant true
          %not3A_395 = arith.xori %eq3A_218, %not3A_394 : i1
          %and3A_396 = arith.andi %or3A_393, %not3A_395 : i1
          %convert_element_type3A_397 = arith.extui %and3A_396 : i1 to i32
          %cond3A_398 = arith.constant 0 : i32
          %cond3A_399 = arith.cmpi ne, %convert_element_type3A_397, %cond3A_398 : i32
          scf.if %cond3A_399 {
          } else {
          }
          %and3A_400 = arith.constant false
          %and3A_401 = arith.andi %and3A_396, %and3A_400 : i1
          %mul3A_402 = arith.constant 3 : i32
          %mul3A_403 = arith.muli %add3A_223, %mul3A_402 : i32
          %add3A_404 = arith.addi %mul3A_403, %add3A_224 : i32
          %mul3A_405 = arith.constant 3 : i32
          %mul3A_406 = arith.muli %add3A_242, %mul3A_405 : i32
          %add3A_407 = arith.addi %mul3A_406, %add3A_243 : i32
          %ne3A_408 = arith.cmpi ne, %add3A_404, %add3A_407 : i32
          %or3A_409 = arith.constant false
          %or3A_410 = arith.ori %or3A_409, %ne3A_408 : i1
          %or3A_411 = arith.constant false
          %or3A_412 = arith.ori %or3A_410, %or3A_411 : i1
          %not3A_413 = arith.constant true
          %not3A_414 = arith.xori %eq3A_218, %not3A_413 : i1
          %and3A_415 = arith.andi %or3A_412, %not3A_414 : i1
          %convert_element_type3A_416 = arith.extui %and3A_415 : i1 to i32
          %cond3A_417 = arith.constant 0 : i32
          %cond3A_418 = arith.cmpi ne, %convert_element_type3A_416, %cond3A_417 : i32
          scf.if %cond3A_418 {
            "tpu.trace_start"() <{level = 10 : i32, message = "ep_wait_out"}> : () -> ()
            %rem3A_451 = arith.constant 2 : i32
            %rem3A_452 = arith.remui %while3A_212, %rem3A_451 : i32
            %mul3A_453 = arith.constant 3 : i32
            %mul3A_454 = arith.muli %add3A_242, %mul3A_453 : i32
            %add3A_455 = arith.addi %mul3A_454, %add3A_243 : i32
            %mul3A_456 = arith.constant 128 : i32
            %mul3A_457 = arith.muli %mul3A_456, %add3A_455 : i32
            %dma_wait3A = arith.constant 0 : i32
            %dma_wait3A_458 = arith.constant 0 : i32
            %dma_wait3A_459 = tpu.memref_slice %run_scoped3A_18[%rem3A_452, %dma_wait3A, %dma_wait3A_458] : memref<2x128x128xf32, #tpu.memory_space<vmem>> -> memref<1x128x128xf32, #tpu.memory_space<vmem>>
            %dma_wait3A_460 = tpu.memref_squeeze %dma_wait3A_459 : memref<1x128x128xf32, #tpu.memory_space<vmem>> -> memref<128x128xf32, #tpu.memory_space<vmem>>
            %dma_wait3A_461 = arith.constant 0 : i32
            %dma_wait3A_462 = tpu.memref_slice %arg4[%mul3A_457, %dma_wait3A_461] : memref<896x128xf32, #tpu.memory_space<hbm>> -> memref<128x128xf32, #tpu.memory_space<hbm>>
            %dma_wait3A_463 = tpu.memref_slice %run_scoped3A_19[%rem3A_452] : memref<2x!tpu.dma_semaphore, #tpu.memory_space<semaphore_mem>> -> memref<1x!tpu.dma_semaphore, #tpu.memory_space<semaphore_mem>>
            %dma_wait3A_464 = tpu.memref_squeeze %dma_wait3A_463 : memref<1x!tpu.dma_semaphore, #tpu.memory_space<semaphore_mem>> -> memref<!tpu.dma_semaphore, #tpu.memory_space<semaphore_mem>>
            %dma_wait3A_465 = arith.constant 0 : i32
            %dma_wait3A_466 = tpu.memref_slice %arg4[%mul3A_457, %dma_wait3A_465] : memref<896x128xf32, #tpu.memory_space<hbm>> -> memref<128x128xf32, #tpu.memory_space<hbm>>
            %dma_wait3A_467 = arith.constant 0 : i32
            %dma_wait3A_468 = arith.constant 0 : i32
            %dma_wait3A_469 = tpu.memref_slice %run_scoped3A_18[%rem3A_452, %dma_wait3A_467, %dma_wait3A_468] : memref<2x128x128xf32, #tpu.memory_space<vmem>> -> memref<1x128x128xf32, #tpu.memory_space<vmem>>
            %dma_wait3A_470 = tpu.memref_squeeze %dma_wait3A_469 : memref<1x128x128xf32, #tpu.memory_space<vmem>> -> memref<128x128xf32, #tpu.memory_space<vmem>>
            tpu.wait_dma2 semaphore(%dma_wait3A_464 : memref<!tpu.dma_semaphore, #tpu.memory_space<semaphore_mem>>) src(%dma_wait3A_470 : memref<128x128xf32, #tpu.memory_space<vmem>>) dst(%dma_wait3A_466 : memref<128x128xf32, #tpu.memory_space<hbm>>)
            "tpu.trace_stop"() : () -> ()
          } else {
          }
          %and3A_419 = arith.constant true
          %and3A_420 = arith.andi %and3A_415, %and3A_419 : i1
          %add3A_421 = arith.constant 1 : i32
          %add3A_422 = arith.addi %while3A_212, %add3A_421 : i32
          %select_n3A_423 = arith.select %and3A_420, %add3A_422, %while3A_212 : i32
          %mul3A_424 = arith.constant 3 : i32
          %mul3A_425 = arith.muli %add3A_223, %mul3A_424 : i32
          %add3A_426 = arith.addi %mul3A_425, %add3A_224 : i32
          %mul3A_427 = arith.constant 3 : i32
          %mul3A_428 = arith.muli %add3A_259, %mul3A_427 : i32
          %add3A_429 = arith.addi %mul3A_428, %add3A_260 : i32
          %ne3A_430 = arith.cmpi ne, %add3A_426, %add3A_429 : i32
          %or3A_431 = arith.constant false
          %or3A_432 = arith.ori %or3A_431, %ne3A_430 : i1
          %or3A_433 = arith.ori %or3A_432, %eq3A_221 : i1
          %add3A_434 = arith.constant 1 : i32
          %add3A_435 = arith.addi %while3A_210, %add3A_434 : i32
          %select_n3A_436 = arith.select %or3A_433, %add3A_435, %while3A_210 : i32
          %add3A_437 = arith.constant 1 : i32
          %add3A_438 = arith.addi %while3A_214, %add3A_437 : i32
          %select_n3A_439 = arith.constant true
          %select_n3A_440 = arith.select %select_n3A_439, %add3A_438, %while3A_214 : i32
          %eq3A_441 = arith.cmpi eq, %select_n3A_440, %select_n3A : i32
          %select_n3A_442 = arith.constant 0 : i32
          %select_n3A_443 = arith.select %eq3A_441, %select_n3A_442, %select_n3A_440 : i32
          %add3A_444 = arith.constant 1 : i32
          %add3A_445 = arith.addi %while3A_213, %add3A_444 : i32
          %select_n3A_446 = arith.select %eq3A_441, %add3A_445, %while3A_213 : i32
          %eq3A_447 = arith.constant 2 : i32
          %eq3A_448 = arith.cmpi eq, %select_n3A_446, %eq3A_447 : i32
          %select_n3A_449 = arith.constant 0 : i32
          %select_n3A_450 = arith.select %eq3A_448, %select_n3A_449, %select_n3A_446 : i32
          scf.yield %select_n3A_297, %select_n3A_436, %select_n3A_384, %select_n3A_423, %select_n3A_450, %select_n3A_443 : i32, i32, i32, i32, i32, i32
        }
        %while3A_119 = arith.constant 1 : i32
        %while3A_120:6 = scf.for %while3A_208 = %while3A_116 to %while3A_112 step %while3A_119 iter_args(%while3A_209 = %while3A_118#0, %while3A_210 = %while3A_118#1, %while3A_211 = %while3A_118#2, %while3A_212 = %while3A_118#3, %while3A_213 = %while3A_118#4, %while3A_214 = %while3A_118#5) -> (i32, i32, i32, i32, i32, i32)  : i32 {
          %mul3A_215 = arith.constant 2 : i32
          %mul3A_216 = arith.muli %mul3A_215, %select_n3A : i32
          %eq3A_217 = arith.constant 0 : i32
          %eq3A_218 = arith.cmpi eq, %while3A_208, %eq3A_217 : i32
          %sub3A_219 = arith.constant 1 : i32
          %sub3A_220 = arith.subi %mul3A_216, %sub3A_219 : i32
          %eq3A_221 = arith.cmpi eq, %while3A_208, %sub3A_220 : i32
          %add3A_222 = arith.constant 0 : i32
          %add3A_223 = arith.addi %while3A_213, %add3A_222 : i32
          %add3A_224 = arith.addi %while3A_214, %select_n3A_14 : i32
          %sub3A_225 = arith.constant 1 : i32
          %sub3A_226 = arith.subi %while3A_214, %sub3A_225 : i32
          %select_n3A_227 = arith.constant true
          %select_n3A_228 = arith.select %select_n3A_227, %sub3A_226, %while3A_214 : i32
          %eq3A_229 = arith.constant -1 : i32
          %eq3A_230 = arith.cmpi eq, %select_n3A_228, %eq3A_229 : i32
          %sub3A_231 = arith.constant 1 : i32
          %sub3A_232 = arith.subi %select_n3A, %sub3A_231 : i32
          %select_n3A_233 = arith.select %eq3A_230, %sub3A_232, %select_n3A_228 : i32
          %sub3A_234 = arith.constant 1 : i32
          %sub3A_235 = arith.subi %while3A_213, %sub3A_234 : i32
          %select_n3A_236 = arith.select %eq3A_230, %sub3A_235, %while3A_213 : i32
          %eq3A_237 = arith.constant -1 : i32
          %eq3A_238 = arith.cmpi eq, %select_n3A_236, %eq3A_237 : i32
          %select_n3A_239 = arith.constant 1 : i32
          %select_n3A_240 = arith.select %eq3A_238, %select_n3A_239, %select_n3A_236 : i32
          %add3A_241 = arith.constant 0 : i32
          %add3A_242 = arith.addi %select_n3A_240, %add3A_241 : i32
          %add3A_243 = arith.addi %select_n3A_233, %select_n3A_14 : i32
          %add3A_244 = arith.constant 1 : i32
          %add3A_245 = arith.addi %while3A_214, %add3A_244 : i32
          %select_n3A_246 = arith.constant true
          %select_n3A_247 = arith.select %select_n3A_246, %add3A_245, %while3A_214 : i32
          %eq3A_248 = arith.cmpi eq, %select_n3A_247, %select_n3A : i32
          %select_n3A_249 = arith.constant 0 : i32
          %select_n3A_250 = arith.select %eq3A_248, %select_n3A_249, %select_n3A_247 : i32
          %add3A_251 = arith.constant 1 : i32
          %add3A_252 = arith.addi %while3A_213, %add3A_251 : i32
          %select_n3A_253 = arith.select %eq3A_248, %add3A_252, %while3A_213 : i32
          %eq3A_254 = arith.constant 2 : i32
          %eq3A_255 = arith.cmpi eq, %select_n3A_253, %eq3A_254 : i32
          %select_n3A_256 = arith.constant 0 : i32
          %select_n3A_257 = arith.select %eq3A_255, %select_n3A_256, %select_n3A_253 : i32
          %add3A_258 = arith.constant 0 : i32
          %add3A_259 = arith.addi %select_n3A_257, %add3A_258 : i32
          %add3A_260 = arith.addi %select_n3A_250, %select_n3A_14 : i32
          %add3A_261 = arith.constant 1 : i32
          %add3A_262 = arith.addi %select_n3A_250, %add3A_261 : i32
          %select_n3A_263 = arith.constant true
          %select_n3A_264 = arith.select %select_n3A_263, %add3A_262, %select_n3A_250 : i32
          %eq3A_265 = arith.cmpi eq, %select_n3A_264, %select_n3A : i32
          %select_n3A_266 = arith.constant 0 : i32
          %select_n3A_267 = arith.select %eq3A_265, %select_n3A_266, %select_n3A_264 : i32
          %add3A_268 = arith.constant 1 : i32
          %add3A_269 = arith.addi %select_n3A_257, %add3A_268 : i32
          %select_n3A_270 = arith.select %eq3A_265, %add3A_269, %select_n3A_257 : i32
          %eq3A_271 = arith.constant 2 : i32
          %eq3A_272 = arith.cmpi eq, %select_n3A_270, %eq3A_271 : i32
          %select_n3A_273 = arith.constant 0 : i32
          %select_n3A_274 = arith.select %eq3A_272, %select_n3A_273, %select_n3A_270 : i32
          %add3A_275 = arith.constant 0 : i32
          %add3A_276 = arith.addi %select_n3A_274, %add3A_275 : i32
          %add3A_277 = arith.addi %select_n3A_267, %select_n3A_14 : i32
          %mul3A_278 = arith.constant 3 : i32
          %mul3A_279 = arith.muli %add3A_223, %mul3A_278 : i32
          %add3A_280 = arith.addi %mul3A_279, %add3A_224 : i32
          %mul3A_281 = arith.constant 3 : i32
          %mul3A_282 = arith.muli %add3A_259, %mul3A_281 : i32
          %add3A_283 = arith.addi %mul3A_282, %add3A_260 : i32
          %ne3A = arith.cmpi ne, %add3A_280, %add3A_283 : i32
          %or3A = arith.constant false
          %or3A_284 = arith.ori %or3A, %ne3A : i1
          %sub3A_285 = arith.constant 2 : i32
          %sub3A_286 = arith.subi %mul3A_216, %sub3A_285 : i32
          %add3A_287 = arith.constant 1 : i32
          %add3A_288 = arith.addi %sub3A_286, %add3A_287 : i32
          %ge3A = arith.cmpi sge, %while3A_208, %add3A_288 : i32
          %not3A = arith.constant true
          %not3A_289 = arith.xori %ge3A, %not3A : i1
          %and3A = arith.andi %or3A_284, %not3A_289 : i1
          %convert_element_type3A_290 = arith.extui %and3A : i1 to i32
          %cond3A_291 = arith.constant 0 : i32
          %cond3A_292 = arith.cmpi ne, %convert_element_type3A_290, %cond3A_291 : i32
          scf.if %cond3A_292 {
            "tpu.trace_start"() <{level = 10 : i32, message = "ep_copy_in"}> : () -> ()
            %rem3A_451 = arith.constant 2 : i32
            %rem3A_452 = arith.remui %while3A_209, %rem3A_451 : i32
            %mul3A_453 = arith.constant 3 : i32
            %mul3A_454 = arith.muli %add3A_259, %mul3A_453 : i32
            %add3A_455 = arith.addi %mul3A_454, %add3A_260 : i32
            %mul3A_456 = arith.constant 128 : i32
            %mul3A_457 = arith.muli %mul3A_456, %add3A_455 : i32
            %dma_start3A_458 = arith.constant 0 : i32
            %dma_start3A_459 = arith.constant 0 : i32
            %dma_start3A_460 = tpu.memref_slice %run_scoped3A[%rem3A_452, %dma_start3A_458, %dma_start3A_459] : memref<2x1x128xi32, #tpu.memory_space<vmem>> -> memref<1x1x128xi32, #tpu.memory_space<vmem>>
            %dma_start3A_461 = tpu.memref_squeeze %dma_start3A_460 : memref<1x1x128xi32, #tpu.memory_space<vmem>> -> memref<1x128xi32, #tpu.memory_space<vmem>>
            %dma_start3A_462 = arith.constant 0 : i32
            %dma_start3A_463 = tpu.memref_slice %arg3[%dma_start3A_462, %mul3A_457] : memref<1x896xi32, #tpu.memory_space<hbm>> -> memref<1x128xi32, #tpu.memory_space<hbm>>
            %dma_start3A_464 = tpu.memref_slice %run_scoped3A_17[%rem3A_452] : memref<2x!tpu.dma_semaphore, #tpu.memory_space<semaphore_mem>> -> memref<1x!tpu.dma_semaphore, #tpu.memory_space<semaphore_mem>>
            %dma_start3A_465 = tpu.memref_squeeze %dma_start3A_464 : memref<1x!tpu.dma_semaphore, #tpu.memory_space<semaphore_mem>> -> memref<!tpu.dma_semaphore, #tpu.memory_space<semaphore_mem>>
            %dma_start3A_466 = arith.constant 0 : i32
            %dma_start3A_467 = arith.constant 0 : i32
            %dma_start3A_468 = tpu.memref_slice %run_scoped3A[%rem3A_452, %dma_start3A_466, %dma_start3A_467] : memref<2x1x128xi32, #tpu.memory_space<vmem>> -> memref<1x1x128xi32, #tpu.memory_space<vmem>>
            %dma_start3A_469 = tpu.memref_squeeze %dma_start3A_468 : memref<1x1x128xi32, #tpu.memory_space<vmem>> -> memref<1x128xi32, #tpu.memory_space<vmem>>
            %dma_start3A_470 = arith.constant 0 : i32
            %dma_start3A_471 = tpu.memref_slice %arg3[%dma_start3A_470, %mul3A_457] : memref<1x896xi32, #tpu.memory_space<hbm>> -> memref<1x128xi32, #tpu.memory_space<hbm>>
            tpu.enqueue_dma source(%dma_start3A_471 : memref<1x128xi32, #tpu.memory_space<hbm>>) target(%dma_start3A_469 : memref<1x128xi32, #tpu.memory_space<vmem>>) target_semaphore(%dma_start3A_465 : memref<!tpu.dma_semaphore, #tpu.memory_space<semaphore_mem>>)
            "tpu.trace_stop"() : () -> ()
          } else {
          }
          %and3A_293 = arith.constant true
          %and3A_294 = arith.andi %and3A, %and3A_293 : i1
          %add3A_295 = arith.constant 1 : i32
          %add3A_296 = arith.addi %while3A_209, %add3A_295 : i32
          %select_n3A_297 = arith.select %and3A_294, %add3A_296, %while3A_209 : i32
          %mul3A_298 = arith.constant 3 : i32
          %mul3A_299 = arith.muli %add3A_223, %mul3A_298 : i32
          %add3A_300 = arith.addi %mul3A_299, %add3A_224 : i32
          %mul3A_301 = arith.constant 3 : i32
          %mul3A_302 = arith.muli %add3A_259, %mul3A_301 : i32
          %add3A_303 = arith.addi %mul3A_302, %add3A_260 : i32
          %ne3A_304 = arith.cmpi ne, %add3A_300, %add3A_303 : i32
          %or3A_305 = arith.constant false
          %or3A_306 = arith.ori %or3A_305, %ne3A_304 : i1
          %or3A_307 = arith.constant false
          %or3A_308 = arith.ori %or3A_306, %or3A_307 : i1
          %sub3A_309 = arith.constant 2 : i32
          %sub3A_310 = arith.subi %mul3A_216, %sub3A_309 : i32
          %add3A_311 = arith.constant 1 : i32
          %add3A_312 = arith.addi %sub3A_310, %add3A_311 : i32
          %ge3A_313 = arith.cmpi sge, %while3A_208, %add3A_312 : i32
          %not3A_314 = arith.constant true
          %not3A_315 = arith.xori %ge3A_313, %not3A_314 : i1
          %and3A_316 = arith.andi %or3A_308, %not3A_315 : i1
          %mul3A_317 = arith.constant 3 : i32
          %mul3A_318 = arith.muli %add3A_223, %mul3A_317 : i32
          %add3A_319 = arith.addi %mul3A_318, %add3A_224 : i32
          %mul3A_320 = arith.constant 3 : i32
          %mul3A_321 = arith.muli %add3A_242, %mul3A_320 : i32
          %add3A_322 = arith.addi %mul3A_321, %add3A_243 : i32
          %ne3A_323 = arith.cmpi ne, %add3A_319, %add3A_322 : i32
          %or3A_324 = arith.constant false
          %or3A_325 = arith.ori %or3A_324, %ne3A_323 : i1
          %or3A_326 = arith.ori %or3A_325, %eq3A_218 : i1
          %convert_element_type3A_327 = arith.extui %or3A_326 : i1 to i32
          %cond3A_328 = arith.constant 0 : i32
          %cond3A_329 = arith.cmpi ne, %convert_element_type3A_327, %cond3A_328 : i32
          scf.if %cond3A_329 {
            "tpu.trace_start"() <{level = 10 : i32, message = "ep_wait_in"}> : () -> ()
            %mul3A_451 = arith.constant 3 : i32
            %mul3A_452 = arith.muli %add3A_223, %mul3A_451 : i32
            %add3A_453 = arith.addi %mul3A_452, %add3A_224 : i32
            %mul3A_454 = arith.constant 128 : i32
            %mul3A_455 = arith.muli %mul3A_454, %add3A_453 : i32
            %rem3A_456 = arith.constant 2 : i32
            %rem3A_457 = arith.remui %while3A_210, %rem3A_456 : i32
            %dma_wait3A = arith.constant 0 : i32
            %dma_wait3A_458 = arith.constant 0 : i32
            %dma_wait3A_459 = tpu.memref_slice %run_scoped3A[%rem3A_457, %dma_wait3A, %dma_wait3A_458] : memref<2x1x128xi32, #tpu.memory_space<vmem>> -> memref<1x1x128xi32, #tpu.memory_space<vmem>>
            %dma_wait3A_460 = tpu.memref_squeeze %dma_wait3A_459 : memref<1x1x128xi32, #tpu.memory_space<vmem>> -> memref<1x128xi32, #tpu.memory_space<vmem>>
            %dma_wait3A_461 = arith.constant 0 : i32
            %dma_wait3A_462 = tpu.memref_slice %arg3[%dma_wait3A_461, %mul3A_455] : memref<1x896xi32, #tpu.memory_space<hbm>> -> memref<1x128xi32, #tpu.memory_space<hbm>>
            %dma_wait3A_463 = tpu.memref_slice %run_scoped3A_17[%rem3A_457] : memref<2x!tpu.dma_semaphore, #tpu.memory_space<semaphore_mem>> -> memref<1x!tpu.dma_semaphore, #tpu.memory_space<semaphore_mem>>
            %dma_wait3A_464 = tpu.memref_squeeze %dma_wait3A_463 : memref<1x!tpu.dma_semaphore, #tpu.memory_space<semaphore_mem>> -> memref<!tpu.dma_semaphore, #tpu.memory_space<semaphore_mem>>
            %dma_wait3A_465 = arith.constant 0 : i32
            %dma_wait3A_466 = arith.constant 0 : i32
            %dma_wait3A_467 = tpu.memref_slice %run_scoped3A[%rem3A_457, %dma_wait3A_465, %dma_wait3A_466] : memref<2x1x128xi32, #tpu.memory_space<vmem>> -> memref<1x1x128xi32, #tpu.memory_space<vmem>>
            %dma_wait3A_468 = tpu.memref_squeeze %dma_wait3A_467 : memref<1x1x128xi32, #tpu.memory_space<vmem>> -> memref<1x128xi32, #tpu.memory_space<vmem>>
            %dma_wait3A_469 = arith.constant 0 : i32
            %dma_wait3A_470 = tpu.memref_slice %arg3[%dma_wait3A_469, %mul3A_455] : memref<1x896xi32, #tpu.memory_space<hbm>> -> memref<1x128xi32, #tpu.memory_space<hbm>>
            tpu.wait_dma2 semaphore(%dma_wait3A_464 : memref<!tpu.dma_semaphore, #tpu.memory_space<semaphore_mem>>) src(%dma_wait3A_470 : memref<1x128xi32, #tpu.memory_space<hbm>>) dst(%dma_wait3A_468 : memref<1x128xi32, #tpu.memory_space<vmem>>)
            "tpu.trace_stop"() : () -> ()
          } else {
          }
          %mul3A_330 = arith.constant 3 : i32
          %mul3A_331 = arith.muli %add3A_223, %mul3A_330 : i32
          %add3A_332 = arith.addi %mul3A_331, %add3A_224 : i32
          %mul3A_333 = arith.constant 3 : i32
          %mul3A_334 = arith.muli %add3A_242, %mul3A_333 : i32
          %add3A_335 = arith.addi %mul3A_334, %add3A_243 : i32
          %ne3A_336 = arith.cmpi ne, %add3A_332, %add3A_335 : i32
          %or3A_337 = arith.constant false
          %or3A_338 = arith.ori %or3A_337, %ne3A_336 : i1
          %or3A_339 = arith.constant false
          %or3A_340 = arith.ori %or3A_338, %or3A_339 : i1
          %or3A_341 = arith.ori %or3A_340, %eq3A_218 : i1
          %convert_element_type3A_342 = arith.extui %or3A_341 : i1 to i32
          %cond3A_343 = arith.constant 0 : i32
          %cond3A_344 = arith.cmpi ne, %convert_element_type3A_342, %cond3A_343 : i32
          scf.if %cond3A_344 {
          } else {
          }
          %rem3A_345 = arith.constant 2 : i32
          %rem3A_346 = arith.remui %while3A_210, %rem3A_345 : i32
          %rem3A_347 = arith.constant 2 : i32
          %rem3A_348 = arith.remui %while3A_211, %rem3A_347 : i32
          %run_scoped3A_349 = arith.constant 0 : i32
          "tpu.trace_start"() <{level = 10 : i32, message = "ep_run_kernel"}> : () -> ()
          "tpu.region"() ({
            %run_scoped3A_451 = tpu.sem_alloc : memref<!tpu.dma_semaphore, #tpu.memory_space<semaphore_mem>>
            %dma_start3A_452 = arith.constant 0 : i32
            %dma_start3A_453 = arith.constant 0 : i32
            %dma_start3A_454 = tpu.memref_slice %run_scoped3A_18[%rem3A_348, %dma_start3A_452, %dma_start3A_453] : memref<2x128x128xf32, #tpu.memory_space<vmem>> -> memref<1x128x128xf32, #tpu.memory_space<vmem>>
            %dma_start3A_455 = tpu.memref_squeeze %dma_start3A_454 : memref<1x128x128xf32, #tpu.memory_space<vmem>> -> memref<128x128xf32, #tpu.memory_space<vmem>>
            %dma_start3A_456 = arith.constant 0 : i32
            %dma_start3A_457 = arith.constant 0 : i32
            %dma_start3A_458 = tpu.memref_slice %run_scoped3A[%rem3A_346, %dma_start3A_456, %dma_start3A_457] : memref<2x1x128xi32, #tpu.memory_space<vmem>> -> memref<1x1x128xi32, #tpu.memory_space<vmem>>
            %dma_start3A_459 = tpu.memref_squeeze %dma_start3A_458 : memref<1x1x128xi32, #tpu.memory_space<vmem>> -> memref<1x128xi32, #tpu.memory_space<vmem>>
            %dma_start3A_460 = arith.constant 0 : i32
            %dma_start3A_461 = tpu.memref_slice %dma_start3A_459[%run_scoped3A_349, %dma_start3A_460] : memref<1x128xi32, #tpu.memory_space<vmem>> -> memref<1x128xi32, #tpu.memory_space<vmem>>
            %dma_start3A_462 = tpu.memref_squeeze %dma_start3A_461 : memref<1x128xi32, #tpu.memory_space<vmem>> -> memref<128xi32, #tpu.memory_space<vmem>>
            %dma_start3A_463 = arith.constant 0 : i32
            %dma_start3A_464 = arith.constant 0 : i32
            %dma_start3A_465 = tpu.memref_slice %arg2[%dma_start3A_463, %dma_start3A_464] : memref<100000x128xf32, #tpu.memory_space<hbm>> -> memref<100000x128xf32, #tpu.memory_space<hbm>>
            tpu.enqueue_indirect_dma source(%dma_start3A_465 : memref<100000x128xf32, #tpu.memory_space<hbm>>) target(%dma_start3A_455 : memref<128x128xf32, #tpu.memory_space<vmem>>) offsets(%dma_start3A_462 : memref<128xi32, #tpu.memory_space<vmem>>) semaphore(%run_scoped3A_451 : memref<!tpu.dma_semaphore, #tpu.memory_space<semaphore_mem>>)
            %dma_wait3A = arith.constant 0 : i32
            %dma_wait3A_466 = arith.constant 0 : i32
            %dma_wait3A_467 = tpu.memref_slice %run_scoped3A_18[%rem3A_348, %dma_wait3A, %dma_wait3A_466] : memref<2x128x128xf32, #tpu.memory_space<vmem>> -> memref<1x128x128xf32, #tpu.memory_space<vmem>>
            %dma_wait3A_468 = tpu.memref_squeeze %dma_wait3A_467 : memref<1x128x128xf32, #tpu.memory_space<vmem>> -> memref<128x128xf32, #tpu.memory_space<vmem>>
            %dma_wait3A_469 = arith.constant 0 : i32
            %dma_wait3A_470 = arith.constant 0 : i32
            %dma_wait3A_471 = tpu.memref_slice %run_scoped3A[%rem3A_346, %dma_wait3A_469, %dma_wait3A_470] : memref<2x1x128xi32, #tpu.memory_space<vmem>> -> memref<1x1x128xi32, #tpu.memory_space<vmem>>
            %dma_wait3A_472 = tpu.memref_squeeze %dma_wait3A_471 : memref<1x1x128xi32, #tpu.memory_space<vmem>> -> memref<1x128xi32, #tpu.memory_space<vmem>>
            %dma_wait3A_473 = arith.constant 0 : i32
            %dma_wait3A_474 = tpu.memref_slice %dma_wait3A_472[%run_scoped3A_349, %dma_wait3A_473] : memref<1x128xi32, #tpu.memory_space<vmem>> -> memref<1x128xi32, #tpu.memory_space<vmem>>
            %dma_wait3A_475 = tpu.memref_squeeze %dma_wait3A_474 : memref<1x128xi32, #tpu.memory_space<vmem>> -> memref<128xi32, #tpu.memory_space<vmem>>
            %dma_wait3A_476 = arith.constant 0 : i32
            %dma_wait3A_477 = arith.constant 0 : i32
            %dma_wait3A_478 = tpu.memref_slice %arg2[%dma_wait3A_476, %dma_wait3A_477] : memref<100000x128xf32, #tpu.memory_space<hbm>> -> memref<100000x128xf32, #tpu.memory_space<hbm>>
            tpu.wait_indirect_dma semaphore(%run_scoped3A_451 : memref<!tpu.dma_semaphore, #tpu.memory_space<semaphore_mem>>) src(%dma_wait3A_478 : memref<100000x128xf32, #tpu.memory_space<hbm>>) dst(%dma_wait3A_468 : memref<128x128xf32, #tpu.memory_space<vmem>>)
            tpu.yield
          }) : () -> ()
          "tpu.trace_stop"() : () -> ()
          %mul3A_350 = arith.constant 3 : i32
          %mul3A_351 = arith.muli %add3A_223, %mul3A_350 : i32
          %add3A_352 = arith.addi %mul3A_351, %add3A_224 : i32
          %mul3A_353 = arith.constant 3 : i32
          %mul3A_354 = arith.muli %add3A_259, %mul3A_353 : i32
          %add3A_355 = arith.addi %mul3A_354, %add3A_260 : i32
          %ne3A_356 = arith.cmpi ne, %add3A_352, %add3A_355 : i32
          %or3A_357 = arith.constant false
          %or3A_358 = arith.ori %or3A_357, %ne3A_356 : i1
          %or3A_359 = arith.ori %or3A_358, %eq3A_221 : i1
          %convert_element_type3A_360 = arith.extui %or3A_359 : i1 to i32
          %cond3A_361 = arith.constant 0 : i32
          %cond3A_362 = arith.cmpi ne, %convert_element_type3A_360, %cond3A_361 : i32
          scf.if %cond3A_362 {
          } else {
          }
          %and3A_363 = arith.constant false
          %and3A_364 = arith.andi %or3A_359, %and3A_363 : i1
          %mul3A_365 = arith.constant 3 : i32
          %mul3A_366 = arith.muli %add3A_223, %mul3A_365 : i32
          %add3A_367 = arith.addi %mul3A_366, %add3A_224 : i32
          %mul3A_368 = arith.constant 3 : i32
          %mul3A_369 = arith.muli %add3A_259, %mul3A_368 : i32
          %add3A_370 = arith.addi %mul3A_369, %add3A_260 : i32
          %ne3A_371 = arith.cmpi ne, %add3A_367, %add3A_370 : i32
          %or3A_372 = arith.constant false
          %or3A_373 = arith.ori %or3A_372, %ne3A_371 : i1
          %or3A_374 = arith.constant false
          %or3A_375 = arith.ori %or3A_373, %or3A_374 : i1
          %or3A_376 = arith.ori %or3A_375, %eq3A_221 : i1
          %convert_element_type3A_377 = arith.extui %or3A_376 : i1 to i32
          %cond3A_378 = arith.constant 0 : i32
          %cond3A_379 = arith.cmpi ne, %convert_element_type3A_377, %cond3A_378 : i32
          scf.if %cond3A_379 {
            "tpu.trace_start"() <{level = 10 : i32, message = "ep_copy_out"}> : () -> ()
            %rem3A_451 = arith.constant 2 : i32
            %rem3A_452 = arith.remui %while3A_211, %rem3A_451 : i32
            %mul3A_453 = arith.constant 3 : i32
            %mul3A_454 = arith.muli %add3A_223, %mul3A_453 : i32
            %add3A_455 = arith.addi %mul3A_454, %add3A_224 : i32
            %mul3A_456 = arith.constant 128 : i32
            %mul3A_457 = arith.muli %mul3A_456, %add3A_455 : i32
            %dma_start3A_458 = arith.constant 0 : i32
            %dma_start3A_459 = arith.constant 0 : i32
            %dma_start3A_460 = tpu.memref_slice %run_scoped3A_18[%rem3A_452, %dma_start3A_458, %dma_start3A_459] : memref<2x128x128xf32, #tpu.memory_space<vmem>> -> memref<1x128x128xf32, #tpu.memory_space<vmem>>
            %dma_start3A_461 = tpu.memref_squeeze %dma_start3A_460 : memref<1x128x128xf32, #tpu.memory_space<vmem>> -> memref<128x128xf32, #tpu.memory_space<vmem>>
            %dma_start3A_462 = arith.constant 0 : i32
            %dma_start3A_463 = tpu.memref_slice %arg4[%mul3A_457, %dma_start3A_462] : memref<896x128xf32, #tpu.memory_space<hbm>> -> memref<128x128xf32, #tpu.memory_space<hbm>>
            %dma_start3A_464 = tpu.memref_slice %run_scoped3A_19[%rem3A_452] : memref<2x!tpu.dma_semaphore, #tpu.memory_space<semaphore_mem>> -> memref<1x!tpu.dma_semaphore, #tpu.memory_space<semaphore_mem>>
            %dma_start3A_465 = tpu.memref_squeeze %dma_start3A_464 : memref<1x!tpu.dma_semaphore, #tpu.memory_space<semaphore_mem>> -> memref<!tpu.dma_semaphore, #tpu.memory_space<semaphore_mem>>
            %dma_start3A_466 = arith.constant 0 : i32
            %dma_start3A_467 = tpu.memref_slice %arg4[%mul3A_457, %dma_start3A_466] : memref<896x128xf32, #tpu.memory_space<hbm>> -> memref<128x128xf32, #tpu.memory_space<hbm>>
            %dma_start3A_468 = arith.constant 0 : i32
            %dma_start3A_469 = arith.constant 0 : i32
            %dma_start3A_470 = tpu.memref_slice %run_scoped3A_18[%rem3A_452, %dma_start3A_468, %dma_start3A_469] : memref<2x128x128xf32, #tpu.memory_space<vmem>> -> memref<1x128x128xf32, #tpu.memory_space<vmem>>
            %dma_start3A_471 = tpu.memref_squeeze %dma_start3A_470 : memref<1x128x128xf32, #tpu.memory_space<vmem>> -> memref<128x128xf32, #tpu.memory_space<vmem>>
            tpu.enqueue_dma source(%dma_start3A_471 : memref<128x128xf32, #tpu.memory_space<vmem>>) target(%dma_start3A_467 : memref<128x128xf32, #tpu.memory_space<hbm>>) target_semaphore(%dma_start3A_465 : memref<!tpu.dma_semaphore, #tpu.memory_space<semaphore_mem>>)
            "tpu.trace_stop"() : () -> ()
          } else {
          }
          %and3A_380 = arith.constant true
          %and3A_381 = arith.andi %or3A_376, %and3A_380 : i1
          %add3A_382 = arith.constant 1 : i32
          %add3A_383 = arith.addi %while3A_211, %add3A_382 : i32
          %select_n3A_384 = arith.select %and3A_381, %add3A_383, %while3A_211 : i32
          %mul3A_385 = arith.constant 3 : i32
          %mul3A_386 = arith.muli %add3A_223, %mul3A_385 : i32
          %add3A_387 = arith.addi %mul3A_386, %add3A_224 : i32
          %mul3A_388 = arith.constant 3 : i32
          %mul3A_389 = arith.muli %add3A_242, %mul3A_388 : i32
          %add3A_390 = arith.addi %mul3A_389, %add3A_243 : i32
          %ne3A_391 = arith.cmpi ne, %add3A_387, %add3A_390 : i32
          %or3A_392 = arith.constant false
          %or3A_393 = arith.ori %or3A_392, %ne3A_391 : i1
          %not3A_394 = arith.constant true
          %not3A_395 = arith.xori %eq3A_218, %not3A_394 : i1
          %and3A_396 = arith.andi %or3A_393, %not3A_395 : i1
          %convert_element_type3A_397 = arith.extui %and3A_396 : i1 to i32
          %cond3A_398 = arith.constant 0 : i32
          %cond3A_399 = arith.cmpi ne, %convert_element_type3A_397, %cond3A_398 : i32
          scf.if %cond3A_399 {
          } else {
          }
          %and3A_400 = arith.constant false
          %and3A_401 = arith.andi %and3A_396, %and3A_400 : i1
          %mul3A_402 = arith.constant 3 : i32
          %mul3A_403 = arith.muli %add3A_223, %mul3A_402 : i32
          %add3A_404 = arith.addi %mul3A_403, %add3A_224 : i32
          %mul3A_405 = arith.constant 3 : i32
          %mul3A_406 = arith.muli %add3A_242, %mul3A_405 : i32
          %add3A_407 = arith.addi %mul3A_406, %add3A_243 : i32
          %ne3A_408 = arith.cmpi ne, %add3A_404, %add3A_407 : i32
          %or3A_409 = arith.constant false
          %or3A_410 = arith.ori %or3A_409, %ne3A_408 : i1
          %or3A_411 = arith.constant false
          %or3A_412 = arith.ori %or3A_410, %or3A_411 : i1
          %not3A_413 = arith.constant true
          %not3A_414 = arith.xori %eq3A_218, %not3A_413 : i1
          %and3A_415 = arith.andi %or3A_412, %not3A_414 : i1
          %convert_element_type3A_416 = arith.extui %and3A_415 : i1 to i32
          %cond3A_417 = arith.constant 0 : i32
          %cond3A_418 = arith.cmpi ne, %convert_element_type3A_416, %cond3A_417 : i32
          scf.if %cond3A_418 {
            "tpu.trace_start"() <{level = 10 : i32, message = "ep_wait_out"}> : () -> ()
            %rem3A_451 = arith.constant 2 : i32
            %rem3A_452 = arith.remui %while3A_212, %rem3A_451 : i32
            %mul3A_453 = arith.constant 3 : i32
            %mul3A_454 = arith.muli %add3A_242, %mul3A_453 : i32
            %add3A_455 = arith.addi %mul3A_454, %add3A_243 : i32
            %mul3A_456 = arith.constant 128 : i32
            %mul3A_457 = arith.muli %mul3A_456, %add3A_455 : i32
            %dma_wait3A = arith.constant 0 : i32
            %dma_wait3A_458 = arith.constant 0 : i32
            %dma_wait3A_459 = tpu.memref_slice %run_scoped3A_18[%rem3A_452, %dma_wait3A, %dma_wait3A_458] : memref<2x128x128xf32, #tpu.memory_space<vmem>> -> memref<1x128x128xf32, #tpu.memory_space<vmem>>
            %dma_wait3A_460 = tpu.memref_squeeze %dma_wait3A_459 : memref<1x128x128xf32, #tpu.memory_space<vmem>> -> memref<128x128xf32, #tpu.memory_space<vmem>>
            %dma_wait3A_461 = arith.constant 0 : i32
            %dma_wait3A_462 = tpu.memref_slice %arg4[%mul3A_457, %dma_wait3A_461] : memref<896x128xf32, #tpu.memory_space<hbm>> -> memref<128x128xf32, #tpu.memory_space<hbm>>
            %dma_wait3A_463 = tpu.memref_slice %run_scoped3A_19[%rem3A_452] : memref<2x!tpu.dma_semaphore, #tpu.memory_space<semaphore_mem>> -> memref<1x!tpu.dma_semaphore, #tpu.memory_space<semaphore_mem>>
            %dma_wait3A_464 = tpu.memref_squeeze %dma_wait3A_463 : memref<1x!tpu.dma_semaphore, #tpu.memory_space<semaphore_mem>> -> memref<!tpu.dma_semaphore, #tpu.memory_space<semaphore_mem>>
            %dma_wait3A_465 = arith.constant 0 : i32
            %dma_wait3A_466 = tpu.memref_slice %arg4[%mul3A_457, %dma_wait3A_465] : memref<896x128xf32, #tpu.memory_space<hbm>> -> memref<128x128xf32, #tpu.memory_space<hbm>>
            %dma_wait3A_467 = arith.constant 0 : i32
            %dma_wait3A_468 = arith.constant 0 : i32
            %dma_wait3A_469 = tpu.memref_slice %run_scoped3A_18[%rem3A_452, %dma_wait3A_467, %dma_wait3A_468] : memref<2x128x128xf32, #tpu.memory_space<vmem>> -> memref<1x128x128xf32, #tpu.memory_space<vmem>>
            %dma_wait3A_470 = tpu.memref_squeeze %dma_wait3A_469 : memref<1x128x128xf32, #tpu.memory_space<vmem>> -> memref<128x128xf32, #tpu.memory_space<vmem>>
            tpu.wait_dma2 semaphore(%dma_wait3A_464 : memref<!tpu.dma_semaphore, #tpu.memory_space<semaphore_mem>>) src(%dma_wait3A_470 : memref<128x128xf32, #tpu.memory_space<vmem>>) dst(%dma_wait3A_466 : memref<128x128xf32, #tpu.memory_space<hbm>>)
            "tpu.trace_stop"() : () -> ()
          } else {
          }
          %and3A_419 = arith.constant true
          %and3A_420 = arith.andi %and3A_415, %and3A_419 : i1
          %add3A_421 = arith.constant 1 : i32
          %add3A_422 = arith.addi %while3A_212, %add3A_421 : i32
          %select_n3A_423 = arith.select %and3A_420, %add3A_422, %while3A_212 : i32
          %mul3A_424 = arith.constant 3 : i32
          %mul3A_425 = arith.muli %add3A_223, %mul3A_424 : i32
          %add3A_426 = arith.addi %mul3A_425, %add3A_224 : i32
          %mul3A_427 = arith.constant 3 : i32
          %mul3A_428 = arith.muli %add3A_259, %mul3A_427 : i32
          %add3A_429 = arith.addi %mul3A_428, %add3A_260 : i32
          %ne3A_430 = arith.cmpi ne, %add3A_426, %add3A_429 : i32
          %or3A_431 = arith.constant false
          %or3A_432 = arith.ori %or3A_431, %ne3A_430 : i1
          %or3A_433 = arith.ori %or3A_432, %eq3A_221 : i1
          %add3A_434 = arith.constant 1 : i32
          %add3A_435 = arith.addi %while3A_210, %add3A_434 : i32
          %select_n3A_436 = arith.select %or3A_433, %add3A_435, %while3A_210 : i32
          %add3A_437 = arith.constant 1 : i32
          %add3A_438 = arith.addi %while3A_214, %add3A_437 : i32
          %select_n3A_439 = arith.constant true
          %select_n3A_440 = arith.select %select_n3A_439, %add3A_438, %while3A_214 : i32
          %eq3A_441 = arith.cmpi eq, %select_n3A_440, %select_n3A : i32
          %select_n3A_442 = arith.constant 0 : i32
          %select_n3A_443 = arith.select %eq3A_441, %select_n3A_442, %select_n3A_440 : i32
          %add3A_444 = arith.constant 1 : i32
          %add3A_445 = arith.addi %while3A_213, %add3A_444 : i32
          %select_n3A_446 = arith.select %eq3A_441, %add3A_445, %while3A_213 : i32
          %eq3A_447 = arith.constant 2 : i32
          %eq3A_448 = arith.cmpi eq, %select_n3A_446, %eq3A_447 : i32
          %select_n3A_449 = arith.constant 0 : i32
          %select_n3A_450 = arith.select %eq3A_448, %select_n3A_449, %select_n3A_446 : i32
          scf.yield %select_n3A_297, %select_n3A_436, %select_n3A_384, %select_n3A_423, %select_n3A_450, %select_n3A_443 : i32, i32, i32, i32, i32, i32
        }
        %sub3A_121 = arith.constant 1 : i32
        %sub3A_122 = arith.subi %while3A_120#5, %sub3A_121 : i32
        %select_n3A_123 = arith.constant true
        %select_n3A_124 = arith.select %select_n3A_123, %sub3A_122, %while3A_120#5 : i32
        %eq3A_125 = arith.constant -1 : i32
        %eq3A_126 = arith.cmpi eq, %select_n3A_124, %eq3A_125 : i32
        %sub3A_127 = arith.constant 1 : i32
        %sub3A_128 = arith.subi %select_n3A, %sub3A_127 : i32
        %select_n3A_129 = arith.select %eq3A_126, %sub3A_128, %select_n3A_124 : i32
        %sub3A_130 = arith.constant 1 : i32
        %sub3A_131 = arith.subi %while3A_120#4, %sub3A_130 : i32
        %select_n3A_132 = arith.select %eq3A_126, %sub3A_131, %while3A_120#4 : i32
        %eq3A_133 = arith.constant -1 : i32
        %eq3A_134 = arith.cmpi eq, %select_n3A_132, %eq3A_133 : i32
        %select_n3A_135 = arith.constant 1 : i32
        %select_n3A_136 = arith.select %eq3A_134, %select_n3A_135, %select_n3A_132 : i32
        %sub3A_137 = arith.constant 1 : i32
        %sub3A_138 = arith.subi %mul3A_16, %sub3A_137 : i32
        %mul3A_139 = arith.constant 2 : i32
        %mul3A_140 = arith.muli %mul3A_139, %select_n3A : i32
        %eq3A_141 = arith.constant 0 : i32
        %eq3A_142 = arith.cmpi eq, %sub3A_138, %eq3A_141 : i32
        %sub3A_143 = arith.constant 1 : i32
        %sub3A_144 = arith.subi %mul3A_140, %sub3A_143 : i32
        %eq3A_145 = arith.cmpi eq, %sub3A_138, %sub3A_144 : i32
        %add3A_146 = arith.constant 0 : i32
        %add3A_147 = arith.addi %select_n3A_136, %add3A_146 : i32
        %add3A_148 = arith.addi %select_n3A_129, %select_n3A_14 : i32
        %sub3A_149 = arith.constant 1 : i32
        %sub3A_150 = arith.subi %select_n3A_129, %sub3A_149 : i32
        %select_n3A_151 = arith.constant true
        %select_n3A_152 = arith.select %select_n3A_151, %sub3A_150, %select_n3A_129 : i32
        %eq3A_153 = arith.constant -1 : i32
        %eq3A_154 = arith.cmpi eq, %select_n3A_152, %eq3A_153 : i32
        %sub3A_155 = arith.constant 1 : i32
        %sub3A_156 = arith.subi %select_n3A, %sub3A_155 : i32
        %select_n3A_157 = arith.select %eq3A_154, %sub3A_156, %select_n3A_152 : i32
        %sub3A_158 = arith.constant 1 : i32
        %sub3A_159 = arith.subi %select_n3A_136, %sub3A_158 : i32
        %select_n3A_160 = arith.select %eq3A_154, %sub3A_159, %select_n3A_136 : i32
        %eq3A_161 = arith.constant -1 : i32
        %eq3A_162 = arith.cmpi eq, %select_n3A_160, %eq3A_161 : i32
        %select_n3A_163 = arith.constant 1 : i32
        %select_n3A_164 = arith.select %eq3A_162, %select_n3A_163, %select_n3A_160 : i32
        %add3A_165 = arith.constant 0 : i32
        %add3A_166 = arith.addi %select_n3A_164, %add3A_165 : i32
        %add3A_167 = arith.addi %select_n3A_157, %select_n3A_14 : i32
        %add3A_168 = arith.constant 1 : i32
        %add3A_169 = arith.addi %select_n3A_129, %add3A_168 : i32
        %select_n3A_170 = arith.constant true
        %select_n3A_171 = arith.select %select_n3A_170, %add3A_169, %select_n3A_129 : i32
        %eq3A_172 = arith.cmpi eq, %select_n3A_171, %select_n3A : i32
        %select_n3A_173 = arith.constant 0 : i32
        %select_n3A_174 = arith.select %eq3A_172, %select_n3A_173, %select_n3A_171 : i32
        %add3A_175 = arith.constant 1 : i32
        %add3A_176 = arith.addi %select_n3A_136, %add3A_175 : i32
        %select_n3A_177 = arith.select %eq3A_172, %add3A_176, %select_n3A_136 : i32
        %eq3A_178 = arith.constant 2 : i32
        %eq3A_179 = arith.cmpi eq, %select_n3A_177, %eq3A_178 : i32
        %select_n3A_180 = arith.constant 0 : i32
        %select_n3A_181 = arith.select %eq3A_179, %select_n3A_180, %select_n3A_177 : i32
        %add3A_182 = arith.constant 0 : i32
        %add3A_183 = arith.addi %select_n3A_181, %add3A_182 : i32
        %add3A_184 = arith.addi %select_n3A_174, %select_n3A_14 : i32
        %add3A_185 = arith.constant 1 : i32
        %add3A_186 = arith.addi %select_n3A_174, %add3A_185 : i32
        %select_n3A_187 = arith.constant true
        %select_n3A_188 = arith.select %select_n3A_187, %add3A_186, %select_n3A_174 : i32
        %eq3A_189 = arith.cmpi eq, %select_n3A_188, %select_n3A : i32
        %select_n3A_190 = arith.constant 0 : i32
        %select_n3A_191 = arith.select %eq3A_189, %select_n3A_190, %select_n3A_188 : i32
        %add3A_192 = arith.constant 1 : i32
        %add3A_193 = arith.addi %select_n3A_181, %add3A_192 : i32
        %select_n3A_194 = arith.select %eq3A_189, %add3A_193, %select_n3A_181 : i32
        %eq3A_195 = arith.constant 2 : i32
        %eq3A_196 = arith.cmpi eq, %select_n3A_194, %eq3A_195 : i32
        %select_n3A_197 = arith.constant 0 : i32
        %select_n3A_198 = arith.select %eq3A_196, %select_n3A_197, %select_n3A_194 : i32
        %add3A_199 = arith.constant 0 : i32
        %add3A_200 = arith.addi %select_n3A_198, %add3A_199 : i32
        %add3A_201 = arith.addi %select_n3A_191, %select_n3A_14 : i32
        %convert_element_type3A_202 = arith.extui %eq3A_145 : i1 to i32
        %cond3A_203 = arith.constant 0 : i32
        %cond3A_204 = arith.cmpi ne, %convert_element_type3A_202, %cond3A_203 : i32
        scf.if %cond3A_204 {
        } else {
        }
        %convert_element_type3A_205 = arith.extui %eq3A_145 : i1 to i32
        %cond3A_206 = arith.constant 0 : i32
        %cond3A_207 = arith.cmpi ne, %convert_element_type3A_205, %cond3A_206 : i32
        scf.if %cond3A_207 {
          "tpu.trace_start"() <{level = 10 : i32, message = "ep_finalize"}> : () -> ()
          %rem3A_208 = arith.constant 2 : i32
          %rem3A_209 = arith.remui %while3A_120#3, %rem3A_208 : i32
          %mul3A_210 = arith.constant 3 : i32
          %mul3A_211 = arith.muli %add3A_147, %mul3A_210 : i32
          %add3A_212 = arith.addi %mul3A_211, %add3A_148 : i32
          %mul3A_213 = arith.constant 128 : i32
          %mul3A_214 = arith.muli %mul3A_213, %add3A_212 : i32
          %dma_wait3A = arith.constant 0 : i32
          %dma_wait3A_215 = arith.constant 0 : i32
          %dma_wait3A_216 = tpu.memref_slice %run_scoped3A_18[%rem3A_209, %dma_wait3A, %dma_wait3A_215] : memref<2x128x128xf32, #tpu.memory_space<vmem>> -> memref<1x128x128xf32, #tpu.memory_space<vmem>>
          %dma_wait3A_217 = tpu.memref_squeeze %dma_wait3A_216 : memref<1x128x128xf32, #tpu.memory_space<vmem>> -> memref<128x128xf32, #tpu.memory_space<vmem>>
          %dma_wait3A_218 = arith.constant 0 : i32
          %dma_wait3A_219 = tpu.memref_slice %arg4[%mul3A_214, %dma_wait3A_218] : memref<896x128xf32, #tpu.memory_space<hbm>> -> memref<128x128xf32, #tpu.memory_space<hbm>>
          %dma_wait3A_220 = tpu.memref_slice %run_scoped3A_19[%rem3A_209] : memref<2x!tpu.dma_semaphore, #tpu.memory_space<semaphore_mem>> -> memref<1x!tpu.dma_semaphore, #tpu.memory_space<semaphore_mem>>
          %dma_wait3A_221 = tpu.memref_squeeze %dma_wait3A_220 : memref<1x!tpu.dma_semaphore, #tpu.memory_space<semaphore_mem>> -> memref<!tpu.dma_semaphore, #tpu.memory_space<semaphore_mem>>
          %dma_wait3A_222 = arith.constant 0 : i32
          %dma_wait3A_223 = tpu.memref_slice %arg4[%mul3A_214, %dma_wait3A_222] : memref<896x128xf32, #tpu.memory_space<hbm>> -> memref<128x128xf32, #tpu.memory_space<hbm>>
          %dma_wait3A_224 = arith.constant 0 : i32
          %dma_wait3A_225 = arith.constant 0 : i32
          %dma_wait3A_226 = tpu.memref_slice %run_scoped3A_18[%rem3A_209, %dma_wait3A_224, %dma_wait3A_225] : memref<2x128x128xf32, #tpu.memory_space<vmem>> -> memref<1x128x128xf32, #tpu.memory_space<vmem>>
          %dma_wait3A_227 = tpu.memref_squeeze %dma_wait3A_226 : memref<1x128x128xf32, #tpu.memory_space<vmem>> -> memref<128x128xf32, #tpu.memory_space<vmem>>
          tpu.wait_dma2 semaphore(%dma_wait3A_221 : memref<!tpu.dma_semaphore, #tpu.memory_space<semaphore_mem>>) src(%dma_wait3A_227 : memref<128x128xf32, #tpu.memory_space<vmem>>) dst(%dma_wait3A_223 : memref<128x128xf32, #tpu.memory_space<hbm>>)
          "tpu.trace_stop"() : () -> ()
        } else {
        }
      } else {
      }
      tpu.yield
    }) : () -> ()
    return
  }
}

module attributes {stable_mosaic.version = 14 : i64} {
  func.func @_lstm2_kernel(%arg0: memref<768x128xf32, #tpu.memory_space<vmem>>, %arg1: memref<128x2048xbf16, #tpu.memory_space<vmem>>, %arg2: memref<512x2048xbf16, #tpu.memory_space<vmem>>, %arg3: memref<1x2048xf32, #tpu.memory_space<vmem>>, %arg4: memref<16x512xf32, #tpu.memory_space<vmem>>, %arg5: memref<512x2xf32, #tpu.memory_space<vmem>>, %arg6: memref<1x2xf32, #tpu.memory_space<vmem>>, %arg7: memref<2x8x2xf32, #tpu.memory_space<vmem>>, %arg8: memref<1x2xf32, #tpu.memory_space<vmem>>, %arg9: memref<1x2xf32, #tpu.memory_space<vmem>>, %arg10: memref<768x2048xf32, #tpu.memory_space<vmem>>) attributes {dimension_semantics = [], scalar_prefetch = 0 : i64, scratch_operands = 1 : i64, tpu.core_type = #tpu.core_type<tc>} {
    %get3A = arith.constant 0 : index
    %get3A_0 = arith.constant 0 : index
    %get3A_1 = vector.load %arg0[%get3A, %get3A_0] : memref<768x128xf32, #tpu.memory_space<vmem>>, vector<768x128xf32>
    %convert_element_type3A = arith.truncf %get3A_1 : vector<768x128xf32> to vector<768x128xbf16>
    %get3A_2 = arith.constant 0 : index
    %get3A_3 = arith.constant 0 : index
    %get3A_4 = vector.load %arg1[%get3A_2, %get3A_3] : memref<128x2048xbf16, #tpu.memory_space<vmem>>, vector<128x2048xbf16>
    %dot_general3A = arith.constant dense<0.000000e+00> : vector<768x2048xf32>
    %dot_general3A_5 = tpu.matmul %convert_element_type3A, %get3A_4, %dot_general3A {dimension_numbers = #tpu.dot_dimension_numbers<[1], [0], [0], [1], [0, 0, 1, 1], [], []>, transpose_lhs_hint = false} : vector<768x128xbf16>, vector<128x2048xbf16>, vector<768x2048xf32> -> vector<768x2048xf32>
    %get3A_6 = arith.constant 0 : index
    %get3A_7 = arith.constant 0 : index
    %get3A_8 = vector.load %arg3[%get3A_6, %get3A_7] : memref<1x2048xf32, #tpu.memory_space<vmem>>, vector<1x2048xf32>
    %add3A = vector.broadcast %get3A_8 : vector<1x2048xf32> to vector<768x2048xf32>
    %add3A_9 = arith.addf %dot_general3A_5, %add3A : vector<768x2048xf32>
    %swap3A = arith.constant 0 : index
    %swap3A_10 = arith.constant 0 : index
    %swap3A_11 = vector.load %arg10[%swap3A, %swap3A_10] : memref<768x2048xf32, #tpu.memory_space<vmem>>, vector<768x2048xf32>
    tpu.vector_store %arg10[%swap3A, %swap3A_10], %add3A_9 {strides = array<i32>} : memref<768x2048xf32, #tpu.memory_space<vmem>>, vector<768x2048xf32>,
    %get3A_12 = arith.constant 0 : index
    %get3A_13 = arith.constant 0 : index
    %get3A_14 = vector.load %arg4[%get3A_12, %get3A_13] : memref<16x512xf32, #tpu.memory_space<vmem>>, vector<8x512xf32>
    %get3A_15 = arith.constant 8 : index
    %get3A_16 = arith.constant 0 : index
    %get3A_17 = vector.load %arg4[%get3A_15, %get3A_16] : memref<16x512xf32, #tpu.memory_space<vmem>>, vector<8x512xf32>
    %scan3A = arith.constant 0 : i32
    %scan3A_18 = arith.constant 88 : i32
    %scan3A_19 = arith.addi %scan3A, %scan3A_18 : i32
    %scan3A_20 = arith.constant 8 : i32
    %scan3A_21:2 = scf.for %scan3A_46 = %scan3A to %scan3A_19 step %scan3A_20 iter_args(%scan3A_47 = %get3A_14, %scan3A_48 = %get3A_17) -> (vector<8x512xf32>, vector<8x512xf32>)  : i32 {
      %mul3A_49 = arith.constant 8 : i32
      %mul3A_50 = arith.muli %scan3A_46, %mul3A_49 : i32
      %get3A_51 = arith.index_cast %mul3A_50 : i32 to index
      %get3A_52 = arith.constant 0 : index
      %get3A_53 = vector.load %arg10[%get3A_51, %get3A_52] : memref<768x2048xf32, #tpu.memory_space<vmem>>, vector<8x2048xf32>
      %convert_element_type3A_54 = arith.truncf %scan3A_47 : vector<8x512xf32> to vector<8x512xbf16>
      %get3A_55 = arith.constant 0 : index
      %get3A_56 = arith.constant 0 : index
      %get3A_57 = vector.load %arg2[%get3A_55, %get3A_56] : memref<512x2048xbf16, #tpu.memory_space<vmem>>, vector<512x2048xbf16>
      %dot_general3A_58 = arith.constant dense<0.000000e+00> : vector<8x2048xf32>
      %dot_general3A_59 = tpu.matmul %convert_element_type3A_54, %get3A_57, %dot_general3A_58 {dimension_numbers = #tpu.dot_dimension_numbers<[1], [0], [0], [1], [0, 0, 1, 1], [], []>, transpose_lhs_hint = false} : vector<8x512xbf16>, vector<512x2048xbf16>, vector<8x2048xf32> -> vector<8x2048xf32>
      %add3A_60 = arith.addf %get3A_53, %dot_general3A_59 : vector<8x2048xf32>
      %slice3A = vector.extract_strided_slice %add3A_60 {offsets = [0, 0], sizes = [8, 128], strides = [1, 1]} : vector<8x2048xf32> to vector<8x128xf32>
      %logistic3A = arith.negf %slice3A : vector<8x128xf32>
      %logistic3A_61 = math.exp %logistic3A : vector<8x128xf32>
      %logistic3A_62 = arith.constant 1.000000e+00 : f32
      %logistic3A_63 = vector.broadcast %logistic3A_62 : f32 to vector<8x128xf32>
      %logistic3A_64 = arith.addf %logistic3A_63, %logistic3A_61 : vector<8x128xf32>
      %logistic3A_65 = arith.divf %logistic3A_63, %logistic3A_64 : vector<8x128xf32>
      %slice3A_66 = vector.extract_strided_slice %add3A_60 {offsets = [0, 128], sizes = [8, 128], strides = [1, 1]} : vector<8x2048xf32> to vector<8x128xf32>
      %logistic3A_67 = arith.negf %slice3A_66 : vector<8x128xf32>
      %logistic3A_68 = math.exp %logistic3A_67 : vector<8x128xf32>
      %logistic3A_69 = arith.constant 1.000000e+00 : f32
      %logistic3A_70 = vector.broadcast %logistic3A_69 : f32 to vector<8x128xf32>
      %logistic3A_71 = arith.addf %logistic3A_70, %logistic3A_68 : vector<8x128xf32>
      %logistic3A_72 = arith.divf %logistic3A_70, %logistic3A_71 : vector<8x128xf32>
      %slice3A_73 = vector.extract_strided_slice %add3A_60 {offsets = [0, 256], sizes = [8, 128], strides = [1, 1]} : vector<8x2048xf32> to vector<8x128xf32>
      %tanh3A = math.tanh %slice3A_73 : vector<8x128xf32>
      %slice3A_74 = vector.extract_strided_slice %add3A_60 {offsets = [0, 384], sizes = [8, 128], strides = [1, 1]} : vector<8x2048xf32> to vector<8x128xf32>
      %logistic3A_75 = arith.negf %slice3A_74 : vector<8x128xf32>
      %logistic3A_76 = math.exp %logistic3A_75 : vector<8x128xf32>
      %logistic3A_77 = arith.constant 1.000000e+00 : f32
      %logistic3A_78 = vector.broadcast %logistic3A_77 : f32 to vector<8x128xf32>
      %logistic3A_79 = arith.addf %logistic3A_78, %logistic3A_76 : vector<8x128xf32>
      %logistic3A_80 = arith.divf %logistic3A_78, %logistic3A_79 : vector<8x128xf32>
      %slice3A_81 = vector.extract_strided_slice %scan3A_48 {offsets = [0, 0], sizes = [8, 128], strides = [1, 1]} : vector<8x512xf32> to vector<8x128xf32>
      %mul3A_82 = arith.mulf %logistic3A_72, %slice3A_81 : vector<8x128xf32>
      %mul3A_83 = arith.mulf %logistic3A_65, %tanh3A : vector<8x128xf32>
      %add3A_84 = arith.addf %mul3A_82, %mul3A_83 : vector<8x128xf32>
      %tanh3A_85 = math.tanh %add3A_84 : vector<8x128xf32>
      %mul3A_86 = arith.mulf %logistic3A_80, %tanh3A_85 : vector<8x128xf32>
      %slice3A_87 = vector.extract_strided_slice %add3A_60 {offsets = [0, 512], sizes = [8, 128], strides = [1, 1]} : vector<8x2048xf32> to vector<8x128xf32>
      %logistic3A_88 = arith.negf %slice3A_87 : vector<8x128xf32>
      %logistic3A_89 = math.exp %logistic3A_88 : vector<8x128xf32>
      %logistic3A_90 = arith.constant 1.000000e+00 : f32
      %logistic3A_91 = vector.broadcast %logistic3A_90 : f32 to vector<8x128xf32>
      %logistic3A_92 = arith.addf %logistic3A_91, %logistic3A_89 : vector<8x128xf32>
      %logistic3A_93 = arith.divf %logistic3A_91, %logistic3A_92 : vector<8x128xf32>
      %slice3A_94 = vector.extract_strided_slice %add3A_60 {offsets = [0, 640], sizes = [8, 128], strides = [1, 1]} : vector<8x2048xf32> to vector<8x128xf32>
      %logistic3A_95 = arith.negf %slice3A_94 : vector<8x128xf32>
      %logistic3A_96 = math.exp %logistic3A_95 : vector<8x128xf32>
      %logistic3A_97 = arith.constant 1.000000e+00 : f32
      %logistic3A_98 = vector.broadcast %logistic3A_97 : f32 to vector<8x128xf32>
      %logistic3A_99 = arith.addf %logistic3A_98, %logistic3A_96 : vector<8x128xf32>
      %logistic3A_100 = arith.divf %logistic3A_98, %logistic3A_99 : vector<8x128xf32>
      %slice3A_101 = vector.extract_strided_slice %add3A_60 {offsets = [0, 768], sizes = [8, 128], strides = [1, 1]} : vector<8x2048xf32> to vector<8x128xf32>
      %tanh3A_102 = math.tanh %slice3A_101 : vector<8x128xf32>
      %slice3A_103 = vector.extract_strided_slice %add3A_60 {offsets = [0, 896], sizes = [8, 128], strides = [1, 1]} : vector<8x2048xf32> to vector<8x128xf32>
      %logistic3A_104 = arith.negf %slice3A_103 : vector<8x128xf32>
      %logistic3A_105 = math.exp %logistic3A_104 : vector<8x128xf32>
      %logistic3A_106 = arith.constant 1.000000e+00 : f32
      %logistic3A_107 = vector.broadcast %logistic3A_106 : f32 to vector<8x128xf32>
      %logistic3A_108 = arith.addf %logistic3A_107, %logistic3A_105 : vector<8x128xf32>
      %logistic3A_109 = arith.divf %logistic3A_107, %logistic3A_108 : vector<8x128xf32>
      %slice3A_110 = vector.extract_strided_slice %scan3A_48 {offsets = [0, 128], sizes = [8, 128], strides = [1, 1]} : vector<8x512xf32> to vector<8x128xf32>
      %mul3A_111 = arith.mulf %logistic3A_100, %slice3A_110 : vector<8x128xf32>
      %mul3A_112 = arith.mulf %logistic3A_93, %tanh3A_102 : vector<8x128xf32>
      %add3A_113 = arith.addf %mul3A_111, %mul3A_112 : vector<8x128xf32>
      %tanh3A_114 = math.tanh %add3A_113 : vector<8x128xf32>
      %mul3A_115 = arith.mulf %logistic3A_109, %tanh3A_114 : vector<8x128xf32>
      %slice3A_116 = vector.extract_strided_slice %add3A_60 {offsets = [0, 1024], sizes = [8, 128], strides = [1, 1]} : vector<8x2048xf32> to vector<8x128xf32>
      %logistic3A_117 = arith.negf %slice3A_116 : vector<8x128xf32>
      %logistic3A_118 = math.exp %logistic3A_117 : vector<8x128xf32>
      %logistic3A_119 = arith.constant 1.000000e+00 : f32
      %logistic3A_120 = vector.broadcast %logistic3A_119 : f32 to vector<8x128xf32>
      %logistic3A_121 = arith.addf %logistic3A_120, %logistic3A_118 : vector<8x128xf32>
      %logistic3A_122 = arith.divf %logistic3A_120, %logistic3A_121 : vector<8x128xf32>
      %slice3A_123 = vector.extract_strided_slice %add3A_60 {offsets = [0, 1152], sizes = [8, 128], strides = [1, 1]} : vector<8x2048xf32> to vector<8x128xf32>
      %logistic3A_124 = arith.negf %slice3A_123 : vector<8x128xf32>
      %logistic3A_125 = math.exp %logistic3A_124 : vector<8x128xf32>
      %logistic3A_126 = arith.constant 1.000000e+00 : f32
      %logistic3A_127 = vector.broadcast %logistic3A_126 : f32 to vector<8x128xf32>
      %logistic3A_128 = arith.addf %logistic3A_127, %logistic3A_125 : vector<8x128xf32>
      %logistic3A_129 = arith.divf %logistic3A_127, %logistic3A_128 : vector<8x128xf32>
      %slice3A_130 = vector.extract_strided_slice %add3A_60 {offsets = [0, 1280], sizes = [8, 128], strides = [1, 1]} : vector<8x2048xf32> to vector<8x128xf32>
      %tanh3A_131 = math.tanh %slice3A_130 : vector<8x128xf32>
      %slice3A_132 = vector.extract_strided_slice %add3A_60 {offsets = [0, 1408], sizes = [8, 128], strides = [1, 1]} : vector<8x2048xf32> to vector<8x128xf32>
      %logistic3A_133 = arith.negf %slice3A_132 : vector<8x128xf32>
      %logistic3A_134 = math.exp %logistic3A_133 : vector<8x128xf32>
      %logistic3A_135 = arith.constant 1.000000e+00 : f32
      %logistic3A_136 = vector.broadcast %logistic3A_135 : f32 to vector<8x128xf32>
      %logistic3A_137 = arith.addf %logistic3A_136, %logistic3A_134 : vector<8x128xf32>
      %logistic3A_138 = arith.divf %logistic3A_136, %logistic3A_137 : vector<8x128xf32>
      %slice3A_139 = vector.extract_strided_slice %scan3A_48 {offsets = [0, 256], sizes = [8, 128], strides = [1, 1]} : vector<8x512xf32> to vector<8x128xf32>
      %mul3A_140 = arith.mulf %logistic3A_129, %slice3A_139 : vector<8x128xf32>
      %mul3A_141 = arith.mulf %logistic3A_122, %tanh3A_131 : vector<8x128xf32>
      %add3A_142 = arith.addf %mul3A_140, %mul3A_141 : vector<8x128xf32>
      %tanh3A_143 = math.tanh %add3A_142 : vector<8x128xf32>
      %mul3A_144 = arith.mulf %logistic3A_138, %tanh3A_143 : vector<8x128xf32>
      %slice3A_145 = vector.extract_strided_slice %add3A_60 {offsets = [0, 1536], sizes = [8, 128], strides = [1, 1]} : vector<8x2048xf32> to vector<8x128xf32>
      %logistic3A_146 = arith.negf %slice3A_145 : vector<8x128xf32>
      %logistic3A_147 = math.exp %logistic3A_146 : vector<8x128xf32>
      %logistic3A_148 = arith.constant 1.000000e+00 : f32
      %logistic3A_149 = vector.broadcast %logistic3A_148 : f32 to vector<8x128xf32>
      %logistic3A_150 = arith.addf %logistic3A_149, %logistic3A_147 : vector<8x128xf32>
      %logistic3A_151 = arith.divf %logistic3A_149, %logistic3A_150 : vector<8x128xf32>
      %slice3A_152 = vector.extract_strided_slice %add3A_60 {offsets = [0, 1664], sizes = [8, 128], strides = [1, 1]} : vector<8x2048xf32> to vector<8x128xf32>
      %logistic3A_153 = arith.negf %slice3A_152 : vector<8x128xf32>
      %logistic3A_154 = math.exp %logistic3A_153 : vector<8x128xf32>
      %logistic3A_155 = arith.constant 1.000000e+00 : f32
      %logistic3A_156 = vector.broadcast %logistic3A_155 : f32 to vector<8x128xf32>
      %logistic3A_157 = arith.addf %logistic3A_156, %logistic3A_154 : vector<8x128xf32>
      %logistic3A_158 = arith.divf %logistic3A_156, %logistic3A_157 : vector<8x128xf32>
      %slice3A_159 = vector.extract_strided_slice %add3A_60 {offsets = [0, 1792], sizes = [8, 128], strides = [1, 1]} : vector<8x2048xf32> to vector<8x128xf32>
      %tanh3A_160 = math.tanh %slice3A_159 : vector<8x128xf32>
      %slice3A_161 = vector.extract_strided_slice %add3A_60 {offsets = [0, 1920], sizes = [8, 128], strides = [1, 1]} : vector<8x2048xf32> to vector<8x128xf32>
      %logistic3A_162 = arith.negf %slice3A_161 : vector<8x128xf32>
      %logistic3A_163 = math.exp %logistic3A_162 : vector<8x128xf32>
      %logistic3A_164 = arith.constant 1.000000e+00 : f32
      %logistic3A_165 = vector.broadcast %logistic3A_164 : f32 to vector<8x128xf32>
      %logistic3A_166 = arith.addf %logistic3A_165, %logistic3A_163 : vector<8x128xf32>
      %logistic3A_167 = arith.divf %logistic3A_165, %logistic3A_166 : vector<8x128xf32>
      %slice3A_168 = vector.extract_strided_slice %scan3A_48 {offsets = [0, 384], sizes = [8, 128], strides = [1, 1]} : vector<8x512xf32> to vector<8x128xf32>
      %mul3A_169 = arith.mulf %logistic3A_158, %slice3A_168 : vector<8x128xf32>
      %mul3A_170 = arith.mulf %logistic3A_151, %tanh3A_160 : vector<8x128xf32>
      %add3A_171 = arith.addf %mul3A_169, %mul3A_170 : vector<8x128xf32>
      %tanh3A_172 = math.tanh %add3A_171 : vector<8x128xf32>
      %mul3A_173 = arith.mulf %logistic3A_167, %tanh3A_172 : vector<8x128xf32>
      %concatenate3A = tpu.concatenate %mul3A_86, %mul3A_115, %mul3A_144, %mul3A_173 in 1 : vector<8x128xf32>, vector<8x128xf32>, vector<8x128xf32>, vector<8x128xf32> -> vector<8x512xf32>
      %concatenate3A_174 = tpu.concatenate %add3A_84, %add3A_113, %add3A_142, %add3A_171 in 1 : vector<8x128xf32>, vector<8x128xf32>, vector<8x128xf32>, vector<8x128xf32> -> vector<8x512xf32>
      %scan3A_175 = arith.constant 1 : i32
      %scan3A_176 = arith.addi %scan3A_46, %scan3A_175 : i32
      %mul3A_177 = arith.constant 8 : i32
      %mul3A_178 = arith.muli %scan3A_176, %mul3A_177 : i32
      %get3A_179 = arith.index_cast %mul3A_178 : i32 to index
      %get3A_180 = arith.constant 0 : index
      %get3A_181 = vector.load %arg10[%get3A_179, %get3A_180] : memref<768x2048xf32, #tpu.memory_space<vmem>>, vector<8x2048xf32>
      %convert_element_type3A_182 = arith.truncf %concatenate3A : vector<8x512xf32> to vector<8x512xbf16>
      %get3A_183 = arith.constant 0 : index
      %get3A_184 = arith.constant 0 : index
      %get3A_185 = vector.load %arg2[%get3A_183, %get3A_184] : memref<512x2048xbf16, #tpu.memory_space<vmem>>, vector<512x2048xbf16>
      %dot_general3A_186 = arith.constant dense<0.000000e+00> : vector<8x2048xf32>
      %dot_general3A_187 = tpu.matmul %convert_element_type3A_182, %get3A_185, %dot_general3A_186 {dimension_numbers = #tpu.dot_dimension_numbers<[1], [0], [0], [1], [0, 0, 1, 1], [], []>, transpose_lhs_hint = false} : vector<8x512xbf16>, vector<512x2048xbf16>, vector<8x2048xf32> -> vector<8x2048xf32>
      %add3A_188 = arith.addf %get3A_181, %dot_general3A_187 : vector<8x2048xf32>
      %slice3A_189 = vector.extract_strided_slice %add3A_188 {offsets = [0, 0], sizes = [8, 128], strides = [1, 1]} : vector<8x2048xf32> to vector<8x128xf32>
      %logistic3A_190 = arith.negf %slice3A_189 : vector<8x128xf32>
      %logistic3A_191 = math.exp %logistic3A_190 : vector<8x128xf32>
      %logistic3A_192 = arith.constant 1.000000e+00 : f32
      %logistic3A_193 = vector.broadcast %logistic3A_192 : f32 to vector<8x128xf32>
      %logistic3A_194 = arith.addf %logistic3A_193, %logistic3A_191 : vector<8x128xf32>
      %logistic3A_195 = arith.divf %logistic3A_193, %logistic3A_194 : vector<8x128xf32>
      %slice3A_196 = vector.extract_strided_slice %add3A_188 {offsets = [0, 128], sizes = [8, 128], strides = [1, 1]} : vector<8x2048xf32> to vector<8x128xf32>
      %logistic3A_197 = arith.negf %slice3A_196 : vector<8x128xf32>
      %logistic3A_198 = math.exp %logistic3A_197 : vector<8x128xf32>
      %logistic3A_199 = arith.constant 1.000000e+00 : f32
      %logistic3A_200 = vector.broadcast %logistic3A_199 : f32 to vector<8x128xf32>
      %logistic3A_201 = arith.addf %logistic3A_200, %logistic3A_198 : vector<8x128xf32>
      %logistic3A_202 = arith.divf %logistic3A_200, %logistic3A_201 : vector<8x128xf32>
      %slice3A_203 = vector.extract_strided_slice %add3A_188 {offsets = [0, 256], sizes = [8, 128], strides = [1, 1]} : vector<8x2048xf32> to vector<8x128xf32>
      %tanh3A_204 = math.tanh %slice3A_203 : vector<8x128xf32>
      %slice3A_205 = vector.extract_strided_slice %add3A_188 {offsets = [0, 384], sizes = [8, 128], strides = [1, 1]} : vector<8x2048xf32> to vector<8x128xf32>
      %logistic3A_206 = arith.negf %slice3A_205 : vector<8x128xf32>
      %logistic3A_207 = math.exp %logistic3A_206 : vector<8x128xf32>
      %logistic3A_208 = arith.constant 1.000000e+00 : f32
      %logistic3A_209 = vector.broadcast %logistic3A_208 : f32 to vector<8x128xf32>
      %logistic3A_210 = arith.addf %logistic3A_209, %logistic3A_207 : vector<8x128xf32>
      %logistic3A_211 = arith.divf %logistic3A_209, %logistic3A_210 : vector<8x128xf32>
      %slice3A_212 = vector.extract_strided_slice %concatenate3A_174 {offsets = [0, 0], sizes = [8, 128], strides = [1, 1]} : vector<8x512xf32> to vector<8x128xf32>
      %mul3A_213 = arith.mulf %logistic3A_202, %slice3A_212 : vector<8x128xf32>
      %mul3A_214 = arith.mulf %logistic3A_195, %tanh3A_204 : vector<8x128xf32>
      %add3A_215 = arith.addf %mul3A_213, %mul3A_214 : vector<8x128xf32>
      %tanh3A_216 = math.tanh %add3A_215 : vector<8x128xf32>
      %mul3A_217 = arith.mulf %logistic3A_211, %tanh3A_216 : vector<8x128xf32>
      %slice3A_218 = vector.extract_strided_slice %add3A_188 {offsets = [0, 512], sizes = [8, 128], strides = [1, 1]} : vector<8x2048xf32> to vector<8x128xf32>
      %logistic3A_219 = arith.negf %slice3A_218 : vector<8x128xf32>
      %logistic3A_220 = math.exp %logistic3A_219 : vector<8x128xf32>
      %logistic3A_221 = arith.constant 1.000000e+00 : f32
      %logistic3A_222 = vector.broadcast %logistic3A_221 : f32 to vector<8x128xf32>
      %logistic3A_223 = arith.addf %logistic3A_222, %logistic3A_220 : vector<8x128xf32>
      %logistic3A_224 = arith.divf %logistic3A_222, %logistic3A_223 : vector<8x128xf32>
      %slice3A_225 = vector.extract_strided_slice %add3A_188 {offsets = [0, 640], sizes = [8, 128], strides = [1, 1]} : vector<8x2048xf32> to vector<8x128xf32>
      %logistic3A_226 = arith.negf %slice3A_225 : vector<8x128xf32>
      %logistic3A_227 = math.exp %logistic3A_226 : vector<8x128xf32>
      %logistic3A_228 = arith.constant 1.000000e+00 : f32
      %logistic3A_229 = vector.broadcast %logistic3A_228 : f32 to vector<8x128xf32>
      %logistic3A_230 = arith.addf %logistic3A_229, %logistic3A_227 : vector<8x128xf32>
      %logistic3A_231 = arith.divf %logistic3A_229, %logistic3A_230 : vector<8x128xf32>
      %slice3A_232 = vector.extract_strided_slice %add3A_188 {offsets = [0, 768], sizes = [8, 128], strides = [1, 1]} : vector<8x2048xf32> to vector<8x128xf32>
      %tanh3A_233 = math.tanh %slice3A_232 : vector<8x128xf32>
      %slice3A_234 = vector.extract_strided_slice %add3A_188 {offsets = [0, 896], sizes = [8, 128], strides = [1, 1]} : vector<8x2048xf32> to vector<8x128xf32>
      %logistic3A_235 = arith.negf %slice3A_234 : vector<8x128xf32>
      %logistic3A_236 = math.exp %logistic3A_235 : vector<8x128xf32>
      %logistic3A_237 = arith.constant 1.000000e+00 : f32
      %logistic3A_238 = vector.broadcast %logistic3A_237 : f32 to vector<8x128xf32>
      %logistic3A_239 = arith.addf %logistic3A_238, %logistic3A_236 : vector<8x128xf32>
      %logistic3A_240 = arith.divf %logistic3A_238, %logistic3A_239 : vector<8x128xf32>
      %slice3A_241 = vector.extract_strided_slice %concatenate3A_174 {offsets = [0, 128], sizes = [8, 128], strides = [1, 1]} : vector<8x512xf32> to vector<8x128xf32>
      %mul3A_242 = arith.mulf %logistic3A_231, %slice3A_241 : vector<8x128xf32>
      %mul3A_243 = arith.mulf %logistic3A_224, %tanh3A_233 : vector<8x128xf32>
      %add3A_244 = arith.addf %mul3A_242, %mul3A_243 : vector<8x128xf32>
      %tanh3A_245 = math.tanh %add3A_244 : vector<8x128xf32>
      %mul3A_246 = arith.mulf %logistic3A_240, %tanh3A_245 : vector<8x128xf32>
      %slice3A_247 = vector.extract_strided_slice %add3A_188 {offsets = [0, 1024], sizes = [8, 128], strides = [1, 1]} : vector<8x2048xf32> to vector<8x128xf32>
      %logistic3A_248 = arith.negf %slice3A_247 : vector<8x128xf32>
      %logistic3A_249 = math.exp %logistic3A_248 : vector<8x128xf32>
      %logistic3A_250 = arith.constant 1.000000e+00 : f32
      %logistic3A_251 = vector.broadcast %logistic3A_250 : f32 to vector<8x128xf32>
      %logistic3A_252 = arith.addf %logistic3A_251, %logistic3A_249 : vector<8x128xf32>
      %logistic3A_253 = arith.divf %logistic3A_251, %logistic3A_252 : vector<8x128xf32>
      %slice3A_254 = vector.extract_strided_slice %add3A_188 {offsets = [0, 1152], sizes = [8, 128], strides = [1, 1]} : vector<8x2048xf32> to vector<8x128xf32>
      %logistic3A_255 = arith.negf %slice3A_254 : vector<8x128xf32>
      %logistic3A_256 = math.exp %logistic3A_255 : vector<8x128xf32>
      %logistic3A_257 = arith.constant 1.000000e+00 : f32
      %logistic3A_258 = vector.broadcast %logistic3A_257 : f32 to vector<8x128xf32>
      %logistic3A_259 = arith.addf %logistic3A_258, %logistic3A_256 : vector<8x128xf32>
      %logistic3A_260 = arith.divf %logistic3A_258, %logistic3A_259 : vector<8x128xf32>
      %slice3A_261 = vector.extract_strided_slice %add3A_188 {offsets = [0, 1280], sizes = [8, 128], strides = [1, 1]} : vector<8x2048xf32> to vector<8x128xf32>
      %tanh3A_262 = math.tanh %slice3A_261 : vector<8x128xf32>
      %slice3A_263 = vector.extract_strided_slice %add3A_188 {offsets = [0, 1408], sizes = [8, 128], strides = [1, 1]} : vector<8x2048xf32> to vector<8x128xf32>
      %logistic3A_264 = arith.negf %slice3A_263 : vector<8x128xf32>
      %logistic3A_265 = math.exp %logistic3A_264 : vector<8x128xf32>
      %logistic3A_266 = arith.constant 1.000000e+00 : f32
      %logistic3A_267 = vector.broadcast %logistic3A_266 : f32 to vector<8x128xf32>
      %logistic3A_268 = arith.addf %logistic3A_267, %logistic3A_265 : vector<8x128xf32>
      %logistic3A_269 = arith.divf %logistic3A_267, %logistic3A_268 : vector<8x128xf32>
      %slice3A_270 = vector.extract_strided_slice %concatenate3A_174 {offsets = [0, 256], sizes = [8, 128], strides = [1, 1]} : vector<8x512xf32> to vector<8x128xf32>
      %mul3A_271 = arith.mulf %logistic3A_260, %slice3A_270 : vector<8x128xf32>
      %mul3A_272 = arith.mulf %logistic3A_253, %tanh3A_262 : vector<8x128xf32>
      %add3A_273 = arith.addf %mul3A_271, %mul3A_272 : vector<8x128xf32>
      %tanh3A_274 = math.tanh %add3A_273 : vector<8x128xf32>
      %mul3A_275 = arith.mulf %logistic3A_269, %tanh3A_274 : vector<8x128xf32>
      %slice3A_276 = vector.extract_strided_slice %add3A_188 {offsets = [0, 1536], sizes = [8, 128], strides = [1, 1]} : vector<8x2048xf32> to vector<8x128xf32>
      %logistic3A_277 = arith.negf %slice3A_276 : vector<8x128xf32>
      %logistic3A_278 = math.exp %logistic3A_277 : vector<8x128xf32>
      %logistic3A_279 = arith.constant 1.000000e+00 : f32
      %logistic3A_280 = vector.broadcast %logistic3A_279 : f32 to vector<8x128xf32>
      %logistic3A_281 = arith.addf %logistic3A_280, %logistic3A_278 : vector<8x128xf32>
      %logistic3A_282 = arith.divf %logistic3A_280, %logistic3A_281 : vector<8x128xf32>
      %slice3A_283 = vector.extract_strided_slice %add3A_188 {offsets = [0, 1664], sizes = [8, 128], strides = [1, 1]} : vector<8x2048xf32> to vector<8x128xf32>
      %logistic3A_284 = arith.negf %slice3A_283 : vector<8x128xf32>
      %logistic3A_285 = math.exp %logistic3A_284 : vector<8x128xf32>
      %logistic3A_286 = arith.constant 1.000000e+00 : f32
      %logistic3A_287 = vector.broadcast %logistic3A_286 : f32 to vector<8x128xf32>
      %logistic3A_288 = arith.addf %logistic3A_287, %logistic3A_285 : vector<8x128xf32>
      %logistic3A_289 = arith.divf %logistic3A_287, %logistic3A_288 : vector<8x128xf32>
      %slice3A_290 = vector.extract_strided_slice %add3A_188 {offsets = [0, 1792], sizes = [8, 128], strides = [1, 1]} : vector<8x2048xf32> to vector<8x128xf32>
      %tanh3A_291 = math.tanh %slice3A_290 : vector<8x128xf32>
      %slice3A_292 = vector.extract_strided_slice %add3A_188 {offsets = [0, 1920], sizes = [8, 128], strides = [1, 1]} : vector<8x2048xf32> to vector<8x128xf32>
      %logistic3A_293 = arith.negf %slice3A_292 : vector<8x128xf32>
      %logistic3A_294 = math.exp %logistic3A_293 : vector<8x128xf32>
      %logistic3A_295 = arith.constant 1.000000e+00 : f32
      %logistic3A_296 = vector.broadcast %logistic3A_295 : f32 to vector<8x128xf32>
      %logistic3A_297 = arith.addf %logistic3A_296, %logistic3A_294 : vector<8x128xf32>
      %logistic3A_298 = arith.divf %logistic3A_296, %logistic3A_297 : vector<8x128xf32>
      %slice3A_299 = vector.extract_strided_slice %concatenate3A_174 {offsets = [0, 384], sizes = [8, 128], strides = [1, 1]} : vector<8x512xf32> to vector<8x128xf32>
      %mul3A_300 = arith.mulf %logistic3A_289, %slice3A_299 : vector<8x128xf32>
      %mul3A_301 = arith.mulf %logistic3A_282, %tanh3A_291 : vector<8x128xf32>
      %add3A_302 = arith.addf %mul3A_300, %mul3A_301 : vector<8x128xf32>
      %tanh3A_303 = math.tanh %add3A_302 : vector<8x128xf32>
      %mul3A_304 = arith.mulf %logistic3A_298, %tanh3A_303 : vector<8x128xf32>
      %concatenate3A_305 = tpu.concatenate %mul3A_217, %mul3A_246, %mul3A_275, %mul3A_304 in 1 : vector<8x128xf32>, vector<8x128xf32>, vector<8x128xf32>, vector<8x128xf32> -> vector<8x512xf32>
      %concatenate3A_306 = tpu.concatenate %add3A_215, %add3A_244, %add3A_273, %add3A_302 in 1 : vector<8x128xf32>, vector<8x128xf32>, vector<8x128xf32>, vector<8x128xf32> -> vector<8x512xf32>
      %scan3A_307 = arith.constant 2 : i32
      %scan3A_308 = arith.addi %scan3A_46, %scan3A_307 : i32
      %mul3A_309 = arith.constant 8 : i32
      %mul3A_310 = arith.muli %scan3A_308, %mul3A_309 : i32
      %get3A_311 = arith.index_cast %mul3A_310 : i32 to index
      %get3A_312 = arith.constant 0 : index
      %get3A_313 = vector.load %arg10[%get3A_311, %get3A_312] : memref<768x2048xf32, #tpu.memory_space<vmem>>, vector<8x2048xf32>
      %convert_element_type3A_314 = arith.truncf %concatenate3A_305 : vector<8x512xf32> to vector<8x512xbf16>
      %get3A_315 = arith.constant 0 : index
      %get3A_316 = arith.constant 0 : index
      %get3A_317 = vector.load %arg2[%get3A_315, %get3A_316] : memref<512x2048xbf16, #tpu.memory_space<vmem>>, vector<512x2048xbf16>
      %dot_general3A_318 = arith.constant dense<0.000000e+00> : vector<8x2048xf32>
      %dot_general3A_319 = tpu.matmul %convert_element_type3A_314, %get3A_317, %dot_general3A_318 {dimension_numbers = #tpu.dot_dimension_numbers<[1], [0], [0], [1], [0, 0, 1, 1], [], []>, transpose_lhs_hint = false} : vector<8x512xbf16>, vector<512x2048xbf16>, vector<8x2048xf32> -> vector<8x2048xf32>
      %add3A_320 = arith.addf %get3A_313, %dot_general3A_319 : vector<8x2048xf32>
      %slice3A_321 = vector.extract_strided_slice %add3A_320 {offsets = [0, 0], sizes = [8, 128], strides = [1, 1]} : vector<8x2048xf32> to vector<8x128xf32>
      %logistic3A_322 = arith.negf %slice3A_321 : vector<8x128xf32>
      %logistic3A_323 = math.exp %logistic3A_322 : vector<8x128xf32>
      %logistic3A_324 = arith.constant 1.000000e+00 : f32
      %logistic3A_325 = vector.broadcast %logistic3A_324 : f32 to vector<8x128xf32>
      %logistic3A_326 = arith.addf %logistic3A_325, %logistic3A_323 : vector<8x128xf32>
      %logistic3A_327 = arith.divf %logistic3A_325, %logistic3A_326 : vector<8x128xf32>
      %slice3A_328 = vector.extract_strided_slice %add3A_320 {offsets = [0, 128], sizes = [8, 128], strides = [1, 1]} : vector<8x2048xf32> to vector<8x128xf32>
      %logistic3A_329 = arith.negf %slice3A_328 : vector<8x128xf32>
      %logistic3A_330 = math.exp %logistic3A_329 : vector<8x128xf32>
      %logistic3A_331 = arith.constant 1.000000e+00 : f32
      %logistic3A_332 = vector.broadcast %logistic3A_331 : f32 to vector<8x128xf32>
      %logistic3A_333 = arith.addf %logistic3A_332, %logistic3A_330 : vector<8x128xf32>
      %logistic3A_334 = arith.divf %logistic3A_332, %logistic3A_333 : vector<8x128xf32>
      %slice3A_335 = vector.extract_strided_slice %add3A_320 {offsets = [0, 256], sizes = [8, 128], strides = [1, 1]} : vector<8x2048xf32> to vector<8x128xf32>
      %tanh3A_336 = math.tanh %slice3A_335 : vector<8x128xf32>
      %slice3A_337 = vector.extract_strided_slice %add3A_320 {offsets = [0, 384], sizes = [8, 128], strides = [1, 1]} : vector<8x2048xf32> to vector<8x128xf32>
      %logistic3A_338 = arith.negf %slice3A_337 : vector<8x128xf32>
      %logistic3A_339 = math.exp %logistic3A_338 : vector<8x128xf32>
      %logistic3A_340 = arith.constant 1.000000e+00 : f32
      %logistic3A_341 = vector.broadcast %logistic3A_340 : f32 to vector<8x128xf32>
      %logistic3A_342 = arith.addf %logistic3A_341, %logistic3A_339 : vector<8x128xf32>
      %logistic3A_343 = arith.divf %logistic3A_341, %logistic3A_342 : vector<8x128xf32>
      %slice3A_344 = vector.extract_strided_slice %concatenate3A_306 {offsets = [0, 0], sizes = [8, 128], strides = [1, 1]} : vector<8x512xf32> to vector<8x128xf32>
      %mul3A_345 = arith.mulf %logistic3A_334, %slice3A_344 : vector<8x128xf32>
      %mul3A_346 = arith.mulf %logistic3A_327, %tanh3A_336 : vector<8x128xf32>
      %add3A_347 = arith.addf %mul3A_345, %mul3A_346 : vector<8x128xf32>
      %tanh3A_348 = math.tanh %add3A_347 : vector<8x128xf32>
      %mul3A_349 = arith.mulf %logistic3A_343, %tanh3A_348 : vector<8x128xf32>
      %slice3A_350 = vector.extract_strided_slice %add3A_320 {offsets = [0, 512], sizes = [8, 128], strides = [1, 1]} : vector<8x2048xf32> to vector<8x128xf32>
      %logistic3A_351 = arith.negf %slice3A_350 : vector<8x128xf32>
      %logistic3A_352 = math.exp %logistic3A_351 : vector<8x128xf32>
      %logistic3A_353 = arith.constant 1.000000e+00 : f32
      %logistic3A_354 = vector.broadcast %logistic3A_353 : f32 to vector<8x128xf32>
      %logistic3A_355 = arith.addf %logistic3A_354, %logistic3A_352 : vector<8x128xf32>
      %logistic3A_356 = arith.divf %logistic3A_354, %logistic3A_355 : vector<8x128xf32>
      %slice3A_357 = vector.extract_strided_slice %add3A_320 {offsets = [0, 640], sizes = [8, 128], strides = [1, 1]} : vector<8x2048xf32> to vector<8x128xf32>
      %logistic3A_358 = arith.negf %slice3A_357 : vector<8x128xf32>
      %logistic3A_359 = math.exp %logistic3A_358 : vector<8x128xf32>
      %logistic3A_360 = arith.constant 1.000000e+00 : f32
      %logistic3A_361 = vector.broadcast %logistic3A_360 : f32 to vector<8x128xf32>
      %logistic3A_362 = arith.addf %logistic3A_361, %logistic3A_359 : vector<8x128xf32>
      %logistic3A_363 = arith.divf %logistic3A_361, %logistic3A_362 : vector<8x128xf32>
      %slice3A_364 = vector.extract_strided_slice %add3A_320 {offsets = [0, 768], sizes = [8, 128], strides = [1, 1]} : vector<8x2048xf32> to vector<8x128xf32>
      %tanh3A_365 = math.tanh %slice3A_364 : vector<8x128xf32>
      %slice3A_366 = vector.extract_strided_slice %add3A_320 {offsets = [0, 896], sizes = [8, 128], strides = [1, 1]} : vector<8x2048xf32> to vector<8x128xf32>
      %logistic3A_367 = arith.negf %slice3A_366 : vector<8x128xf32>
      %logistic3A_368 = math.exp %logistic3A_367 : vector<8x128xf32>
      %logistic3A_369 = arith.constant 1.000000e+00 : f32
      %logistic3A_370 = vector.broadcast %logistic3A_369 : f32 to vector<8x128xf32>
      %logistic3A_371 = arith.addf %logistic3A_370, %logistic3A_368 : vector<8x128xf32>
      %logistic3A_372 = arith.divf %logistic3A_370, %logistic3A_371 : vector<8x128xf32>
      %slice3A_373 = vector.extract_strided_slice %concatenate3A_306 {offsets = [0, 128], sizes = [8, 128], strides = [1, 1]} : vector<8x512xf32> to vector<8x128xf32>
      %mul3A_374 = arith.mulf %logistic3A_363, %slice3A_373 : vector<8x128xf32>
      %mul3A_375 = arith.mulf %logistic3A_356, %tanh3A_365 : vector<8x128xf32>
      %add3A_376 = arith.addf %mul3A_374, %mul3A_375 : vector<8x128xf32>
      %tanh3A_377 = math.tanh %add3A_376 : vector<8x128xf32>
      %mul3A_378 = arith.mulf %logistic3A_372, %tanh3A_377 : vector<8x128xf32>
      %slice3A_379 = vector.extract_strided_slice %add3A_320 {offsets = [0, 1024], sizes = [8, 128], strides = [1, 1]} : vector<8x2048xf32> to vector<8x128xf32>
      %logistic3A_380 = arith.negf %slice3A_379 : vector<8x128xf32>
      %logistic3A_381 = math.exp %logistic3A_380 : vector<8x128xf32>
      %logistic3A_382 = arith.constant 1.000000e+00 : f32
      %logistic3A_383 = vector.broadcast %logistic3A_382 : f32 to vector<8x128xf32>
      %logistic3A_384 = arith.addf %logistic3A_383, %logistic3A_381 : vector<8x128xf32>
      %logistic3A_385 = arith.divf %logistic3A_383, %logistic3A_384 : vector<8x128xf32>
      %slice3A_386 = vector.extract_strided_slice %add3A_320 {offsets = [0, 1152], sizes = [8, 128], strides = [1, 1]} : vector<8x2048xf32> to vector<8x128xf32>
      %logistic3A_387 = arith.negf %slice3A_386 : vector<8x128xf32>
      %logistic3A_388 = math.exp %logistic3A_387 : vector<8x128xf32>
      %logistic3A_389 = arith.constant 1.000000e+00 : f32
      %logistic3A_390 = vector.broadcast %logistic3A_389 : f32 to vector<8x128xf32>
      %logistic3A_391 = arith.addf %logistic3A_390, %logistic3A_388 : vector<8x128xf32>
      %logistic3A_392 = arith.divf %logistic3A_390, %logistic3A_391 : vector<8x128xf32>
      %slice3A_393 = vector.extract_strided_slice %add3A_320 {offsets = [0, 1280], sizes = [8, 128], strides = [1, 1]} : vector<8x2048xf32> to vector<8x128xf32>
      %tanh3A_394 = math.tanh %slice3A_393 : vector<8x128xf32>
      %slice3A_395 = vector.extract_strided_slice %add3A_320 {offsets = [0, 1408], sizes = [8, 128], strides = [1, 1]} : vector<8x2048xf32> to vector<8x128xf32>
      %logistic3A_396 = arith.negf %slice3A_395 : vector<8x128xf32>
      %logistic3A_397 = math.exp %logistic3A_396 : vector<8x128xf32>
      %logistic3A_398 = arith.constant 1.000000e+00 : f32
      %logistic3A_399 = vector.broadcast %logistic3A_398 : f32 to vector<8x128xf32>
      %logistic3A_400 = arith.addf %logistic3A_399, %logistic3A_397 : vector<8x128xf32>
      %logistic3A_401 = arith.divf %logistic3A_399, %logistic3A_400 : vector<8x128xf32>
      %slice3A_402 = vector.extract_strided_slice %concatenate3A_306 {offsets = [0, 256], sizes = [8, 128], strides = [1, 1]} : vector<8x512xf32> to vector<8x128xf32>
      %mul3A_403 = arith.mulf %logistic3A_392, %slice3A_402 : vector<8x128xf32>
      %mul3A_404 = arith.mulf %logistic3A_385, %tanh3A_394 : vector<8x128xf32>
      %add3A_405 = arith.addf %mul3A_403, %mul3A_404 : vector<8x128xf32>
      %tanh3A_406 = math.tanh %add3A_405 : vector<8x128xf32>
      %mul3A_407 = arith.mulf %logistic3A_401, %tanh3A_406 : vector<8x128xf32>
      %slice3A_408 = vector.extract_strided_slice %add3A_320 {offsets = [0, 1536], sizes = [8, 128], strides = [1, 1]} : vector<8x2048xf32> to vector<8x128xf32>
      %logistic3A_409 = arith.negf %slice3A_408 : vector<8x128xf32>
      %logistic3A_410 = math.exp %logistic3A_409 : vector<8x128xf32>
      %logistic3A_411 = arith.constant 1.000000e+00 : f32
      %logistic3A_412 = vector.broadcast %logistic3A_411 : f32 to vector<8x128xf32>
      %logistic3A_413 = arith.addf %logistic3A_412, %logistic3A_410 : vector<8x128xf32>
      %logistic3A_414 = arith.divf %logistic3A_412, %logistic3A_413 : vector<8x128xf32>
      %slice3A_415 = vector.extract_strided_slice %add3A_320 {offsets = [0, 1664], sizes = [8, 128], strides = [1, 1]} : vector<8x2048xf32> to vector<8x128xf32>
      %logistic3A_416 = arith.negf %slice3A_415 : vector<8x128xf32>
      %logistic3A_417 = math.exp %logistic3A_416 : vector<8x128xf32>
      %logistic3A_418 = arith.constant 1.000000e+00 : f32
      %logistic3A_419 = vector.broadcast %logistic3A_418 : f32 to vector<8x128xf32>
      %logistic3A_420 = arith.addf %logistic3A_419, %logistic3A_417 : vector<8x128xf32>
      %logistic3A_421 = arith.divf %logistic3A_419, %logistic3A_420 : vector<8x128xf32>
      %slice3A_422 = vector.extract_strided_slice %add3A_320 {offsets = [0, 1792], sizes = [8, 128], strides = [1, 1]} : vector<8x2048xf32> to vector<8x128xf32>
      %tanh3A_423 = math.tanh %slice3A_422 : vector<8x128xf32>
      %slice3A_424 = vector.extract_strided_slice %add3A_320 {offsets = [0, 1920], sizes = [8, 128], strides = [1, 1]} : vector<8x2048xf32> to vector<8x128xf32>
      %logistic3A_425 = arith.negf %slice3A_424 : vector<8x128xf32>
      %logistic3A_426 = math.exp %logistic3A_425 : vector<8x128xf32>
      %logistic3A_427 = arith.constant 1.000000e+00 : f32
      %logistic3A_428 = vector.broadcast %logistic3A_427 : f32 to vector<8x128xf32>
      %logistic3A_429 = arith.addf %logistic3A_428, %logistic3A_426 : vector<8x128xf32>
      %logistic3A_430 = arith.divf %logistic3A_428, %logistic3A_429 : vector<8x128xf32>
      %slice3A_431 = vector.extract_strided_slice %concatenate3A_306 {offsets = [0, 384], sizes = [8, 128], strides = [1, 1]} : vector<8x512xf32> to vector<8x128xf32>
      %mul3A_432 = arith.mulf %logistic3A_421, %slice3A_431 : vector<8x128xf32>
      %mul3A_433 = arith.mulf %logistic3A_414, %tanh3A_423 : vector<8x128xf32>
      %add3A_434 = arith.addf %mul3A_432, %mul3A_433 : vector<8x128xf32>
      %tanh3A_435 = math.tanh %add3A_434 : vector<8x128xf32>
      %mul3A_436 = arith.mulf %logistic3A_430, %tanh3A_435 : vector<8x128xf32>
      %concatenate3A_437 = tpu.concatenate %mul3A_349, %mul3A_378, %mul3A_407, %mul3A_436 in 1 : vector<8x128xf32>, vector<8x128xf32>, vector<8x128xf32>, vector<8x128xf32> -> vector<8x512xf32>
      %concatenate3A_438 = tpu.concatenate %add3A_347, %add3A_376, %add3A_405, %add3A_434 in 1 : vector<8x128xf32>, vector<8x128xf32>, vector<8x128xf32>, vector<8x128xf32> -> vector<8x512xf32>
      %scan3A_439 = arith.constant 3 : i32
      %scan3A_440 = arith.addi %scan3A_46, %scan3A_439 : i32
      %mul3A_441 = arith.constant 8 : i32
      %mul3A_442 = arith.muli %scan3A_440, %mul3A_441 : i32
      %get3A_443 = arith.index_cast %mul3A_442 : i32 to index
      %get3A_444 = arith.constant 0 : index
      %get3A_445 = vector.load %arg10[%get3A_443, %get3A_444] : memref<768x2048xf32, #tpu.memory_space<vmem>>, vector<8x2048xf32>
      %convert_element_type3A_446 = arith.truncf %concatenate3A_437 : vector<8x512xf32> to vector<8x512xbf16>
      %get3A_447 = arith.constant 0 : index
      %get3A_448 = arith.constant 0 : index
      %get3A_449 = vector.load %arg2[%get3A_447, %get3A_448] : memref<512x2048xbf16, #tpu.memory_space<vmem>>, vector<512x2048xbf16>
      %dot_general3A_450 = arith.constant dense<0.000000e+00> : vector<8x2048xf32>
      %dot_general3A_451 = tpu.matmul %convert_element_type3A_446, %get3A_449, %dot_general3A_450 {dimension_numbers = #tpu.dot_dimension_numbers<[1], [0], [0], [1], [0, 0, 1, 1], [], []>, transpose_lhs_hint = false} : vector<8x512xbf16>, vector<512x2048xbf16>, vector<8x2048xf32> -> vector<8x2048xf32>
      %add3A_452 = arith.addf %get3A_445, %dot_general3A_451 : vector<8x2048xf32>
      %slice3A_453 = vector.extract_strided_slice %add3A_452 {offsets = [0, 0], sizes = [8, 128], strides = [1, 1]} : vector<8x2048xf32> to vector<8x128xf32>
      %logistic3A_454 = arith.negf %slice3A_453 : vector<8x128xf32>
      %logistic3A_455 = math.exp %logistic3A_454 : vector<8x128xf32>
      %logistic3A_456 = arith.constant 1.000000e+00 : f32
      %logistic3A_457 = vector.broadcast %logistic3A_456 : f32 to vector<8x128xf32>
      %logistic3A_458 = arith.addf %logistic3A_457, %logistic3A_455 : vector<8x128xf32>
      %logistic3A_459 = arith.divf %logistic3A_457, %logistic3A_458 : vector<8x128xf32>
      %slice3A_460 = vector.extract_strided_slice %add3A_452 {offsets = [0, 128], sizes = [8, 128], strides = [1, 1]} : vector<8x2048xf32> to vector<8x128xf32>
      %logistic3A_461 = arith.negf %slice3A_460 : vector<8x128xf32>
      %logistic3A_462 = math.exp %logistic3A_461 : vector<8x128xf32>
      %logistic3A_463 = arith.constant 1.000000e+00 : f32
      %logistic3A_464 = vector.broadcast %logistic3A_463 : f32 to vector<8x128xf32>
      %logistic3A_465 = arith.addf %logistic3A_464, %logistic3A_462 : vector<8x128xf32>
      %logistic3A_466 = arith.divf %logistic3A_464, %logistic3A_465 : vector<8x128xf32>
      %slice3A_467 = vector.extract_strided_slice %add3A_452 {offsets = [0, 256], sizes = [8, 128], strides = [1, 1]} : vector<8x2048xf32> to vector<8x128xf32>
      %tanh3A_468 = math.tanh %slice3A_467 : vector<8x128xf32>
      %slice3A_469 = vector.extract_strided_slice %add3A_452 {offsets = [0, 384], sizes = [8, 128], strides = [1, 1]} : vector<8x2048xf32> to vector<8x128xf32>
      %logistic3A_470 = arith.negf %slice3A_469 : vector<8x128xf32>
      %logistic3A_471 = math.exp %logistic3A_470 : vector<8x128xf32>
      %logistic3A_472 = arith.constant 1.000000e+00 : f32
      %logistic3A_473 = vector.broadcast %logistic3A_472 : f32 to vector<8x128xf32>
      %logistic3A_474 = arith.addf %logistic3A_473, %logistic3A_471 : vector<8x128xf32>
      %logistic3A_475 = arith.divf %logistic3A_473, %logistic3A_474 : vector<8x128xf32>
      %slice3A_476 = vector.extract_strided_slice %concatenate3A_438 {offsets = [0, 0], sizes = [8, 128], strides = [1, 1]} : vector<8x512xf32> to vector<8x128xf32>
      %mul3A_477 = arith.mulf %logistic3A_466, %slice3A_476 : vector<8x128xf32>
      %mul3A_478 = arith.mulf %logistic3A_459, %tanh3A_468 : vector<8x128xf32>
      %add3A_479 = arith.addf %mul3A_477, %mul3A_478 : vector<8x128xf32>
      %tanh3A_480 = math.tanh %add3A_479 : vector<8x128xf32>
      %mul3A_481 = arith.mulf %logistic3A_475, %tanh3A_480 : vector<8x128xf32>
      %slice3A_482 = vector.extract_strided_slice %add3A_452 {offsets = [0, 512], sizes = [8, 128], strides = [1, 1]} : vector<8x2048xf32> to vector<8x128xf32>
      %logistic3A_483 = arith.negf %slice3A_482 : vector<8x128xf32>
      %logistic3A_484 = math.exp %logistic3A_483 : vector<8x128xf32>
      %logistic3A_485 = arith.constant 1.000000e+00 : f32
      %logistic3A_486 = vector.broadcast %logistic3A_485 : f32 to vector<8x128xf32>
      %logistic3A_487 = arith.addf %logistic3A_486, %logistic3A_484 : vector<8x128xf32>
      %logistic3A_488 = arith.divf %logistic3A_486, %logistic3A_487 : vector<8x128xf32>
      %slice3A_489 = vector.extract_strided_slice %add3A_452 {offsets = [0, 640], sizes = [8, 128], strides = [1, 1]} : vector<8x2048xf32> to vector<8x128xf32>
      %logistic3A_490 = arith.negf %slice3A_489 : vector<8x128xf32>
      %logistic3A_491 = math.exp %logistic3A_490 : vector<8x128xf32>
      %logistic3A_492 = arith.constant 1.000000e+00 : f32
      %logistic3A_493 = vector.broadcast %logistic3A_492 : f32 to vector<8x128xf32>
      %logistic3A_494 = arith.addf %logistic3A_493, %logistic3A_491 : vector<8x128xf32>
      %logistic3A_495 = arith.divf %logistic3A_493, %logistic3A_494 : vector<8x128xf32>
      %slice3A_496 = vector.extract_strided_slice %add3A_452 {offsets = [0, 768], sizes = [8, 128], strides = [1, 1]} : vector<8x2048xf32> to vector<8x128xf32>
      %tanh3A_497 = math.tanh %slice3A_496 : vector<8x128xf32>
      %slice3A_498 = vector.extract_strided_slice %add3A_452 {offsets = [0, 896], sizes = [8, 128], strides = [1, 1]} : vector<8x2048xf32> to vector<8x128xf32>
      %logistic3A_499 = arith.negf %slice3A_498 : vector<8x128xf32>
      %logistic3A_500 = math.exp %logistic3A_499 : vector<8x128xf32>
      %logistic3A_501 = arith.constant 1.000000e+00 : f32
      %logistic3A_502 = vector.broadcast %logistic3A_501 : f32 to vector<8x128xf32>
      %logistic3A_503 = arith.addf %logistic3A_502, %logistic3A_500 : vector<8x128xf32>
      %logistic3A_504 = arith.divf %logistic3A_502, %logistic3A_503 : vector<8x128xf32>
      %slice3A_505 = vector.extract_strided_slice %concatenate3A_438 {offsets = [0, 128], sizes = [8, 128], strides = [1, 1]} : vector<8x512xf32> to vector<8x128xf32>
      %mul3A_506 = arith.mulf %logistic3A_495, %slice3A_505 : vector<8x128xf32>
      %mul3A_507 = arith.mulf %logistic3A_488, %tanh3A_497 : vector<8x128xf32>
      %add3A_508 = arith.addf %mul3A_506, %mul3A_507 : vector<8x128xf32>
      %tanh3A_509 = math.tanh %add3A_508 : vector<8x128xf32>
      %mul3A_510 = arith.mulf %logistic3A_504, %tanh3A_509 : vector<8x128xf32>
      %slice3A_511 = vector.extract_strided_slice %add3A_452 {offsets = [0, 1024], sizes = [8, 128], strides = [1, 1]} : vector<8x2048xf32> to vector<8x128xf32>
      %logistic3A_512 = arith.negf %slice3A_511 : vector<8x128xf32>
      %logistic3A_513 = math.exp %logistic3A_512 : vector<8x128xf32>
      %logistic3A_514 = arith.constant 1.000000e+00 : f32
      %logistic3A_515 = vector.broadcast %logistic3A_514 : f32 to vector<8x128xf32>
      %logistic3A_516 = arith.addf %logistic3A_515, %logistic3A_513 : vector<8x128xf32>
      %logistic3A_517 = arith.divf %logistic3A_515, %logistic3A_516 : vector<8x128xf32>
      %slice3A_518 = vector.extract_strided_slice %add3A_452 {offsets = [0, 1152], sizes = [8, 128], strides = [1, 1]} : vector<8x2048xf32> to vector<8x128xf32>
      %logistic3A_519 = arith.negf %slice3A_518 : vector<8x128xf32>
      %logistic3A_520 = math.exp %logistic3A_519 : vector<8x128xf32>
      %logistic3A_521 = arith.constant 1.000000e+00 : f32
      %logistic3A_522 = vector.broadcast %logistic3A_521 : f32 to vector<8x128xf32>
      %logistic3A_523 = arith.addf %logistic3A_522, %logistic3A_520 : vector<8x128xf32>
      %logistic3A_524 = arith.divf %logistic3A_522, %logistic3A_523 : vector<8x128xf32>
      %slice3A_525 = vector.extract_strided_slice %add3A_452 {offsets = [0, 1280], sizes = [8, 128], strides = [1, 1]} : vector<8x2048xf32> to vector<8x128xf32>
      %tanh3A_526 = math.tanh %slice3A_525 : vector<8x128xf32>
      %slice3A_527 = vector.extract_strided_slice %add3A_452 {offsets = [0, 1408], sizes = [8, 128], strides = [1, 1]} : vector<8x2048xf32> to vector<8x128xf32>
      %logistic3A_528 = arith.negf %slice3A_527 : vector<8x128xf32>
      %logistic3A_529 = math.exp %logistic3A_528 : vector<8x128xf32>
      %logistic3A_530 = arith.constant 1.000000e+00 : f32
      %logistic3A_531 = vector.broadcast %logistic3A_530 : f32 to vector<8x128xf32>
      %logistic3A_532 = arith.addf %logistic3A_531, %logistic3A_529 : vector<8x128xf32>
      %logistic3A_533 = arith.divf %logistic3A_531, %logistic3A_532 : vector<8x128xf32>
      %slice3A_534 = vector.extract_strided_slice %concatenate3A_438 {offsets = [0, 256], sizes = [8, 128], strides = [1, 1]} : vector<8x512xf32> to vector<8x128xf32>
      %mul3A_535 = arith.mulf %logistic3A_524, %slice3A_534 : vector<8x128xf32>
      %mul3A_536 = arith.mulf %logistic3A_517, %tanh3A_526 : vector<8x128xf32>
      %add3A_537 = arith.addf %mul3A_535, %mul3A_536 : vector<8x128xf32>
      %tanh3A_538 = math.tanh %add3A_537 : vector<8x128xf32>
      %mul3A_539 = arith.mulf %logistic3A_533, %tanh3A_538 : vector<8x128xf32>
      %slice3A_540 = vector.extract_strided_slice %add3A_452 {offsets = [0, 1536], sizes = [8, 128], strides = [1, 1]} : vector<8x2048xf32> to vector<8x128xf32>
      %logistic3A_541 = arith.negf %slice3A_540 : vector<8x128xf32>
      %logistic3A_542 = math.exp %logistic3A_541 : vector<8x128xf32>
      %logistic3A_543 = arith.constant 1.000000e+00 : f32
      %logistic3A_544 = vector.broadcast %logistic3A_543 : f32 to vector<8x128xf32>
      %logistic3A_545 = arith.addf %logistic3A_544, %logistic3A_542 : vector<8x128xf32>
      %logistic3A_546 = arith.divf %logistic3A_544, %logistic3A_545 : vector<8x128xf32>
      %slice3A_547 = vector.extract_strided_slice %add3A_452 {offsets = [0, 1664], sizes = [8, 128], strides = [1, 1]} : vector<8x2048xf32> to vector<8x128xf32>
      %logistic3A_548 = arith.negf %slice3A_547 : vector<8x128xf32>
      %logistic3A_549 = math.exp %logistic3A_548 : vector<8x128xf32>
      %logistic3A_550 = arith.constant 1.000000e+00 : f32
      %logistic3A_551 = vector.broadcast %logistic3A_550 : f32 to vector<8x128xf32>
      %logistic3A_552 = arith.addf %logistic3A_551, %logistic3A_549 : vector<8x128xf32>
      %logistic3A_553 = arith.divf %logistic3A_551, %logistic3A_552 : vector<8x128xf32>
      %slice3A_554 = vector.extract_strided_slice %add3A_452 {offsets = [0, 1792], sizes = [8, 128], strides = [1, 1]} : vector<8x2048xf32> to vector<8x128xf32>
      %tanh3A_555 = math.tanh %slice3A_554 : vector<8x128xf32>
      %slice3A_556 = vector.extract_strided_slice %add3A_452 {offsets = [0, 1920], sizes = [8, 128], strides = [1, 1]} : vector<8x2048xf32> to vector<8x128xf32>
      %logistic3A_557 = arith.negf %slice3A_556 : vector<8x128xf32>
      %logistic3A_558 = math.exp %logistic3A_557 : vector<8x128xf32>
      %logistic3A_559 = arith.constant 1.000000e+00 : f32
      %logistic3A_560 = vector.broadcast %logistic3A_559 : f32 to vector<8x128xf32>
      %logistic3A_561 = arith.addf %logistic3A_560, %logistic3A_558 : vector<8x128xf32>
      %logistic3A_562 = arith.divf %logistic3A_560, %logistic3A_561 : vector<8x128xf32>
      %slice3A_563 = vector.extract_strided_slice %concatenate3A_438 {offsets = [0, 384], sizes = [8, 128], strides = [1, 1]} : vector<8x512xf32> to vector<8x128xf32>
      %mul3A_564 = arith.mulf %logistic3A_553, %slice3A_563 : vector<8x128xf32>
      %mul3A_565 = arith.mulf %logistic3A_546, %tanh3A_555 : vector<8x128xf32>
      %add3A_566 = arith.addf %mul3A_564, %mul3A_565 : vector<8x128xf32>
      %tanh3A_567 = math.tanh %add3A_566 : vector<8x128xf32>
      %mul3A_568 = arith.mulf %logistic3A_562, %tanh3A_567 : vector<8x128xf32>
      %concatenate3A_569 = tpu.concatenate %mul3A_481, %mul3A_510, %mul3A_539, %mul3A_568 in 1 : vector<8x128xf32>, vector<8x128xf32>, vector<8x128xf32>, vector<8x128xf32> -> vector<8x512xf32>
      %concatenate3A_570 = tpu.concatenate %add3A_479, %add3A_508, %add3A_537, %add3A_566 in 1 : vector<8x128xf32>, vector<8x128xf32>, vector<8x128xf32>, vector<8x128xf32> -> vector<8x512xf32>
      %scan3A_571 = arith.constant 4 : i32
      %scan3A_572 = arith.addi %scan3A_46, %scan3A_571 : i32
      %mul3A_573 = arith.constant 8 : i32
      %mul3A_574 = arith.muli %scan3A_572, %mul3A_573 : i32
      %get3A_575 = arith.index_cast %mul3A_574 : i32 to index
      %get3A_576 = arith.constant 0 : index
      %get3A_577 = vector.load %arg10[%get3A_575, %get3A_576] : memref<768x2048xf32, #tpu.memory_space<vmem>>, vector<8x2048xf32>
      %convert_element_type3A_578 = arith.truncf %concatenate3A_569 : vector<8x512xf32> to vector<8x512xbf16>
      %get3A_579 = arith.constant 0 : index
      %get3A_580 = arith.constant 0 : index
      %get3A_581 = vector.load %arg2[%get3A_579, %get3A_580] : memref<512x2048xbf16, #tpu.memory_space<vmem>>, vector<512x2048xbf16>
      %dot_general3A_582 = arith.constant dense<0.000000e+00> : vector<8x2048xf32>
      %dot_general3A_583 = tpu.matmul %convert_element_type3A_578, %get3A_581, %dot_general3A_582 {dimension_numbers = #tpu.dot_dimension_numbers<[1], [0], [0], [1], [0, 0, 1, 1], [], []>, transpose_lhs_hint = false} : vector<8x512xbf16>, vector<512x2048xbf16>, vector<8x2048xf32> -> vector<8x2048xf32>
      %add3A_584 = arith.addf %get3A_577, %dot_general3A_583 : vector<8x2048xf32>
      %slice3A_585 = vector.extract_strided_slice %add3A_584 {offsets = [0, 0], sizes = [8, 128], strides = [1, 1]} : vector<8x2048xf32> to vector<8x128xf32>
      %logistic3A_586 = arith.negf %slice3A_585 : vector<8x128xf32>
      %logistic3A_587 = math.exp %logistic3A_586 : vector<8x128xf32>
      %logistic3A_588 = arith.constant 1.000000e+00 : f32
      %logistic3A_589 = vector.broadcast %logistic3A_588 : f32 to vector<8x128xf32>
      %logistic3A_590 = arith.addf %logistic3A_589, %logistic3A_587 : vector<8x128xf32>
      %logistic3A_591 = arith.divf %logistic3A_589, %logistic3A_590 : vector<8x128xf32>
      %slice3A_592 = vector.extract_strided_slice %add3A_584 {offsets = [0, 128], sizes = [8, 128], strides = [1, 1]} : vector<8x2048xf32> to vector<8x128xf32>
      %logistic3A_593 = arith.negf %slice3A_592 : vector<8x128xf32>
      %logistic3A_594 = math.exp %logistic3A_593 : vector<8x128xf32>
      %logistic3A_595 = arith.constant 1.000000e+00 : f32
      %logistic3A_596 = vector.broadcast %logistic3A_595 : f32 to vector<8x128xf32>
      %logistic3A_597 = arith.addf %logistic3A_596, %logistic3A_594 : vector<8x128xf32>
      %logistic3A_598 = arith.divf %logistic3A_596, %logistic3A_597 : vector<8x128xf32>
      %slice3A_599 = vector.extract_strided_slice %add3A_584 {offsets = [0, 256], sizes = [8, 128], strides = [1, 1]} : vector<8x2048xf32> to vector<8x128xf32>
      %tanh3A_600 = math.tanh %slice3A_599 : vector<8x128xf32>
      %slice3A_601 = vector.extract_strided_slice %add3A_584 {offsets = [0, 384], sizes = [8, 128], strides = [1, 1]} : vector<8x2048xf32> to vector<8x128xf32>
      %logistic3A_602 = arith.negf %slice3A_601 : vector<8x128xf32>
      %logistic3A_603 = math.exp %logistic3A_602 : vector<8x128xf32>
      %logistic3A_604 = arith.constant 1.000000e+00 : f32
      %logistic3A_605 = vector.broadcast %logistic3A_604 : f32 to vector<8x128xf32>
      %logistic3A_606 = arith.addf %logistic3A_605, %logistic3A_603 : vector<8x128xf32>
      %logistic3A_607 = arith.divf %logistic3A_605, %logistic3A_606 : vector<8x128xf32>
      %slice3A_608 = vector.extract_strided_slice %concatenate3A_570 {offsets = [0, 0], sizes = [8, 128], strides = [1, 1]} : vector<8x512xf32> to vector<8x128xf32>
      %mul3A_609 = arith.mulf %logistic3A_598, %slice3A_608 : vector<8x128xf32>
      %mul3A_610 = arith.mulf %logistic3A_591, %tanh3A_600 : vector<8x128xf32>
      %add3A_611 = arith.addf %mul3A_609, %mul3A_610 : vector<8x128xf32>
      %tanh3A_612 = math.tanh %add3A_611 : vector<8x128xf32>
      %mul3A_613 = arith.mulf %logistic3A_607, %tanh3A_612 : vector<8x128xf32>
      %slice3A_614 = vector.extract_strided_slice %add3A_584 {offsets = [0, 512], sizes = [8, 128], strides = [1, 1]} : vector<8x2048xf32> to vector<8x128xf32>
      %logistic3A_615 = arith.negf %slice3A_614 : vector<8x128xf32>
      %logistic3A_616 = math.exp %logistic3A_615 : vector<8x128xf32>
      %logistic3A_617 = arith.constant 1.000000e+00 : f32
      %logistic3A_618 = vector.broadcast %logistic3A_617 : f32 to vector<8x128xf32>
      %logistic3A_619 = arith.addf %logistic3A_618, %logistic3A_616 : vector<8x128xf32>
      %logistic3A_620 = arith.divf %logistic3A_618, %logistic3A_619 : vector<8x128xf32>
      %slice3A_621 = vector.extract_strided_slice %add3A_584 {offsets = [0, 640], sizes = [8, 128], strides = [1, 1]} : vector<8x2048xf32> to vector<8x128xf32>
      %logistic3A_622 = arith.negf %slice3A_621 : vector<8x128xf32>
      %logistic3A_623 = math.exp %logistic3A_622 : vector<8x128xf32>
      %logistic3A_624 = arith.constant 1.000000e+00 : f32
      %logistic3A_625 = vector.broadcast %logistic3A_624 : f32 to vector<8x128xf32>
      %logistic3A_626 = arith.addf %logistic3A_625, %logistic3A_623 : vector<8x128xf32>
      %logistic3A_627 = arith.divf %logistic3A_625, %logistic3A_626 : vector<8x128xf32>
      %slice3A_628 = vector.extract_strided_slice %add3A_584 {offsets = [0, 768], sizes = [8, 128], strides = [1, 1]} : vector<8x2048xf32> to vector<8x128xf32>
      %tanh3A_629 = math.tanh %slice3A_628 : vector<8x128xf32>
      %slice3A_630 = vector.extract_strided_slice %add3A_584 {offsets = [0, 896], sizes = [8, 128], strides = [1, 1]} : vector<8x2048xf32> to vector<8x128xf32>
      %logistic3A_631 = arith.negf %slice3A_630 : vector<8x128xf32>
      %logistic3A_632 = math.exp %logistic3A_631 : vector<8x128xf32>
      %logistic3A_633 = arith.constant 1.000000e+00 : f32
      %logistic3A_634 = vector.broadcast %logistic3A_633 : f32 to vector<8x128xf32>
      %logistic3A_635 = arith.addf %logistic3A_634, %logistic3A_632 : vector<8x128xf32>
      %logistic3A_636 = arith.divf %logistic3A_634, %logistic3A_635 : vector<8x128xf32>
      %slice3A_637 = vector.extract_strided_slice %concatenate3A_570 {offsets = [0, 128], sizes = [8, 128], strides = [1, 1]} : vector<8x512xf32> to vector<8x128xf32>
      %mul3A_638 = arith.mulf %logistic3A_627, %slice3A_637 : vector<8x128xf32>
      %mul3A_639 = arith.mulf %logistic3A_620, %tanh3A_629 : vector<8x128xf32>
      %add3A_640 = arith.addf %mul3A_638, %mul3A_639 : vector<8x128xf32>
      %tanh3A_641 = math.tanh %add3A_640 : vector<8x128xf32>
      %mul3A_642 = arith.mulf %logistic3A_636, %tanh3A_641 : vector<8x128xf32>
      %slice3A_643 = vector.extract_strided_slice %add3A_584 {offsets = [0, 1024], sizes = [8, 128], strides = [1, 1]} : vector<8x2048xf32> to vector<8x128xf32>
      %logistic3A_644 = arith.negf %slice3A_643 : vector<8x128xf32>
      %logistic3A_645 = math.exp %logistic3A_644 : vector<8x128xf32>
      %logistic3A_646 = arith.constant 1.000000e+00 : f32
      %logistic3A_647 = vector.broadcast %logistic3A_646 : f32 to vector<8x128xf32>
      %logistic3A_648 = arith.addf %logistic3A_647, %logistic3A_645 : vector<8x128xf32>
      %logistic3A_649 = arith.divf %logistic3A_647, %logistic3A_648 : vector<8x128xf32>
      %slice3A_650 = vector.extract_strided_slice %add3A_584 {offsets = [0, 1152], sizes = [8, 128], strides = [1, 1]} : vector<8x2048xf32> to vector<8x128xf32>
      %logistic3A_651 = arith.negf %slice3A_650 : vector<8x128xf32>
      %logistic3A_652 = math.exp %logistic3A_651 : vector<8x128xf32>
      %logistic3A_653 = arith.constant 1.000000e+00 : f32
      %logistic3A_654 = vector.broadcast %logistic3A_653 : f32 to vector<8x128xf32>
      %logistic3A_655 = arith.addf %logistic3A_654, %logistic3A_652 : vector<8x128xf32>
      %logistic3A_656 = arith.divf %logistic3A_654, %logistic3A_655 : vector<8x128xf32>
      %slice3A_657 = vector.extract_strided_slice %add3A_584 {offsets = [0, 1280], sizes = [8, 128], strides = [1, 1]} : vector<8x2048xf32> to vector<8x128xf32>
      %tanh3A_658 = math.tanh %slice3A_657 : vector<8x128xf32>
      %slice3A_659 = vector.extract_strided_slice %add3A_584 {offsets = [0, 1408], sizes = [8, 128], strides = [1, 1]} : vector<8x2048xf32> to vector<8x128xf32>
      %logistic3A_660 = arith.negf %slice3A_659 : vector<8x128xf32>
      %logistic3A_661 = math.exp %logistic3A_660 : vector<8x128xf32>
      %logistic3A_662 = arith.constant 1.000000e+00 : f32
      %logistic3A_663 = vector.broadcast %logistic3A_662 : f32 to vector<8x128xf32>
      %logistic3A_664 = arith.addf %logistic3A_663, %logistic3A_661 : vector<8x128xf32>
      %logistic3A_665 = arith.divf %logistic3A_663, %logistic3A_664 : vector<8x128xf32>
      %slice3A_666 = vector.extract_strided_slice %concatenate3A_570 {offsets = [0, 256], sizes = [8, 128], strides = [1, 1]} : vector<8x512xf32> to vector<8x128xf32>
      %mul3A_667 = arith.mulf %logistic3A_656, %slice3A_666 : vector<8x128xf32>
      %mul3A_668 = arith.mulf %logistic3A_649, %tanh3A_658 : vector<8x128xf32>
      %add3A_669 = arith.addf %mul3A_667, %mul3A_668 : vector<8x128xf32>
      %tanh3A_670 = math.tanh %add3A_669 : vector<8x128xf32>
      %mul3A_671 = arith.mulf %logistic3A_665, %tanh3A_670 : vector<8x128xf32>
      %slice3A_672 = vector.extract_strided_slice %add3A_584 {offsets = [0, 1536], sizes = [8, 128], strides = [1, 1]} : vector<8x2048xf32> to vector<8x128xf32>
      %logistic3A_673 = arith.negf %slice3A_672 : vector<8x128xf32>
      %logistic3A_674 = math.exp %logistic3A_673 : vector<8x128xf32>
      %logistic3A_675 = arith.constant 1.000000e+00 : f32
      %logistic3A_676 = vector.broadcast %logistic3A_675 : f32 to vector<8x128xf32>
      %logistic3A_677 = arith.addf %logistic3A_676, %logistic3A_674 : vector<8x128xf32>
      %logistic3A_678 = arith.divf %logistic3A_676, %logistic3A_677 : vector<8x128xf32>
      %slice3A_679 = vector.extract_strided_slice %add3A_584 {offsets = [0, 1664], sizes = [8, 128], strides = [1, 1]} : vector<8x2048xf32> to vector<8x128xf32>
      %logistic3A_680 = arith.negf %slice3A_679 : vector<8x128xf32>
      %logistic3A_681 = math.exp %logistic3A_680 : vector<8x128xf32>
      %logistic3A_682 = arith.constant 1.000000e+00 : f32
      %logistic3A_683 = vector.broadcast %logistic3A_682 : f32 to vector<8x128xf32>
      %logistic3A_684 = arith.addf %logistic3A_683, %logistic3A_681 : vector<8x128xf32>
      %logistic3A_685 = arith.divf %logistic3A_683, %logistic3A_684 : vector<8x128xf32>
      %slice3A_686 = vector.extract_strided_slice %add3A_584 {offsets = [0, 1792], sizes = [8, 128], strides = [1, 1]} : vector<8x2048xf32> to vector<8x128xf32>
      %tanh3A_687 = math.tanh %slice3A_686 : vector<8x128xf32>
      %slice3A_688 = vector.extract_strided_slice %add3A_584 {offsets = [0, 1920], sizes = [8, 128], strides = [1, 1]} : vector<8x2048xf32> to vector<8x128xf32>
      %logistic3A_689 = arith.negf %slice3A_688 : vector<8x128xf32>
      %logistic3A_690 = math.exp %logistic3A_689 : vector<8x128xf32>
      %logistic3A_691 = arith.constant 1.000000e+00 : f32
      %logistic3A_692 = vector.broadcast %logistic3A_691 : f32 to vector<8x128xf32>
      %logistic3A_693 = arith.addf %logistic3A_692, %logistic3A_690 : vector<8x128xf32>
      %logistic3A_694 = arith.divf %logistic3A_692, %logistic3A_693 : vector<8x128xf32>
      %slice3A_695 = vector.extract_strided_slice %concatenate3A_570 {offsets = [0, 384], sizes = [8, 128], strides = [1, 1]} : vector<8x512xf32> to vector<8x128xf32>
      %mul3A_696 = arith.mulf %logistic3A_685, %slice3A_695 : vector<8x128xf32>
      %mul3A_697 = arith.mulf %logistic3A_678, %tanh3A_687 : vector<8x128xf32>
      %add3A_698 = arith.addf %mul3A_696, %mul3A_697 : vector<8x128xf32>
      %tanh3A_699 = math.tanh %add3A_698 : vector<8x128xf32>
      %mul3A_700 = arith.mulf %logistic3A_694, %tanh3A_699 : vector<8x128xf32>
      %concatenate3A_701 = tpu.concatenate %mul3A_613, %mul3A_642, %mul3A_671, %mul3A_700 in 1 : vector<8x128xf32>, vector<8x128xf32>, vector<8x128xf32>, vector<8x128xf32> -> vector<8x512xf32>
      %concatenate3A_702 = tpu.concatenate %add3A_611, %add3A_640, %add3A_669, %add3A_698 in 1 : vector<8x128xf32>, vector<8x128xf32>, vector<8x128xf32>, vector<8x128xf32> -> vector<8x512xf32>
      %scan3A_703 = arith.constant 5 : i32
      %scan3A_704 = arith.addi %scan3A_46, %scan3A_703 : i32
      %mul3A_705 = arith.constant 8 : i32
      %mul3A_706 = arith.muli %scan3A_704, %mul3A_705 : i32
      %get3A_707 = arith.index_cast %mul3A_706 : i32 to index
      %get3A_708 = arith.constant 0 : index
      %get3A_709 = vector.load %arg10[%get3A_707, %get3A_708] : memref<768x2048xf32, #tpu.memory_space<vmem>>, vector<8x2048xf32>
      %convert_element_type3A_710 = arith.truncf %concatenate3A_701 : vector<8x512xf32> to vector<8x512xbf16>
      %get3A_711 = arith.constant 0 : index
      %get3A_712 = arith.constant 0 : index
      %get3A_713 = vector.load %arg2[%get3A_711, %get3A_712] : memref<512x2048xbf16, #tpu.memory_space<vmem>>, vector<512x2048xbf16>
      %dot_general3A_714 = arith.constant dense<0.000000e+00> : vector<8x2048xf32>
      %dot_general3A_715 = tpu.matmul %convert_element_type3A_710, %get3A_713, %dot_general3A_714 {dimension_numbers = #tpu.dot_dimension_numbers<[1], [0], [0], [1], [0, 0, 1, 1], [], []>, transpose_lhs_hint = false} : vector<8x512xbf16>, vector<512x2048xbf16>, vector<8x2048xf32> -> vector<8x2048xf32>
      %add3A_716 = arith.addf %get3A_709, %dot_general3A_715 : vector<8x2048xf32>
      %slice3A_717 = vector.extract_strided_slice %add3A_716 {offsets = [0, 0], sizes = [8, 128], strides = [1, 1]} : vector<8x2048xf32> to vector<8x128xf32>
      %logistic3A_718 = arith.negf %slice3A_717 : vector<8x128xf32>
      %logistic3A_719 = math.exp %logistic3A_718 : vector<8x128xf32>
      %logistic3A_720 = arith.constant 1.000000e+00 : f32
      %logistic3A_721 = vector.broadcast %logistic3A_720 : f32 to vector<8x128xf32>
      %logistic3A_722 = arith.addf %logistic3A_721, %logistic3A_719 : vector<8x128xf32>
      %logistic3A_723 = arith.divf %logistic3A_721, %logistic3A_722 : vector<8x128xf32>
      %slice3A_724 = vector.extract_strided_slice %add3A_716 {offsets = [0, 128], sizes = [8, 128], strides = [1, 1]} : vector<8x2048xf32> to vector<8x128xf32>
      %logistic3A_725 = arith.negf %slice3A_724 : vector<8x128xf32>
      %logistic3A_726 = math.exp %logistic3A_725 : vector<8x128xf32>
      %logistic3A_727 = arith.constant 1.000000e+00 : f32
      %logistic3A_728 = vector.broadcast %logistic3A_727 : f32 to vector<8x128xf32>
      %logistic3A_729 = arith.addf %logistic3A_728, %logistic3A_726 : vector<8x128xf32>
      %logistic3A_730 = arith.divf %logistic3A_728, %logistic3A_729 : vector<8x128xf32>
      %slice3A_731 = vector.extract_strided_slice %add3A_716 {offsets = [0, 256], sizes = [8, 128], strides = [1, 1]} : vector<8x2048xf32> to vector<8x128xf32>
      %tanh3A_732 = math.tanh %slice3A_731 : vector<8x128xf32>
      %slice3A_733 = vector.extract_strided_slice %add3A_716 {offsets = [0, 384], sizes = [8, 128], strides = [1, 1]} : vector<8x2048xf32> to vector<8x128xf32>
      %logistic3A_734 = arith.negf %slice3A_733 : vector<8x128xf32>
      %logistic3A_735 = math.exp %logistic3A_734 : vector<8x128xf32>
      %logistic3A_736 = arith.constant 1.000000e+00 : f32
      %logistic3A_737 = vector.broadcast %logistic3A_736 : f32 to vector<8x128xf32>
      %logistic3A_738 = arith.addf %logistic3A_737, %logistic3A_735 : vector<8x128xf32>
      %logistic3A_739 = arith.divf %logistic3A_737, %logistic3A_738 : vector<8x128xf32>
      %slice3A_740 = vector.extract_strided_slice %concatenate3A_702 {offsets = [0, 0], sizes = [8, 128], strides = [1, 1]} : vector<8x512xf32> to vector<8x128xf32>
      %mul3A_741 = arith.mulf %logistic3A_730, %slice3A_740 : vector<8x128xf32>
      %mul3A_742 = arith.mulf %logistic3A_723, %tanh3A_732 : vector<8x128xf32>
      %add3A_743 = arith.addf %mul3A_741, %mul3A_742 : vector<8x128xf32>
      %tanh3A_744 = math.tanh %add3A_743 : vector<8x128xf32>
      %mul3A_745 = arith.mulf %logistic3A_739, %tanh3A_744 : vector<8x128xf32>
      %slice3A_746 = vector.extract_strided_slice %add3A_716 {offsets = [0, 512], sizes = [8, 128], strides = [1, 1]} : vector<8x2048xf32> to vector<8x128xf32>
      %logistic3A_747 = arith.negf %slice3A_746 : vector<8x128xf32>
      %logistic3A_748 = math.exp %logistic3A_747 : vector<8x128xf32>
      %logistic3A_749 = arith.constant 1.000000e+00 : f32
      %logistic3A_750 = vector.broadcast %logistic3A_749 : f32 to vector<8x128xf32>
      %logistic3A_751 = arith.addf %logistic3A_750, %logistic3A_748 : vector<8x128xf32>
      %logistic3A_752 = arith.divf %logistic3A_750, %logistic3A_751 : vector<8x128xf32>
      %slice3A_753 = vector.extract_strided_slice %add3A_716 {offsets = [0, 640], sizes = [8, 128], strides = [1, 1]} : vector<8x2048xf32> to vector<8x128xf32>
      %logistic3A_754 = arith.negf %slice3A_753 : vector<8x128xf32>
      %logistic3A_755 = math.exp %logistic3A_754 : vector<8x128xf32>
      %logistic3A_756 = arith.constant 1.000000e+00 : f32
      %logistic3A_757 = vector.broadcast %logistic3A_756 : f32 to vector<8x128xf32>
      %logistic3A_758 = arith.addf %logistic3A_757, %logistic3A_755 : vector<8x128xf32>
      %logistic3A_759 = arith.divf %logistic3A_757, %logistic3A_758 : vector<8x128xf32>
      %slice3A_760 = vector.extract_strided_slice %add3A_716 {offsets = [0, 768], sizes = [8, 128], strides = [1, 1]} : vector<8x2048xf32> to vector<8x128xf32>
      %tanh3A_761 = math.tanh %slice3A_760 : vector<8x128xf32>
      %slice3A_762 = vector.extract_strided_slice %add3A_716 {offsets = [0, 896], sizes = [8, 128], strides = [1, 1]} : vector<8x2048xf32> to vector<8x128xf32>
      %logistic3A_763 = arith.negf %slice3A_762 : vector<8x128xf32>
      %logistic3A_764 = math.exp %logistic3A_763 : vector<8x128xf32>
      %logistic3A_765 = arith.constant 1.000000e+00 : f32
      %logistic3A_766 = vector.broadcast %logistic3A_765 : f32 to vector<8x128xf32>
      %logistic3A_767 = arith.addf %logistic3A_766, %logistic3A_764 : vector<8x128xf32>
      %logistic3A_768 = arith.divf %logistic3A_766, %logistic3A_767 : vector<8x128xf32>
      %slice3A_769 = vector.extract_strided_slice %concatenate3A_702 {offsets = [0, 128], sizes = [8, 128], strides = [1, 1]} : vector<8x512xf32> to vector<8x128xf32>
      %mul3A_770 = arith.mulf %logistic3A_759, %slice3A_769 : vector<8x128xf32>
      %mul3A_771 = arith.mulf %logistic3A_752, %tanh3A_761 : vector<8x128xf32>
      %add3A_772 = arith.addf %mul3A_770, %mul3A_771 : vector<8x128xf32>
      %tanh3A_773 = math.tanh %add3A_772 : vector<8x128xf32>
      %mul3A_774 = arith.mulf %logistic3A_768, %tanh3A_773 : vector<8x128xf32>
      %slice3A_775 = vector.extract_strided_slice %add3A_716 {offsets = [0, 1024], sizes = [8, 128], strides = [1, 1]} : vector<8x2048xf32> to vector<8x128xf32>
      %logistic3A_776 = arith.negf %slice3A_775 : vector<8x128xf32>
      %logistic3A_777 = math.exp %logistic3A_776 : vector<8x128xf32>
      %logistic3A_778 = arith.constant 1.000000e+00 : f32
      %logistic3A_779 = vector.broadcast %logistic3A_778 : f32 to vector<8x128xf32>
      %logistic3A_780 = arith.addf %logistic3A_779, %logistic3A_777 : vector<8x128xf32>
      %logistic3A_781 = arith.divf %logistic3A_779, %logistic3A_780 : vector<8x128xf32>
      %slice3A_782 = vector.extract_strided_slice %add3A_716 {offsets = [0, 1152], sizes = [8, 128], strides = [1, 1]} : vector<8x2048xf32> to vector<8x128xf32>
      %logistic3A_783 = arith.negf %slice3A_782 : vector<8x128xf32>
      %logistic3A_784 = math.exp %logistic3A_783 : vector<8x128xf32>
      %logistic3A_785 = arith.constant 1.000000e+00 : f32
      %logistic3A_786 = vector.broadcast %logistic3A_785 : f32 to vector<8x128xf32>
      %logistic3A_787 = arith.addf %logistic3A_786, %logistic3A_784 : vector<8x128xf32>
      %logistic3A_788 = arith.divf %logistic3A_786, %logistic3A_787 : vector<8x128xf32>
      %slice3A_789 = vector.extract_strided_slice %add3A_716 {offsets = [0, 1280], sizes = [8, 128], strides = [1, 1]} : vector<8x2048xf32> to vector<8x128xf32>
      %tanh3A_790 = math.tanh %slice3A_789 : vector<8x128xf32>
      %slice3A_791 = vector.extract_strided_slice %add3A_716 {offsets = [0, 1408], sizes = [8, 128], strides = [1, 1]} : vector<8x2048xf32> to vector<8x128xf32>
      %logistic3A_792 = arith.negf %slice3A_791 : vector<8x128xf32>
      %logistic3A_793 = math.exp %logistic3A_792 : vector<8x128xf32>
      %logistic3A_794 = arith.constant 1.000000e+00 : f32
      %logistic3A_795 = vector.broadcast %logistic3A_794 : f32 to vector<8x128xf32>
      %logistic3A_796 = arith.addf %logistic3A_795, %logistic3A_793 : vector<8x128xf32>
      %logistic3A_797 = arith.divf %logistic3A_795, %logistic3A_796 : vector<8x128xf32>
      %slice3A_798 = vector.extract_strided_slice %concatenate3A_702 {offsets = [0, 256], sizes = [8, 128], strides = [1, 1]} : vector<8x512xf32> to vector<8x128xf32>
      %mul3A_799 = arith.mulf %logistic3A_788, %slice3A_798 : vector<8x128xf32>
      %mul3A_800 = arith.mulf %logistic3A_781, %tanh3A_790 : vector<8x128xf32>
      %add3A_801 = arith.addf %mul3A_799, %mul3A_800 : vector<8x128xf32>
      %tanh3A_802 = math.tanh %add3A_801 : vector<8x128xf32>
      %mul3A_803 = arith.mulf %logistic3A_797, %tanh3A_802 : vector<8x128xf32>
      %slice3A_804 = vector.extract_strided_slice %add3A_716 {offsets = [0, 1536], sizes = [8, 128], strides = [1, 1]} : vector<8x2048xf32> to vector<8x128xf32>
      %logistic3A_805 = arith.negf %slice3A_804 : vector<8x128xf32>
      %logistic3A_806 = math.exp %logistic3A_805 : vector<8x128xf32>
      %logistic3A_807 = arith.constant 1.000000e+00 : f32
      %logistic3A_808 = vector.broadcast %logistic3A_807 : f32 to vector<8x128xf32>
      %logistic3A_809 = arith.addf %logistic3A_808, %logistic3A_806 : vector<8x128xf32>
      %logistic3A_810 = arith.divf %logistic3A_808, %logistic3A_809 : vector<8x128xf32>
      %slice3A_811 = vector.extract_strided_slice %add3A_716 {offsets = [0, 1664], sizes = [8, 128], strides = [1, 1]} : vector<8x2048xf32> to vector<8x128xf32>
      %logistic3A_812 = arith.negf %slice3A_811 : vector<8x128xf32>
      %logistic3A_813 = math.exp %logistic3A_812 : vector<8x128xf32>
      %logistic3A_814 = arith.constant 1.000000e+00 : f32
      %logistic3A_815 = vector.broadcast %logistic3A_814 : f32 to vector<8x128xf32>
      %logistic3A_816 = arith.addf %logistic3A_815, %logistic3A_813 : vector<8x128xf32>
      %logistic3A_817 = arith.divf %logistic3A_815, %logistic3A_816 : vector<8x128xf32>
      %slice3A_818 = vector.extract_strided_slice %add3A_716 {offsets = [0, 1792], sizes = [8, 128], strides = [1, 1]} : vector<8x2048xf32> to vector<8x128xf32>
      %tanh3A_819 = math.tanh %slice3A_818 : vector<8x128xf32>
      %slice3A_820 = vector.extract_strided_slice %add3A_716 {offsets = [0, 1920], sizes = [8, 128], strides = [1, 1]} : vector<8x2048xf32> to vector<8x128xf32>
      %logistic3A_821 = arith.negf %slice3A_820 : vector<8x128xf32>
      %logistic3A_822 = math.exp %logistic3A_821 : vector<8x128xf32>
      %logistic3A_823 = arith.constant 1.000000e+00 : f32
      %logistic3A_824 = vector.broadcast %logistic3A_823 : f32 to vector<8x128xf32>
      %logistic3A_825 = arith.addf %logistic3A_824, %logistic3A_822 : vector<8x128xf32>
      %logistic3A_826 = arith.divf %logistic3A_824, %logistic3A_825 : vector<8x128xf32>
      %slice3A_827 = vector.extract_strided_slice %concatenate3A_702 {offsets = [0, 384], sizes = [8, 128], strides = [1, 1]} : vector<8x512xf32> to vector<8x128xf32>
      %mul3A_828 = arith.mulf %logistic3A_817, %slice3A_827 : vector<8x128xf32>
      %mul3A_829 = arith.mulf %logistic3A_810, %tanh3A_819 : vector<8x128xf32>
      %add3A_830 = arith.addf %mul3A_828, %mul3A_829 : vector<8x128xf32>
      %tanh3A_831 = math.tanh %add3A_830 : vector<8x128xf32>
      %mul3A_832 = arith.mulf %logistic3A_826, %tanh3A_831 : vector<8x128xf32>
      %concatenate3A_833 = tpu.concatenate %mul3A_745, %mul3A_774, %mul3A_803, %mul3A_832 in 1 : vector<8x128xf32>, vector<8x128xf32>, vector<8x128xf32>, vector<8x128xf32> -> vector<8x512xf32>
      %concatenate3A_834 = tpu.concatenate %add3A_743, %add3A_772, %add3A_801, %add3A_830 in 1 : vector<8x128xf32>, vector<8x128xf32>, vector<8x128xf32>, vector<8x128xf32> -> vector<8x512xf32>
      %scan3A_835 = arith.constant 6 : i32
      %scan3A_836 = arith.addi %scan3A_46, %scan3A_835 : i32
      %mul3A_837 = arith.constant 8 : i32
      %mul3A_838 = arith.muli %scan3A_836, %mul3A_837 : i32
      %get3A_839 = arith.index_cast %mul3A_838 : i32 to index
      %get3A_840 = arith.constant 0 : index
      %get3A_841 = vector.load %arg10[%get3A_839, %get3A_840] : memref<768x2048xf32, #tpu.memory_space<vmem>>, vector<8x2048xf32>
      %convert_element_type3A_842 = arith.truncf %concatenate3A_833 : vector<8x512xf32> to vector<8x512xbf16>
      %get3A_843 = arith.constant 0 : index
      %get3A_844 = arith.constant 0 : index
      %get3A_845 = vector.load %arg2[%get3A_843, %get3A_844] : memref<512x2048xbf16, #tpu.memory_space<vmem>>, vector<512x2048xbf16>
      %dot_general3A_846 = arith.constant dense<0.000000e+00> : vector<8x2048xf32>
      %dot_general3A_847 = tpu.matmul %convert_element_type3A_842, %get3A_845, %dot_general3A_846 {dimension_numbers = #tpu.dot_dimension_numbers<[1], [0], [0], [1], [0, 0, 1, 1], [], []>, transpose_lhs_hint = false} : vector<8x512xbf16>, vector<512x2048xbf16>, vector<8x2048xf32> -> vector<8x2048xf32>
      %add3A_848 = arith.addf %get3A_841, %dot_general3A_847 : vector<8x2048xf32>
      %slice3A_849 = vector.extract_strided_slice %add3A_848 {offsets = [0, 0], sizes = [8, 128], strides = [1, 1]} : vector<8x2048xf32> to vector<8x128xf32>
      %logistic3A_850 = arith.negf %slice3A_849 : vector<8x128xf32>
      %logistic3A_851 = math.exp %logistic3A_850 : vector<8x128xf32>
      %logistic3A_852 = arith.constant 1.000000e+00 : f32
      %logistic3A_853 = vector.broadcast %logistic3A_852 : f32 to vector<8x128xf32>
      %logistic3A_854 = arith.addf %logistic3A_853, %logistic3A_851 : vector<8x128xf32>
      %logistic3A_855 = arith.divf %logistic3A_853, %logistic3A_854 : vector<8x128xf32>
      %slice3A_856 = vector.extract_strided_slice %add3A_848 {offsets = [0, 128], sizes = [8, 128], strides = [1, 1]} : vector<8x2048xf32> to vector<8x128xf32>
      %logistic3A_857 = arith.negf %slice3A_856 : vector<8x128xf32>
      %logistic3A_858 = math.exp %logistic3A_857 : vector<8x128xf32>
      %logistic3A_859 = arith.constant 1.000000e+00 : f32
      %logistic3A_860 = vector.broadcast %logistic3A_859 : f32 to vector<8x128xf32>
      %logistic3A_861 = arith.addf %logistic3A_860, %logistic3A_858 : vector<8x128xf32>
      %logistic3A_862 = arith.divf %logistic3A_860, %logistic3A_861 : vector<8x128xf32>
      %slice3A_863 = vector.extract_strided_slice %add3A_848 {offsets = [0, 256], sizes = [8, 128], strides = [1, 1]} : vector<8x2048xf32> to vector<8x128xf32>
      %tanh3A_864 = math.tanh %slice3A_863 : vector<8x128xf32>
      %slice3A_865 = vector.extract_strided_slice %add3A_848 {offsets = [0, 384], sizes = [8, 128], strides = [1, 1]} : vector<8x2048xf32> to vector<8x128xf32>
      %logistic3A_866 = arith.negf %slice3A_865 : vector<8x128xf32>
      %logistic3A_867 = math.exp %logistic3A_866 : vector<8x128xf32>
      %logistic3A_868 = arith.constant 1.000000e+00 : f32
      %logistic3A_869 = vector.broadcast %logistic3A_868 : f32 to vector<8x128xf32>
      %logistic3A_870 = arith.addf %logistic3A_869, %logistic3A_867 : vector<8x128xf32>
      %logistic3A_871 = arith.divf %logistic3A_869, %logistic3A_870 : vector<8x128xf32>
      %slice3A_872 = vector.extract_strided_slice %concatenate3A_834 {offsets = [0, 0], sizes = [8, 128], strides = [1, 1]} : vector<8x512xf32> to vector<8x128xf32>
      %mul3A_873 = arith.mulf %logistic3A_862, %slice3A_872 : vector<8x128xf32>
      %mul3A_874 = arith.mulf %logistic3A_855, %tanh3A_864 : vector<8x128xf32>
      %add3A_875 = arith.addf %mul3A_873, %mul3A_874 : vector<8x128xf32>
      %tanh3A_876 = math.tanh %add3A_875 : vector<8x128xf32>
      %mul3A_877 = arith.mulf %logistic3A_871, %tanh3A_876 : vector<8x128xf32>
      %slice3A_878 = vector.extract_strided_slice %add3A_848 {offsets = [0, 512], sizes = [8, 128], strides = [1, 1]} : vector<8x2048xf32> to vector<8x128xf32>
      %logistic3A_879 = arith.negf %slice3A_878 : vector<8x128xf32>
      %logistic3A_880 = math.exp %logistic3A_879 : vector<8x128xf32>
      %logistic3A_881 = arith.constant 1.000000e+00 : f32
      %logistic3A_882 = vector.broadcast %logistic3A_881 : f32 to vector<8x128xf32>
      %logistic3A_883 = arith.addf %logistic3A_882, %logistic3A_880 : vector<8x128xf32>
      %logistic3A_884 = arith.divf %logistic3A_882, %logistic3A_883 : vector<8x128xf32>
      %slice3A_885 = vector.extract_strided_slice %add3A_848 {offsets = [0, 640], sizes = [8, 128], strides = [1, 1]} : vector<8x2048xf32> to vector<8x128xf32>
      %logistic3A_886 = arith.negf %slice3A_885 : vector<8x128xf32>
      %logistic3A_887 = math.exp %logistic3A_886 : vector<8x128xf32>
      %logistic3A_888 = arith.constant 1.000000e+00 : f32
      %logistic3A_889 = vector.broadcast %logistic3A_888 : f32 to vector<8x128xf32>
      %logistic3A_890 = arith.addf %logistic3A_889, %logistic3A_887 : vector<8x128xf32>
      %logistic3A_891 = arith.divf %logistic3A_889, %logistic3A_890 : vector<8x128xf32>
      %slice3A_892 = vector.extract_strided_slice %add3A_848 {offsets = [0, 768], sizes = [8, 128], strides = [1, 1]} : vector<8x2048xf32> to vector<8x128xf32>
      %tanh3A_893 = math.tanh %slice3A_892 : vector<8x128xf32>
      %slice3A_894 = vector.extract_strided_slice %add3A_848 {offsets = [0, 896], sizes = [8, 128], strides = [1, 1]} : vector<8x2048xf32> to vector<8x128xf32>
      %logistic3A_895 = arith.negf %slice3A_894 : vector<8x128xf32>
      %logistic3A_896 = math.exp %logistic3A_895 : vector<8x128xf32>
      %logistic3A_897 = arith.constant 1.000000e+00 : f32
      %logistic3A_898 = vector.broadcast %logistic3A_897 : f32 to vector<8x128xf32>
      %logistic3A_899 = arith.addf %logistic3A_898, %logistic3A_896 : vector<8x128xf32>
      %logistic3A_900 = arith.divf %logistic3A_898, %logistic3A_899 : vector<8x128xf32>
      %slice3A_901 = vector.extract_strided_slice %concatenate3A_834 {offsets = [0, 128], sizes = [8, 128], strides = [1, 1]} : vector<8x512xf32> to vector<8x128xf32>
      %mul3A_902 = arith.mulf %logistic3A_891, %slice3A_901 : vector<8x128xf32>
      %mul3A_903 = arith.mulf %logistic3A_884, %tanh3A_893 : vector<8x128xf32>
      %add3A_904 = arith.addf %mul3A_902, %mul3A_903 : vector<8x128xf32>
      %tanh3A_905 = math.tanh %add3A_904 : vector<8x128xf32>
      %mul3A_906 = arith.mulf %logistic3A_900, %tanh3A_905 : vector<8x128xf32>
      %slice3A_907 = vector.extract_strided_slice %add3A_848 {offsets = [0, 1024], sizes = [8, 128], strides = [1, 1]} : vector<8x2048xf32> to vector<8x128xf32>
      %logistic3A_908 = arith.negf %slice3A_907 : vector<8x128xf32>
      %logistic3A_909 = math.exp %logistic3A_908 : vector<8x128xf32>
      %logistic3A_910 = arith.constant 1.000000e+00 : f32
      %logistic3A_911 = vector.broadcast %logistic3A_910 : f32 to vector<8x128xf32>
      %logistic3A_912 = arith.addf %logistic3A_911, %logistic3A_909 : vector<8x128xf32>
      %logistic3A_913 = arith.divf %logistic3A_911, %logistic3A_912 : vector<8x128xf32>
      %slice3A_914 = vector.extract_strided_slice %add3A_848 {offsets = [0, 1152], sizes = [8, 128], strides = [1, 1]} : vector<8x2048xf32> to vector<8x128xf32>
      %logistic3A_915 = arith.negf %slice3A_914 : vector<8x128xf32>
      %logistic3A_916 = math.exp %logistic3A_915 : vector<8x128xf32>
      %logistic3A_917 = arith.constant 1.000000e+00 : f32
      %logistic3A_918 = vector.broadcast %logistic3A_917 : f32 to vector<8x128xf32>
      %logistic3A_919 = arith.addf %logistic3A_918, %logistic3A_916 : vector<8x128xf32>
      %logistic3A_920 = arith.divf %logistic3A_918, %logistic3A_919 : vector<8x128xf32>
      %slice3A_921 = vector.extract_strided_slice %add3A_848 {offsets = [0, 1280], sizes = [8, 128], strides = [1, 1]} : vector<8x2048xf32> to vector<8x128xf32>
      %tanh3A_922 = math.tanh %slice3A_921 : vector<8x128xf32>
      %slice3A_923 = vector.extract_strided_slice %add3A_848 {offsets = [0, 1408], sizes = [8, 128], strides = [1, 1]} : vector<8x2048xf32> to vector<8x128xf32>
      %logistic3A_924 = arith.negf %slice3A_923 : vector<8x128xf32>
      %logistic3A_925 = math.exp %logistic3A_924 : vector<8x128xf32>
      %logistic3A_926 = arith.constant 1.000000e+00 : f32
      %logistic3A_927 = vector.broadcast %logistic3A_926 : f32 to vector<8x128xf32>
      %logistic3A_928 = arith.addf %logistic3A_927, %logistic3A_925 : vector<8x128xf32>
      %logistic3A_929 = arith.divf %logistic3A_927, %logistic3A_928 : vector<8x128xf32>
      %slice3A_930 = vector.extract_strided_slice %concatenate3A_834 {offsets = [0, 256], sizes = [8, 128], strides = [1, 1]} : vector<8x512xf32> to vector<8x128xf32>
      %mul3A_931 = arith.mulf %logistic3A_920, %slice3A_930 : vector<8x128xf32>
      %mul3A_932 = arith.mulf %logistic3A_913, %tanh3A_922 : vector<8x128xf32>
      %add3A_933 = arith.addf %mul3A_931, %mul3A_932 : vector<8x128xf32>
      %tanh3A_934 = math.tanh %add3A_933 : vector<8x128xf32>
      %mul3A_935 = arith.mulf %logistic3A_929, %tanh3A_934 : vector<8x128xf32>
      %slice3A_936 = vector.extract_strided_slice %add3A_848 {offsets = [0, 1536], sizes = [8, 128], strides = [1, 1]} : vector<8x2048xf32> to vector<8x128xf32>
      %logistic3A_937 = arith.negf %slice3A_936 : vector<8x128xf32>
      %logistic3A_938 = math.exp %logistic3A_937 : vector<8x128xf32>
      %logistic3A_939 = arith.constant 1.000000e+00 : f32
      %logistic3A_940 = vector.broadcast %logistic3A_939 : f32 to vector<8x128xf32>
      %logistic3A_941 = arith.addf %logistic3A_940, %logistic3A_938 : vector<8x128xf32>
      %logistic3A_942 = arith.divf %logistic3A_940, %logistic3A_941 : vector<8x128xf32>
      %slice3A_943 = vector.extract_strided_slice %add3A_848 {offsets = [0, 1664], sizes = [8, 128], strides = [1, 1]} : vector<8x2048xf32> to vector<8x128xf32>
      %logistic3A_944 = arith.negf %slice3A_943 : vector<8x128xf32>
      %logistic3A_945 = math.exp %logistic3A_944 : vector<8x128xf32>
      %logistic3A_946 = arith.constant 1.000000e+00 : f32
      %logistic3A_947 = vector.broadcast %logistic3A_946 : f32 to vector<8x128xf32>
      %logistic3A_948 = arith.addf %logistic3A_947, %logistic3A_945 : vector<8x128xf32>
      %logistic3A_949 = arith.divf %logistic3A_947, %logistic3A_948 : vector<8x128xf32>
      %slice3A_950 = vector.extract_strided_slice %add3A_848 {offsets = [0, 1792], sizes = [8, 128], strides = [1, 1]} : vector<8x2048xf32> to vector<8x128xf32>
      %tanh3A_951 = math.tanh %slice3A_950 : vector<8x128xf32>
      %slice3A_952 = vector.extract_strided_slice %add3A_848 {offsets = [0, 1920], sizes = [8, 128], strides = [1, 1]} : vector<8x2048xf32> to vector<8x128xf32>
      %logistic3A_953 = arith.negf %slice3A_952 : vector<8x128xf32>
      %logistic3A_954 = math.exp %logistic3A_953 : vector<8x128xf32>
      %logistic3A_955 = arith.constant 1.000000e+00 : f32
      %logistic3A_956 = vector.broadcast %logistic3A_955 : f32 to vector<8x128xf32>
      %logistic3A_957 = arith.addf %logistic3A_956, %logistic3A_954 : vector<8x128xf32>
      %logistic3A_958 = arith.divf %logistic3A_956, %logistic3A_957 : vector<8x128xf32>
      %slice3A_959 = vector.extract_strided_slice %concatenate3A_834 {offsets = [0, 384], sizes = [8, 128], strides = [1, 1]} : vector<8x512xf32> to vector<8x128xf32>
      %mul3A_960 = arith.mulf %logistic3A_949, %slice3A_959 : vector<8x128xf32>
      %mul3A_961 = arith.mulf %logistic3A_942, %tanh3A_951 : vector<8x128xf32>
      %add3A_962 = arith.addf %mul3A_960, %mul3A_961 : vector<8x128xf32>
      %tanh3A_963 = math.tanh %add3A_962 : vector<8x128xf32>
      %mul3A_964 = arith.mulf %logistic3A_958, %tanh3A_963 : vector<8x128xf32>
      %concatenate3A_965 = tpu.concatenate %mul3A_877, %mul3A_906, %mul3A_935, %mul3A_964 in 1 : vector<8x128xf32>, vector<8x128xf32>, vector<8x128xf32>, vector<8x128xf32> -> vector<8x512xf32>
      %concatenate3A_966 = tpu.concatenate %add3A_875, %add3A_904, %add3A_933, %add3A_962 in 1 : vector<8x128xf32>, vector<8x128xf32>, vector<8x128xf32>, vector<8x128xf32> -> vector<8x512xf32>
      %scan3A_967 = arith.constant 7 : i32
      %scan3A_968 = arith.addi %scan3A_46, %scan3A_967 : i32
      %mul3A_969 = arith.constant 8 : i32
      %mul3A_970 = arith.muli %scan3A_968, %mul3A_969 : i32
      %get3A_971 = arith.index_cast %mul3A_970 : i32 to index
      %get3A_972 = arith.constant 0 : index
      %get3A_973 = vector.load %arg10[%get3A_971, %get3A_972] : memref<768x2048xf32, #tpu.memory_space<vmem>>, vector<8x2048xf32>
      %convert_element_type3A_974 = arith.truncf %concatenate3A_965 : vector<8x512xf32> to vector<8x512xbf16>
      %get3A_975 = arith.constant 0 : index
      %get3A_976 = arith.constant 0 : index
      %get3A_977 = vector.load %arg2[%get3A_975, %get3A_976] : memref<512x2048xbf16, #tpu.memory_space<vmem>>, vector<512x2048xbf16>
      %dot_general3A_978 = arith.constant dense<0.000000e+00> : vector<8x2048xf32>
      %dot_general3A_979 = tpu.matmul %convert_element_type3A_974, %get3A_977, %dot_general3A_978 {dimension_numbers = #tpu.dot_dimension_numbers<[1], [0], [0], [1], [0, 0, 1, 1], [], []>, transpose_lhs_hint = false} : vector<8x512xbf16>, vector<512x2048xbf16>, vector<8x2048xf32> -> vector<8x2048xf32>
      %add3A_980 = arith.addf %get3A_973, %dot_general3A_979 : vector<8x2048xf32>
      %slice3A_981 = vector.extract_strided_slice %add3A_980 {offsets = [0, 0], sizes = [8, 128], strides = [1, 1]} : vector<8x2048xf32> to vector<8x128xf32>
      %logistic3A_982 = arith.negf %slice3A_981 : vector<8x128xf32>
      %logistic3A_983 = math.exp %logistic3A_982 : vector<8x128xf32>
      %logistic3A_984 = arith.constant 1.000000e+00 : f32
      %logistic3A_985 = vector.broadcast %logistic3A_984 : f32 to vector<8x128xf32>
      %logistic3A_986 = arith.addf %logistic3A_985, %logistic3A_983 : vector<8x128xf32>
      %logistic3A_987 = arith.divf %logistic3A_985, %logistic3A_986 : vector<8x128xf32>
      %slice3A_988 = vector.extract_strided_slice %add3A_980 {offsets = [0, 128], sizes = [8, 128], strides = [1, 1]} : vector<8x2048xf32> to vector<8x128xf32>
      %logistic3A_989 = arith.negf %slice3A_988 : vector<8x128xf32>
      %logistic3A_990 = math.exp %logistic3A_989 : vector<8x128xf32>
      %logistic3A_991 = arith.constant 1.000000e+00 : f32
      %logistic3A_992 = vector.broadcast %logistic3A_991 : f32 to vector<8x128xf32>
      %logistic3A_993 = arith.addf %logistic3A_992, %logistic3A_990 : vector<8x128xf32>
      %logistic3A_994 = arith.divf %logistic3A_992, %logistic3A_993 : vector<8x128xf32>
      %slice3A_995 = vector.extract_strided_slice %add3A_980 {offsets = [0, 256], sizes = [8, 128], strides = [1, 1]} : vector<8x2048xf32> to vector<8x128xf32>
      %tanh3A_996 = math.tanh %slice3A_995 : vector<8x128xf32>
      %slice3A_997 = vector.extract_strided_slice %add3A_980 {offsets = [0, 384], sizes = [8, 128], strides = [1, 1]} : vector<8x2048xf32> to vector<8x128xf32>
      %logistic3A_998 = arith.negf %slice3A_997 : vector<8x128xf32>
      %logistic3A_999 = math.exp %logistic3A_998 : vector<8x128xf32>
      %logistic3A_1000 = arith.constant 1.000000e+00 : f32
      %logistic3A_1001 = vector.broadcast %logistic3A_1000 : f32 to vector<8x128xf32>
      %logistic3A_1002 = arith.addf %logistic3A_1001, %logistic3A_999 : vector<8x128xf32>
      %logistic3A_1003 = arith.divf %logistic3A_1001, %logistic3A_1002 : vector<8x128xf32>
      %slice3A_1004 = vector.extract_strided_slice %concatenate3A_966 {offsets = [0, 0], sizes = [8, 128], strides = [1, 1]} : vector<8x512xf32> to vector<8x128xf32>
      %mul3A_1005 = arith.mulf %logistic3A_994, %slice3A_1004 : vector<8x128xf32>
      %mul3A_1006 = arith.mulf %logistic3A_987, %tanh3A_996 : vector<8x128xf32>
      %add3A_1007 = arith.addf %mul3A_1005, %mul3A_1006 : vector<8x128xf32>
      %tanh3A_1008 = math.tanh %add3A_1007 : vector<8x128xf32>
      %mul3A_1009 = arith.mulf %logistic3A_1003, %tanh3A_1008 : vector<8x128xf32>
      %slice3A_1010 = vector.extract_strided_slice %add3A_980 {offsets = [0, 512], sizes = [8, 128], strides = [1, 1]} : vector<8x2048xf32> to vector<8x128xf32>
      %logistic3A_1011 = arith.negf %slice3A_1010 : vector<8x128xf32>
      %logistic3A_1012 = math.exp %logistic3A_1011 : vector<8x128xf32>
      %logistic3A_1013 = arith.constant 1.000000e+00 : f32
      %logistic3A_1014 = vector.broadcast %logistic3A_1013 : f32 to vector<8x128xf32>
      %logistic3A_1015 = arith.addf %logistic3A_1014, %logistic3A_1012 : vector<8x128xf32>
      %logistic3A_1016 = arith.divf %logistic3A_1014, %logistic3A_1015 : vector<8x128xf32>
      %slice3A_1017 = vector.extract_strided_slice %add3A_980 {offsets = [0, 640], sizes = [8, 128], strides = [1, 1]} : vector<8x2048xf32> to vector<8x128xf32>
      %logistic3A_1018 = arith.negf %slice3A_1017 : vector<8x128xf32>
      %logistic3A_1019 = math.exp %logistic3A_1018 : vector<8x128xf32>
      %logistic3A_1020 = arith.constant 1.000000e+00 : f32
      %logistic3A_1021 = vector.broadcast %logistic3A_1020 : f32 to vector<8x128xf32>
      %logistic3A_1022 = arith.addf %logistic3A_1021, %logistic3A_1019 : vector<8x128xf32>
      %logistic3A_1023 = arith.divf %logistic3A_1021, %logistic3A_1022 : vector<8x128xf32>
      %slice3A_1024 = vector.extract_strided_slice %add3A_980 {offsets = [0, 768], sizes = [8, 128], strides = [1, 1]} : vector<8x2048xf32> to vector<8x128xf32>
      %tanh3A_1025 = math.tanh %slice3A_1024 : vector<8x128xf32>
      %slice3A_1026 = vector.extract_strided_slice %add3A_980 {offsets = [0, 896], sizes = [8, 128], strides = [1, 1]} : vector<8x2048xf32> to vector<8x128xf32>
      %logistic3A_1027 = arith.negf %slice3A_1026 : vector<8x128xf32>
      %logistic3A_1028 = math.exp %logistic3A_1027 : vector<8x128xf32>
      %logistic3A_1029 = arith.constant 1.000000e+00 : f32
      %logistic3A_1030 = vector.broadcast %logistic3A_1029 : f32 to vector<8x128xf32>
      %logistic3A_1031 = arith.addf %logistic3A_1030, %logistic3A_1028 : vector<8x128xf32>
      %logistic3A_1032 = arith.divf %logistic3A_1030, %logistic3A_1031 : vector<8x128xf32>
      %slice3A_1033 = vector.extract_strided_slice %concatenate3A_966 {offsets = [0, 128], sizes = [8, 128], strides = [1, 1]} : vector<8x512xf32> to vector<8x128xf32>
      %mul3A_1034 = arith.mulf %logistic3A_1023, %slice3A_1033 : vector<8x128xf32>
      %mul3A_1035 = arith.mulf %logistic3A_1016, %tanh3A_1025 : vector<8x128xf32>
      %add3A_1036 = arith.addf %mul3A_1034, %mul3A_1035 : vector<8x128xf32>
      %tanh3A_1037 = math.tanh %add3A_1036 : vector<8x128xf32>
      %mul3A_1038 = arith.mulf %logistic3A_1032, %tanh3A_1037 : vector<8x128xf32>
      %slice3A_1039 = vector.extract_strided_slice %add3A_980 {offsets = [0, 1024], sizes = [8, 128], strides = [1, 1]} : vector<8x2048xf32> to vector<8x128xf32>
      %logistic3A_1040 = arith.negf %slice3A_1039 : vector<8x128xf32>
      %logistic3A_1041 = math.exp %logistic3A_1040 : vector<8x128xf32>
      %logistic3A_1042 = arith.constant 1.000000e+00 : f32
      %logistic3A_1043 = vector.broadcast %logistic3A_1042 : f32 to vector<8x128xf32>
      %logistic3A_1044 = arith.addf %logistic3A_1043, %logistic3A_1041 : vector<8x128xf32>
      %logistic3A_1045 = arith.divf %logistic3A_1043, %logistic3A_1044 : vector<8x128xf32>
      %slice3A_1046 = vector.extract_strided_slice %add3A_980 {offsets = [0, 1152], sizes = [8, 128], strides = [1, 1]} : vector<8x2048xf32> to vector<8x128xf32>
      %logistic3A_1047 = arith.negf %slice3A_1046 : vector<8x128xf32>
      %logistic3A_1048 = math.exp %logistic3A_1047 : vector<8x128xf32>
      %logistic3A_1049 = arith.constant 1.000000e+00 : f32
      %logistic3A_1050 = vector.broadcast %logistic3A_1049 : f32 to vector<8x128xf32>
      %logistic3A_1051 = arith.addf %logistic3A_1050, %logistic3A_1048 : vector<8x128xf32>
      %logistic3A_1052 = arith.divf %logistic3A_1050, %logistic3A_1051 : vector<8x128xf32>
      %slice3A_1053 = vector.extract_strided_slice %add3A_980 {offsets = [0, 1280], sizes = [8, 128], strides = [1, 1]} : vector<8x2048xf32> to vector<8x128xf32>
      %tanh3A_1054 = math.tanh %slice3A_1053 : vector<8x128xf32>
      %slice3A_1055 = vector.extract_strided_slice %add3A_980 {offsets = [0, 1408], sizes = [8, 128], strides = [1, 1]} : vector<8x2048xf32> to vector<8x128xf32>
      %logistic3A_1056 = arith.negf %slice3A_1055 : vector<8x128xf32>
      %logistic3A_1057 = math.exp %logistic3A_1056 : vector<8x128xf32>
      %logistic3A_1058 = arith.constant 1.000000e+00 : f32
      %logistic3A_1059 = vector.broadcast %logistic3A_1058 : f32 to vector<8x128xf32>
      %logistic3A_1060 = arith.addf %logistic3A_1059, %logistic3A_1057 : vector<8x128xf32>
      %logistic3A_1061 = arith.divf %logistic3A_1059, %logistic3A_1060 : vector<8x128xf32>
      %slice3A_1062 = vector.extract_strided_slice %concatenate3A_966 {offsets = [0, 256], sizes = [8, 128], strides = [1, 1]} : vector<8x512xf32> to vector<8x128xf32>
      %mul3A_1063 = arith.mulf %logistic3A_1052, %slice3A_1062 : vector<8x128xf32>
      %mul3A_1064 = arith.mulf %logistic3A_1045, %tanh3A_1054 : vector<8x128xf32>
      %add3A_1065 = arith.addf %mul3A_1063, %mul3A_1064 : vector<8x128xf32>
      %tanh3A_1066 = math.tanh %add3A_1065 : vector<8x128xf32>
      %mul3A_1067 = arith.mulf %logistic3A_1061, %tanh3A_1066 : vector<8x128xf32>
      %slice3A_1068 = vector.extract_strided_slice %add3A_980 {offsets = [0, 1536], sizes = [8, 128], strides = [1, 1]} : vector<8x2048xf32> to vector<8x128xf32>
      %logistic3A_1069 = arith.negf %slice3A_1068 : vector<8x128xf32>
      %logistic3A_1070 = math.exp %logistic3A_1069 : vector<8x128xf32>
      %logistic3A_1071 = arith.constant 1.000000e+00 : f32
      %logistic3A_1072 = vector.broadcast %logistic3A_1071 : f32 to vector<8x128xf32>
      %logistic3A_1073 = arith.addf %logistic3A_1072, %logistic3A_1070 : vector<8x128xf32>
      %logistic3A_1074 = arith.divf %logistic3A_1072, %logistic3A_1073 : vector<8x128xf32>
      %slice3A_1075 = vector.extract_strided_slice %add3A_980 {offsets = [0, 1664], sizes = [8, 128], strides = [1, 1]} : vector<8x2048xf32> to vector<8x128xf32>
      %logistic3A_1076 = arith.negf %slice3A_1075 : vector<8x128xf32>
      %logistic3A_1077 = math.exp %logistic3A_1076 : vector<8x128xf32>
      %logistic3A_1078 = arith.constant 1.000000e+00 : f32
      %logistic3A_1079 = vector.broadcast %logistic3A_1078 : f32 to vector<8x128xf32>
      %logistic3A_1080 = arith.addf %logistic3A_1079, %logistic3A_1077 : vector<8x128xf32>
      %logistic3A_1081 = arith.divf %logistic3A_1079, %logistic3A_1080 : vector<8x128xf32>
      %slice3A_1082 = vector.extract_strided_slice %add3A_980 {offsets = [0, 1792], sizes = [8, 128], strides = [1, 1]} : vector<8x2048xf32> to vector<8x128xf32>
      %tanh3A_1083 = math.tanh %slice3A_1082 : vector<8x128xf32>
      %slice3A_1084 = vector.extract_strided_slice %add3A_980 {offsets = [0, 1920], sizes = [8, 128], strides = [1, 1]} : vector<8x2048xf32> to vector<8x128xf32>
      %logistic3A_1085 = arith.negf %slice3A_1084 : vector<8x128xf32>
      %logistic3A_1086 = math.exp %logistic3A_1085 : vector<8x128xf32>
      %logistic3A_1087 = arith.constant 1.000000e+00 : f32
      %logistic3A_1088 = vector.broadcast %logistic3A_1087 : f32 to vector<8x128xf32>
      %logistic3A_1089 = arith.addf %logistic3A_1088, %logistic3A_1086 : vector<8x128xf32>
      %logistic3A_1090 = arith.divf %logistic3A_1088, %logistic3A_1089 : vector<8x128xf32>
      %slice3A_1091 = vector.extract_strided_slice %concatenate3A_966 {offsets = [0, 384], sizes = [8, 128], strides = [1, 1]} : vector<8x512xf32> to vector<8x128xf32>
      %mul3A_1092 = arith.mulf %logistic3A_1081, %slice3A_1091 : vector<8x128xf32>
      %mul3A_1093 = arith.mulf %logistic3A_1074, %tanh3A_1083 : vector<8x128xf32>
      %add3A_1094 = arith.addf %mul3A_1092, %mul3A_1093 : vector<8x128xf32>
      %tanh3A_1095 = math.tanh %add3A_1094 : vector<8x128xf32>
      %mul3A_1096 = arith.mulf %logistic3A_1090, %tanh3A_1095 : vector<8x128xf32>
      %concatenate3A_1097 = tpu.concatenate %mul3A_1009, %mul3A_1038, %mul3A_1067, %mul3A_1096 in 1 : vector<8x128xf32>, vector<8x128xf32>, vector<8x128xf32>, vector<8x128xf32> -> vector<8x512xf32>
      %concatenate3A_1098 = tpu.concatenate %add3A_1007, %add3A_1036, %add3A_1065, %add3A_1094 in 1 : vector<8x128xf32>, vector<8x128xf32>, vector<8x128xf32>, vector<8x128xf32> -> vector<8x512xf32>
      scf.yield %concatenate3A_1097, %concatenate3A_1098 : vector<8x512xf32>, vector<8x512xf32>
    }
    %scan3A_22 = arith.constant 88 : i32
    %get3A_23 = arith.constant 0 : index
    %get3A_24 = arith.constant 0 : index
    %get3A_25 = vector.load %arg5[%get3A_23, %get3A_24] : memref<512x2xf32, #tpu.memory_space<vmem>>, vector<512x2xf32>
    %dot_general3A_26 = arith.constant dense<0.000000e+00> : vector<8x2xf32>
    %dot_general3A_27 = tpu.matmul %scan3A_21#0, %get3A_25, %dot_general3A_26 {dimension_numbers = #tpu.dot_dimension_numbers<[1], [0], [0], [1], [0, 0, 1, 1], [], []>, transpose_lhs_hint = false} : vector<8x512xf32>, vector<512x2xf32>, vector<8x2xf32> -> vector<8x2xf32>
    %get3A_28 = arith.constant 0 : index
    %get3A_29 = arith.constant 0 : index
    %get3A_30 = vector.load %arg6[%get3A_28, %get3A_29] : memref<1x2xf32, #tpu.memory_space<vmem>>, vector<1x2xf32>
    %add3A_31 = vector.broadcast %get3A_30 : vector<1x2xf32> to vector<8x2xf32>
    %add3A_32 = arith.addf %dot_general3A_27, %add3A_31 : vector<8x2xf32>
    %broadcast_in_dim3A = vector.shape_cast %add3A_32 : vector<8x2xf32> to vector<1x8x2xf32>
    %get3A_33 = arith.constant 0 : index
    %get3A_34 = arith.constant 0 : index
    %get3A_35 = arith.constant 0 : index
    %get3A_36 = vector.load %arg7[%get3A_33, %get3A_34, %get3A_35] : memref<2x8x2xf32, #tpu.memory_space<vmem>>, vector<2x8x2xf32>
    %mul3A = vector.broadcast %broadcast_in_dim3A : vector<1x8x2xf32> to vector<2x8x2xf32>
    %mul3A_37 = arith.mulf %mul3A, %get3A_36 : vector<2x8x2xf32>
    %reduce_sum3A = arith.constant dense<0.000000e+00> : vector<2xf32>
    %reduce_sum3A_38 = vector.multi_reduction <add>, %mul3A_37, %reduce_sum3A [1, 2] : vector<2x8x2xf32> to vector<2xf32>
    %reshape3A = vector.shape_cast %reduce_sum3A_38 : vector<2xf32> to vector<1x2xf32>
    %get3A_39 = arith.constant 0 : index
    %get3A_40 = arith.constant 0 : index
    %get3A_41 = vector.load %arg8[%get3A_39, %get3A_40] : memref<1x2xf32, #tpu.memory_space<vmem>>, vector<1x2xf32>
    %add3A_42 = arith.addf %reshape3A, %get3A_41 : vector<1x2xf32>
    %swap3A_43 = arith.constant 0 : index
    %swap3A_44 = arith.constant 0 : index
    %swap3A_45 = vector.load %arg9[%swap3A_43, %swap3A_44] : memref<1x2xf32, #tpu.memory_space<vmem>>, vector<1x2xf32>
    tpu.vector_store %arg9[%swap3A_43, %swap3A_44], %add3A_42 {strides = array<i32>} : memref<1x2xf32, #tpu.memory_space<vmem>>, vector<1x2xf32>,
    return
  }
}

module attributes {stable_mosaic.version = 14 : i64} {
  func.func @_lstm1_kernel(%arg0: memref<896x128xf32, #tpu.memory_space<vmem>>, %arg1: memref<128x2048xbf16, #tpu.memory_space<vmem>>, %arg2: memref<512x2048xbf16, #tpu.memory_space<vmem>>, %arg3: memref<1x2048xf32, #tpu.memory_space<vmem>>, %arg4: memref<16x512xf32, #tpu.memory_space<vmem>>, %arg5: memref<896x2048xf32, #tpu.memory_space<vmem>>) attributes {dimension_semantics = [], scalar_prefetch = 0 : i64, scratch_operands = 1 : i64, tpu.core_type = #tpu.core_type<tc>} {
    %get3A = arith.constant 0 : index
    %get3A_0 = arith.constant 0 : index
    %get3A_1 = vector.load %arg0[%get3A, %get3A_0] : memref<896x128xf32, #tpu.memory_space<vmem>>, vector<896x128xf32>
    %convert_element_type3A = arith.truncf %get3A_1 : vector<896x128xf32> to vector<896x128xbf16>
    %get3A_2 = arith.constant 0 : index
    %get3A_3 = arith.constant 0 : index
    %get3A_4 = vector.load %arg1[%get3A_2, %get3A_3] : memref<128x2048xbf16, #tpu.memory_space<vmem>>, vector<128x2048xbf16>
    %dot_general3A = arith.constant dense<0.000000e+00> : vector<896x2048xf32>
    %dot_general3A_5 = tpu.matmul %convert_element_type3A, %get3A_4, %dot_general3A {dimension_numbers = #tpu.dot_dimension_numbers<[1], [0], [0], [1], [0, 0, 1, 1], [], []>, transpose_lhs_hint = false} : vector<896x128xbf16>, vector<128x2048xbf16>, vector<896x2048xf32> -> vector<896x2048xf32>
    %get3A_6 = arith.constant 0 : index
    %get3A_7 = arith.constant 0 : index
    %get3A_8 = vector.load %arg3[%get3A_6, %get3A_7] : memref<1x2048xf32, #tpu.memory_space<vmem>>, vector<1x2048xf32>
    %add3A = vector.broadcast %get3A_8 : vector<1x2048xf32> to vector<896x2048xf32>
    %add3A_9 = arith.addf %dot_general3A_5, %add3A : vector<896x2048xf32>
    %swap3A = arith.constant 0 : index
    %swap3A_10 = arith.constant 0 : index
    %swap3A_11 = vector.load %arg5[%swap3A, %swap3A_10] : memref<896x2048xf32, #tpu.memory_space<vmem>>, vector<896x2048xf32>
    tpu.vector_store %arg5[%swap3A, %swap3A_10], %add3A_9 {strides = array<i32>} : memref<896x2048xf32, #tpu.memory_space<vmem>>, vector<896x2048xf32>,
    %broadcast_in_dim3A = arith.constant 0.000000e+00 : f32
    %broadcast_in_dim3A_12 = vector.broadcast %broadcast_in_dim3A : f32 to vector<8x512xf32>
    %broadcast_in_dim3A_13 = arith.constant 0.000000e+00 : f32
    %broadcast_in_dim3A_14 = vector.broadcast %broadcast_in_dim3A_13 : f32 to vector<8x512xf32>
    %scan3A = arith.constant 0 : i32
    %scan3A_15 = arith.constant 112 : i32
    %scan3A_16 = arith.addi %scan3A, %scan3A_15 : i32
    %scan3A_17 = arith.constant 16 : i32
    %scan3A_18:2 = scf.for %scan3A_23 = %scan3A to %scan3A_16 step %scan3A_17 iter_args(%scan3A_24 = %broadcast_in_dim3A_12, %scan3A_25 = %broadcast_in_dim3A_14) -> (vector<8x512xf32>, vector<8x512xf32>)  : i32 {
      %mul3A = arith.constant 8 : i32
      %mul3A_26 = arith.muli %scan3A_23, %mul3A : i32
      %get3A_27 = arith.index_cast %mul3A_26 : i32 to index
      %get3A_28 = arith.constant 0 : index
      %get3A_29 = vector.load %arg5[%get3A_27, %get3A_28] : memref<896x2048xf32, #tpu.memory_space<vmem>>, vector<8x2048xf32>
      %convert_element_type3A_30 = arith.truncf %scan3A_24 : vector<8x512xf32> to vector<8x512xbf16>
      %get3A_31 = arith.constant 0 : index
      %get3A_32 = arith.constant 0 : index
      %get3A_33 = vector.load %arg2[%get3A_31, %get3A_32] : memref<512x2048xbf16, #tpu.memory_space<vmem>>, vector<512x2048xbf16>
      %dot_general3A_34 = arith.constant dense<0.000000e+00> : vector<8x2048xf32>
      %dot_general3A_35 = tpu.matmul %convert_element_type3A_30, %get3A_33, %dot_general3A_34 {dimension_numbers = #tpu.dot_dimension_numbers<[1], [0], [0], [1], [0, 0, 1, 1], [], []>, transpose_lhs_hint = false} : vector<8x512xbf16>, vector<512x2048xbf16>, vector<8x2048xf32> -> vector<8x2048xf32>
      %add3A_36 = arith.addf %get3A_29, %dot_general3A_35 : vector<8x2048xf32>
      %slice3A = vector.extract_strided_slice %add3A_36 {offsets = [0, 0], sizes = [8, 128], strides = [1, 1]} : vector<8x2048xf32> to vector<8x128xf32>
      %logistic3A = arith.negf %slice3A : vector<8x128xf32>
      %logistic3A_37 = math.exp %logistic3A : vector<8x128xf32>
      %logistic3A_38 = arith.constant 1.000000e+00 : f32
      %logistic3A_39 = vector.broadcast %logistic3A_38 : f32 to vector<8x128xf32>
      %logistic3A_40 = arith.addf %logistic3A_39, %logistic3A_37 : vector<8x128xf32>
      %logistic3A_41 = arith.divf %logistic3A_39, %logistic3A_40 : vector<8x128xf32>
      %slice3A_42 = vector.extract_strided_slice %add3A_36 {offsets = [0, 128], sizes = [8, 128], strides = [1, 1]} : vector<8x2048xf32> to vector<8x128xf32>
      %logistic3A_43 = arith.negf %slice3A_42 : vector<8x128xf32>
      %logistic3A_44 = math.exp %logistic3A_43 : vector<8x128xf32>
      %logistic3A_45 = arith.constant 1.000000e+00 : f32
      %logistic3A_46 = vector.broadcast %logistic3A_45 : f32 to vector<8x128xf32>
      %logistic3A_47 = arith.addf %logistic3A_46, %logistic3A_44 : vector<8x128xf32>
      %logistic3A_48 = arith.divf %logistic3A_46, %logistic3A_47 : vector<8x128xf32>
      %slice3A_49 = vector.extract_strided_slice %add3A_36 {offsets = [0, 256], sizes = [8, 128], strides = [1, 1]} : vector<8x2048xf32> to vector<8x128xf32>
      %tanh3A = math.tanh %slice3A_49 : vector<8x128xf32>
      %slice3A_50 = vector.extract_strided_slice %add3A_36 {offsets = [0, 384], sizes = [8, 128], strides = [1, 1]} : vector<8x2048xf32> to vector<8x128xf32>
      %logistic3A_51 = arith.negf %slice3A_50 : vector<8x128xf32>
      %logistic3A_52 = math.exp %logistic3A_51 : vector<8x128xf32>
      %logistic3A_53 = arith.constant 1.000000e+00 : f32
      %logistic3A_54 = vector.broadcast %logistic3A_53 : f32 to vector<8x128xf32>
      %logistic3A_55 = arith.addf %logistic3A_54, %logistic3A_52 : vector<8x128xf32>
      %logistic3A_56 = arith.divf %logistic3A_54, %logistic3A_55 : vector<8x128xf32>
      %slice3A_57 = vector.extract_strided_slice %scan3A_25 {offsets = [0, 0], sizes = [8, 128], strides = [1, 1]} : vector<8x512xf32> to vector<8x128xf32>
      %mul3A_58 = arith.mulf %logistic3A_48, %slice3A_57 : vector<8x128xf32>
      %mul3A_59 = arith.mulf %logistic3A_41, %tanh3A : vector<8x128xf32>
      %add3A_60 = arith.addf %mul3A_58, %mul3A_59 : vector<8x128xf32>
      %tanh3A_61 = math.tanh %add3A_60 : vector<8x128xf32>
      %mul3A_62 = arith.mulf %logistic3A_56, %tanh3A_61 : vector<8x128xf32>
      %slice3A_63 = vector.extract_strided_slice %add3A_36 {offsets = [0, 512], sizes = [8, 128], strides = [1, 1]} : vector<8x2048xf32> to vector<8x128xf32>
      %logistic3A_64 = arith.negf %slice3A_63 : vector<8x128xf32>
      %logistic3A_65 = math.exp %logistic3A_64 : vector<8x128xf32>
      %logistic3A_66 = arith.constant 1.000000e+00 : f32
      %logistic3A_67 = vector.broadcast %logistic3A_66 : f32 to vector<8x128xf32>
      %logistic3A_68 = arith.addf %logistic3A_67, %logistic3A_65 : vector<8x128xf32>
      %logistic3A_69 = arith.divf %logistic3A_67, %logistic3A_68 : vector<8x128xf32>
      %slice3A_70 = vector.extract_strided_slice %add3A_36 {offsets = [0, 640], sizes = [8, 128], strides = [1, 1]} : vector<8x2048xf32> to vector<8x128xf32>
      %logistic3A_71 = arith.negf %slice3A_70 : vector<8x128xf32>
      %logistic3A_72 = math.exp %logistic3A_71 : vector<8x128xf32>
      %logistic3A_73 = arith.constant 1.000000e+00 : f32
      %logistic3A_74 = vector.broadcast %logistic3A_73 : f32 to vector<8x128xf32>
      %logistic3A_75 = arith.addf %logistic3A_74, %logistic3A_72 : vector<8x128xf32>
      %logistic3A_76 = arith.divf %logistic3A_74, %logistic3A_75 : vector<8x128xf32>
      %slice3A_77 = vector.extract_strided_slice %add3A_36 {offsets = [0, 768], sizes = [8, 128], strides = [1, 1]} : vector<8x2048xf32> to vector<8x128xf32>
      %tanh3A_78 = math.tanh %slice3A_77 : vector<8x128xf32>
      %slice3A_79 = vector.extract_strided_slice %add3A_36 {offsets = [0, 896], sizes = [8, 128], strides = [1, 1]} : vector<8x2048xf32> to vector<8x128xf32>
      %logistic3A_80 = arith.negf %slice3A_79 : vector<8x128xf32>
      %logistic3A_81 = math.exp %logistic3A_80 : vector<8x128xf32>
      %logistic3A_82 = arith.constant 1.000000e+00 : f32
      %logistic3A_83 = vector.broadcast %logistic3A_82 : f32 to vector<8x128xf32>
      %logistic3A_84 = arith.addf %logistic3A_83, %logistic3A_81 : vector<8x128xf32>
      %logistic3A_85 = arith.divf %logistic3A_83, %logistic3A_84 : vector<8x128xf32>
      %slice3A_86 = vector.extract_strided_slice %scan3A_25 {offsets = [0, 128], sizes = [8, 128], strides = [1, 1]} : vector<8x512xf32> to vector<8x128xf32>
      %mul3A_87 = arith.mulf %logistic3A_76, %slice3A_86 : vector<8x128xf32>
      %mul3A_88 = arith.mulf %logistic3A_69, %tanh3A_78 : vector<8x128xf32>
      %add3A_89 = arith.addf %mul3A_87, %mul3A_88 : vector<8x128xf32>
      %tanh3A_90 = math.tanh %add3A_89 : vector<8x128xf32>
      %mul3A_91 = arith.mulf %logistic3A_85, %tanh3A_90 : vector<8x128xf32>
      %slice3A_92 = vector.extract_strided_slice %add3A_36 {offsets = [0, 1024], sizes = [8, 128], strides = [1, 1]} : vector<8x2048xf32> to vector<8x128xf32>
      %logistic3A_93 = arith.negf %slice3A_92 : vector<8x128xf32>
      %logistic3A_94 = math.exp %logistic3A_93 : vector<8x128xf32>
      %logistic3A_95 = arith.constant 1.000000e+00 : f32
      %logistic3A_96 = vector.broadcast %logistic3A_95 : f32 to vector<8x128xf32>
      %logistic3A_97 = arith.addf %logistic3A_96, %logistic3A_94 : vector<8x128xf32>
      %logistic3A_98 = arith.divf %logistic3A_96, %logistic3A_97 : vector<8x128xf32>
      %slice3A_99 = vector.extract_strided_slice %add3A_36 {offsets = [0, 1152], sizes = [8, 128], strides = [1, 1]} : vector<8x2048xf32> to vector<8x128xf32>
      %logistic3A_100 = arith.negf %slice3A_99 : vector<8x128xf32>
      %logistic3A_101 = math.exp %logistic3A_100 : vector<8x128xf32>
      %logistic3A_102 = arith.constant 1.000000e+00 : f32
      %logistic3A_103 = vector.broadcast %logistic3A_102 : f32 to vector<8x128xf32>
      %logistic3A_104 = arith.addf %logistic3A_103, %logistic3A_101 : vector<8x128xf32>
      %logistic3A_105 = arith.divf %logistic3A_103, %logistic3A_104 : vector<8x128xf32>
      %slice3A_106 = vector.extract_strided_slice %add3A_36 {offsets = [0, 1280], sizes = [8, 128], strides = [1, 1]} : vector<8x2048xf32> to vector<8x128xf32>
      %tanh3A_107 = math.tanh %slice3A_106 : vector<8x128xf32>
      %slice3A_108 = vector.extract_strided_slice %add3A_36 {offsets = [0, 1408], sizes = [8, 128], strides = [1, 1]} : vector<8x2048xf32> to vector<8x128xf32>
      %logistic3A_109 = arith.negf %slice3A_108 : vector<8x128xf32>
      %logistic3A_110 = math.exp %logistic3A_109 : vector<8x128xf32>
      %logistic3A_111 = arith.constant 1.000000e+00 : f32
      %logistic3A_112 = vector.broadcast %logistic3A_111 : f32 to vector<8x128xf32>
      %logistic3A_113 = arith.addf %logistic3A_112, %logistic3A_110 : vector<8x128xf32>
      %logistic3A_114 = arith.divf %logistic3A_112, %logistic3A_113 : vector<8x128xf32>
      %slice3A_115 = vector.extract_strided_slice %scan3A_25 {offsets = [0, 256], sizes = [8, 128], strides = [1, 1]} : vector<8x512xf32> to vector<8x128xf32>
      %mul3A_116 = arith.mulf %logistic3A_105, %slice3A_115 : vector<8x128xf32>
      %mul3A_117 = arith.mulf %logistic3A_98, %tanh3A_107 : vector<8x128xf32>
      %add3A_118 = arith.addf %mul3A_116, %mul3A_117 : vector<8x128xf32>
      %tanh3A_119 = math.tanh %add3A_118 : vector<8x128xf32>
      %mul3A_120 = arith.mulf %logistic3A_114, %tanh3A_119 : vector<8x128xf32>
      %slice3A_121 = vector.extract_strided_slice %add3A_36 {offsets = [0, 1536], sizes = [8, 128], strides = [1, 1]} : vector<8x2048xf32> to vector<8x128xf32>
      %logistic3A_122 = arith.negf %slice3A_121 : vector<8x128xf32>
      %logistic3A_123 = math.exp %logistic3A_122 : vector<8x128xf32>
      %logistic3A_124 = arith.constant 1.000000e+00 : f32
      %logistic3A_125 = vector.broadcast %logistic3A_124 : f32 to vector<8x128xf32>
      %logistic3A_126 = arith.addf %logistic3A_125, %logistic3A_123 : vector<8x128xf32>
      %logistic3A_127 = arith.divf %logistic3A_125, %logistic3A_126 : vector<8x128xf32>
      %slice3A_128 = vector.extract_strided_slice %add3A_36 {offsets = [0, 1664], sizes = [8, 128], strides = [1, 1]} : vector<8x2048xf32> to vector<8x128xf32>
      %logistic3A_129 = arith.negf %slice3A_128 : vector<8x128xf32>
      %logistic3A_130 = math.exp %logistic3A_129 : vector<8x128xf32>
      %logistic3A_131 = arith.constant 1.000000e+00 : f32
      %logistic3A_132 = vector.broadcast %logistic3A_131 : f32 to vector<8x128xf32>
      %logistic3A_133 = arith.addf %logistic3A_132, %logistic3A_130 : vector<8x128xf32>
      %logistic3A_134 = arith.divf %logistic3A_132, %logistic3A_133 : vector<8x128xf32>
      %slice3A_135 = vector.extract_strided_slice %add3A_36 {offsets = [0, 1792], sizes = [8, 128], strides = [1, 1]} : vector<8x2048xf32> to vector<8x128xf32>
      %tanh3A_136 = math.tanh %slice3A_135 : vector<8x128xf32>
      %slice3A_137 = vector.extract_strided_slice %add3A_36 {offsets = [0, 1920], sizes = [8, 128], strides = [1, 1]} : vector<8x2048xf32> to vector<8x128xf32>
      %logistic3A_138 = arith.negf %slice3A_137 : vector<8x128xf32>
      %logistic3A_139 = math.exp %logistic3A_138 : vector<8x128xf32>
      %logistic3A_140 = arith.constant 1.000000e+00 : f32
      %logistic3A_141 = vector.broadcast %logistic3A_140 : f32 to vector<8x128xf32>
      %logistic3A_142 = arith.addf %logistic3A_141, %logistic3A_139 : vector<8x128xf32>
      %logistic3A_143 = arith.divf %logistic3A_141, %logistic3A_142 : vector<8x128xf32>
      %slice3A_144 = vector.extract_strided_slice %scan3A_25 {offsets = [0, 384], sizes = [8, 128], strides = [1, 1]} : vector<8x512xf32> to vector<8x128xf32>
      %mul3A_145 = arith.mulf %logistic3A_134, %slice3A_144 : vector<8x128xf32>
      %mul3A_146 = arith.mulf %logistic3A_127, %tanh3A_136 : vector<8x128xf32>
      %add3A_147 = arith.addf %mul3A_145, %mul3A_146 : vector<8x128xf32>
      %tanh3A_148 = math.tanh %add3A_147 : vector<8x128xf32>
      %mul3A_149 = arith.mulf %logistic3A_143, %tanh3A_148 : vector<8x128xf32>
      %concatenate3A_150 = tpu.concatenate %mul3A_62, %mul3A_91, %mul3A_120, %mul3A_149 in 1 : vector<8x128xf32>, vector<8x128xf32>, vector<8x128xf32>, vector<8x128xf32> -> vector<8x512xf32>
      %concatenate3A_151 = tpu.concatenate %add3A_60, %add3A_89, %add3A_118, %add3A_147 in 1 : vector<8x128xf32>, vector<8x128xf32>, vector<8x128xf32>, vector<8x128xf32> -> vector<8x512xf32>
      %scan3A_152 = arith.constant 1 : i32
      %scan3A_153 = arith.addi %scan3A_23, %scan3A_152 : i32
      %mul3A_154 = arith.constant 8 : i32
      %mul3A_155 = arith.muli %scan3A_153, %mul3A_154 : i32
      %get3A_156 = arith.index_cast %mul3A_155 : i32 to index
      %get3A_157 = arith.constant 0 : index
      %get3A_158 = vector.load %arg5[%get3A_156, %get3A_157] : memref<896x2048xf32, #tpu.memory_space<vmem>>, vector<8x2048xf32>
      %convert_element_type3A_159 = arith.truncf %concatenate3A_150 : vector<8x512xf32> to vector<8x512xbf16>
      %get3A_160 = arith.constant 0 : index
      %get3A_161 = arith.constant 0 : index
      %get3A_162 = vector.load %arg2[%get3A_160, %get3A_161] : memref<512x2048xbf16, #tpu.memory_space<vmem>>, vector<512x2048xbf16>
      %dot_general3A_163 = arith.constant dense<0.000000e+00> : vector<8x2048xf32>
      %dot_general3A_164 = tpu.matmul %convert_element_type3A_159, %get3A_162, %dot_general3A_163 {dimension_numbers = #tpu.dot_dimension_numbers<[1], [0], [0], [1], [0, 0, 1, 1], [], []>, transpose_lhs_hint = false} : vector<8x512xbf16>, vector<512x2048xbf16>, vector<8x2048xf32> -> vector<8x2048xf32>
      %add3A_165 = arith.addf %get3A_158, %dot_general3A_164 : vector<8x2048xf32>
      %slice3A_166 = vector.extract_strided_slice %add3A_165 {offsets = [0, 0], sizes = [8, 128], strides = [1, 1]} : vector<8x2048xf32> to vector<8x128xf32>
      %logistic3A_167 = arith.negf %slice3A_166 : vector<8x128xf32>
      %logistic3A_168 = math.exp %logistic3A_167 : vector<8x128xf32>
      %logistic3A_169 = arith.constant 1.000000e+00 : f32
      %logistic3A_170 = vector.broadcast %logistic3A_169 : f32 to vector<8x128xf32>
      %logistic3A_171 = arith.addf %logistic3A_170, %logistic3A_168 : vector<8x128xf32>
      %logistic3A_172 = arith.divf %logistic3A_170, %logistic3A_171 : vector<8x128xf32>
      %slice3A_173 = vector.extract_strided_slice %add3A_165 {offsets = [0, 128], sizes = [8, 128], strides = [1, 1]} : vector<8x2048xf32> to vector<8x128xf32>
      %logistic3A_174 = arith.negf %slice3A_173 : vector<8x128xf32>
      %logistic3A_175 = math.exp %logistic3A_174 : vector<8x128xf32>
      %logistic3A_176 = arith.constant 1.000000e+00 : f32
      %logistic3A_177 = vector.broadcast %logistic3A_176 : f32 to vector<8x128xf32>
      %logistic3A_178 = arith.addf %logistic3A_177, %logistic3A_175 : vector<8x128xf32>
      %logistic3A_179 = arith.divf %logistic3A_177, %logistic3A_178 : vector<8x128xf32>
      %slice3A_180 = vector.extract_strided_slice %add3A_165 {offsets = [0, 256], sizes = [8, 128], strides = [1, 1]} : vector<8x2048xf32> to vector<8x128xf32>
      %tanh3A_181 = math.tanh %slice3A_180 : vector<8x128xf32>
      %slice3A_182 = vector.extract_strided_slice %add3A_165 {offsets = [0, 384], sizes = [8, 128], strides = [1, 1]} : vector<8x2048xf32> to vector<8x128xf32>
      %logistic3A_183 = arith.negf %slice3A_182 : vector<8x128xf32>
      %logistic3A_184 = math.exp %logistic3A_183 : vector<8x128xf32>
      %logistic3A_185 = arith.constant 1.000000e+00 : f32
      %logistic3A_186 = vector.broadcast %logistic3A_185 : f32 to vector<8x128xf32>
      %logistic3A_187 = arith.addf %logistic3A_186, %logistic3A_184 : vector<8x128xf32>
      %logistic3A_188 = arith.divf %logistic3A_186, %logistic3A_187 : vector<8x128xf32>
      %slice3A_189 = vector.extract_strided_slice %concatenate3A_151 {offsets = [0, 0], sizes = [8, 128], strides = [1, 1]} : vector<8x512xf32> to vector<8x128xf32>
      %mul3A_190 = arith.mulf %logistic3A_179, %slice3A_189 : vector<8x128xf32>
      %mul3A_191 = arith.mulf %logistic3A_172, %tanh3A_181 : vector<8x128xf32>
      %add3A_192 = arith.addf %mul3A_190, %mul3A_191 : vector<8x128xf32>
      %tanh3A_193 = math.tanh %add3A_192 : vector<8x128xf32>
      %mul3A_194 = arith.mulf %logistic3A_188, %tanh3A_193 : vector<8x128xf32>
      %slice3A_195 = vector.extract_strided_slice %add3A_165 {offsets = [0, 512], sizes = [8, 128], strides = [1, 1]} : vector<8x2048xf32> to vector<8x128xf32>
      %logistic3A_196 = arith.negf %slice3A_195 : vector<8x128xf32>
      %logistic3A_197 = math.exp %logistic3A_196 : vector<8x128xf32>
      %logistic3A_198 = arith.constant 1.000000e+00 : f32
      %logistic3A_199 = vector.broadcast %logistic3A_198 : f32 to vector<8x128xf32>
      %logistic3A_200 = arith.addf %logistic3A_199, %logistic3A_197 : vector<8x128xf32>
      %logistic3A_201 = arith.divf %logistic3A_199, %logistic3A_200 : vector<8x128xf32>
      %slice3A_202 = vector.extract_strided_slice %add3A_165 {offsets = [0, 640], sizes = [8, 128], strides = [1, 1]} : vector<8x2048xf32> to vector<8x128xf32>
      %logistic3A_203 = arith.negf %slice3A_202 : vector<8x128xf32>
      %logistic3A_204 = math.exp %logistic3A_203 : vector<8x128xf32>
      %logistic3A_205 = arith.constant 1.000000e+00 : f32
      %logistic3A_206 = vector.broadcast %logistic3A_205 : f32 to vector<8x128xf32>
      %logistic3A_207 = arith.addf %logistic3A_206, %logistic3A_204 : vector<8x128xf32>
      %logistic3A_208 = arith.divf %logistic3A_206, %logistic3A_207 : vector<8x128xf32>
      %slice3A_209 = vector.extract_strided_slice %add3A_165 {offsets = [0, 768], sizes = [8, 128], strides = [1, 1]} : vector<8x2048xf32> to vector<8x128xf32>
      %tanh3A_210 = math.tanh %slice3A_209 : vector<8x128xf32>
      %slice3A_211 = vector.extract_strided_slice %add3A_165 {offsets = [0, 896], sizes = [8, 128], strides = [1, 1]} : vector<8x2048xf32> to vector<8x128xf32>
      %logistic3A_212 = arith.negf %slice3A_211 : vector<8x128xf32>
      %logistic3A_213 = math.exp %logistic3A_212 : vector<8x128xf32>
      %logistic3A_214 = arith.constant 1.000000e+00 : f32
      %logistic3A_215 = vector.broadcast %logistic3A_214 : f32 to vector<8x128xf32>
      %logistic3A_216 = arith.addf %logistic3A_215, %logistic3A_213 : vector<8x128xf32>
      %logistic3A_217 = arith.divf %logistic3A_215, %logistic3A_216 : vector<8x128xf32>
      %slice3A_218 = vector.extract_strided_slice %concatenate3A_151 {offsets = [0, 128], sizes = [8, 128], strides = [1, 1]} : vector<8x512xf32> to vector<8x128xf32>
      %mul3A_219 = arith.mulf %logistic3A_208, %slice3A_218 : vector<8x128xf32>
      %mul3A_220 = arith.mulf %logistic3A_201, %tanh3A_210 : vector<8x128xf32>
      %add3A_221 = arith.addf %mul3A_219, %mul3A_220 : vector<8x128xf32>
      %tanh3A_222 = math.tanh %add3A_221 : vector<8x128xf32>
      %mul3A_223 = arith.mulf %logistic3A_217, %tanh3A_222 : vector<8x128xf32>
      %slice3A_224 = vector.extract_strided_slice %add3A_165 {offsets = [0, 1024], sizes = [8, 128], strides = [1, 1]} : vector<8x2048xf32> to vector<8x128xf32>
      %logistic3A_225 = arith.negf %slice3A_224 : vector<8x128xf32>
      %logistic3A_226 = math.exp %logistic3A_225 : vector<8x128xf32>
      %logistic3A_227 = arith.constant 1.000000e+00 : f32
      %logistic3A_228 = vector.broadcast %logistic3A_227 : f32 to vector<8x128xf32>
      %logistic3A_229 = arith.addf %logistic3A_228, %logistic3A_226 : vector<8x128xf32>
      %logistic3A_230 = arith.divf %logistic3A_228, %logistic3A_229 : vector<8x128xf32>
      %slice3A_231 = vector.extract_strided_slice %add3A_165 {offsets = [0, 1152], sizes = [8, 128], strides = [1, 1]} : vector<8x2048xf32> to vector<8x128xf32>
      %logistic3A_232 = arith.negf %slice3A_231 : vector<8x128xf32>
      %logistic3A_233 = math.exp %logistic3A_232 : vector<8x128xf32>
      %logistic3A_234 = arith.constant 1.000000e+00 : f32
      %logistic3A_235 = vector.broadcast %logistic3A_234 : f32 to vector<8x128xf32>
      %logistic3A_236 = arith.addf %logistic3A_235, %logistic3A_233 : vector<8x128xf32>
      %logistic3A_237 = arith.divf %logistic3A_235, %logistic3A_236 : vector<8x128xf32>
      %slice3A_238 = vector.extract_strided_slice %add3A_165 {offsets = [0, 1280], sizes = [8, 128], strides = [1, 1]} : vector<8x2048xf32> to vector<8x128xf32>
      %tanh3A_239 = math.tanh %slice3A_238 : vector<8x128xf32>
      %slice3A_240 = vector.extract_strided_slice %add3A_165 {offsets = [0, 1408], sizes = [8, 128], strides = [1, 1]} : vector<8x2048xf32> to vector<8x128xf32>
      %logistic3A_241 = arith.negf %slice3A_240 : vector<8x128xf32>
      %logistic3A_242 = math.exp %logistic3A_241 : vector<8x128xf32>
      %logistic3A_243 = arith.constant 1.000000e+00 : f32
      %logistic3A_244 = vector.broadcast %logistic3A_243 : f32 to vector<8x128xf32>
      %logistic3A_245 = arith.addf %logistic3A_244, %logistic3A_242 : vector<8x128xf32>
      %logistic3A_246 = arith.divf %logistic3A_244, %logistic3A_245 : vector<8x128xf32>
      %slice3A_247 = vector.extract_strided_slice %concatenate3A_151 {offsets = [0, 256], sizes = [8, 128], strides = [1, 1]} : vector<8x512xf32> to vector<8x128xf32>
      %mul3A_248 = arith.mulf %logistic3A_237, %slice3A_247 : vector<8x128xf32>
      %mul3A_249 = arith.mulf %logistic3A_230, %tanh3A_239 : vector<8x128xf32>
      %add3A_250 = arith.addf %mul3A_248, %mul3A_249 : vector<8x128xf32>
      %tanh3A_251 = math.tanh %add3A_250 : vector<8x128xf32>
      %mul3A_252 = arith.mulf %logistic3A_246, %tanh3A_251 : vector<8x128xf32>
      %slice3A_253 = vector.extract_strided_slice %add3A_165 {offsets = [0, 1536], sizes = [8, 128], strides = [1, 1]} : vector<8x2048xf32> to vector<8x128xf32>
      %logistic3A_254 = arith.negf %slice3A_253 : vector<8x128xf32>
      %logistic3A_255 = math.exp %logistic3A_254 : vector<8x128xf32>
      %logistic3A_256 = arith.constant 1.000000e+00 : f32
      %logistic3A_257 = vector.broadcast %logistic3A_256 : f32 to vector<8x128xf32>
      %logistic3A_258 = arith.addf %logistic3A_257, %logistic3A_255 : vector<8x128xf32>
      %logistic3A_259 = arith.divf %logistic3A_257, %logistic3A_258 : vector<8x128xf32>
      %slice3A_260 = vector.extract_strided_slice %add3A_165 {offsets = [0, 1664], sizes = [8, 128], strides = [1, 1]} : vector<8x2048xf32> to vector<8x128xf32>
      %logistic3A_261 = arith.negf %slice3A_260 : vector<8x128xf32>
      %logistic3A_262 = math.exp %logistic3A_261 : vector<8x128xf32>
      %logistic3A_263 = arith.constant 1.000000e+00 : f32
      %logistic3A_264 = vector.broadcast %logistic3A_263 : f32 to vector<8x128xf32>
      %logistic3A_265 = arith.addf %logistic3A_264, %logistic3A_262 : vector<8x128xf32>
      %logistic3A_266 = arith.divf %logistic3A_264, %logistic3A_265 : vector<8x128xf32>
      %slice3A_267 = vector.extract_strided_slice %add3A_165 {offsets = [0, 1792], sizes = [8, 128], strides = [1, 1]} : vector<8x2048xf32> to vector<8x128xf32>
      %tanh3A_268 = math.tanh %slice3A_267 : vector<8x128xf32>
      %slice3A_269 = vector.extract_strided_slice %add3A_165 {offsets = [0, 1920], sizes = [8, 128], strides = [1, 1]} : vector<8x2048xf32> to vector<8x128xf32>
      %logistic3A_270 = arith.negf %slice3A_269 : vector<8x128xf32>
      %logistic3A_271 = math.exp %logistic3A_270 : vector<8x128xf32>
      %logistic3A_272 = arith.constant 1.000000e+00 : f32
      %logistic3A_273 = vector.broadcast %logistic3A_272 : f32 to vector<8x128xf32>
      %logistic3A_274 = arith.addf %logistic3A_273, %logistic3A_271 : vector<8x128xf32>
      %logistic3A_275 = arith.divf %logistic3A_273, %logistic3A_274 : vector<8x128xf32>
      %slice3A_276 = vector.extract_strided_slice %concatenate3A_151 {offsets = [0, 384], sizes = [8, 128], strides = [1, 1]} : vector<8x512xf32> to vector<8x128xf32>
      %mul3A_277 = arith.mulf %logistic3A_266, %slice3A_276 : vector<8x128xf32>
      %mul3A_278 = arith.mulf %logistic3A_259, %tanh3A_268 : vector<8x128xf32>
      %add3A_279 = arith.addf %mul3A_277, %mul3A_278 : vector<8x128xf32>
      %tanh3A_280 = math.tanh %add3A_279 : vector<8x128xf32>
      %mul3A_281 = arith.mulf %logistic3A_275, %tanh3A_280 : vector<8x128xf32>
      %concatenate3A_282 = tpu.concatenate %mul3A_194, %mul3A_223, %mul3A_252, %mul3A_281 in 1 : vector<8x128xf32>, vector<8x128xf32>, vector<8x128xf32>, vector<8x128xf32> -> vector<8x512xf32>
      %concatenate3A_283 = tpu.concatenate %add3A_192, %add3A_221, %add3A_250, %add3A_279 in 1 : vector<8x128xf32>, vector<8x128xf32>, vector<8x128xf32>, vector<8x128xf32> -> vector<8x512xf32>
      %scan3A_284 = arith.constant 2 : i32
      %scan3A_285 = arith.addi %scan3A_23, %scan3A_284 : i32
      %mul3A_286 = arith.constant 8 : i32
      %mul3A_287 = arith.muli %scan3A_285, %mul3A_286 : i32
      %get3A_288 = arith.index_cast %mul3A_287 : i32 to index
      %get3A_289 = arith.constant 0 : index
      %get3A_290 = vector.load %arg5[%get3A_288, %get3A_289] : memref<896x2048xf32, #tpu.memory_space<vmem>>, vector<8x2048xf32>
      %convert_element_type3A_291 = arith.truncf %concatenate3A_282 : vector<8x512xf32> to vector<8x512xbf16>
      %get3A_292 = arith.constant 0 : index
      %get3A_293 = arith.constant 0 : index
      %get3A_294 = vector.load %arg2[%get3A_292, %get3A_293] : memref<512x2048xbf16, #tpu.memory_space<vmem>>, vector<512x2048xbf16>
      %dot_general3A_295 = arith.constant dense<0.000000e+00> : vector<8x2048xf32>
      %dot_general3A_296 = tpu.matmul %convert_element_type3A_291, %get3A_294, %dot_general3A_295 {dimension_numbers = #tpu.dot_dimension_numbers<[1], [0], [0], [1], [0, 0, 1, 1], [], []>, transpose_lhs_hint = false} : vector<8x512xbf16>, vector<512x2048xbf16>, vector<8x2048xf32> -> vector<8x2048xf32>
      %add3A_297 = arith.addf %get3A_290, %dot_general3A_296 : vector<8x2048xf32>
      %slice3A_298 = vector.extract_strided_slice %add3A_297 {offsets = [0, 0], sizes = [8, 128], strides = [1, 1]} : vector<8x2048xf32> to vector<8x128xf32>
      %logistic3A_299 = arith.negf %slice3A_298 : vector<8x128xf32>
      %logistic3A_300 = math.exp %logistic3A_299 : vector<8x128xf32>
      %logistic3A_301 = arith.constant 1.000000e+00 : f32
      %logistic3A_302 = vector.broadcast %logistic3A_301 : f32 to vector<8x128xf32>
      %logistic3A_303 = arith.addf %logistic3A_302, %logistic3A_300 : vector<8x128xf32>
      %logistic3A_304 = arith.divf %logistic3A_302, %logistic3A_303 : vector<8x128xf32>
      %slice3A_305 = vector.extract_strided_slice %add3A_297 {offsets = [0, 128], sizes = [8, 128], strides = [1, 1]} : vector<8x2048xf32> to vector<8x128xf32>
      %logistic3A_306 = arith.negf %slice3A_305 : vector<8x128xf32>
      %logistic3A_307 = math.exp %logistic3A_306 : vector<8x128xf32>
      %logistic3A_308 = arith.constant 1.000000e+00 : f32
      %logistic3A_309 = vector.broadcast %logistic3A_308 : f32 to vector<8x128xf32>
      %logistic3A_310 = arith.addf %logistic3A_309, %logistic3A_307 : vector<8x128xf32>
      %logistic3A_311 = arith.divf %logistic3A_309, %logistic3A_310 : vector<8x128xf32>
      %slice3A_312 = vector.extract_strided_slice %add3A_297 {offsets = [0, 256], sizes = [8, 128], strides = [1, 1]} : vector<8x2048xf32> to vector<8x128xf32>
      %tanh3A_313 = math.tanh %slice3A_312 : vector<8x128xf32>
      %slice3A_314 = vector.extract_strided_slice %add3A_297 {offsets = [0, 384], sizes = [8, 128], strides = [1, 1]} : vector<8x2048xf32> to vector<8x128xf32>
      %logistic3A_315 = arith.negf %slice3A_314 : vector<8x128xf32>
      %logistic3A_316 = math.exp %logistic3A_315 : vector<8x128xf32>
      %logistic3A_317 = arith.constant 1.000000e+00 : f32
      %logistic3A_318 = vector.broadcast %logistic3A_317 : f32 to vector<8x128xf32>
      %logistic3A_319 = arith.addf %logistic3A_318, %logistic3A_316 : vector<8x128xf32>
      %logistic3A_320 = arith.divf %logistic3A_318, %logistic3A_319 : vector<8x128xf32>
      %slice3A_321 = vector.extract_strided_slice %concatenate3A_283 {offsets = [0, 0], sizes = [8, 128], strides = [1, 1]} : vector<8x512xf32> to vector<8x128xf32>
      %mul3A_322 = arith.mulf %logistic3A_311, %slice3A_321 : vector<8x128xf32>
      %mul3A_323 = arith.mulf %logistic3A_304, %tanh3A_313 : vector<8x128xf32>
      %add3A_324 = arith.addf %mul3A_322, %mul3A_323 : vector<8x128xf32>
      %tanh3A_325 = math.tanh %add3A_324 : vector<8x128xf32>
      %mul3A_326 = arith.mulf %logistic3A_320, %tanh3A_325 : vector<8x128xf32>
      %slice3A_327 = vector.extract_strided_slice %add3A_297 {offsets = [0, 512], sizes = [8, 128], strides = [1, 1]} : vector<8x2048xf32> to vector<8x128xf32>
      %logistic3A_328 = arith.negf %slice3A_327 : vector<8x128xf32>
      %logistic3A_329 = math.exp %logistic3A_328 : vector<8x128xf32>
      %logistic3A_330 = arith.constant 1.000000e+00 : f32
      %logistic3A_331 = vector.broadcast %logistic3A_330 : f32 to vector<8x128xf32>
      %logistic3A_332 = arith.addf %logistic3A_331, %logistic3A_329 : vector<8x128xf32>
      %logistic3A_333 = arith.divf %logistic3A_331, %logistic3A_332 : vector<8x128xf32>
      %slice3A_334 = vector.extract_strided_slice %add3A_297 {offsets = [0, 640], sizes = [8, 128], strides = [1, 1]} : vector<8x2048xf32> to vector<8x128xf32>
      %logistic3A_335 = arith.negf %slice3A_334 : vector<8x128xf32>
      %logistic3A_336 = math.exp %logistic3A_335 : vector<8x128xf32>
      %logistic3A_337 = arith.constant 1.000000e+00 : f32
      %logistic3A_338 = vector.broadcast %logistic3A_337 : f32 to vector<8x128xf32>
      %logistic3A_339 = arith.addf %logistic3A_338, %logistic3A_336 : vector<8x128xf32>
      %logistic3A_340 = arith.divf %logistic3A_338, %logistic3A_339 : vector<8x128xf32>
      %slice3A_341 = vector.extract_strided_slice %add3A_297 {offsets = [0, 768], sizes = [8, 128], strides = [1, 1]} : vector<8x2048xf32> to vector<8x128xf32>
      %tanh3A_342 = math.tanh %slice3A_341 : vector<8x128xf32>
      %slice3A_343 = vector.extract_strided_slice %add3A_297 {offsets = [0, 896], sizes = [8, 128], strides = [1, 1]} : vector<8x2048xf32> to vector<8x128xf32>
      %logistic3A_344 = arith.negf %slice3A_343 : vector<8x128xf32>
      %logistic3A_345 = math.exp %logistic3A_344 : vector<8x128xf32>
      %logistic3A_346 = arith.constant 1.000000e+00 : f32
      %logistic3A_347 = vector.broadcast %logistic3A_346 : f32 to vector<8x128xf32>
      %logistic3A_348 = arith.addf %logistic3A_347, %logistic3A_345 : vector<8x128xf32>
      %logistic3A_349 = arith.divf %logistic3A_347, %logistic3A_348 : vector<8x128xf32>
      %slice3A_350 = vector.extract_strided_slice %concatenate3A_283 {offsets = [0, 128], sizes = [8, 128], strides = [1, 1]} : vector<8x512xf32> to vector<8x128xf32>
      %mul3A_351 = arith.mulf %logistic3A_340, %slice3A_350 : vector<8x128xf32>
      %mul3A_352 = arith.mulf %logistic3A_333, %tanh3A_342 : vector<8x128xf32>
      %add3A_353 = arith.addf %mul3A_351, %mul3A_352 : vector<8x128xf32>
      %tanh3A_354 = math.tanh %add3A_353 : vector<8x128xf32>
      %mul3A_355 = arith.mulf %logistic3A_349, %tanh3A_354 : vector<8x128xf32>
      %slice3A_356 = vector.extract_strided_slice %add3A_297 {offsets = [0, 1024], sizes = [8, 128], strides = [1, 1]} : vector<8x2048xf32> to vector<8x128xf32>
      %logistic3A_357 = arith.negf %slice3A_356 : vector<8x128xf32>
      %logistic3A_358 = math.exp %logistic3A_357 : vector<8x128xf32>
      %logistic3A_359 = arith.constant 1.000000e+00 : f32
      %logistic3A_360 = vector.broadcast %logistic3A_359 : f32 to vector<8x128xf32>
      %logistic3A_361 = arith.addf %logistic3A_360, %logistic3A_358 : vector<8x128xf32>
      %logistic3A_362 = arith.divf %logistic3A_360, %logistic3A_361 : vector<8x128xf32>
      %slice3A_363 = vector.extract_strided_slice %add3A_297 {offsets = [0, 1152], sizes = [8, 128], strides = [1, 1]} : vector<8x2048xf32> to vector<8x128xf32>
      %logistic3A_364 = arith.negf %slice3A_363 : vector<8x128xf32>
      %logistic3A_365 = math.exp %logistic3A_364 : vector<8x128xf32>
      %logistic3A_366 = arith.constant 1.000000e+00 : f32
      %logistic3A_367 = vector.broadcast %logistic3A_366 : f32 to vector<8x128xf32>
      %logistic3A_368 = arith.addf %logistic3A_367, %logistic3A_365 : vector<8x128xf32>
      %logistic3A_369 = arith.divf %logistic3A_367, %logistic3A_368 : vector<8x128xf32>
      %slice3A_370 = vector.extract_strided_slice %add3A_297 {offsets = [0, 1280], sizes = [8, 128], strides = [1, 1]} : vector<8x2048xf32> to vector<8x128xf32>
      %tanh3A_371 = math.tanh %slice3A_370 : vector<8x128xf32>
      %slice3A_372 = vector.extract_strided_slice %add3A_297 {offsets = [0, 1408], sizes = [8, 128], strides = [1, 1]} : vector<8x2048xf32> to vector<8x128xf32>
      %logistic3A_373 = arith.negf %slice3A_372 : vector<8x128xf32>
      %logistic3A_374 = math.exp %logistic3A_373 : vector<8x128xf32>
      %logistic3A_375 = arith.constant 1.000000e+00 : f32
      %logistic3A_376 = vector.broadcast %logistic3A_375 : f32 to vector<8x128xf32>
      %logistic3A_377 = arith.addf %logistic3A_376, %logistic3A_374 : vector<8x128xf32>
      %logistic3A_378 = arith.divf %logistic3A_376, %logistic3A_377 : vector<8x128xf32>
      %slice3A_379 = vector.extract_strided_slice %concatenate3A_283 {offsets = [0, 256], sizes = [8, 128], strides = [1, 1]} : vector<8x512xf32> to vector<8x128xf32>
      %mul3A_380 = arith.mulf %logistic3A_369, %slice3A_379 : vector<8x128xf32>
      %mul3A_381 = arith.mulf %logistic3A_362, %tanh3A_371 : vector<8x128xf32>
      %add3A_382 = arith.addf %mul3A_380, %mul3A_381 : vector<8x128xf32>
      %tanh3A_383 = math.tanh %add3A_382 : vector<8x128xf32>
      %mul3A_384 = arith.mulf %logistic3A_378, %tanh3A_383 : vector<8x128xf32>
      %slice3A_385 = vector.extract_strided_slice %add3A_297 {offsets = [0, 1536], sizes = [8, 128], strides = [1, 1]} : vector<8x2048xf32> to vector<8x128xf32>
      %logistic3A_386 = arith.negf %slice3A_385 : vector<8x128xf32>
      %logistic3A_387 = math.exp %logistic3A_386 : vector<8x128xf32>
      %logistic3A_388 = arith.constant 1.000000e+00 : f32
      %logistic3A_389 = vector.broadcast %logistic3A_388 : f32 to vector<8x128xf32>
      %logistic3A_390 = arith.addf %logistic3A_389, %logistic3A_387 : vector<8x128xf32>
      %logistic3A_391 = arith.divf %logistic3A_389, %logistic3A_390 : vector<8x128xf32>
      %slice3A_392 = vector.extract_strided_slice %add3A_297 {offsets = [0, 1664], sizes = [8, 128], strides = [1, 1]} : vector<8x2048xf32> to vector<8x128xf32>
      %logistic3A_393 = arith.negf %slice3A_392 : vector<8x128xf32>
      %logistic3A_394 = math.exp %logistic3A_393 : vector<8x128xf32>
      %logistic3A_395 = arith.constant 1.000000e+00 : f32
      %logistic3A_396 = vector.broadcast %logistic3A_395 : f32 to vector<8x128xf32>
      %logistic3A_397 = arith.addf %logistic3A_396, %logistic3A_394 : vector<8x128xf32>
      %logistic3A_398 = arith.divf %logistic3A_396, %logistic3A_397 : vector<8x128xf32>
      %slice3A_399 = vector.extract_strided_slice %add3A_297 {offsets = [0, 1792], sizes = [8, 128], strides = [1, 1]} : vector<8x2048xf32> to vector<8x128xf32>
      %tanh3A_400 = math.tanh %slice3A_399 : vector<8x128xf32>
      %slice3A_401 = vector.extract_strided_slice %add3A_297 {offsets = [0, 1920], sizes = [8, 128], strides = [1, 1]} : vector<8x2048xf32> to vector<8x128xf32>
      %logistic3A_402 = arith.negf %slice3A_401 : vector<8x128xf32>
      %logistic3A_403 = math.exp %logistic3A_402 : vector<8x128xf32>
      %logistic3A_404 = arith.constant 1.000000e+00 : f32
      %logistic3A_405 = vector.broadcast %logistic3A_404 : f32 to vector<8x128xf32>
      %logistic3A_406 = arith.addf %logistic3A_405, %logistic3A_403 : vector<8x128xf32>
      %logistic3A_407 = arith.divf %logistic3A_405, %logistic3A_406 : vector<8x128xf32>
      %slice3A_408 = vector.extract_strided_slice %concatenate3A_283 {offsets = [0, 384], sizes = [8, 128], strides = [1, 1]} : vector<8x512xf32> to vector<8x128xf32>
      %mul3A_409 = arith.mulf %logistic3A_398, %slice3A_408 : vector<8x128xf32>
      %mul3A_410 = arith.mulf %logistic3A_391, %tanh3A_400 : vector<8x128xf32>
      %add3A_411 = arith.addf %mul3A_409, %mul3A_410 : vector<8x128xf32>
      %tanh3A_412 = math.tanh %add3A_411 : vector<8x128xf32>
      %mul3A_413 = arith.mulf %logistic3A_407, %tanh3A_412 : vector<8x128xf32>
      %concatenate3A_414 = tpu.concatenate %mul3A_326, %mul3A_355, %mul3A_384, %mul3A_413 in 1 : vector<8x128xf32>, vector<8x128xf32>, vector<8x128xf32>, vector<8x128xf32> -> vector<8x512xf32>
      %concatenate3A_415 = tpu.concatenate %add3A_324, %add3A_353, %add3A_382, %add3A_411 in 1 : vector<8x128xf32>, vector<8x128xf32>, vector<8x128xf32>, vector<8x128xf32> -> vector<8x512xf32>
      %scan3A_416 = arith.constant 3 : i32
      %scan3A_417 = arith.addi %scan3A_23, %scan3A_416 : i32
      %mul3A_418 = arith.constant 8 : i32
      %mul3A_419 = arith.muli %scan3A_417, %mul3A_418 : i32
      %get3A_420 = arith.index_cast %mul3A_419 : i32 to index
      %get3A_421 = arith.constant 0 : index
      %get3A_422 = vector.load %arg5[%get3A_420, %get3A_421] : memref<896x2048xf32, #tpu.memory_space<vmem>>, vector<8x2048xf32>
      %convert_element_type3A_423 = arith.truncf %concatenate3A_414 : vector<8x512xf32> to vector<8x512xbf16>
      %get3A_424 = arith.constant 0 : index
      %get3A_425 = arith.constant 0 : index
      %get3A_426 = vector.load %arg2[%get3A_424, %get3A_425] : memref<512x2048xbf16, #tpu.memory_space<vmem>>, vector<512x2048xbf16>
      %dot_general3A_427 = arith.constant dense<0.000000e+00> : vector<8x2048xf32>
      %dot_general3A_428 = tpu.matmul %convert_element_type3A_423, %get3A_426, %dot_general3A_427 {dimension_numbers = #tpu.dot_dimension_numbers<[1], [0], [0], [1], [0, 0, 1, 1], [], []>, transpose_lhs_hint = false} : vector<8x512xbf16>, vector<512x2048xbf16>, vector<8x2048xf32> -> vector<8x2048xf32>
      %add3A_429 = arith.addf %get3A_422, %dot_general3A_428 : vector<8x2048xf32>
      %slice3A_430 = vector.extract_strided_slice %add3A_429 {offsets = [0, 0], sizes = [8, 128], strides = [1, 1]} : vector<8x2048xf32> to vector<8x128xf32>
      %logistic3A_431 = arith.negf %slice3A_430 : vector<8x128xf32>
      %logistic3A_432 = math.exp %logistic3A_431 : vector<8x128xf32>
      %logistic3A_433 = arith.constant 1.000000e+00 : f32
      %logistic3A_434 = vector.broadcast %logistic3A_433 : f32 to vector<8x128xf32>
      %logistic3A_435 = arith.addf %logistic3A_434, %logistic3A_432 : vector<8x128xf32>
      %logistic3A_436 = arith.divf %logistic3A_434, %logistic3A_435 : vector<8x128xf32>
      %slice3A_437 = vector.extract_strided_slice %add3A_429 {offsets = [0, 128], sizes = [8, 128], strides = [1, 1]} : vector<8x2048xf32> to vector<8x128xf32>
      %logistic3A_438 = arith.negf %slice3A_437 : vector<8x128xf32>
      %logistic3A_439 = math.exp %logistic3A_438 : vector<8x128xf32>
      %logistic3A_440 = arith.constant 1.000000e+00 : f32
      %logistic3A_441 = vector.broadcast %logistic3A_440 : f32 to vector<8x128xf32>
      %logistic3A_442 = arith.addf %logistic3A_441, %logistic3A_439 : vector<8x128xf32>
      %logistic3A_443 = arith.divf %logistic3A_441, %logistic3A_442 : vector<8x128xf32>
      %slice3A_444 = vector.extract_strided_slice %add3A_429 {offsets = [0, 256], sizes = [8, 128], strides = [1, 1]} : vector<8x2048xf32> to vector<8x128xf32>
      %tanh3A_445 = math.tanh %slice3A_444 : vector<8x128xf32>
      %slice3A_446 = vector.extract_strided_slice %add3A_429 {offsets = [0, 384], sizes = [8, 128], strides = [1, 1]} : vector<8x2048xf32> to vector<8x128xf32>
      %logistic3A_447 = arith.negf %slice3A_446 : vector<8x128xf32>
      %logistic3A_448 = math.exp %logistic3A_447 : vector<8x128xf32>
      %logistic3A_449 = arith.constant 1.000000e+00 : f32
      %logistic3A_450 = vector.broadcast %logistic3A_449 : f32 to vector<8x128xf32>
      %logistic3A_451 = arith.addf %logistic3A_450, %logistic3A_448 : vector<8x128xf32>
      %logistic3A_452 = arith.divf %logistic3A_450, %logistic3A_451 : vector<8x128xf32>
      %slice3A_453 = vector.extract_strided_slice %concatenate3A_415 {offsets = [0, 0], sizes = [8, 128], strides = [1, 1]} : vector<8x512xf32> to vector<8x128xf32>
      %mul3A_454 = arith.mulf %logistic3A_443, %slice3A_453 : vector<8x128xf32>
      %mul3A_455 = arith.mulf %logistic3A_436, %tanh3A_445 : vector<8x128xf32>
      %add3A_456 = arith.addf %mul3A_454, %mul3A_455 : vector<8x128xf32>
      %tanh3A_457 = math.tanh %add3A_456 : vector<8x128xf32>
      %mul3A_458 = arith.mulf %logistic3A_452, %tanh3A_457 : vector<8x128xf32>
      %slice3A_459 = vector.extract_strided_slice %add3A_429 {offsets = [0, 512], sizes = [8, 128], strides = [1, 1]} : vector<8x2048xf32> to vector<8x128xf32>
      %logistic3A_460 = arith.negf %slice3A_459 : vector<8x128xf32>
      %logistic3A_461 = math.exp %logistic3A_460 : vector<8x128xf32>
      %logistic3A_462 = arith.constant 1.000000e+00 : f32
      %logistic3A_463 = vector.broadcast %logistic3A_462 : f32 to vector<8x128xf32>
      %logistic3A_464 = arith.addf %logistic3A_463, %logistic3A_461 : vector<8x128xf32>
      %logistic3A_465 = arith.divf %logistic3A_463, %logistic3A_464 : vector<8x128xf32>
      %slice3A_466 = vector.extract_strided_slice %add3A_429 {offsets = [0, 640], sizes = [8, 128], strides = [1, 1]} : vector<8x2048xf32> to vector<8x128xf32>
      %logistic3A_467 = arith.negf %slice3A_466 : vector<8x128xf32>
      %logistic3A_468 = math.exp %logistic3A_467 : vector<8x128xf32>
      %logistic3A_469 = arith.constant 1.000000e+00 : f32
      %logistic3A_470 = vector.broadcast %logistic3A_469 : f32 to vector<8x128xf32>
      %logistic3A_471 = arith.addf %logistic3A_470, %logistic3A_468 : vector<8x128xf32>
      %logistic3A_472 = arith.divf %logistic3A_470, %logistic3A_471 : vector<8x128xf32>
      %slice3A_473 = vector.extract_strided_slice %add3A_429 {offsets = [0, 768], sizes = [8, 128], strides = [1, 1]} : vector<8x2048xf32> to vector<8x128xf32>
      %tanh3A_474 = math.tanh %slice3A_473 : vector<8x128xf32>
      %slice3A_475 = vector.extract_strided_slice %add3A_429 {offsets = [0, 896], sizes = [8, 128], strides = [1, 1]} : vector<8x2048xf32> to vector<8x128xf32>
      %logistic3A_476 = arith.negf %slice3A_475 : vector<8x128xf32>
      %logistic3A_477 = math.exp %logistic3A_476 : vector<8x128xf32>
      %logistic3A_478 = arith.constant 1.000000e+00 : f32
      %logistic3A_479 = vector.broadcast %logistic3A_478 : f32 to vector<8x128xf32>
      %logistic3A_480 = arith.addf %logistic3A_479, %logistic3A_477 : vector<8x128xf32>
      %logistic3A_481 = arith.divf %logistic3A_479, %logistic3A_480 : vector<8x128xf32>
      %slice3A_482 = vector.extract_strided_slice %concatenate3A_415 {offsets = [0, 128], sizes = [8, 128], strides = [1, 1]} : vector<8x512xf32> to vector<8x128xf32>
      %mul3A_483 = arith.mulf %logistic3A_472, %slice3A_482 : vector<8x128xf32>
      %mul3A_484 = arith.mulf %logistic3A_465, %tanh3A_474 : vector<8x128xf32>
      %add3A_485 = arith.addf %mul3A_483, %mul3A_484 : vector<8x128xf32>
      %tanh3A_486 = math.tanh %add3A_485 : vector<8x128xf32>
      %mul3A_487 = arith.mulf %logistic3A_481, %tanh3A_486 : vector<8x128xf32>
      %slice3A_488 = vector.extract_strided_slice %add3A_429 {offsets = [0, 1024], sizes = [8, 128], strides = [1, 1]} : vector<8x2048xf32> to vector<8x128xf32>
      %logistic3A_489 = arith.negf %slice3A_488 : vector<8x128xf32>
      %logistic3A_490 = math.exp %logistic3A_489 : vector<8x128xf32>
      %logistic3A_491 = arith.constant 1.000000e+00 : f32
      %logistic3A_492 = vector.broadcast %logistic3A_491 : f32 to vector<8x128xf32>
      %logistic3A_493 = arith.addf %logistic3A_492, %logistic3A_490 : vector<8x128xf32>
      %logistic3A_494 = arith.divf %logistic3A_492, %logistic3A_493 : vector<8x128xf32>
      %slice3A_495 = vector.extract_strided_slice %add3A_429 {offsets = [0, 1152], sizes = [8, 128], strides = [1, 1]} : vector<8x2048xf32> to vector<8x128xf32>
      %logistic3A_496 = arith.negf %slice3A_495 : vector<8x128xf32>
      %logistic3A_497 = math.exp %logistic3A_496 : vector<8x128xf32>
      %logistic3A_498 = arith.constant 1.000000e+00 : f32
      %logistic3A_499 = vector.broadcast %logistic3A_498 : f32 to vector<8x128xf32>
      %logistic3A_500 = arith.addf %logistic3A_499, %logistic3A_497 : vector<8x128xf32>
      %logistic3A_501 = arith.divf %logistic3A_499, %logistic3A_500 : vector<8x128xf32>
      %slice3A_502 = vector.extract_strided_slice %add3A_429 {offsets = [0, 1280], sizes = [8, 128], strides = [1, 1]} : vector<8x2048xf32> to vector<8x128xf32>
      %tanh3A_503 = math.tanh %slice3A_502 : vector<8x128xf32>
      %slice3A_504 = vector.extract_strided_slice %add3A_429 {offsets = [0, 1408], sizes = [8, 128], strides = [1, 1]} : vector<8x2048xf32> to vector<8x128xf32>
      %logistic3A_505 = arith.negf %slice3A_504 : vector<8x128xf32>
      %logistic3A_506 = math.exp %logistic3A_505 : vector<8x128xf32>
      %logistic3A_507 = arith.constant 1.000000e+00 : f32
      %logistic3A_508 = vector.broadcast %logistic3A_507 : f32 to vector<8x128xf32>
      %logistic3A_509 = arith.addf %logistic3A_508, %logistic3A_506 : vector<8x128xf32>
      %logistic3A_510 = arith.divf %logistic3A_508, %logistic3A_509 : vector<8x128xf32>
      %slice3A_511 = vector.extract_strided_slice %concatenate3A_415 {offsets = [0, 256], sizes = [8, 128], strides = [1, 1]} : vector<8x512xf32> to vector<8x128xf32>
      %mul3A_512 = arith.mulf %logistic3A_501, %slice3A_511 : vector<8x128xf32>
      %mul3A_513 = arith.mulf %logistic3A_494, %tanh3A_503 : vector<8x128xf32>
      %add3A_514 = arith.addf %mul3A_512, %mul3A_513 : vector<8x128xf32>
      %tanh3A_515 = math.tanh %add3A_514 : vector<8x128xf32>
      %mul3A_516 = arith.mulf %logistic3A_510, %tanh3A_515 : vector<8x128xf32>
      %slice3A_517 = vector.extract_strided_slice %add3A_429 {offsets = [0, 1536], sizes = [8, 128], strides = [1, 1]} : vector<8x2048xf32> to vector<8x128xf32>
      %logistic3A_518 = arith.negf %slice3A_517 : vector<8x128xf32>
      %logistic3A_519 = math.exp %logistic3A_518 : vector<8x128xf32>
      %logistic3A_520 = arith.constant 1.000000e+00 : f32
      %logistic3A_521 = vector.broadcast %logistic3A_520 : f32 to vector<8x128xf32>
      %logistic3A_522 = arith.addf %logistic3A_521, %logistic3A_519 : vector<8x128xf32>
      %logistic3A_523 = arith.divf %logistic3A_521, %logistic3A_522 : vector<8x128xf32>
      %slice3A_524 = vector.extract_strided_slice %add3A_429 {offsets = [0, 1664], sizes = [8, 128], strides = [1, 1]} : vector<8x2048xf32> to vector<8x128xf32>
      %logistic3A_525 = arith.negf %slice3A_524 : vector<8x128xf32>
      %logistic3A_526 = math.exp %logistic3A_525 : vector<8x128xf32>
      %logistic3A_527 = arith.constant 1.000000e+00 : f32
      %logistic3A_528 = vector.broadcast %logistic3A_527 : f32 to vector<8x128xf32>
      %logistic3A_529 = arith.addf %logistic3A_528, %logistic3A_526 : vector<8x128xf32>
      %logistic3A_530 = arith.divf %logistic3A_528, %logistic3A_529 : vector<8x128xf32>
      %slice3A_531 = vector.extract_strided_slice %add3A_429 {offsets = [0, 1792], sizes = [8, 128], strides = [1, 1]} : vector<8x2048xf32> to vector<8x128xf32>
      %tanh3A_532 = math.tanh %slice3A_531 : vector<8x128xf32>
      %slice3A_533 = vector.extract_strided_slice %add3A_429 {offsets = [0, 1920], sizes = [8, 128], strides = [1, 1]} : vector<8x2048xf32> to vector<8x128xf32>
      %logistic3A_534 = arith.negf %slice3A_533 : vector<8x128xf32>
      %logistic3A_535 = math.exp %logistic3A_534 : vector<8x128xf32>
      %logistic3A_536 = arith.constant 1.000000e+00 : f32
      %logistic3A_537 = vector.broadcast %logistic3A_536 : f32 to vector<8x128xf32>
      %logistic3A_538 = arith.addf %logistic3A_537, %logistic3A_535 : vector<8x128xf32>
      %logistic3A_539 = arith.divf %logistic3A_537, %logistic3A_538 : vector<8x128xf32>
      %slice3A_540 = vector.extract_strided_slice %concatenate3A_415 {offsets = [0, 384], sizes = [8, 128], strides = [1, 1]} : vector<8x512xf32> to vector<8x128xf32>
      %mul3A_541 = arith.mulf %logistic3A_530, %slice3A_540 : vector<8x128xf32>
      %mul3A_542 = arith.mulf %logistic3A_523, %tanh3A_532 : vector<8x128xf32>
      %add3A_543 = arith.addf %mul3A_541, %mul3A_542 : vector<8x128xf32>
      %tanh3A_544 = math.tanh %add3A_543 : vector<8x128xf32>
      %mul3A_545 = arith.mulf %logistic3A_539, %tanh3A_544 : vector<8x128xf32>
      %concatenate3A_546 = tpu.concatenate %mul3A_458, %mul3A_487, %mul3A_516, %mul3A_545 in 1 : vector<8x128xf32>, vector<8x128xf32>, vector<8x128xf32>, vector<8x128xf32> -> vector<8x512xf32>
      %concatenate3A_547 = tpu.concatenate %add3A_456, %add3A_485, %add3A_514, %add3A_543 in 1 : vector<8x128xf32>, vector<8x128xf32>, vector<8x128xf32>, vector<8x128xf32> -> vector<8x512xf32>
      %scan3A_548 = arith.constant 4 : i32
      %scan3A_549 = arith.addi %scan3A_23, %scan3A_548 : i32
      %mul3A_550 = arith.constant 8 : i32
      %mul3A_551 = arith.muli %scan3A_549, %mul3A_550 : i32
      %get3A_552 = arith.index_cast %mul3A_551 : i32 to index
      %get3A_553 = arith.constant 0 : index
      %get3A_554 = vector.load %arg5[%get3A_552, %get3A_553] : memref<896x2048xf32, #tpu.memory_space<vmem>>, vector<8x2048xf32>
      %convert_element_type3A_555 = arith.truncf %concatenate3A_546 : vector<8x512xf32> to vector<8x512xbf16>
      %get3A_556 = arith.constant 0 : index
      %get3A_557 = arith.constant 0 : index
      %get3A_558 = vector.load %arg2[%get3A_556, %get3A_557] : memref<512x2048xbf16, #tpu.memory_space<vmem>>, vector<512x2048xbf16>
      %dot_general3A_559 = arith.constant dense<0.000000e+00> : vector<8x2048xf32>
      %dot_general3A_560 = tpu.matmul %convert_element_type3A_555, %get3A_558, %dot_general3A_559 {dimension_numbers = #tpu.dot_dimension_numbers<[1], [0], [0], [1], [0, 0, 1, 1], [], []>, transpose_lhs_hint = false} : vector<8x512xbf16>, vector<512x2048xbf16>, vector<8x2048xf32> -> vector<8x2048xf32>
      %add3A_561 = arith.addf %get3A_554, %dot_general3A_560 : vector<8x2048xf32>
      %slice3A_562 = vector.extract_strided_slice %add3A_561 {offsets = [0, 0], sizes = [8, 128], strides = [1, 1]} : vector<8x2048xf32> to vector<8x128xf32>
      %logistic3A_563 = arith.negf %slice3A_562 : vector<8x128xf32>
      %logistic3A_564 = math.exp %logistic3A_563 : vector<8x128xf32>
      %logistic3A_565 = arith.constant 1.000000e+00 : f32
      %logistic3A_566 = vector.broadcast %logistic3A_565 : f32 to vector<8x128xf32>
      %logistic3A_567 = arith.addf %logistic3A_566, %logistic3A_564 : vector<8x128xf32>
      %logistic3A_568 = arith.divf %logistic3A_566, %logistic3A_567 : vector<8x128xf32>
      %slice3A_569 = vector.extract_strided_slice %add3A_561 {offsets = [0, 128], sizes = [8, 128], strides = [1, 1]} : vector<8x2048xf32> to vector<8x128xf32>
      %logistic3A_570 = arith.negf %slice3A_569 : vector<8x128xf32>
      %logistic3A_571 = math.exp %logistic3A_570 : vector<8x128xf32>
      %logistic3A_572 = arith.constant 1.000000e+00 : f32
      %logistic3A_573 = vector.broadcast %logistic3A_572 : f32 to vector<8x128xf32>
      %logistic3A_574 = arith.addf %logistic3A_573, %logistic3A_571 : vector<8x128xf32>
      %logistic3A_575 = arith.divf %logistic3A_573, %logistic3A_574 : vector<8x128xf32>
      %slice3A_576 = vector.extract_strided_slice %add3A_561 {offsets = [0, 256], sizes = [8, 128], strides = [1, 1]} : vector<8x2048xf32> to vector<8x128xf32>
      %tanh3A_577 = math.tanh %slice3A_576 : vector<8x128xf32>
      %slice3A_578 = vector.extract_strided_slice %add3A_561 {offsets = [0, 384], sizes = [8, 128], strides = [1, 1]} : vector<8x2048xf32> to vector<8x128xf32>
      %logistic3A_579 = arith.negf %slice3A_578 : vector<8x128xf32>
      %logistic3A_580 = math.exp %logistic3A_579 : vector<8x128xf32>
      %logistic3A_581 = arith.constant 1.000000e+00 : f32
      %logistic3A_582 = vector.broadcast %logistic3A_581 : f32 to vector<8x128xf32>
      %logistic3A_583 = arith.addf %logistic3A_582, %logistic3A_580 : vector<8x128xf32>
      %logistic3A_584 = arith.divf %logistic3A_582, %logistic3A_583 : vector<8x128xf32>
      %slice3A_585 = vector.extract_strided_slice %concatenate3A_547 {offsets = [0, 0], sizes = [8, 128], strides = [1, 1]} : vector<8x512xf32> to vector<8x128xf32>
      %mul3A_586 = arith.mulf %logistic3A_575, %slice3A_585 : vector<8x128xf32>
      %mul3A_587 = arith.mulf %logistic3A_568, %tanh3A_577 : vector<8x128xf32>
      %add3A_588 = arith.addf %mul3A_586, %mul3A_587 : vector<8x128xf32>
      %tanh3A_589 = math.tanh %add3A_588 : vector<8x128xf32>
      %mul3A_590 = arith.mulf %logistic3A_584, %tanh3A_589 : vector<8x128xf32>
      %slice3A_591 = vector.extract_strided_slice %add3A_561 {offsets = [0, 512], sizes = [8, 128], strides = [1, 1]} : vector<8x2048xf32> to vector<8x128xf32>
      %logistic3A_592 = arith.negf %slice3A_591 : vector<8x128xf32>
      %logistic3A_593 = math.exp %logistic3A_592 : vector<8x128xf32>
      %logistic3A_594 = arith.constant 1.000000e+00 : f32
      %logistic3A_595 = vector.broadcast %logistic3A_594 : f32 to vector<8x128xf32>
      %logistic3A_596 = arith.addf %logistic3A_595, %logistic3A_593 : vector<8x128xf32>
      %logistic3A_597 = arith.divf %logistic3A_595, %logistic3A_596 : vector<8x128xf32>
      %slice3A_598 = vector.extract_strided_slice %add3A_561 {offsets = [0, 640], sizes = [8, 128], strides = [1, 1]} : vector<8x2048xf32> to vector<8x128xf32>
      %logistic3A_599 = arith.negf %slice3A_598 : vector<8x128xf32>
      %logistic3A_600 = math.exp %logistic3A_599 : vector<8x128xf32>
      %logistic3A_601 = arith.constant 1.000000e+00 : f32
      %logistic3A_602 = vector.broadcast %logistic3A_601 : f32 to vector<8x128xf32>
      %logistic3A_603 = arith.addf %logistic3A_602, %logistic3A_600 : vector<8x128xf32>
      %logistic3A_604 = arith.divf %logistic3A_602, %logistic3A_603 : vector<8x128xf32>
      %slice3A_605 = vector.extract_strided_slice %add3A_561 {offsets = [0, 768], sizes = [8, 128], strides = [1, 1]} : vector<8x2048xf32> to vector<8x128xf32>
      %tanh3A_606 = math.tanh %slice3A_605 : vector<8x128xf32>
      %slice3A_607 = vector.extract_strided_slice %add3A_561 {offsets = [0, 896], sizes = [8, 128], strides = [1, 1]} : vector<8x2048xf32> to vector<8x128xf32>
      %logistic3A_608 = arith.negf %slice3A_607 : vector<8x128xf32>
      %logistic3A_609 = math.exp %logistic3A_608 : vector<8x128xf32>
      %logistic3A_610 = arith.constant 1.000000e+00 : f32
      %logistic3A_611 = vector.broadcast %logistic3A_610 : f32 to vector<8x128xf32>
      %logistic3A_612 = arith.addf %logistic3A_611, %logistic3A_609 : vector<8x128xf32>
      %logistic3A_613 = arith.divf %logistic3A_611, %logistic3A_612 : vector<8x128xf32>
      %slice3A_614 = vector.extract_strided_slice %concatenate3A_547 {offsets = [0, 128], sizes = [8, 128], strides = [1, 1]} : vector<8x512xf32> to vector<8x128xf32>
      %mul3A_615 = arith.mulf %logistic3A_604, %slice3A_614 : vector<8x128xf32>
      %mul3A_616 = arith.mulf %logistic3A_597, %tanh3A_606 : vector<8x128xf32>
      %add3A_617 = arith.addf %mul3A_615, %mul3A_616 : vector<8x128xf32>
      %tanh3A_618 = math.tanh %add3A_617 : vector<8x128xf32>
      %mul3A_619 = arith.mulf %logistic3A_613, %tanh3A_618 : vector<8x128xf32>
      %slice3A_620 = vector.extract_strided_slice %add3A_561 {offsets = [0, 1024], sizes = [8, 128], strides = [1, 1]} : vector<8x2048xf32> to vector<8x128xf32>
      %logistic3A_621 = arith.negf %slice3A_620 : vector<8x128xf32>
      %logistic3A_622 = math.exp %logistic3A_621 : vector<8x128xf32>
      %logistic3A_623 = arith.constant 1.000000e+00 : f32
      %logistic3A_624 = vector.broadcast %logistic3A_623 : f32 to vector<8x128xf32>
      %logistic3A_625 = arith.addf %logistic3A_624, %logistic3A_622 : vector<8x128xf32>
      %logistic3A_626 = arith.divf %logistic3A_624, %logistic3A_625 : vector<8x128xf32>
      %slice3A_627 = vector.extract_strided_slice %add3A_561 {offsets = [0, 1152], sizes = [8, 128], strides = [1, 1]} : vector<8x2048xf32> to vector<8x128xf32>
      %logistic3A_628 = arith.negf %slice3A_627 : vector<8x128xf32>
      %logistic3A_629 = math.exp %logistic3A_628 : vector<8x128xf32>
      %logistic3A_630 = arith.constant 1.000000e+00 : f32
      %logistic3A_631 = vector.broadcast %logistic3A_630 : f32 to vector<8x128xf32>
      %logistic3A_632 = arith.addf %logistic3A_631, %logistic3A_629 : vector<8x128xf32>
      %logistic3A_633 = arith.divf %logistic3A_631, %logistic3A_632 : vector<8x128xf32>
      %slice3A_634 = vector.extract_strided_slice %add3A_561 {offsets = [0, 1280], sizes = [8, 128], strides = [1, 1]} : vector<8x2048xf32> to vector<8x128xf32>
      %tanh3A_635 = math.tanh %slice3A_634 : vector<8x128xf32>
      %slice3A_636 = vector.extract_strided_slice %add3A_561 {offsets = [0, 1408], sizes = [8, 128], strides = [1, 1]} : vector<8x2048xf32> to vector<8x128xf32>
      %logistic3A_637 = arith.negf %slice3A_636 : vector<8x128xf32>
      %logistic3A_638 = math.exp %logistic3A_637 : vector<8x128xf32>
      %logistic3A_639 = arith.constant 1.000000e+00 : f32
      %logistic3A_640 = vector.broadcast %logistic3A_639 : f32 to vector<8x128xf32>
      %logistic3A_641 = arith.addf %logistic3A_640, %logistic3A_638 : vector<8x128xf32>
      %logistic3A_642 = arith.divf %logistic3A_640, %logistic3A_641 : vector<8x128xf32>
      %slice3A_643 = vector.extract_strided_slice %concatenate3A_547 {offsets = [0, 256], sizes = [8, 128], strides = [1, 1]} : vector<8x512xf32> to vector<8x128xf32>
      %mul3A_644 = arith.mulf %logistic3A_633, %slice3A_643 : vector<8x128xf32>
      %mul3A_645 = arith.mulf %logistic3A_626, %tanh3A_635 : vector<8x128xf32>
      %add3A_646 = arith.addf %mul3A_644, %mul3A_645 : vector<8x128xf32>
      %tanh3A_647 = math.tanh %add3A_646 : vector<8x128xf32>
      %mul3A_648 = arith.mulf %logistic3A_642, %tanh3A_647 : vector<8x128xf32>
      %slice3A_649 = vector.extract_strided_slice %add3A_561 {offsets = [0, 1536], sizes = [8, 128], strides = [1, 1]} : vector<8x2048xf32> to vector<8x128xf32>
      %logistic3A_650 = arith.negf %slice3A_649 : vector<8x128xf32>
      %logistic3A_651 = math.exp %logistic3A_650 : vector<8x128xf32>
      %logistic3A_652 = arith.constant 1.000000e+00 : f32
      %logistic3A_653 = vector.broadcast %logistic3A_652 : f32 to vector<8x128xf32>
      %logistic3A_654 = arith.addf %logistic3A_653, %logistic3A_651 : vector<8x128xf32>
      %logistic3A_655 = arith.divf %logistic3A_653, %logistic3A_654 : vector<8x128xf32>
      %slice3A_656 = vector.extract_strided_slice %add3A_561 {offsets = [0, 1664], sizes = [8, 128], strides = [1, 1]} : vector<8x2048xf32> to vector<8x128xf32>
      %logistic3A_657 = arith.negf %slice3A_656 : vector<8x128xf32>
      %logistic3A_658 = math.exp %logistic3A_657 : vector<8x128xf32>
      %logistic3A_659 = arith.constant 1.000000e+00 : f32
      %logistic3A_660 = vector.broadcast %logistic3A_659 : f32 to vector<8x128xf32>
      %logistic3A_661 = arith.addf %logistic3A_660, %logistic3A_658 : vector<8x128xf32>
      %logistic3A_662 = arith.divf %logistic3A_660, %logistic3A_661 : vector<8x128xf32>
      %slice3A_663 = vector.extract_strided_slice %add3A_561 {offsets = [0, 1792], sizes = [8, 128], strides = [1, 1]} : vector<8x2048xf32> to vector<8x128xf32>
      %tanh3A_664 = math.tanh %slice3A_663 : vector<8x128xf32>
      %slice3A_665 = vector.extract_strided_slice %add3A_561 {offsets = [0, 1920], sizes = [8, 128], strides = [1, 1]} : vector<8x2048xf32> to vector<8x128xf32>
      %logistic3A_666 = arith.negf %slice3A_665 : vector<8x128xf32>
      %logistic3A_667 = math.exp %logistic3A_666 : vector<8x128xf32>
      %logistic3A_668 = arith.constant 1.000000e+00 : f32
      %logistic3A_669 = vector.broadcast %logistic3A_668 : f32 to vector<8x128xf32>
      %logistic3A_670 = arith.addf %logistic3A_669, %logistic3A_667 : vector<8x128xf32>
      %logistic3A_671 = arith.divf %logistic3A_669, %logistic3A_670 : vector<8x128xf32>
      %slice3A_672 = vector.extract_strided_slice %concatenate3A_547 {offsets = [0, 384], sizes = [8, 128], strides = [1, 1]} : vector<8x512xf32> to vector<8x128xf32>
      %mul3A_673 = arith.mulf %logistic3A_662, %slice3A_672 : vector<8x128xf32>
      %mul3A_674 = arith.mulf %logistic3A_655, %tanh3A_664 : vector<8x128xf32>
      %add3A_675 = arith.addf %mul3A_673, %mul3A_674 : vector<8x128xf32>
      %tanh3A_676 = math.tanh %add3A_675 : vector<8x128xf32>
      %mul3A_677 = arith.mulf %logistic3A_671, %tanh3A_676 : vector<8x128xf32>
      %concatenate3A_678 = tpu.concatenate %mul3A_590, %mul3A_619, %mul3A_648, %mul3A_677 in 1 : vector<8x128xf32>, vector<8x128xf32>, vector<8x128xf32>, vector<8x128xf32> -> vector<8x512xf32>
      %concatenate3A_679 = tpu.concatenate %add3A_588, %add3A_617, %add3A_646, %add3A_675 in 1 : vector<8x128xf32>, vector<8x128xf32>, vector<8x128xf32>, vector<8x128xf32> -> vector<8x512xf32>
      %scan3A_680 = arith.constant 5 : i32
      %scan3A_681 = arith.addi %scan3A_23, %scan3A_680 : i32
      %mul3A_682 = arith.constant 8 : i32
      %mul3A_683 = arith.muli %scan3A_681, %mul3A_682 : i32
      %get3A_684 = arith.index_cast %mul3A_683 : i32 to index
      %get3A_685 = arith.constant 0 : index
      %get3A_686 = vector.load %arg5[%get3A_684, %get3A_685] : memref<896x2048xf32, #tpu.memory_space<vmem>>, vector<8x2048xf32>
      %convert_element_type3A_687 = arith.truncf %concatenate3A_678 : vector<8x512xf32> to vector<8x512xbf16>
      %get3A_688 = arith.constant 0 : index
      %get3A_689 = arith.constant 0 : index
      %get3A_690 = vector.load %arg2[%get3A_688, %get3A_689] : memref<512x2048xbf16, #tpu.memory_space<vmem>>, vector<512x2048xbf16>
      %dot_general3A_691 = arith.constant dense<0.000000e+00> : vector<8x2048xf32>
      %dot_general3A_692 = tpu.matmul %convert_element_type3A_687, %get3A_690, %dot_general3A_691 {dimension_numbers = #tpu.dot_dimension_numbers<[1], [0], [0], [1], [0, 0, 1, 1], [], []>, transpose_lhs_hint = false} : vector<8x512xbf16>, vector<512x2048xbf16>, vector<8x2048xf32> -> vector<8x2048xf32>
      %add3A_693 = arith.addf %get3A_686, %dot_general3A_692 : vector<8x2048xf32>
      %slice3A_694 = vector.extract_strided_slice %add3A_693 {offsets = [0, 0], sizes = [8, 128], strides = [1, 1]} : vector<8x2048xf32> to vector<8x128xf32>
      %logistic3A_695 = arith.negf %slice3A_694 : vector<8x128xf32>
      %logistic3A_696 = math.exp %logistic3A_695 : vector<8x128xf32>
      %logistic3A_697 = arith.constant 1.000000e+00 : f32
      %logistic3A_698 = vector.broadcast %logistic3A_697 : f32 to vector<8x128xf32>
      %logistic3A_699 = arith.addf %logistic3A_698, %logistic3A_696 : vector<8x128xf32>
      %logistic3A_700 = arith.divf %logistic3A_698, %logistic3A_699 : vector<8x128xf32>
      %slice3A_701 = vector.extract_strided_slice %add3A_693 {offsets = [0, 128], sizes = [8, 128], strides = [1, 1]} : vector<8x2048xf32> to vector<8x128xf32>
      %logistic3A_702 = arith.negf %slice3A_701 : vector<8x128xf32>
      %logistic3A_703 = math.exp %logistic3A_702 : vector<8x128xf32>
      %logistic3A_704 = arith.constant 1.000000e+00 : f32
      %logistic3A_705 = vector.broadcast %logistic3A_704 : f32 to vector<8x128xf32>
      %logistic3A_706 = arith.addf %logistic3A_705, %logistic3A_703 : vector<8x128xf32>
      %logistic3A_707 = arith.divf %logistic3A_705, %logistic3A_706 : vector<8x128xf32>
      %slice3A_708 = vector.extract_strided_slice %add3A_693 {offsets = [0, 256], sizes = [8, 128], strides = [1, 1]} : vector<8x2048xf32> to vector<8x128xf32>
      %tanh3A_709 = math.tanh %slice3A_708 : vector<8x128xf32>
      %slice3A_710 = vector.extract_strided_slice %add3A_693 {offsets = [0, 384], sizes = [8, 128], strides = [1, 1]} : vector<8x2048xf32> to vector<8x128xf32>
      %logistic3A_711 = arith.negf %slice3A_710 : vector<8x128xf32>
      %logistic3A_712 = math.exp %logistic3A_711 : vector<8x128xf32>
      %logistic3A_713 = arith.constant 1.000000e+00 : f32
      %logistic3A_714 = vector.broadcast %logistic3A_713 : f32 to vector<8x128xf32>
      %logistic3A_715 = arith.addf %logistic3A_714, %logistic3A_712 : vector<8x128xf32>
      %logistic3A_716 = arith.divf %logistic3A_714, %logistic3A_715 : vector<8x128xf32>
      %slice3A_717 = vector.extract_strided_slice %concatenate3A_679 {offsets = [0, 0], sizes = [8, 128], strides = [1, 1]} : vector<8x512xf32> to vector<8x128xf32>
      %mul3A_718 = arith.mulf %logistic3A_707, %slice3A_717 : vector<8x128xf32>
      %mul3A_719 = arith.mulf %logistic3A_700, %tanh3A_709 : vector<8x128xf32>
      %add3A_720 = arith.addf %mul3A_718, %mul3A_719 : vector<8x128xf32>
      %tanh3A_721 = math.tanh %add3A_720 : vector<8x128xf32>
      %mul3A_722 = arith.mulf %logistic3A_716, %tanh3A_721 : vector<8x128xf32>
      %slice3A_723 = vector.extract_strided_slice %add3A_693 {offsets = [0, 512], sizes = [8, 128], strides = [1, 1]} : vector<8x2048xf32> to vector<8x128xf32>
      %logistic3A_724 = arith.negf %slice3A_723 : vector<8x128xf32>
      %logistic3A_725 = math.exp %logistic3A_724 : vector<8x128xf32>
      %logistic3A_726 = arith.constant 1.000000e+00 : f32
      %logistic3A_727 = vector.broadcast %logistic3A_726 : f32 to vector<8x128xf32>
      %logistic3A_728 = arith.addf %logistic3A_727, %logistic3A_725 : vector<8x128xf32>
      %logistic3A_729 = arith.divf %logistic3A_727, %logistic3A_728 : vector<8x128xf32>
      %slice3A_730 = vector.extract_strided_slice %add3A_693 {offsets = [0, 640], sizes = [8, 128], strides = [1, 1]} : vector<8x2048xf32> to vector<8x128xf32>
      %logistic3A_731 = arith.negf %slice3A_730 : vector<8x128xf32>
      %logistic3A_732 = math.exp %logistic3A_731 : vector<8x128xf32>
      %logistic3A_733 = arith.constant 1.000000e+00 : f32
      %logistic3A_734 = vector.broadcast %logistic3A_733 : f32 to vector<8x128xf32>
      %logistic3A_735 = arith.addf %logistic3A_734, %logistic3A_732 : vector<8x128xf32>
      %logistic3A_736 = arith.divf %logistic3A_734, %logistic3A_735 : vector<8x128xf32>
      %slice3A_737 = vector.extract_strided_slice %add3A_693 {offsets = [0, 768], sizes = [8, 128], strides = [1, 1]} : vector<8x2048xf32> to vector<8x128xf32>
      %tanh3A_738 = math.tanh %slice3A_737 : vector<8x128xf32>
      %slice3A_739 = vector.extract_strided_slice %add3A_693 {offsets = [0, 896], sizes = [8, 128], strides = [1, 1]} : vector<8x2048xf32> to vector<8x128xf32>
      %logistic3A_740 = arith.negf %slice3A_739 : vector<8x128xf32>
      %logistic3A_741 = math.exp %logistic3A_740 : vector<8x128xf32>
      %logistic3A_742 = arith.constant 1.000000e+00 : f32
      %logistic3A_743 = vector.broadcast %logistic3A_742 : f32 to vector<8x128xf32>
      %logistic3A_744 = arith.addf %logistic3A_743, %logistic3A_741 : vector<8x128xf32>
      %logistic3A_745 = arith.divf %logistic3A_743, %logistic3A_744 : vector<8x128xf32>
      %slice3A_746 = vector.extract_strided_slice %concatenate3A_679 {offsets = [0, 128], sizes = [8, 128], strides = [1, 1]} : vector<8x512xf32> to vector<8x128xf32>
      %mul3A_747 = arith.mulf %logistic3A_736, %slice3A_746 : vector<8x128xf32>
      %mul3A_748 = arith.mulf %logistic3A_729, %tanh3A_738 : vector<8x128xf32>
      %add3A_749 = arith.addf %mul3A_747, %mul3A_748 : vector<8x128xf32>
      %tanh3A_750 = math.tanh %add3A_749 : vector<8x128xf32>
      %mul3A_751 = arith.mulf %logistic3A_745, %tanh3A_750 : vector<8x128xf32>
      %slice3A_752 = vector.extract_strided_slice %add3A_693 {offsets = [0, 1024], sizes = [8, 128], strides = [1, 1]} : vector<8x2048xf32> to vector<8x128xf32>
      %logistic3A_753 = arith.negf %slice3A_752 : vector<8x128xf32>
      %logistic3A_754 = math.exp %logistic3A_753 : vector<8x128xf32>
      %logistic3A_755 = arith.constant 1.000000e+00 : f32
      %logistic3A_756 = vector.broadcast %logistic3A_755 : f32 to vector<8x128xf32>
      %logistic3A_757 = arith.addf %logistic3A_756, %logistic3A_754 : vector<8x128xf32>
      %logistic3A_758 = arith.divf %logistic3A_756, %logistic3A_757 : vector<8x128xf32>
      %slice3A_759 = vector.extract_strided_slice %add3A_693 {offsets = [0, 1152], sizes = [8, 128], strides = [1, 1]} : vector<8x2048xf32> to vector<8x128xf32>
      %logistic3A_760 = arith.negf %slice3A_759 : vector<8x128xf32>
      %logistic3A_761 = math.exp %logistic3A_760 : vector<8x128xf32>
      %logistic3A_762 = arith.constant 1.000000e+00 : f32
      %logistic3A_763 = vector.broadcast %logistic3A_762 : f32 to vector<8x128xf32>
      %logistic3A_764 = arith.addf %logistic3A_763, %logistic3A_761 : vector<8x128xf32>
      %logistic3A_765 = arith.divf %logistic3A_763, %logistic3A_764 : vector<8x128xf32>
      %slice3A_766 = vector.extract_strided_slice %add3A_693 {offsets = [0, 1280], sizes = [8, 128], strides = [1, 1]} : vector<8x2048xf32> to vector<8x128xf32>
      %tanh3A_767 = math.tanh %slice3A_766 : vector<8x128xf32>
      %slice3A_768 = vector.extract_strided_slice %add3A_693 {offsets = [0, 1408], sizes = [8, 128], strides = [1, 1]} : vector<8x2048xf32> to vector<8x128xf32>
      %logistic3A_769 = arith.negf %slice3A_768 : vector<8x128xf32>
      %logistic3A_770 = math.exp %logistic3A_769 : vector<8x128xf32>
      %logistic3A_771 = arith.constant 1.000000e+00 : f32
      %logistic3A_772 = vector.broadcast %logistic3A_771 : f32 to vector<8x128xf32>
      %logistic3A_773 = arith.addf %logistic3A_772, %logistic3A_770 : vector<8x128xf32>
      %logistic3A_774 = arith.divf %logistic3A_772, %logistic3A_773 : vector<8x128xf32>
      %slice3A_775 = vector.extract_strided_slice %concatenate3A_679 {offsets = [0, 256], sizes = [8, 128], strides = [1, 1]} : vector<8x512xf32> to vector<8x128xf32>
      %mul3A_776 = arith.mulf %logistic3A_765, %slice3A_775 : vector<8x128xf32>
      %mul3A_777 = arith.mulf %logistic3A_758, %tanh3A_767 : vector<8x128xf32>
      %add3A_778 = arith.addf %mul3A_776, %mul3A_777 : vector<8x128xf32>
      %tanh3A_779 = math.tanh %add3A_778 : vector<8x128xf32>
      %mul3A_780 = arith.mulf %logistic3A_774, %tanh3A_779 : vector<8x128xf32>
      %slice3A_781 = vector.extract_strided_slice %add3A_693 {offsets = [0, 1536], sizes = [8, 128], strides = [1, 1]} : vector<8x2048xf32> to vector<8x128xf32>
      %logistic3A_782 = arith.negf %slice3A_781 : vector<8x128xf32>
      %logistic3A_783 = math.exp %logistic3A_782 : vector<8x128xf32>
      %logistic3A_784 = arith.constant 1.000000e+00 : f32
      %logistic3A_785 = vector.broadcast %logistic3A_784 : f32 to vector<8x128xf32>
      %logistic3A_786 = arith.addf %logistic3A_785, %logistic3A_783 : vector<8x128xf32>
      %logistic3A_787 = arith.divf %logistic3A_785, %logistic3A_786 : vector<8x128xf32>
      %slice3A_788 = vector.extract_strided_slice %add3A_693 {offsets = [0, 1664], sizes = [8, 128], strides = [1, 1]} : vector<8x2048xf32> to vector<8x128xf32>
      %logistic3A_789 = arith.negf %slice3A_788 : vector<8x128xf32>
      %logistic3A_790 = math.exp %logistic3A_789 : vector<8x128xf32>
      %logistic3A_791 = arith.constant 1.000000e+00 : f32
      %logistic3A_792 = vector.broadcast %logistic3A_791 : f32 to vector<8x128xf32>
      %logistic3A_793 = arith.addf %logistic3A_792, %logistic3A_790 : vector<8x128xf32>
      %logistic3A_794 = arith.divf %logistic3A_792, %logistic3A_793 : vector<8x128xf32>
      %slice3A_795 = vector.extract_strided_slice %add3A_693 {offsets = [0, 1792], sizes = [8, 128], strides = [1, 1]} : vector<8x2048xf32> to vector<8x128xf32>
      %tanh3A_796 = math.tanh %slice3A_795 : vector<8x128xf32>
      %slice3A_797 = vector.extract_strided_slice %add3A_693 {offsets = [0, 1920], sizes = [8, 128], strides = [1, 1]} : vector<8x2048xf32> to vector<8x128xf32>
      %logistic3A_798 = arith.negf %slice3A_797 : vector<8x128xf32>
      %logistic3A_799 = math.exp %logistic3A_798 : vector<8x128xf32>
      %logistic3A_800 = arith.constant 1.000000e+00 : f32
      %logistic3A_801 = vector.broadcast %logistic3A_800 : f32 to vector<8x128xf32>
      %logistic3A_802 = arith.addf %logistic3A_801, %logistic3A_799 : vector<8x128xf32>
      %logistic3A_803 = arith.divf %logistic3A_801, %logistic3A_802 : vector<8x128xf32>
      %slice3A_804 = vector.extract_strided_slice %concatenate3A_679 {offsets = [0, 384], sizes = [8, 128], strides = [1, 1]} : vector<8x512xf32> to vector<8x128xf32>
      %mul3A_805 = arith.mulf %logistic3A_794, %slice3A_804 : vector<8x128xf32>
      %mul3A_806 = arith.mulf %logistic3A_787, %tanh3A_796 : vector<8x128xf32>
      %add3A_807 = arith.addf %mul3A_805, %mul3A_806 : vector<8x128xf32>
      %tanh3A_808 = math.tanh %add3A_807 : vector<8x128xf32>
      %mul3A_809 = arith.mulf %logistic3A_803, %tanh3A_808 : vector<8x128xf32>
      %concatenate3A_810 = tpu.concatenate %mul3A_722, %mul3A_751, %mul3A_780, %mul3A_809 in 1 : vector<8x128xf32>, vector<8x128xf32>, vector<8x128xf32>, vector<8x128xf32> -> vector<8x512xf32>
      %concatenate3A_811 = tpu.concatenate %add3A_720, %add3A_749, %add3A_778, %add3A_807 in 1 : vector<8x128xf32>, vector<8x128xf32>, vector<8x128xf32>, vector<8x128xf32> -> vector<8x512xf32>
      %scan3A_812 = arith.constant 6 : i32
      %scan3A_813 = arith.addi %scan3A_23, %scan3A_812 : i32
      %mul3A_814 = arith.constant 8 : i32
      %mul3A_815 = arith.muli %scan3A_813, %mul3A_814 : i32
      %get3A_816 = arith.index_cast %mul3A_815 : i32 to index
      %get3A_817 = arith.constant 0 : index
      %get3A_818 = vector.load %arg5[%get3A_816, %get3A_817] : memref<896x2048xf32, #tpu.memory_space<vmem>>, vector<8x2048xf32>
      %convert_element_type3A_819 = arith.truncf %concatenate3A_810 : vector<8x512xf32> to vector<8x512xbf16>
      %get3A_820 = arith.constant 0 : index
      %get3A_821 = arith.constant 0 : index
      %get3A_822 = vector.load %arg2[%get3A_820, %get3A_821] : memref<512x2048xbf16, #tpu.memory_space<vmem>>, vector<512x2048xbf16>
      %dot_general3A_823 = arith.constant dense<0.000000e+00> : vector<8x2048xf32>
      %dot_general3A_824 = tpu.matmul %convert_element_type3A_819, %get3A_822, %dot_general3A_823 {dimension_numbers = #tpu.dot_dimension_numbers<[1], [0], [0], [1], [0, 0, 1, 1], [], []>, transpose_lhs_hint = false} : vector<8x512xbf16>, vector<512x2048xbf16>, vector<8x2048xf32> -> vector<8x2048xf32>
      %add3A_825 = arith.addf %get3A_818, %dot_general3A_824 : vector<8x2048xf32>
      %slice3A_826 = vector.extract_strided_slice %add3A_825 {offsets = [0, 0], sizes = [8, 128], strides = [1, 1]} : vector<8x2048xf32> to vector<8x128xf32>
      %logistic3A_827 = arith.negf %slice3A_826 : vector<8x128xf32>
      %logistic3A_828 = math.exp %logistic3A_827 : vector<8x128xf32>
      %logistic3A_829 = arith.constant 1.000000e+00 : f32
      %logistic3A_830 = vector.broadcast %logistic3A_829 : f32 to vector<8x128xf32>
      %logistic3A_831 = arith.addf %logistic3A_830, %logistic3A_828 : vector<8x128xf32>
      %logistic3A_832 = arith.divf %logistic3A_830, %logistic3A_831 : vector<8x128xf32>
      %slice3A_833 = vector.extract_strided_slice %add3A_825 {offsets = [0, 128], sizes = [8, 128], strides = [1, 1]} : vector<8x2048xf32> to vector<8x128xf32>
      %logistic3A_834 = arith.negf %slice3A_833 : vector<8x128xf32>
      %logistic3A_835 = math.exp %logistic3A_834 : vector<8x128xf32>
      %logistic3A_836 = arith.constant 1.000000e+00 : f32
      %logistic3A_837 = vector.broadcast %logistic3A_836 : f32 to vector<8x128xf32>
      %logistic3A_838 = arith.addf %logistic3A_837, %logistic3A_835 : vector<8x128xf32>
      %logistic3A_839 = arith.divf %logistic3A_837, %logistic3A_838 : vector<8x128xf32>
      %slice3A_840 = vector.extract_strided_slice %add3A_825 {offsets = [0, 256], sizes = [8, 128], strides = [1, 1]} : vector<8x2048xf32> to vector<8x128xf32>
      %tanh3A_841 = math.tanh %slice3A_840 : vector<8x128xf32>
      %slice3A_842 = vector.extract_strided_slice %add3A_825 {offsets = [0, 384], sizes = [8, 128], strides = [1, 1]} : vector<8x2048xf32> to vector<8x128xf32>
      %logistic3A_843 = arith.negf %slice3A_842 : vector<8x128xf32>
      %logistic3A_844 = math.exp %logistic3A_843 : vector<8x128xf32>
      %logistic3A_845 = arith.constant 1.000000e+00 : f32
      %logistic3A_846 = vector.broadcast %logistic3A_845 : f32 to vector<8x128xf32>
      %logistic3A_847 = arith.addf %logistic3A_846, %logistic3A_844 : vector<8x128xf32>
      %logistic3A_848 = arith.divf %logistic3A_846, %logistic3A_847 : vector<8x128xf32>
      %slice3A_849 = vector.extract_strided_slice %concatenate3A_811 {offsets = [0, 0], sizes = [8, 128], strides = [1, 1]} : vector<8x512xf32> to vector<8x128xf32>
      %mul3A_850 = arith.mulf %logistic3A_839, %slice3A_849 : vector<8x128xf32>
      %mul3A_851 = arith.mulf %logistic3A_832, %tanh3A_841 : vector<8x128xf32>
      %add3A_852 = arith.addf %mul3A_850, %mul3A_851 : vector<8x128xf32>
      %tanh3A_853 = math.tanh %add3A_852 : vector<8x128xf32>
      %mul3A_854 = arith.mulf %logistic3A_848, %tanh3A_853 : vector<8x128xf32>
      %slice3A_855 = vector.extract_strided_slice %add3A_825 {offsets = [0, 512], sizes = [8, 128], strides = [1, 1]} : vector<8x2048xf32> to vector<8x128xf32>
      %logistic3A_856 = arith.negf %slice3A_855 : vector<8x128xf32>
      %logistic3A_857 = math.exp %logistic3A_856 : vector<8x128xf32>
      %logistic3A_858 = arith.constant 1.000000e+00 : f32
      %logistic3A_859 = vector.broadcast %logistic3A_858 : f32 to vector<8x128xf32>
      %logistic3A_860 = arith.addf %logistic3A_859, %logistic3A_857 : vector<8x128xf32>
      %logistic3A_861 = arith.divf %logistic3A_859, %logistic3A_860 : vector<8x128xf32>
      %slice3A_862 = vector.extract_strided_slice %add3A_825 {offsets = [0, 640], sizes = [8, 128], strides = [1, 1]} : vector<8x2048xf32> to vector<8x128xf32>
      %logistic3A_863 = arith.negf %slice3A_862 : vector<8x128xf32>
      %logistic3A_864 = math.exp %logistic3A_863 : vector<8x128xf32>
      %logistic3A_865 = arith.constant 1.000000e+00 : f32
      %logistic3A_866 = vector.broadcast %logistic3A_865 : f32 to vector<8x128xf32>
      %logistic3A_867 = arith.addf %logistic3A_866, %logistic3A_864 : vector<8x128xf32>
      %logistic3A_868 = arith.divf %logistic3A_866, %logistic3A_867 : vector<8x128xf32>
      %slice3A_869 = vector.extract_strided_slice %add3A_825 {offsets = [0, 768], sizes = [8, 128], strides = [1, 1]} : vector<8x2048xf32> to vector<8x128xf32>
      %tanh3A_870 = math.tanh %slice3A_869 : vector<8x128xf32>
      %slice3A_871 = vector.extract_strided_slice %add3A_825 {offsets = [0, 896], sizes = [8, 128], strides = [1, 1]} : vector<8x2048xf32> to vector<8x128xf32>
      %logistic3A_872 = arith.negf %slice3A_871 : vector<8x128xf32>
      %logistic3A_873 = math.exp %logistic3A_872 : vector<8x128xf32>
      %logistic3A_874 = arith.constant 1.000000e+00 : f32
      %logistic3A_875 = vector.broadcast %logistic3A_874 : f32 to vector<8x128xf32>
      %logistic3A_876 = arith.addf %logistic3A_875, %logistic3A_873 : vector<8x128xf32>
      %logistic3A_877 = arith.divf %logistic3A_875, %logistic3A_876 : vector<8x128xf32>
      %slice3A_878 = vector.extract_strided_slice %concatenate3A_811 {offsets = [0, 128], sizes = [8, 128], strides = [1, 1]} : vector<8x512xf32> to vector<8x128xf32>
      %mul3A_879 = arith.mulf %logistic3A_868, %slice3A_878 : vector<8x128xf32>
      %mul3A_880 = arith.mulf %logistic3A_861, %tanh3A_870 : vector<8x128xf32>
      %add3A_881 = arith.addf %mul3A_879, %mul3A_880 : vector<8x128xf32>
      %tanh3A_882 = math.tanh %add3A_881 : vector<8x128xf32>
      %mul3A_883 = arith.mulf %logistic3A_877, %tanh3A_882 : vector<8x128xf32>
      %slice3A_884 = vector.extract_strided_slice %add3A_825 {offsets = [0, 1024], sizes = [8, 128], strides = [1, 1]} : vector<8x2048xf32> to vector<8x128xf32>
      %logistic3A_885 = arith.negf %slice3A_884 : vector<8x128xf32>
      %logistic3A_886 = math.exp %logistic3A_885 : vector<8x128xf32>
      %logistic3A_887 = arith.constant 1.000000e+00 : f32
      %logistic3A_888 = vector.broadcast %logistic3A_887 : f32 to vector<8x128xf32>
      %logistic3A_889 = arith.addf %logistic3A_888, %logistic3A_886 : vector<8x128xf32>
      %logistic3A_890 = arith.divf %logistic3A_888, %logistic3A_889 : vector<8x128xf32>
      %slice3A_891 = vector.extract_strided_slice %add3A_825 {offsets = [0, 1152], sizes = [8, 128], strides = [1, 1]} : vector<8x2048xf32> to vector<8x128xf32>
      %logistic3A_892 = arith.negf %slice3A_891 : vector<8x128xf32>
      %logistic3A_893 = math.exp %logistic3A_892 : vector<8x128xf32>
      %logistic3A_894 = arith.constant 1.000000e+00 : f32
      %logistic3A_895 = vector.broadcast %logistic3A_894 : f32 to vector<8x128xf32>
      %logistic3A_896 = arith.addf %logistic3A_895, %logistic3A_893 : vector<8x128xf32>
      %logistic3A_897 = arith.divf %logistic3A_895, %logistic3A_896 : vector<8x128xf32>
      %slice3A_898 = vector.extract_strided_slice %add3A_825 {offsets = [0, 1280], sizes = [8, 128], strides = [1, 1]} : vector<8x2048xf32> to vector<8x128xf32>
      %tanh3A_899 = math.tanh %slice3A_898 : vector<8x128xf32>
      %slice3A_900 = vector.extract_strided_slice %add3A_825 {offsets = [0, 1408], sizes = [8, 128], strides = [1, 1]} : vector<8x2048xf32> to vector<8x128xf32>
      %logistic3A_901 = arith.negf %slice3A_900 : vector<8x128xf32>
      %logistic3A_902 = math.exp %logistic3A_901 : vector<8x128xf32>
      %logistic3A_903 = arith.constant 1.000000e+00 : f32
      %logistic3A_904 = vector.broadcast %logistic3A_903 : f32 to vector<8x128xf32>
      %logistic3A_905 = arith.addf %logistic3A_904, %logistic3A_902 : vector<8x128xf32>
      %logistic3A_906 = arith.divf %logistic3A_904, %logistic3A_905 : vector<8x128xf32>
      %slice3A_907 = vector.extract_strided_slice %concatenate3A_811 {offsets = [0, 256], sizes = [8, 128], strides = [1, 1]} : vector<8x512xf32> to vector<8x128xf32>
      %mul3A_908 = arith.mulf %logistic3A_897, %slice3A_907 : vector<8x128xf32>
      %mul3A_909 = arith.mulf %logistic3A_890, %tanh3A_899 : vector<8x128xf32>
      %add3A_910 = arith.addf %mul3A_908, %mul3A_909 : vector<8x128xf32>
      %tanh3A_911 = math.tanh %add3A_910 : vector<8x128xf32>
      %mul3A_912 = arith.mulf %logistic3A_906, %tanh3A_911 : vector<8x128xf32>
      %slice3A_913 = vector.extract_strided_slice %add3A_825 {offsets = [0, 1536], sizes = [8, 128], strides = [1, 1]} : vector<8x2048xf32> to vector<8x128xf32>
      %logistic3A_914 = arith.negf %slice3A_913 : vector<8x128xf32>
      %logistic3A_915 = math.exp %logistic3A_914 : vector<8x128xf32>
      %logistic3A_916 = arith.constant 1.000000e+00 : f32
      %logistic3A_917 = vector.broadcast %logistic3A_916 : f32 to vector<8x128xf32>
      %logistic3A_918 = arith.addf %logistic3A_917, %logistic3A_915 : vector<8x128xf32>
      %logistic3A_919 = arith.divf %logistic3A_917, %logistic3A_918 : vector<8x128xf32>
      %slice3A_920 = vector.extract_strided_slice %add3A_825 {offsets = [0, 1664], sizes = [8, 128], strides = [1, 1]} : vector<8x2048xf32> to vector<8x128xf32>
      %logistic3A_921 = arith.negf %slice3A_920 : vector<8x128xf32>
      %logistic3A_922 = math.exp %logistic3A_921 : vector<8x128xf32>
      %logistic3A_923 = arith.constant 1.000000e+00 : f32
      %logistic3A_924 = vector.broadcast %logistic3A_923 : f32 to vector<8x128xf32>
      %logistic3A_925 = arith.addf %logistic3A_924, %logistic3A_922 : vector<8x128xf32>
      %logistic3A_926 = arith.divf %logistic3A_924, %logistic3A_925 : vector<8x128xf32>
      %slice3A_927 = vector.extract_strided_slice %add3A_825 {offsets = [0, 1792], sizes = [8, 128], strides = [1, 1]} : vector<8x2048xf32> to vector<8x128xf32>
      %tanh3A_928 = math.tanh %slice3A_927 : vector<8x128xf32>
      %slice3A_929 = vector.extract_strided_slice %add3A_825 {offsets = [0, 1920], sizes = [8, 128], strides = [1, 1]} : vector<8x2048xf32> to vector<8x128xf32>
      %logistic3A_930 = arith.negf %slice3A_929 : vector<8x128xf32>
      %logistic3A_931 = math.exp %logistic3A_930 : vector<8x128xf32>
      %logistic3A_932 = arith.constant 1.000000e+00 : f32
      %logistic3A_933 = vector.broadcast %logistic3A_932 : f32 to vector<8x128xf32>
      %logistic3A_934 = arith.addf %logistic3A_933, %logistic3A_931 : vector<8x128xf32>
      %logistic3A_935 = arith.divf %logistic3A_933, %logistic3A_934 : vector<8x128xf32>
      %slice3A_936 = vector.extract_strided_slice %concatenate3A_811 {offsets = [0, 384], sizes = [8, 128], strides = [1, 1]} : vector<8x512xf32> to vector<8x128xf32>
      %mul3A_937 = arith.mulf %logistic3A_926, %slice3A_936 : vector<8x128xf32>
      %mul3A_938 = arith.mulf %logistic3A_919, %tanh3A_928 : vector<8x128xf32>
      %add3A_939 = arith.addf %mul3A_937, %mul3A_938 : vector<8x128xf32>
      %tanh3A_940 = math.tanh %add3A_939 : vector<8x128xf32>
      %mul3A_941 = arith.mulf %logistic3A_935, %tanh3A_940 : vector<8x128xf32>
      %concatenate3A_942 = tpu.concatenate %mul3A_854, %mul3A_883, %mul3A_912, %mul3A_941 in 1 : vector<8x128xf32>, vector<8x128xf32>, vector<8x128xf32>, vector<8x128xf32> -> vector<8x512xf32>
      %concatenate3A_943 = tpu.concatenate %add3A_852, %add3A_881, %add3A_910, %add3A_939 in 1 : vector<8x128xf32>, vector<8x128xf32>, vector<8x128xf32>, vector<8x128xf32> -> vector<8x512xf32>
      %scan3A_944 = arith.constant 7 : i32
      %scan3A_945 = arith.addi %scan3A_23, %scan3A_944 : i32
      %mul3A_946 = arith.constant 8 : i32
      %mul3A_947 = arith.muli %scan3A_945, %mul3A_946 : i32
      %get3A_948 = arith.index_cast %mul3A_947 : i32 to index
      %get3A_949 = arith.constant 0 : index
      %get3A_950 = vector.load %arg5[%get3A_948, %get3A_949] : memref<896x2048xf32, #tpu.memory_space<vmem>>, vector<8x2048xf32>
      %convert_element_type3A_951 = arith.truncf %concatenate3A_942 : vector<8x512xf32> to vector<8x512xbf16>
      %get3A_952 = arith.constant 0 : index
      %get3A_953 = arith.constant 0 : index
      %get3A_954 = vector.load %arg2[%get3A_952, %get3A_953] : memref<512x2048xbf16, #tpu.memory_space<vmem>>, vector<512x2048xbf16>
      %dot_general3A_955 = arith.constant dense<0.000000e+00> : vector<8x2048xf32>
      %dot_general3A_956 = tpu.matmul %convert_element_type3A_951, %get3A_954, %dot_general3A_955 {dimension_numbers = #tpu.dot_dimension_numbers<[1], [0], [0], [1], [0, 0, 1, 1], [], []>, transpose_lhs_hint = false} : vector<8x512xbf16>, vector<512x2048xbf16>, vector<8x2048xf32> -> vector<8x2048xf32>
      %add3A_957 = arith.addf %get3A_950, %dot_general3A_956 : vector<8x2048xf32>
      %slice3A_958 = vector.extract_strided_slice %add3A_957 {offsets = [0, 0], sizes = [8, 128], strides = [1, 1]} : vector<8x2048xf32> to vector<8x128xf32>
      %logistic3A_959 = arith.negf %slice3A_958 : vector<8x128xf32>
      %logistic3A_960 = math.exp %logistic3A_959 : vector<8x128xf32>
      %logistic3A_961 = arith.constant 1.000000e+00 : f32
      %logistic3A_962 = vector.broadcast %logistic3A_961 : f32 to vector<8x128xf32>
      %logistic3A_963 = arith.addf %logistic3A_962, %logistic3A_960 : vector<8x128xf32>
      %logistic3A_964 = arith.divf %logistic3A_962, %logistic3A_963 : vector<8x128xf32>
      %slice3A_965 = vector.extract_strided_slice %add3A_957 {offsets = [0, 128], sizes = [8, 128], strides = [1, 1]} : vector<8x2048xf32> to vector<8x128xf32>
      %logistic3A_966 = arith.negf %slice3A_965 : vector<8x128xf32>
      %logistic3A_967 = math.exp %logistic3A_966 : vector<8x128xf32>
      %logistic3A_968 = arith.constant 1.000000e+00 : f32
      %logistic3A_969 = vector.broadcast %logistic3A_968 : f32 to vector<8x128xf32>
      %logistic3A_970 = arith.addf %logistic3A_969, %logistic3A_967 : vector<8x128xf32>
      %logistic3A_971 = arith.divf %logistic3A_969, %logistic3A_970 : vector<8x128xf32>
      %slice3A_972 = vector.extract_strided_slice %add3A_957 {offsets = [0, 256], sizes = [8, 128], strides = [1, 1]} : vector<8x2048xf32> to vector<8x128xf32>
      %tanh3A_973 = math.tanh %slice3A_972 : vector<8x128xf32>
      %slice3A_974 = vector.extract_strided_slice %add3A_957 {offsets = [0, 384], sizes = [8, 128], strides = [1, 1]} : vector<8x2048xf32> to vector<8x128xf32>
      %logistic3A_975 = arith.negf %slice3A_974 : vector<8x128xf32>
      %logistic3A_976 = math.exp %logistic3A_975 : vector<8x128xf32>
      %logistic3A_977 = arith.constant 1.000000e+00 : f32
      %logistic3A_978 = vector.broadcast %logistic3A_977 : f32 to vector<8x128xf32>
      %logistic3A_979 = arith.addf %logistic3A_978, %logistic3A_976 : vector<8x128xf32>
      %logistic3A_980 = arith.divf %logistic3A_978, %logistic3A_979 : vector<8x128xf32>
      %slice3A_981 = vector.extract_strided_slice %concatenate3A_943 {offsets = [0, 0], sizes = [8, 128], strides = [1, 1]} : vector<8x512xf32> to vector<8x128xf32>
      %mul3A_982 = arith.mulf %logistic3A_971, %slice3A_981 : vector<8x128xf32>
      %mul3A_983 = arith.mulf %logistic3A_964, %tanh3A_973 : vector<8x128xf32>
      %add3A_984 = arith.addf %mul3A_982, %mul3A_983 : vector<8x128xf32>
      %tanh3A_985 = math.tanh %add3A_984 : vector<8x128xf32>
      %mul3A_986 = arith.mulf %logistic3A_980, %tanh3A_985 : vector<8x128xf32>
      %slice3A_987 = vector.extract_strided_slice %add3A_957 {offsets = [0, 512], sizes = [8, 128], strides = [1, 1]} : vector<8x2048xf32> to vector<8x128xf32>
      %logistic3A_988 = arith.negf %slice3A_987 : vector<8x128xf32>
      %logistic3A_989 = math.exp %logistic3A_988 : vector<8x128xf32>
      %logistic3A_990 = arith.constant 1.000000e+00 : f32
      %logistic3A_991 = vector.broadcast %logistic3A_990 : f32 to vector<8x128xf32>
      %logistic3A_992 = arith.addf %logistic3A_991, %logistic3A_989 : vector<8x128xf32>
      %logistic3A_993 = arith.divf %logistic3A_991, %logistic3A_992 : vector<8x128xf32>
      %slice3A_994 = vector.extract_strided_slice %add3A_957 {offsets = [0, 640], sizes = [8, 128], strides = [1, 1]} : vector<8x2048xf32> to vector<8x128xf32>
      %logistic3A_995 = arith.negf %slice3A_994 : vector<8x128xf32>
      %logistic3A_996 = math.exp %logistic3A_995 : vector<8x128xf32>
      %logistic3A_997 = arith.constant 1.000000e+00 : f32
      %logistic3A_998 = vector.broadcast %logistic3A_997 : f32 to vector<8x128xf32>
      %logistic3A_999 = arith.addf %logistic3A_998, %logistic3A_996 : vector<8x128xf32>
      %logistic3A_1000 = arith.divf %logistic3A_998, %logistic3A_999 : vector<8x128xf32>
      %slice3A_1001 = vector.extract_strided_slice %add3A_957 {offsets = [0, 768], sizes = [8, 128], strides = [1, 1]} : vector<8x2048xf32> to vector<8x128xf32>
      %tanh3A_1002 = math.tanh %slice3A_1001 : vector<8x128xf32>
      %slice3A_1003 = vector.extract_strided_slice %add3A_957 {offsets = [0, 896], sizes = [8, 128], strides = [1, 1]} : vector<8x2048xf32> to vector<8x128xf32>
      %logistic3A_1004 = arith.negf %slice3A_1003 : vector<8x128xf32>
      %logistic3A_1005 = math.exp %logistic3A_1004 : vector<8x128xf32>
      %logistic3A_1006 = arith.constant 1.000000e+00 : f32
      %logistic3A_1007 = vector.broadcast %logistic3A_1006 : f32 to vector<8x128xf32>
      %logistic3A_1008 = arith.addf %logistic3A_1007, %logistic3A_1005 : vector<8x128xf32>
      %logistic3A_1009 = arith.divf %logistic3A_1007, %logistic3A_1008 : vector<8x128xf32>
      %slice3A_1010 = vector.extract_strided_slice %concatenate3A_943 {offsets = [0, 128], sizes = [8, 128], strides = [1, 1]} : vector<8x512xf32> to vector<8x128xf32>
      %mul3A_1011 = arith.mulf %logistic3A_1000, %slice3A_1010 : vector<8x128xf32>
      %mul3A_1012 = arith.mulf %logistic3A_993, %tanh3A_1002 : vector<8x128xf32>
      %add3A_1013 = arith.addf %mul3A_1011, %mul3A_1012 : vector<8x128xf32>
      %tanh3A_1014 = math.tanh %add3A_1013 : vector<8x128xf32>
      %mul3A_1015 = arith.mulf %logistic3A_1009, %tanh3A_1014 : vector<8x128xf32>
      %slice3A_1016 = vector.extract_strided_slice %add3A_957 {offsets = [0, 1024], sizes = [8, 128], strides = [1, 1]} : vector<8x2048xf32> to vector<8x128xf32>
      %logistic3A_1017 = arith.negf %slice3A_1016 : vector<8x128xf32>
      %logistic3A_1018 = math.exp %logistic3A_1017 : vector<8x128xf32>
      %logistic3A_1019 = arith.constant 1.000000e+00 : f32
      %logistic3A_1020 = vector.broadcast %logistic3A_1019 : f32 to vector<8x128xf32>
      %logistic3A_1021 = arith.addf %logistic3A_1020, %logistic3A_1018 : vector<8x128xf32>
      %logistic3A_1022 = arith.divf %logistic3A_1020, %logistic3A_1021 : vector<8x128xf32>
      %slice3A_1023 = vector.extract_strided_slice %add3A_957 {offsets = [0, 1152], sizes = [8, 128], strides = [1, 1]} : vector<8x2048xf32> to vector<8x128xf32>
      %logistic3A_1024 = arith.negf %slice3A_1023 : vector<8x128xf32>
      %logistic3A_1025 = math.exp %logistic3A_1024 : vector<8x128xf32>
      %logistic3A_1026 = arith.constant 1.000000e+00 : f32
      %logistic3A_1027 = vector.broadcast %logistic3A_1026 : f32 to vector<8x128xf32>
      %logistic3A_1028 = arith.addf %logistic3A_1027, %logistic3A_1025 : vector<8x128xf32>
      %logistic3A_1029 = arith.divf %logistic3A_1027, %logistic3A_1028 : vector<8x128xf32>
      %slice3A_1030 = vector.extract_strided_slice %add3A_957 {offsets = [0, 1280], sizes = [8, 128], strides = [1, 1]} : vector<8x2048xf32> to vector<8x128xf32>
      %tanh3A_1031 = math.tanh %slice3A_1030 : vector<8x128xf32>
      %slice3A_1032 = vector.extract_strided_slice %add3A_957 {offsets = [0, 1408], sizes = [8, 128], strides = [1, 1]} : vector<8x2048xf32> to vector<8x128xf32>
      %logistic3A_1033 = arith.negf %slice3A_1032 : vector<8x128xf32>
      %logistic3A_1034 = math.exp %logistic3A_1033 : vector<8x128xf32>
      %logistic3A_1035 = arith.constant 1.000000e+00 : f32
      %logistic3A_1036 = vector.broadcast %logistic3A_1035 : f32 to vector<8x128xf32>
      %logistic3A_1037 = arith.addf %logistic3A_1036, %logistic3A_1034 : vector<8x128xf32>
      %logistic3A_1038 = arith.divf %logistic3A_1036, %logistic3A_1037 : vector<8x128xf32>
      %slice3A_1039 = vector.extract_strided_slice %concatenate3A_943 {offsets = [0, 256], sizes = [8, 128], strides = [1, 1]} : vector<8x512xf32> to vector<8x128xf32>
      %mul3A_1040 = arith.mulf %logistic3A_1029, %slice3A_1039 : vector<8x128xf32>
      %mul3A_1041 = arith.mulf %logistic3A_1022, %tanh3A_1031 : vector<8x128xf32>
      %add3A_1042 = arith.addf %mul3A_1040, %mul3A_1041 : vector<8x128xf32>
      %tanh3A_1043 = math.tanh %add3A_1042 : vector<8x128xf32>
      %mul3A_1044 = arith.mulf %logistic3A_1038, %tanh3A_1043 : vector<8x128xf32>
      %slice3A_1045 = vector.extract_strided_slice %add3A_957 {offsets = [0, 1536], sizes = [8, 128], strides = [1, 1]} : vector<8x2048xf32> to vector<8x128xf32>
      %logistic3A_1046 = arith.negf %slice3A_1045 : vector<8x128xf32>
      %logistic3A_1047 = math.exp %logistic3A_1046 : vector<8x128xf32>
      %logistic3A_1048 = arith.constant 1.000000e+00 : f32
      %logistic3A_1049 = vector.broadcast %logistic3A_1048 : f32 to vector<8x128xf32>
      %logistic3A_1050 = arith.addf %logistic3A_1049, %logistic3A_1047 : vector<8x128xf32>
      %logistic3A_1051 = arith.divf %logistic3A_1049, %logistic3A_1050 : vector<8x128xf32>
      %slice3A_1052 = vector.extract_strided_slice %add3A_957 {offsets = [0, 1664], sizes = [8, 128], strides = [1, 1]} : vector<8x2048xf32> to vector<8x128xf32>
      %logistic3A_1053 = arith.negf %slice3A_1052 : vector<8x128xf32>
      %logistic3A_1054 = math.exp %logistic3A_1053 : vector<8x128xf32>
      %logistic3A_1055 = arith.constant 1.000000e+00 : f32
      %logistic3A_1056 = vector.broadcast %logistic3A_1055 : f32 to vector<8x128xf32>
      %logistic3A_1057 = arith.addf %logistic3A_1056, %logistic3A_1054 : vector<8x128xf32>
      %logistic3A_1058 = arith.divf %logistic3A_1056, %logistic3A_1057 : vector<8x128xf32>
      %slice3A_1059 = vector.extract_strided_slice %add3A_957 {offsets = [0, 1792], sizes = [8, 128], strides = [1, 1]} : vector<8x2048xf32> to vector<8x128xf32>
      %tanh3A_1060 = math.tanh %slice3A_1059 : vector<8x128xf32>
      %slice3A_1061 = vector.extract_strided_slice %add3A_957 {offsets = [0, 1920], sizes = [8, 128], strides = [1, 1]} : vector<8x2048xf32> to vector<8x128xf32>
      %logistic3A_1062 = arith.negf %slice3A_1061 : vector<8x128xf32>
      %logistic3A_1063 = math.exp %logistic3A_1062 : vector<8x128xf32>
      %logistic3A_1064 = arith.constant 1.000000e+00 : f32
      %logistic3A_1065 = vector.broadcast %logistic3A_1064 : f32 to vector<8x128xf32>
      %logistic3A_1066 = arith.addf %logistic3A_1065, %logistic3A_1063 : vector<8x128xf32>
      %logistic3A_1067 = arith.divf %logistic3A_1065, %logistic3A_1066 : vector<8x128xf32>
      %slice3A_1068 = vector.extract_strided_slice %concatenate3A_943 {offsets = [0, 384], sizes = [8, 128], strides = [1, 1]} : vector<8x512xf32> to vector<8x128xf32>
      %mul3A_1069 = arith.mulf %logistic3A_1058, %slice3A_1068 : vector<8x128xf32>
      %mul3A_1070 = arith.mulf %logistic3A_1051, %tanh3A_1060 : vector<8x128xf32>
      %add3A_1071 = arith.addf %mul3A_1069, %mul3A_1070 : vector<8x128xf32>
      %tanh3A_1072 = math.tanh %add3A_1071 : vector<8x128xf32>
      %mul3A_1073 = arith.mulf %logistic3A_1067, %tanh3A_1072 : vector<8x128xf32>
      %concatenate3A_1074 = tpu.concatenate %mul3A_986, %mul3A_1015, %mul3A_1044, %mul3A_1073 in 1 : vector<8x128xf32>, vector<8x128xf32>, vector<8x128xf32>, vector<8x128xf32> -> vector<8x512xf32>
      %concatenate3A_1075 = tpu.concatenate %add3A_984, %add3A_1013, %add3A_1042, %add3A_1071 in 1 : vector<8x128xf32>, vector<8x128xf32>, vector<8x128xf32>, vector<8x128xf32> -> vector<8x512xf32>
      %scan3A_1076 = arith.constant 8 : i32
      %scan3A_1077 = arith.addi %scan3A_23, %scan3A_1076 : i32
      %mul3A_1078 = arith.constant 8 : i32
      %mul3A_1079 = arith.muli %scan3A_1077, %mul3A_1078 : i32
      %get3A_1080 = arith.index_cast %mul3A_1079 : i32 to index
      %get3A_1081 = arith.constant 0 : index
      %get3A_1082 = vector.load %arg5[%get3A_1080, %get3A_1081] : memref<896x2048xf32, #tpu.memory_space<vmem>>, vector<8x2048xf32>
      %convert_element_type3A_1083 = arith.truncf %concatenate3A_1074 : vector<8x512xf32> to vector<8x512xbf16>
      %get3A_1084 = arith.constant 0 : index
      %get3A_1085 = arith.constant 0 : index
      %get3A_1086 = vector.load %arg2[%get3A_1084, %get3A_1085] : memref<512x2048xbf16, #tpu.memory_space<vmem>>, vector<512x2048xbf16>
      %dot_general3A_1087 = arith.constant dense<0.000000e+00> : vector<8x2048xf32>
      %dot_general3A_1088 = tpu.matmul %convert_element_type3A_1083, %get3A_1086, %dot_general3A_1087 {dimension_numbers = #tpu.dot_dimension_numbers<[1], [0], [0], [1], [0, 0, 1, 1], [], []>, transpose_lhs_hint = false} : vector<8x512xbf16>, vector<512x2048xbf16>, vector<8x2048xf32> -> vector<8x2048xf32>
      %add3A_1089 = arith.addf %get3A_1082, %dot_general3A_1088 : vector<8x2048xf32>
      %slice3A_1090 = vector.extract_strided_slice %add3A_1089 {offsets = [0, 0], sizes = [8, 128], strides = [1, 1]} : vector<8x2048xf32> to vector<8x128xf32>
      %logistic3A_1091 = arith.negf %slice3A_1090 : vector<8x128xf32>
      %logistic3A_1092 = math.exp %logistic3A_1091 : vector<8x128xf32>
      %logistic3A_1093 = arith.constant 1.000000e+00 : f32
      %logistic3A_1094 = vector.broadcast %logistic3A_1093 : f32 to vector<8x128xf32>
      %logistic3A_1095 = arith.addf %logistic3A_1094, %logistic3A_1092 : vector<8x128xf32>
      %logistic3A_1096 = arith.divf %logistic3A_1094, %logistic3A_1095 : vector<8x128xf32>
      %slice3A_1097 = vector.extract_strided_slice %add3A_1089 {offsets = [0, 128], sizes = [8, 128], strides = [1, 1]} : vector<8x2048xf32> to vector<8x128xf32>
      %logistic3A_1098 = arith.negf %slice3A_1097 : vector<8x128xf32>
      %logistic3A_1099 = math.exp %logistic3A_1098 : vector<8x128xf32>
      %logistic3A_1100 = arith.constant 1.000000e+00 : f32
      %logistic3A_1101 = vector.broadcast %logistic3A_1100 : f32 to vector<8x128xf32>
      %logistic3A_1102 = arith.addf %logistic3A_1101, %logistic3A_1099 : vector<8x128xf32>
      %logistic3A_1103 = arith.divf %logistic3A_1101, %logistic3A_1102 : vector<8x128xf32>
      %slice3A_1104 = vector.extract_strided_slice %add3A_1089 {offsets = [0, 256], sizes = [8, 128], strides = [1, 1]} : vector<8x2048xf32> to vector<8x128xf32>
      %tanh3A_1105 = math.tanh %slice3A_1104 : vector<8x128xf32>
      %slice3A_1106 = vector.extract_strided_slice %add3A_1089 {offsets = [0, 384], sizes = [8, 128], strides = [1, 1]} : vector<8x2048xf32> to vector<8x128xf32>
      %logistic3A_1107 = arith.negf %slice3A_1106 : vector<8x128xf32>
      %logistic3A_1108 = math.exp %logistic3A_1107 : vector<8x128xf32>
      %logistic3A_1109 = arith.constant 1.000000e+00 : f32
      %logistic3A_1110 = vector.broadcast %logistic3A_1109 : f32 to vector<8x128xf32>
      %logistic3A_1111 = arith.addf %logistic3A_1110, %logistic3A_1108 : vector<8x128xf32>
      %logistic3A_1112 = arith.divf %logistic3A_1110, %logistic3A_1111 : vector<8x128xf32>
      %slice3A_1113 = vector.extract_strided_slice %concatenate3A_1075 {offsets = [0, 0], sizes = [8, 128], strides = [1, 1]} : vector<8x512xf32> to vector<8x128xf32>
      %mul3A_1114 = arith.mulf %logistic3A_1103, %slice3A_1113 : vector<8x128xf32>
      %mul3A_1115 = arith.mulf %logistic3A_1096, %tanh3A_1105 : vector<8x128xf32>
      %add3A_1116 = arith.addf %mul3A_1114, %mul3A_1115 : vector<8x128xf32>
      %tanh3A_1117 = math.tanh %add3A_1116 : vector<8x128xf32>
      %mul3A_1118 = arith.mulf %logistic3A_1112, %tanh3A_1117 : vector<8x128xf32>
      %slice3A_1119 = vector.extract_strided_slice %add3A_1089 {offsets = [0, 512], sizes = [8, 128], strides = [1, 1]} : vector<8x2048xf32> to vector<8x128xf32>
      %logistic3A_1120 = arith.negf %slice3A_1119 : vector<8x128xf32>
      %logistic3A_1121 = math.exp %logistic3A_1120 : vector<8x128xf32>
      %logistic3A_1122 = arith.constant 1.000000e+00 : f32
      %logistic3A_1123 = vector.broadcast %logistic3A_1122 : f32 to vector<8x128xf32>
      %logistic3A_1124 = arith.addf %logistic3A_1123, %logistic3A_1121 : vector<8x128xf32>
      %logistic3A_1125 = arith.divf %logistic3A_1123, %logistic3A_1124 : vector<8x128xf32>
      %slice3A_1126 = vector.extract_strided_slice %add3A_1089 {offsets = [0, 640], sizes = [8, 128], strides = [1, 1]} : vector<8x2048xf32> to vector<8x128xf32>
      %logistic3A_1127 = arith.negf %slice3A_1126 : vector<8x128xf32>
      %logistic3A_1128 = math.exp %logistic3A_1127 : vector<8x128xf32>
      %logistic3A_1129 = arith.constant 1.000000e+00 : f32
      %logistic3A_1130 = vector.broadcast %logistic3A_1129 : f32 to vector<8x128xf32>
      %logistic3A_1131 = arith.addf %logistic3A_1130, %logistic3A_1128 : vector<8x128xf32>
      %logistic3A_1132 = arith.divf %logistic3A_1130, %logistic3A_1131 : vector<8x128xf32>
      %slice3A_1133 = vector.extract_strided_slice %add3A_1089 {offsets = [0, 768], sizes = [8, 128], strides = [1, 1]} : vector<8x2048xf32> to vector<8x128xf32>
      %tanh3A_1134 = math.tanh %slice3A_1133 : vector<8x128xf32>
      %slice3A_1135 = vector.extract_strided_slice %add3A_1089 {offsets = [0, 896], sizes = [8, 128], strides = [1, 1]} : vector<8x2048xf32> to vector<8x128xf32>
      %logistic3A_1136 = arith.negf %slice3A_1135 : vector<8x128xf32>
      %logistic3A_1137 = math.exp %logistic3A_1136 : vector<8x128xf32>
      %logistic3A_1138 = arith.constant 1.000000e+00 : f32
      %logistic3A_1139 = vector.broadcast %logistic3A_1138 : f32 to vector<8x128xf32>
      %logistic3A_1140 = arith.addf %logistic3A_1139, %logistic3A_1137 : vector<8x128xf32>
      %logistic3A_1141 = arith.divf %logistic3A_1139, %logistic3A_1140 : vector<8x128xf32>
      %slice3A_1142 = vector.extract_strided_slice %concatenate3A_1075 {offsets = [0, 128], sizes = [8, 128], strides = [1, 1]} : vector<8x512xf32> to vector<8x128xf32>
      %mul3A_1143 = arith.mulf %logistic3A_1132, %slice3A_1142 : vector<8x128xf32>
      %mul3A_1144 = arith.mulf %logistic3A_1125, %tanh3A_1134 : vector<8x128xf32>
      %add3A_1145 = arith.addf %mul3A_1143, %mul3A_1144 : vector<8x128xf32>
      %tanh3A_1146 = math.tanh %add3A_1145 : vector<8x128xf32>
      %mul3A_1147 = arith.mulf %logistic3A_1141, %tanh3A_1146 : vector<8x128xf32>
      %slice3A_1148 = vector.extract_strided_slice %add3A_1089 {offsets = [0, 1024], sizes = [8, 128], strides = [1, 1]} : vector<8x2048xf32> to vector<8x128xf32>
      %logistic3A_1149 = arith.negf %slice3A_1148 : vector<8x128xf32>
      %logistic3A_1150 = math.exp %logistic3A_1149 : vector<8x128xf32>
      %logistic3A_1151 = arith.constant 1.000000e+00 : f32
      %logistic3A_1152 = vector.broadcast %logistic3A_1151 : f32 to vector<8x128xf32>
      %logistic3A_1153 = arith.addf %logistic3A_1152, %logistic3A_1150 : vector<8x128xf32>
      %logistic3A_1154 = arith.divf %logistic3A_1152, %logistic3A_1153 : vector<8x128xf32>
      %slice3A_1155 = vector.extract_strided_slice %add3A_1089 {offsets = [0, 1152], sizes = [8, 128], strides = [1, 1]} : vector<8x2048xf32> to vector<8x128xf32>
      %logistic3A_1156 = arith.negf %slice3A_1155 : vector<8x128xf32>
      %logistic3A_1157 = math.exp %logistic3A_1156 : vector<8x128xf32>
      %logistic3A_1158 = arith.constant 1.000000e+00 : f32
      %logistic3A_1159 = vector.broadcast %logistic3A_1158 : f32 to vector<8x128xf32>
      %logistic3A_1160 = arith.addf %logistic3A_1159, %logistic3A_1157 : vector<8x128xf32>
      %logistic3A_1161 = arith.divf %logistic3A_1159, %logistic3A_1160 : vector<8x128xf32>
      %slice3A_1162 = vector.extract_strided_slice %add3A_1089 {offsets = [0, 1280], sizes = [8, 128], strides = [1, 1]} : vector<8x2048xf32> to vector<8x128xf32>
      %tanh3A_1163 = math.tanh %slice3A_1162 : vector<8x128xf32>
      %slice3A_1164 = vector.extract_strided_slice %add3A_1089 {offsets = [0, 1408], sizes = [8, 128], strides = [1, 1]} : vector<8x2048xf32> to vector<8x128xf32>
      %logistic3A_1165 = arith.negf %slice3A_1164 : vector<8x128xf32>
      %logistic3A_1166 = math.exp %logistic3A_1165 : vector<8x128xf32>
      %logistic3A_1167 = arith.constant 1.000000e+00 : f32
      %logistic3A_1168 = vector.broadcast %logistic3A_1167 : f32 to vector<8x128xf32>
      %logistic3A_1169 = arith.addf %logistic3A_1168, %logistic3A_1166 : vector<8x128xf32>
      %logistic3A_1170 = arith.divf %logistic3A_1168, %logistic3A_1169 : vector<8x128xf32>
      %slice3A_1171 = vector.extract_strided_slice %concatenate3A_1075 {offsets = [0, 256], sizes = [8, 128], strides = [1, 1]} : vector<8x512xf32> to vector<8x128xf32>
      %mul3A_1172 = arith.mulf %logistic3A_1161, %slice3A_1171 : vector<8x128xf32>
      %mul3A_1173 = arith.mulf %logistic3A_1154, %tanh3A_1163 : vector<8x128xf32>
      %add3A_1174 = arith.addf %mul3A_1172, %mul3A_1173 : vector<8x128xf32>
      %tanh3A_1175 = math.tanh %add3A_1174 : vector<8x128xf32>
      %mul3A_1176 = arith.mulf %logistic3A_1170, %tanh3A_1175 : vector<8x128xf32>
      %slice3A_1177 = vector.extract_strided_slice %add3A_1089 {offsets = [0, 1536], sizes = [8, 128], strides = [1, 1]} : vector<8x2048xf32> to vector<8x128xf32>
      %logistic3A_1178 = arith.negf %slice3A_1177 : vector<8x128xf32>
      %logistic3A_1179 = math.exp %logistic3A_1178 : vector<8x128xf32>
      %logistic3A_1180 = arith.constant 1.000000e+00 : f32
      %logistic3A_1181 = vector.broadcast %logistic3A_1180 : f32 to vector<8x128xf32>
      %logistic3A_1182 = arith.addf %logistic3A_1181, %logistic3A_1179 : vector<8x128xf32>
      %logistic3A_1183 = arith.divf %logistic3A_1181, %logistic3A_1182 : vector<8x128xf32>
      %slice3A_1184 = vector.extract_strided_slice %add3A_1089 {offsets = [0, 1664], sizes = [8, 128], strides = [1, 1]} : vector<8x2048xf32> to vector<8x128xf32>
      %logistic3A_1185 = arith.negf %slice3A_1184 : vector<8x128xf32>
      %logistic3A_1186 = math.exp %logistic3A_1185 : vector<8x128xf32>
      %logistic3A_1187 = arith.constant 1.000000e+00 : f32
      %logistic3A_1188 = vector.broadcast %logistic3A_1187 : f32 to vector<8x128xf32>
      %logistic3A_1189 = arith.addf %logistic3A_1188, %logistic3A_1186 : vector<8x128xf32>
      %logistic3A_1190 = arith.divf %logistic3A_1188, %logistic3A_1189 : vector<8x128xf32>
      %slice3A_1191 = vector.extract_strided_slice %add3A_1089 {offsets = [0, 1792], sizes = [8, 128], strides = [1, 1]} : vector<8x2048xf32> to vector<8x128xf32>
      %tanh3A_1192 = math.tanh %slice3A_1191 : vector<8x128xf32>
      %slice3A_1193 = vector.extract_strided_slice %add3A_1089 {offsets = [0, 1920], sizes = [8, 128], strides = [1, 1]} : vector<8x2048xf32> to vector<8x128xf32>
      %logistic3A_1194 = arith.negf %slice3A_1193 : vector<8x128xf32>
      %logistic3A_1195 = math.exp %logistic3A_1194 : vector<8x128xf32>
      %logistic3A_1196 = arith.constant 1.000000e+00 : f32
      %logistic3A_1197 = vector.broadcast %logistic3A_1196 : f32 to vector<8x128xf32>
      %logistic3A_1198 = arith.addf %logistic3A_1197, %logistic3A_1195 : vector<8x128xf32>
      %logistic3A_1199 = arith.divf %logistic3A_1197, %logistic3A_1198 : vector<8x128xf32>
      %slice3A_1200 = vector.extract_strided_slice %concatenate3A_1075 {offsets = [0, 384], sizes = [8, 128], strides = [1, 1]} : vector<8x512xf32> to vector<8x128xf32>
      %mul3A_1201 = arith.mulf %logistic3A_1190, %slice3A_1200 : vector<8x128xf32>
      %mul3A_1202 = arith.mulf %logistic3A_1183, %tanh3A_1192 : vector<8x128xf32>
      %add3A_1203 = arith.addf %mul3A_1201, %mul3A_1202 : vector<8x128xf32>
      %tanh3A_1204 = math.tanh %add3A_1203 : vector<8x128xf32>
      %mul3A_1205 = arith.mulf %logistic3A_1199, %tanh3A_1204 : vector<8x128xf32>
      %concatenate3A_1206 = tpu.concatenate %mul3A_1118, %mul3A_1147, %mul3A_1176, %mul3A_1205 in 1 : vector<8x128xf32>, vector<8x128xf32>, vector<8x128xf32>, vector<8x128xf32> -> vector<8x512xf32>
      %concatenate3A_1207 = tpu.concatenate %add3A_1116, %add3A_1145, %add3A_1174, %add3A_1203 in 1 : vector<8x128xf32>, vector<8x128xf32>, vector<8x128xf32>, vector<8x128xf32> -> vector<8x512xf32>
      %scan3A_1208 = arith.constant 9 : i32
      %scan3A_1209 = arith.addi %scan3A_23, %scan3A_1208 : i32
      %mul3A_1210 = arith.constant 8 : i32
      %mul3A_1211 = arith.muli %scan3A_1209, %mul3A_1210 : i32
      %get3A_1212 = arith.index_cast %mul3A_1211 : i32 to index
      %get3A_1213 = arith.constant 0 : index
      %get3A_1214 = vector.load %arg5[%get3A_1212, %get3A_1213] : memref<896x2048xf32, #tpu.memory_space<vmem>>, vector<8x2048xf32>
      %convert_element_type3A_1215 = arith.truncf %concatenate3A_1206 : vector<8x512xf32> to vector<8x512xbf16>
      %get3A_1216 = arith.constant 0 : index
      %get3A_1217 = arith.constant 0 : index
      %get3A_1218 = vector.load %arg2[%get3A_1216, %get3A_1217] : memref<512x2048xbf16, #tpu.memory_space<vmem>>, vector<512x2048xbf16>
      %dot_general3A_1219 = arith.constant dense<0.000000e+00> : vector<8x2048xf32>
      %dot_general3A_1220 = tpu.matmul %convert_element_type3A_1215, %get3A_1218, %dot_general3A_1219 {dimension_numbers = #tpu.dot_dimension_numbers<[1], [0], [0], [1], [0, 0, 1, 1], [], []>, transpose_lhs_hint = false} : vector<8x512xbf16>, vector<512x2048xbf16>, vector<8x2048xf32> -> vector<8x2048xf32>
      %add3A_1221 = arith.addf %get3A_1214, %dot_general3A_1220 : vector<8x2048xf32>
      %slice3A_1222 = vector.extract_strided_slice %add3A_1221 {offsets = [0, 0], sizes = [8, 128], strides = [1, 1]} : vector<8x2048xf32> to vector<8x128xf32>
      %logistic3A_1223 = arith.negf %slice3A_1222 : vector<8x128xf32>
      %logistic3A_1224 = math.exp %logistic3A_1223 : vector<8x128xf32>
      %logistic3A_1225 = arith.constant 1.000000e+00 : f32
      %logistic3A_1226 = vector.broadcast %logistic3A_1225 : f32 to vector<8x128xf32>
      %logistic3A_1227 = arith.addf %logistic3A_1226, %logistic3A_1224 : vector<8x128xf32>
      %logistic3A_1228 = arith.divf %logistic3A_1226, %logistic3A_1227 : vector<8x128xf32>
      %slice3A_1229 = vector.extract_strided_slice %add3A_1221 {offsets = [0, 128], sizes = [8, 128], strides = [1, 1]} : vector<8x2048xf32> to vector<8x128xf32>
      %logistic3A_1230 = arith.negf %slice3A_1229 : vector<8x128xf32>
      %logistic3A_1231 = math.exp %logistic3A_1230 : vector<8x128xf32>
      %logistic3A_1232 = arith.constant 1.000000e+00 : f32
      %logistic3A_1233 = vector.broadcast %logistic3A_1232 : f32 to vector<8x128xf32>
      %logistic3A_1234 = arith.addf %logistic3A_1233, %logistic3A_1231 : vector<8x128xf32>
      %logistic3A_1235 = arith.divf %logistic3A_1233, %logistic3A_1234 : vector<8x128xf32>
      %slice3A_1236 = vector.extract_strided_slice %add3A_1221 {offsets = [0, 256], sizes = [8, 128], strides = [1, 1]} : vector<8x2048xf32> to vector<8x128xf32>
      %tanh3A_1237 = math.tanh %slice3A_1236 : vector<8x128xf32>
      %slice3A_1238 = vector.extract_strided_slice %add3A_1221 {offsets = [0, 384], sizes = [8, 128], strides = [1, 1]} : vector<8x2048xf32> to vector<8x128xf32>
      %logistic3A_1239 = arith.negf %slice3A_1238 : vector<8x128xf32>
      %logistic3A_1240 = math.exp %logistic3A_1239 : vector<8x128xf32>
      %logistic3A_1241 = arith.constant 1.000000e+00 : f32
      %logistic3A_1242 = vector.broadcast %logistic3A_1241 : f32 to vector<8x128xf32>
      %logistic3A_1243 = arith.addf %logistic3A_1242, %logistic3A_1240 : vector<8x128xf32>
      %logistic3A_1244 = arith.divf %logistic3A_1242, %logistic3A_1243 : vector<8x128xf32>
      %slice3A_1245 = vector.extract_strided_slice %concatenate3A_1207 {offsets = [0, 0], sizes = [8, 128], strides = [1, 1]} : vector<8x512xf32> to vector<8x128xf32>
      %mul3A_1246 = arith.mulf %logistic3A_1235, %slice3A_1245 : vector<8x128xf32>
      %mul3A_1247 = arith.mulf %logistic3A_1228, %tanh3A_1237 : vector<8x128xf32>
      %add3A_1248 = arith.addf %mul3A_1246, %mul3A_1247 : vector<8x128xf32>
      %tanh3A_1249 = math.tanh %add3A_1248 : vector<8x128xf32>
      %mul3A_1250 = arith.mulf %logistic3A_1244, %tanh3A_1249 : vector<8x128xf32>
      %slice3A_1251 = vector.extract_strided_slice %add3A_1221 {offsets = [0, 512], sizes = [8, 128], strides = [1, 1]} : vector<8x2048xf32> to vector<8x128xf32>
      %logistic3A_1252 = arith.negf %slice3A_1251 : vector<8x128xf32>
      %logistic3A_1253 = math.exp %logistic3A_1252 : vector<8x128xf32>
      %logistic3A_1254 = arith.constant 1.000000e+00 : f32
      %logistic3A_1255 = vector.broadcast %logistic3A_1254 : f32 to vector<8x128xf32>
      %logistic3A_1256 = arith.addf %logistic3A_1255, %logistic3A_1253 : vector<8x128xf32>
      %logistic3A_1257 = arith.divf %logistic3A_1255, %logistic3A_1256 : vector<8x128xf32>
      %slice3A_1258 = vector.extract_strided_slice %add3A_1221 {offsets = [0, 640], sizes = [8, 128], strides = [1, 1]} : vector<8x2048xf32> to vector<8x128xf32>
      %logistic3A_1259 = arith.negf %slice3A_1258 : vector<8x128xf32>
      %logistic3A_1260 = math.exp %logistic3A_1259 : vector<8x128xf32>
      %logistic3A_1261 = arith.constant 1.000000e+00 : f32
      %logistic3A_1262 = vector.broadcast %logistic3A_1261 : f32 to vector<8x128xf32>
      %logistic3A_1263 = arith.addf %logistic3A_1262, %logistic3A_1260 : vector<8x128xf32>
      %logistic3A_1264 = arith.divf %logistic3A_1262, %logistic3A_1263 : vector<8x128xf32>
      %slice3A_1265 = vector.extract_strided_slice %add3A_1221 {offsets = [0, 768], sizes = [8, 128], strides = [1, 1]} : vector<8x2048xf32> to vector<8x128xf32>
      %tanh3A_1266 = math.tanh %slice3A_1265 : vector<8x128xf32>
      %slice3A_1267 = vector.extract_strided_slice %add3A_1221 {offsets = [0, 896], sizes = [8, 128], strides = [1, 1]} : vector<8x2048xf32> to vector<8x128xf32>
      %logistic3A_1268 = arith.negf %slice3A_1267 : vector<8x128xf32>
      %logistic3A_1269 = math.exp %logistic3A_1268 : vector<8x128xf32>
      %logistic3A_1270 = arith.constant 1.000000e+00 : f32
      %logistic3A_1271 = vector.broadcast %logistic3A_1270 : f32 to vector<8x128xf32>
      %logistic3A_1272 = arith.addf %logistic3A_1271, %logistic3A_1269 : vector<8x128xf32>
      %logistic3A_1273 = arith.divf %logistic3A_1271, %logistic3A_1272 : vector<8x128xf32>
      %slice3A_1274 = vector.extract_strided_slice %concatenate3A_1207 {offsets = [0, 128], sizes = [8, 128], strides = [1, 1]} : vector<8x512xf32> to vector<8x128xf32>
      %mul3A_1275 = arith.mulf %logistic3A_1264, %slice3A_1274 : vector<8x128xf32>
      %mul3A_1276 = arith.mulf %logistic3A_1257, %tanh3A_1266 : vector<8x128xf32>
      %add3A_1277 = arith.addf %mul3A_1275, %mul3A_1276 : vector<8x128xf32>
      %tanh3A_1278 = math.tanh %add3A_1277 : vector<8x128xf32>
      %mul3A_1279 = arith.mulf %logistic3A_1273, %tanh3A_1278 : vector<8x128xf32>
      %slice3A_1280 = vector.extract_strided_slice %add3A_1221 {offsets = [0, 1024], sizes = [8, 128], strides = [1, 1]} : vector<8x2048xf32> to vector<8x128xf32>
      %logistic3A_1281 = arith.negf %slice3A_1280 : vector<8x128xf32>
      %logistic3A_1282 = math.exp %logistic3A_1281 : vector<8x128xf32>
      %logistic3A_1283 = arith.constant 1.000000e+00 : f32
      %logistic3A_1284 = vector.broadcast %logistic3A_1283 : f32 to vector<8x128xf32>
      %logistic3A_1285 = arith.addf %logistic3A_1284, %logistic3A_1282 : vector<8x128xf32>
      %logistic3A_1286 = arith.divf %logistic3A_1284, %logistic3A_1285 : vector<8x128xf32>
      %slice3A_1287 = vector.extract_strided_slice %add3A_1221 {offsets = [0, 1152], sizes = [8, 128], strides = [1, 1]} : vector<8x2048xf32> to vector<8x128xf32>
      %logistic3A_1288 = arith.negf %slice3A_1287 : vector<8x128xf32>
      %logistic3A_1289 = math.exp %logistic3A_1288 : vector<8x128xf32>
      %logistic3A_1290 = arith.constant 1.000000e+00 : f32
      %logistic3A_1291 = vector.broadcast %logistic3A_1290 : f32 to vector<8x128xf32>
      %logistic3A_1292 = arith.addf %logistic3A_1291, %logistic3A_1289 : vector<8x128xf32>
      %logistic3A_1293 = arith.divf %logistic3A_1291, %logistic3A_1292 : vector<8x128xf32>
      %slice3A_1294 = vector.extract_strided_slice %add3A_1221 {offsets = [0, 1280], sizes = [8, 128], strides = [1, 1]} : vector<8x2048xf32> to vector<8x128xf32>
      %tanh3A_1295 = math.tanh %slice3A_1294 : vector<8x128xf32>
      %slice3A_1296 = vector.extract_strided_slice %add3A_1221 {offsets = [0, 1408], sizes = [8, 128], strides = [1, 1]} : vector<8x2048xf32> to vector<8x128xf32>
      %logistic3A_1297 = arith.negf %slice3A_1296 : vector<8x128xf32>
      %logistic3A_1298 = math.exp %logistic3A_1297 : vector<8x128xf32>
      %logistic3A_1299 = arith.constant 1.000000e+00 : f32
      %logistic3A_1300 = vector.broadcast %logistic3A_1299 : f32 to vector<8x128xf32>
      %logistic3A_1301 = arith.addf %logistic3A_1300, %logistic3A_1298 : vector<8x128xf32>
      %logistic3A_1302 = arith.divf %logistic3A_1300, %logistic3A_1301 : vector<8x128xf32>
      %slice3A_1303 = vector.extract_strided_slice %concatenate3A_1207 {offsets = [0, 256], sizes = [8, 128], strides = [1, 1]} : vector<8x512xf32> to vector<8x128xf32>
      %mul3A_1304 = arith.mulf %logistic3A_1293, %slice3A_1303 : vector<8x128xf32>
      %mul3A_1305 = arith.mulf %logistic3A_1286, %tanh3A_1295 : vector<8x128xf32>
      %add3A_1306 = arith.addf %mul3A_1304, %mul3A_1305 : vector<8x128xf32>
      %tanh3A_1307 = math.tanh %add3A_1306 : vector<8x128xf32>
      %mul3A_1308 = arith.mulf %logistic3A_1302, %tanh3A_1307 : vector<8x128xf32>
      %slice3A_1309 = vector.extract_strided_slice %add3A_1221 {offsets = [0, 1536], sizes = [8, 128], strides = [1, 1]} : vector<8x2048xf32> to vector<8x128xf32>
      %logistic3A_1310 = arith.negf %slice3A_1309 : vector<8x128xf32>
      %logistic3A_1311 = math.exp %logistic3A_1310 : vector<8x128xf32>
      %logistic3A_1312 = arith.constant 1.000000e+00 : f32
      %logistic3A_1313 = vector.broadcast %logistic3A_1312 : f32 to vector<8x128xf32>
      %logistic3A_1314 = arith.addf %logistic3A_1313, %logistic3A_1311 : vector<8x128xf32>
      %logistic3A_1315 = arith.divf %logistic3A_1313, %logistic3A_1314 : vector<8x128xf32>
      %slice3A_1316 = vector.extract_strided_slice %add3A_1221 {offsets = [0, 1664], sizes = [8, 128], strides = [1, 1]} : vector<8x2048xf32> to vector<8x128xf32>
      %logistic3A_1317 = arith.negf %slice3A_1316 : vector<8x128xf32>
      %logistic3A_1318 = math.exp %logistic3A_1317 : vector<8x128xf32>
      %logistic3A_1319 = arith.constant 1.000000e+00 : f32
      %logistic3A_1320 = vector.broadcast %logistic3A_1319 : f32 to vector<8x128xf32>
      %logistic3A_1321 = arith.addf %logistic3A_1320, %logistic3A_1318 : vector<8x128xf32>
      %logistic3A_1322 = arith.divf %logistic3A_1320, %logistic3A_1321 : vector<8x128xf32>
      %slice3A_1323 = vector.extract_strided_slice %add3A_1221 {offsets = [0, 1792], sizes = [8, 128], strides = [1, 1]} : vector<8x2048xf32> to vector<8x128xf32>
      %tanh3A_1324 = math.tanh %slice3A_1323 : vector<8x128xf32>
      %slice3A_1325 = vector.extract_strided_slice %add3A_1221 {offsets = [0, 1920], sizes = [8, 128], strides = [1, 1]} : vector<8x2048xf32> to vector<8x128xf32>
      %logistic3A_1326 = arith.negf %slice3A_1325 : vector<8x128xf32>
      %logistic3A_1327 = math.exp %logistic3A_1326 : vector<8x128xf32>
      %logistic3A_1328 = arith.constant 1.000000e+00 : f32
      %logistic3A_1329 = vector.broadcast %logistic3A_1328 : f32 to vector<8x128xf32>
      %logistic3A_1330 = arith.addf %logistic3A_1329, %logistic3A_1327 : vector<8x128xf32>
      %logistic3A_1331 = arith.divf %logistic3A_1329, %logistic3A_1330 : vector<8x128xf32>
      %slice3A_1332 = vector.extract_strided_slice %concatenate3A_1207 {offsets = [0, 384], sizes = [8, 128], strides = [1, 1]} : vector<8x512xf32> to vector<8x128xf32>
      %mul3A_1333 = arith.mulf %logistic3A_1322, %slice3A_1332 : vector<8x128xf32>
      %mul3A_1334 = arith.mulf %logistic3A_1315, %tanh3A_1324 : vector<8x128xf32>
      %add3A_1335 = arith.addf %mul3A_1333, %mul3A_1334 : vector<8x128xf32>
      %tanh3A_1336 = math.tanh %add3A_1335 : vector<8x128xf32>
      %mul3A_1337 = arith.mulf %logistic3A_1331, %tanh3A_1336 : vector<8x128xf32>
      %concatenate3A_1338 = tpu.concatenate %mul3A_1250, %mul3A_1279, %mul3A_1308, %mul3A_1337 in 1 : vector<8x128xf32>, vector<8x128xf32>, vector<8x128xf32>, vector<8x128xf32> -> vector<8x512xf32>
      %concatenate3A_1339 = tpu.concatenate %add3A_1248, %add3A_1277, %add3A_1306, %add3A_1335 in 1 : vector<8x128xf32>, vector<8x128xf32>, vector<8x128xf32>, vector<8x128xf32> -> vector<8x512xf32>
      %scan3A_1340 = arith.constant 10 : i32
      %scan3A_1341 = arith.addi %scan3A_23, %scan3A_1340 : i32
      %mul3A_1342 = arith.constant 8 : i32
      %mul3A_1343 = arith.muli %scan3A_1341, %mul3A_1342 : i32
      %get3A_1344 = arith.index_cast %mul3A_1343 : i32 to index
      %get3A_1345 = arith.constant 0 : index
      %get3A_1346 = vector.load %arg5[%get3A_1344, %get3A_1345] : memref<896x2048xf32, #tpu.memory_space<vmem>>, vector<8x2048xf32>
      %convert_element_type3A_1347 = arith.truncf %concatenate3A_1338 : vector<8x512xf32> to vector<8x512xbf16>
      %get3A_1348 = arith.constant 0 : index
      %get3A_1349 = arith.constant 0 : index
      %get3A_1350 = vector.load %arg2[%get3A_1348, %get3A_1349] : memref<512x2048xbf16, #tpu.memory_space<vmem>>, vector<512x2048xbf16>
      %dot_general3A_1351 = arith.constant dense<0.000000e+00> : vector<8x2048xf32>
      %dot_general3A_1352 = tpu.matmul %convert_element_type3A_1347, %get3A_1350, %dot_general3A_1351 {dimension_numbers = #tpu.dot_dimension_numbers<[1], [0], [0], [1], [0, 0, 1, 1], [], []>, transpose_lhs_hint = false} : vector<8x512xbf16>, vector<512x2048xbf16>, vector<8x2048xf32> -> vector<8x2048xf32>
      %add3A_1353 = arith.addf %get3A_1346, %dot_general3A_1352 : vector<8x2048xf32>
      %slice3A_1354 = vector.extract_strided_slice %add3A_1353 {offsets = [0, 0], sizes = [8, 128], strides = [1, 1]} : vector<8x2048xf32> to vector<8x128xf32>
      %logistic3A_1355 = arith.negf %slice3A_1354 : vector<8x128xf32>
      %logistic3A_1356 = math.exp %logistic3A_1355 : vector<8x128xf32>
      %logistic3A_1357 = arith.constant 1.000000e+00 : f32
      %logistic3A_1358 = vector.broadcast %logistic3A_1357 : f32 to vector<8x128xf32>
      %logistic3A_1359 = arith.addf %logistic3A_1358, %logistic3A_1356 : vector<8x128xf32>
      %logistic3A_1360 = arith.divf %logistic3A_1358, %logistic3A_1359 : vector<8x128xf32>
      %slice3A_1361 = vector.extract_strided_slice %add3A_1353 {offsets = [0, 128], sizes = [8, 128], strides = [1, 1]} : vector<8x2048xf32> to vector<8x128xf32>
      %logistic3A_1362 = arith.negf %slice3A_1361 : vector<8x128xf32>
      %logistic3A_1363 = math.exp %logistic3A_1362 : vector<8x128xf32>
      %logistic3A_1364 = arith.constant 1.000000e+00 : f32
      %logistic3A_1365 = vector.broadcast %logistic3A_1364 : f32 to vector<8x128xf32>
      %logistic3A_1366 = arith.addf %logistic3A_1365, %logistic3A_1363 : vector<8x128xf32>
      %logistic3A_1367 = arith.divf %logistic3A_1365, %logistic3A_1366 : vector<8x128xf32>
      %slice3A_1368 = vector.extract_strided_slice %add3A_1353 {offsets = [0, 256], sizes = [8, 128], strides = [1, 1]} : vector<8x2048xf32> to vector<8x128xf32>
      %tanh3A_1369 = math.tanh %slice3A_1368 : vector<8x128xf32>
      %slice3A_1370 = vector.extract_strided_slice %add3A_1353 {offsets = [0, 384], sizes = [8, 128], strides = [1, 1]} : vector<8x2048xf32> to vector<8x128xf32>
      %logistic3A_1371 = arith.negf %slice3A_1370 : vector<8x128xf32>
      %logistic3A_1372 = math.exp %logistic3A_1371 : vector<8x128xf32>
      %logistic3A_1373 = arith.constant 1.000000e+00 : f32
      %logistic3A_1374 = vector.broadcast %logistic3A_1373 : f32 to vector<8x128xf32>
      %logistic3A_1375 = arith.addf %logistic3A_1374, %logistic3A_1372 : vector<8x128xf32>
      %logistic3A_1376 = arith.divf %logistic3A_1374, %logistic3A_1375 : vector<8x128xf32>
      %slice3A_1377 = vector.extract_strided_slice %concatenate3A_1339 {offsets = [0, 0], sizes = [8, 128], strides = [1, 1]} : vector<8x512xf32> to vector<8x128xf32>
      %mul3A_1378 = arith.mulf %logistic3A_1367, %slice3A_1377 : vector<8x128xf32>
      %mul3A_1379 = arith.mulf %logistic3A_1360, %tanh3A_1369 : vector<8x128xf32>
      %add3A_1380 = arith.addf %mul3A_1378, %mul3A_1379 : vector<8x128xf32>
      %tanh3A_1381 = math.tanh %add3A_1380 : vector<8x128xf32>
      %mul3A_1382 = arith.mulf %logistic3A_1376, %tanh3A_1381 : vector<8x128xf32>
      %slice3A_1383 = vector.extract_strided_slice %add3A_1353 {offsets = [0, 512], sizes = [8, 128], strides = [1, 1]} : vector<8x2048xf32> to vector<8x128xf32>
      %logistic3A_1384 = arith.negf %slice3A_1383 : vector<8x128xf32>
      %logistic3A_1385 = math.exp %logistic3A_1384 : vector<8x128xf32>
      %logistic3A_1386 = arith.constant 1.000000e+00 : f32
      %logistic3A_1387 = vector.broadcast %logistic3A_1386 : f32 to vector<8x128xf32>
      %logistic3A_1388 = arith.addf %logistic3A_1387, %logistic3A_1385 : vector<8x128xf32>
      %logistic3A_1389 = arith.divf %logistic3A_1387, %logistic3A_1388 : vector<8x128xf32>
      %slice3A_1390 = vector.extract_strided_slice %add3A_1353 {offsets = [0, 640], sizes = [8, 128], strides = [1, 1]} : vector<8x2048xf32> to vector<8x128xf32>
      %logistic3A_1391 = arith.negf %slice3A_1390 : vector<8x128xf32>
      %logistic3A_1392 = math.exp %logistic3A_1391 : vector<8x128xf32>
      %logistic3A_1393 = arith.constant 1.000000e+00 : f32
      %logistic3A_1394 = vector.broadcast %logistic3A_1393 : f32 to vector<8x128xf32>
      %logistic3A_1395 = arith.addf %logistic3A_1394, %logistic3A_1392 : vector<8x128xf32>
      %logistic3A_1396 = arith.divf %logistic3A_1394, %logistic3A_1395 : vector<8x128xf32>
      %slice3A_1397 = vector.extract_strided_slice %add3A_1353 {offsets = [0, 768], sizes = [8, 128], strides = [1, 1]} : vector<8x2048xf32> to vector<8x128xf32>
      %tanh3A_1398 = math.tanh %slice3A_1397 : vector<8x128xf32>
      %slice3A_1399 = vector.extract_strided_slice %add3A_1353 {offsets = [0, 896], sizes = [8, 128], strides = [1, 1]} : vector<8x2048xf32> to vector<8x128xf32>
      %logistic3A_1400 = arith.negf %slice3A_1399 : vector<8x128xf32>
      %logistic3A_1401 = math.exp %logistic3A_1400 : vector<8x128xf32>
      %logistic3A_1402 = arith.constant 1.000000e+00 : f32
      %logistic3A_1403 = vector.broadcast %logistic3A_1402 : f32 to vector<8x128xf32>
      %logistic3A_1404 = arith.addf %logistic3A_1403, %logistic3A_1401 : vector<8x128xf32>
      %logistic3A_1405 = arith.divf %logistic3A_1403, %logistic3A_1404 : vector<8x128xf32>
      %slice3A_1406 = vector.extract_strided_slice %concatenate3A_1339 {offsets = [0, 128], sizes = [8, 128], strides = [1, 1]} : vector<8x512xf32> to vector<8x128xf32>
      %mul3A_1407 = arith.mulf %logistic3A_1396, %slice3A_1406 : vector<8x128xf32>
      %mul3A_1408 = arith.mulf %logistic3A_1389, %tanh3A_1398 : vector<8x128xf32>
      %add3A_1409 = arith.addf %mul3A_1407, %mul3A_1408 : vector<8x128xf32>
      %tanh3A_1410 = math.tanh %add3A_1409 : vector<8x128xf32>
      %mul3A_1411 = arith.mulf %logistic3A_1405, %tanh3A_1410 : vector<8x128xf32>
      %slice3A_1412 = vector.extract_strided_slice %add3A_1353 {offsets = [0, 1024], sizes = [8, 128], strides = [1, 1]} : vector<8x2048xf32> to vector<8x128xf32>
      %logistic3A_1413 = arith.negf %slice3A_1412 : vector<8x128xf32>
      %logistic3A_1414 = math.exp %logistic3A_1413 : vector<8x128xf32>
      %logistic3A_1415 = arith.constant 1.000000e+00 : f32
      %logistic3A_1416 = vector.broadcast %logistic3A_1415 : f32 to vector<8x128xf32>
      %logistic3A_1417 = arith.addf %logistic3A_1416, %logistic3A_1414 : vector<8x128xf32>
      %logistic3A_1418 = arith.divf %logistic3A_1416, %logistic3A_1417 : vector<8x128xf32>
      %slice3A_1419 = vector.extract_strided_slice %add3A_1353 {offsets = [0, 1152], sizes = [8, 128], strides = [1, 1]} : vector<8x2048xf32> to vector<8x128xf32>
      %logistic3A_1420 = arith.negf %slice3A_1419 : vector<8x128xf32>
      %logistic3A_1421 = math.exp %logistic3A_1420 : vector<8x128xf32>
      %logistic3A_1422 = arith.constant 1.000000e+00 : f32
      %logistic3A_1423 = vector.broadcast %logistic3A_1422 : f32 to vector<8x128xf32>
      %logistic3A_1424 = arith.addf %logistic3A_1423, %logistic3A_1421 : vector<8x128xf32>
      %logistic3A_1425 = arith.divf %logistic3A_1423, %logistic3A_1424 : vector<8x128xf32>
      %slice3A_1426 = vector.extract_strided_slice %add3A_1353 {offsets = [0, 1280], sizes = [8, 128], strides = [1, 1]} : vector<8x2048xf32> to vector<8x128xf32>
      %tanh3A_1427 = math.tanh %slice3A_1426 : vector<8x128xf32>
      %slice3A_1428 = vector.extract_strided_slice %add3A_1353 {offsets = [0, 1408], sizes = [8, 128], strides = [1, 1]} : vector<8x2048xf32> to vector<8x128xf32>
      %logistic3A_1429 = arith.negf %slice3A_1428 : vector<8x128xf32>
      %logistic3A_1430 = math.exp %logistic3A_1429 : vector<8x128xf32>
      %logistic3A_1431 = arith.constant 1.000000e+00 : f32
      %logistic3A_1432 = vector.broadcast %logistic3A_1431 : f32 to vector<8x128xf32>
      %logistic3A_1433 = arith.addf %logistic3A_1432, %logistic3A_1430 : vector<8x128xf32>
      %logistic3A_1434 = arith.divf %logistic3A_1432, %logistic3A_1433 : vector<8x128xf32>
      %slice3A_1435 = vector.extract_strided_slice %concatenate3A_1339 {offsets = [0, 256], sizes = [8, 128], strides = [1, 1]} : vector<8x512xf32> to vector<8x128xf32>
      %mul3A_1436 = arith.mulf %logistic3A_1425, %slice3A_1435 : vector<8x128xf32>
      %mul3A_1437 = arith.mulf %logistic3A_1418, %tanh3A_1427 : vector<8x128xf32>
      %add3A_1438 = arith.addf %mul3A_1436, %mul3A_1437 : vector<8x128xf32>
      %tanh3A_1439 = math.tanh %add3A_1438 : vector<8x128xf32>
      %mul3A_1440 = arith.mulf %logistic3A_1434, %tanh3A_1439 : vector<8x128xf32>
      %slice3A_1441 = vector.extract_strided_slice %add3A_1353 {offsets = [0, 1536], sizes = [8, 128], strides = [1, 1]} : vector<8x2048xf32> to vector<8x128xf32>
      %logistic3A_1442 = arith.negf %slice3A_1441 : vector<8x128xf32>
      %logistic3A_1443 = math.exp %logistic3A_1442 : vector<8x128xf32>
      %logistic3A_1444 = arith.constant 1.000000e+00 : f32
      %logistic3A_1445 = vector.broadcast %logistic3A_1444 : f32 to vector<8x128xf32>
      %logistic3A_1446 = arith.addf %logistic3A_1445, %logistic3A_1443 : vector<8x128xf32>
      %logistic3A_1447 = arith.divf %logistic3A_1445, %logistic3A_1446 : vector<8x128xf32>
      %slice3A_1448 = vector.extract_strided_slice %add3A_1353 {offsets = [0, 1664], sizes = [8, 128], strides = [1, 1]} : vector<8x2048xf32> to vector<8x128xf32>
      %logistic3A_1449 = arith.negf %slice3A_1448 : vector<8x128xf32>
      %logistic3A_1450 = math.exp %logistic3A_1449 : vector<8x128xf32>
      %logistic3A_1451 = arith.constant 1.000000e+00 : f32
      %logistic3A_1452 = vector.broadcast %logistic3A_1451 : f32 to vector<8x128xf32>
      %logistic3A_1453 = arith.addf %logistic3A_1452, %logistic3A_1450 : vector<8x128xf32>
      %logistic3A_1454 = arith.divf %logistic3A_1452, %logistic3A_1453 : vector<8x128xf32>
      %slice3A_1455 = vector.extract_strided_slice %add3A_1353 {offsets = [0, 1792], sizes = [8, 128], strides = [1, 1]} : vector<8x2048xf32> to vector<8x128xf32>
      %tanh3A_1456 = math.tanh %slice3A_1455 : vector<8x128xf32>
      %slice3A_1457 = vector.extract_strided_slice %add3A_1353 {offsets = [0, 1920], sizes = [8, 128], strides = [1, 1]} : vector<8x2048xf32> to vector<8x128xf32>
      %logistic3A_1458 = arith.negf %slice3A_1457 : vector<8x128xf32>
      %logistic3A_1459 = math.exp %logistic3A_1458 : vector<8x128xf32>
      %logistic3A_1460 = arith.constant 1.000000e+00 : f32
      %logistic3A_1461 = vector.broadcast %logistic3A_1460 : f32 to vector<8x128xf32>
      %logistic3A_1462 = arith.addf %logistic3A_1461, %logistic3A_1459 : vector<8x128xf32>
      %logistic3A_1463 = arith.divf %logistic3A_1461, %logistic3A_1462 : vector<8x128xf32>
      %slice3A_1464 = vector.extract_strided_slice %concatenate3A_1339 {offsets = [0, 384], sizes = [8, 128], strides = [1, 1]} : vector<8x512xf32> to vector<8x128xf32>
      %mul3A_1465 = arith.mulf %logistic3A_1454, %slice3A_1464 : vector<8x128xf32>
      %mul3A_1466 = arith.mulf %logistic3A_1447, %tanh3A_1456 : vector<8x128xf32>
      %add3A_1467 = arith.addf %mul3A_1465, %mul3A_1466 : vector<8x128xf32>
      %tanh3A_1468 = math.tanh %add3A_1467 : vector<8x128xf32>
      %mul3A_1469 = arith.mulf %logistic3A_1463, %tanh3A_1468 : vector<8x128xf32>
      %concatenate3A_1470 = tpu.concatenate %mul3A_1382, %mul3A_1411, %mul3A_1440, %mul3A_1469 in 1 : vector<8x128xf32>, vector<8x128xf32>, vector<8x128xf32>, vector<8x128xf32> -> vector<8x512xf32>
      %concatenate3A_1471 = tpu.concatenate %add3A_1380, %add3A_1409, %add3A_1438, %add3A_1467 in 1 : vector<8x128xf32>, vector<8x128xf32>, vector<8x128xf32>, vector<8x128xf32> -> vector<8x512xf32>
      %scan3A_1472 = arith.constant 11 : i32
      %scan3A_1473 = arith.addi %scan3A_23, %scan3A_1472 : i32
      %mul3A_1474 = arith.constant 8 : i32
      %mul3A_1475 = arith.muli %scan3A_1473, %mul3A_1474 : i32
      %get3A_1476 = arith.index_cast %mul3A_1475 : i32 to index
      %get3A_1477 = arith.constant 0 : index
      %get3A_1478 = vector.load %arg5[%get3A_1476, %get3A_1477] : memref<896x2048xf32, #tpu.memory_space<vmem>>, vector<8x2048xf32>
      %convert_element_type3A_1479 = arith.truncf %concatenate3A_1470 : vector<8x512xf32> to vector<8x512xbf16>
      %get3A_1480 = arith.constant 0 : index
      %get3A_1481 = arith.constant 0 : index
      %get3A_1482 = vector.load %arg2[%get3A_1480, %get3A_1481] : memref<512x2048xbf16, #tpu.memory_space<vmem>>, vector<512x2048xbf16>
      %dot_general3A_1483 = arith.constant dense<0.000000e+00> : vector<8x2048xf32>
      %dot_general3A_1484 = tpu.matmul %convert_element_type3A_1479, %get3A_1482, %dot_general3A_1483 {dimension_numbers = #tpu.dot_dimension_numbers<[1], [0], [0], [1], [0, 0, 1, 1], [], []>, transpose_lhs_hint = false} : vector<8x512xbf16>, vector<512x2048xbf16>, vector<8x2048xf32> -> vector<8x2048xf32>
      %add3A_1485 = arith.addf %get3A_1478, %dot_general3A_1484 : vector<8x2048xf32>
      %slice3A_1486 = vector.extract_strided_slice %add3A_1485 {offsets = [0, 0], sizes = [8, 128], strides = [1, 1]} : vector<8x2048xf32> to vector<8x128xf32>
      %logistic3A_1487 = arith.negf %slice3A_1486 : vector<8x128xf32>
      %logistic3A_1488 = math.exp %logistic3A_1487 : vector<8x128xf32>
      %logistic3A_1489 = arith.constant 1.000000e+00 : f32
      %logistic3A_1490 = vector.broadcast %logistic3A_1489 : f32 to vector<8x128xf32>
      %logistic3A_1491 = arith.addf %logistic3A_1490, %logistic3A_1488 : vector<8x128xf32>
      %logistic3A_1492 = arith.divf %logistic3A_1490, %logistic3A_1491 : vector<8x128xf32>
      %slice3A_1493 = vector.extract_strided_slice %add3A_1485 {offsets = [0, 128], sizes = [8, 128], strides = [1, 1]} : vector<8x2048xf32> to vector<8x128xf32>
      %logistic3A_1494 = arith.negf %slice3A_1493 : vector<8x128xf32>
      %logistic3A_1495 = math.exp %logistic3A_1494 : vector<8x128xf32>
      %logistic3A_1496 = arith.constant 1.000000e+00 : f32
      %logistic3A_1497 = vector.broadcast %logistic3A_1496 : f32 to vector<8x128xf32>
      %logistic3A_1498 = arith.addf %logistic3A_1497, %logistic3A_1495 : vector<8x128xf32>
      %logistic3A_1499 = arith.divf %logistic3A_1497, %logistic3A_1498 : vector<8x128xf32>
      %slice3A_1500 = vector.extract_strided_slice %add3A_1485 {offsets = [0, 256], sizes = [8, 128], strides = [1, 1]} : vector<8x2048xf32> to vector<8x128xf32>
      %tanh3A_1501 = math.tanh %slice3A_1500 : vector<8x128xf32>
      %slice3A_1502 = vector.extract_strided_slice %add3A_1485 {offsets = [0, 384], sizes = [8, 128], strides = [1, 1]} : vector<8x2048xf32> to vector<8x128xf32>
      %logistic3A_1503 = arith.negf %slice3A_1502 : vector<8x128xf32>
      %logistic3A_1504 = math.exp %logistic3A_1503 : vector<8x128xf32>
      %logistic3A_1505 = arith.constant 1.000000e+00 : f32
      %logistic3A_1506 = vector.broadcast %logistic3A_1505 : f32 to vector<8x128xf32>
      %logistic3A_1507 = arith.addf %logistic3A_1506, %logistic3A_1504 : vector<8x128xf32>
      %logistic3A_1508 = arith.divf %logistic3A_1506, %logistic3A_1507 : vector<8x128xf32>
      %slice3A_1509 = vector.extract_strided_slice %concatenate3A_1471 {offsets = [0, 0], sizes = [8, 128], strides = [1, 1]} : vector<8x512xf32> to vector<8x128xf32>
      %mul3A_1510 = arith.mulf %logistic3A_1499, %slice3A_1509 : vector<8x128xf32>
      %mul3A_1511 = arith.mulf %logistic3A_1492, %tanh3A_1501 : vector<8x128xf32>
      %add3A_1512 = arith.addf %mul3A_1510, %mul3A_1511 : vector<8x128xf32>
      %tanh3A_1513 = math.tanh %add3A_1512 : vector<8x128xf32>
      %mul3A_1514 = arith.mulf %logistic3A_1508, %tanh3A_1513 : vector<8x128xf32>
      %slice3A_1515 = vector.extract_strided_slice %add3A_1485 {offsets = [0, 512], sizes = [8, 128], strides = [1, 1]} : vector<8x2048xf32> to vector<8x128xf32>
      %logistic3A_1516 = arith.negf %slice3A_1515 : vector<8x128xf32>
      %logistic3A_1517 = math.exp %logistic3A_1516 : vector<8x128xf32>
      %logistic3A_1518 = arith.constant 1.000000e+00 : f32
      %logistic3A_1519 = vector.broadcast %logistic3A_1518 : f32 to vector<8x128xf32>
      %logistic3A_1520 = arith.addf %logistic3A_1519, %logistic3A_1517 : vector<8x128xf32>
      %logistic3A_1521 = arith.divf %logistic3A_1519, %logistic3A_1520 : vector<8x128xf32>
      %slice3A_1522 = vector.extract_strided_slice %add3A_1485 {offsets = [0, 640], sizes = [8, 128], strides = [1, 1]} : vector<8x2048xf32> to vector<8x128xf32>
      %logistic3A_1523 = arith.negf %slice3A_1522 : vector<8x128xf32>
      %logistic3A_1524 = math.exp %logistic3A_1523 : vector<8x128xf32>
      %logistic3A_1525 = arith.constant 1.000000e+00 : f32
      %logistic3A_1526 = vector.broadcast %logistic3A_1525 : f32 to vector<8x128xf32>
      %logistic3A_1527 = arith.addf %logistic3A_1526, %logistic3A_1524 : vector<8x128xf32>
      %logistic3A_1528 = arith.divf %logistic3A_1526, %logistic3A_1527 : vector<8x128xf32>
      %slice3A_1529 = vector.extract_strided_slice %add3A_1485 {offsets = [0, 768], sizes = [8, 128], strides = [1, 1]} : vector<8x2048xf32> to vector<8x128xf32>
      %tanh3A_1530 = math.tanh %slice3A_1529 : vector<8x128xf32>
      %slice3A_1531 = vector.extract_strided_slice %add3A_1485 {offsets = [0, 896], sizes = [8, 128], strides = [1, 1]} : vector<8x2048xf32> to vector<8x128xf32>
      %logistic3A_1532 = arith.negf %slice3A_1531 : vector<8x128xf32>
      %logistic3A_1533 = math.exp %logistic3A_1532 : vector<8x128xf32>
      %logistic3A_1534 = arith.constant 1.000000e+00 : f32
      %logistic3A_1535 = vector.broadcast %logistic3A_1534 : f32 to vector<8x128xf32>
      %logistic3A_1536 = arith.addf %logistic3A_1535, %logistic3A_1533 : vector<8x128xf32>
      %logistic3A_1537 = arith.divf %logistic3A_1535, %logistic3A_1536 : vector<8x128xf32>
      %slice3A_1538 = vector.extract_strided_slice %concatenate3A_1471 {offsets = [0, 128], sizes = [8, 128], strides = [1, 1]} : vector<8x512xf32> to vector<8x128xf32>
      %mul3A_1539 = arith.mulf %logistic3A_1528, %slice3A_1538 : vector<8x128xf32>
      %mul3A_1540 = arith.mulf %logistic3A_1521, %tanh3A_1530 : vector<8x128xf32>
      %add3A_1541 = arith.addf %mul3A_1539, %mul3A_1540 : vector<8x128xf32>
      %tanh3A_1542 = math.tanh %add3A_1541 : vector<8x128xf32>
      %mul3A_1543 = arith.mulf %logistic3A_1537, %tanh3A_1542 : vector<8x128xf32>
      %slice3A_1544 = vector.extract_strided_slice %add3A_1485 {offsets = [0, 1024], sizes = [8, 128], strides = [1, 1]} : vector<8x2048xf32> to vector<8x128xf32>
      %logistic3A_1545 = arith.negf %slice3A_1544 : vector<8x128xf32>
      %logistic3A_1546 = math.exp %logistic3A_1545 : vector<8x128xf32>
      %logistic3A_1547 = arith.constant 1.000000e+00 : f32
      %logistic3A_1548 = vector.broadcast %logistic3A_1547 : f32 to vector<8x128xf32>
      %logistic3A_1549 = arith.addf %logistic3A_1548, %logistic3A_1546 : vector<8x128xf32>
      %logistic3A_1550 = arith.divf %logistic3A_1548, %logistic3A_1549 : vector<8x128xf32>
      %slice3A_1551 = vector.extract_strided_slice %add3A_1485 {offsets = [0, 1152], sizes = [8, 128], strides = [1, 1]} : vector<8x2048xf32> to vector<8x128xf32>
      %logistic3A_1552 = arith.negf %slice3A_1551 : vector<8x128xf32>
      %logistic3A_1553 = math.exp %logistic3A_1552 : vector<8x128xf32>
      %logistic3A_1554 = arith.constant 1.000000e+00 : f32
      %logistic3A_1555 = vector.broadcast %logistic3A_1554 : f32 to vector<8x128xf32>
      %logistic3A_1556 = arith.addf %logistic3A_1555, %logistic3A_1553 : vector<8x128xf32>
      %logistic3A_1557 = arith.divf %logistic3A_1555, %logistic3A_1556 : vector<8x128xf32>
      %slice3A_1558 = vector.extract_strided_slice %add3A_1485 {offsets = [0, 1280], sizes = [8, 128], strides = [1, 1]} : vector<8x2048xf32> to vector<8x128xf32>
      %tanh3A_1559 = math.tanh %slice3A_1558 : vector<8x128xf32>
      %slice3A_1560 = vector.extract_strided_slice %add3A_1485 {offsets = [0, 1408], sizes = [8, 128], strides = [1, 1]} : vector<8x2048xf32> to vector<8x128xf32>
      %logistic3A_1561 = arith.negf %slice3A_1560 : vector<8x128xf32>
      %logistic3A_1562 = math.exp %logistic3A_1561 : vector<8x128xf32>
      %logistic3A_1563 = arith.constant 1.000000e+00 : f32
      %logistic3A_1564 = vector.broadcast %logistic3A_1563 : f32 to vector<8x128xf32>
      %logistic3A_1565 = arith.addf %logistic3A_1564, %logistic3A_1562 : vector<8x128xf32>
      %logistic3A_1566 = arith.divf %logistic3A_1564, %logistic3A_1565 : vector<8x128xf32>
      %slice3A_1567 = vector.extract_strided_slice %concatenate3A_1471 {offsets = [0, 256], sizes = [8, 128], strides = [1, 1]} : vector<8x512xf32> to vector<8x128xf32>
      %mul3A_1568 = arith.mulf %logistic3A_1557, %slice3A_1567 : vector<8x128xf32>
      %mul3A_1569 = arith.mulf %logistic3A_1550, %tanh3A_1559 : vector<8x128xf32>
      %add3A_1570 = arith.addf %mul3A_1568, %mul3A_1569 : vector<8x128xf32>
      %tanh3A_1571 = math.tanh %add3A_1570 : vector<8x128xf32>
      %mul3A_1572 = arith.mulf %logistic3A_1566, %tanh3A_1571 : vector<8x128xf32>
      %slice3A_1573 = vector.extract_strided_slice %add3A_1485 {offsets = [0, 1536], sizes = [8, 128], strides = [1, 1]} : vector<8x2048xf32> to vector<8x128xf32>
      %logistic3A_1574 = arith.negf %slice3A_1573 : vector<8x128xf32>
      %logistic3A_1575 = math.exp %logistic3A_1574 : vector<8x128xf32>
      %logistic3A_1576 = arith.constant 1.000000e+00 : f32
      %logistic3A_1577 = vector.broadcast %logistic3A_1576 : f32 to vector<8x128xf32>
      %logistic3A_1578 = arith.addf %logistic3A_1577, %logistic3A_1575 : vector<8x128xf32>
      %logistic3A_1579 = arith.divf %logistic3A_1577, %logistic3A_1578 : vector<8x128xf32>
      %slice3A_1580 = vector.extract_strided_slice %add3A_1485 {offsets = [0, 1664], sizes = [8, 128], strides = [1, 1]} : vector<8x2048xf32> to vector<8x128xf32>
      %logistic3A_1581 = arith.negf %slice3A_1580 : vector<8x128xf32>
      %logistic3A_1582 = math.exp %logistic3A_1581 : vector<8x128xf32>
      %logistic3A_1583 = arith.constant 1.000000e+00 : f32
      %logistic3A_1584 = vector.broadcast %logistic3A_1583 : f32 to vector<8x128xf32>
      %logistic3A_1585 = arith.addf %logistic3A_1584, %logistic3A_1582 : vector<8x128xf32>
      %logistic3A_1586 = arith.divf %logistic3A_1584, %logistic3A_1585 : vector<8x128xf32>
      %slice3A_1587 = vector.extract_strided_slice %add3A_1485 {offsets = [0, 1792], sizes = [8, 128], strides = [1, 1]} : vector<8x2048xf32> to vector<8x128xf32>
      %tanh3A_1588 = math.tanh %slice3A_1587 : vector<8x128xf32>
      %slice3A_1589 = vector.extract_strided_slice %add3A_1485 {offsets = [0, 1920], sizes = [8, 128], strides = [1, 1]} : vector<8x2048xf32> to vector<8x128xf32>
      %logistic3A_1590 = arith.negf %slice3A_1589 : vector<8x128xf32>
      %logistic3A_1591 = math.exp %logistic3A_1590 : vector<8x128xf32>
      %logistic3A_1592 = arith.constant 1.000000e+00 : f32
      %logistic3A_1593 = vector.broadcast %logistic3A_1592 : f32 to vector<8x128xf32>
      %logistic3A_1594 = arith.addf %logistic3A_1593, %logistic3A_1591 : vector<8x128xf32>
      %logistic3A_1595 = arith.divf %logistic3A_1593, %logistic3A_1594 : vector<8x128xf32>
      %slice3A_1596 = vector.extract_strided_slice %concatenate3A_1471 {offsets = [0, 384], sizes = [8, 128], strides = [1, 1]} : vector<8x512xf32> to vector<8x128xf32>
      %mul3A_1597 = arith.mulf %logistic3A_1586, %slice3A_1596 : vector<8x128xf32>
      %mul3A_1598 = arith.mulf %logistic3A_1579, %tanh3A_1588 : vector<8x128xf32>
      %add3A_1599 = arith.addf %mul3A_1597, %mul3A_1598 : vector<8x128xf32>
      %tanh3A_1600 = math.tanh %add3A_1599 : vector<8x128xf32>
      %mul3A_1601 = arith.mulf %logistic3A_1595, %tanh3A_1600 : vector<8x128xf32>
      %concatenate3A_1602 = tpu.concatenate %mul3A_1514, %mul3A_1543, %mul3A_1572, %mul3A_1601 in 1 : vector<8x128xf32>, vector<8x128xf32>, vector<8x128xf32>, vector<8x128xf32> -> vector<8x512xf32>
      %concatenate3A_1603 = tpu.concatenate %add3A_1512, %add3A_1541, %add3A_1570, %add3A_1599 in 1 : vector<8x128xf32>, vector<8x128xf32>, vector<8x128xf32>, vector<8x128xf32> -> vector<8x512xf32>
      %scan3A_1604 = arith.constant 12 : i32
      %scan3A_1605 = arith.addi %scan3A_23, %scan3A_1604 : i32
      %mul3A_1606 = arith.constant 8 : i32
      %mul3A_1607 = arith.muli %scan3A_1605, %mul3A_1606 : i32
      %get3A_1608 = arith.index_cast %mul3A_1607 : i32 to index
      %get3A_1609 = arith.constant 0 : index
      %get3A_1610 = vector.load %arg5[%get3A_1608, %get3A_1609] : memref<896x2048xf32, #tpu.memory_space<vmem>>, vector<8x2048xf32>
      %convert_element_type3A_1611 = arith.truncf %concatenate3A_1602 : vector<8x512xf32> to vector<8x512xbf16>
      %get3A_1612 = arith.constant 0 : index
      %get3A_1613 = arith.constant 0 : index
      %get3A_1614 = vector.load %arg2[%get3A_1612, %get3A_1613] : memref<512x2048xbf16, #tpu.memory_space<vmem>>, vector<512x2048xbf16>
      %dot_general3A_1615 = arith.constant dense<0.000000e+00> : vector<8x2048xf32>
      %dot_general3A_1616 = tpu.matmul %convert_element_type3A_1611, %get3A_1614, %dot_general3A_1615 {dimension_numbers = #tpu.dot_dimension_numbers<[1], [0], [0], [1], [0, 0, 1, 1], [], []>, transpose_lhs_hint = false} : vector<8x512xbf16>, vector<512x2048xbf16>, vector<8x2048xf32> -> vector<8x2048xf32>
      %add3A_1617 = arith.addf %get3A_1610, %dot_general3A_1616 : vector<8x2048xf32>
      %slice3A_1618 = vector.extract_strided_slice %add3A_1617 {offsets = [0, 0], sizes = [8, 128], strides = [1, 1]} : vector<8x2048xf32> to vector<8x128xf32>
      %logistic3A_1619 = arith.negf %slice3A_1618 : vector<8x128xf32>
      %logistic3A_1620 = math.exp %logistic3A_1619 : vector<8x128xf32>
      %logistic3A_1621 = arith.constant 1.000000e+00 : f32
      %logistic3A_1622 = vector.broadcast %logistic3A_1621 : f32 to vector<8x128xf32>
      %logistic3A_1623 = arith.addf %logistic3A_1622, %logistic3A_1620 : vector<8x128xf32>
      %logistic3A_1624 = arith.divf %logistic3A_1622, %logistic3A_1623 : vector<8x128xf32>
      %slice3A_1625 = vector.extract_strided_slice %add3A_1617 {offsets = [0, 128], sizes = [8, 128], strides = [1, 1]} : vector<8x2048xf32> to vector<8x128xf32>
      %logistic3A_1626 = arith.negf %slice3A_1625 : vector<8x128xf32>
      %logistic3A_1627 = math.exp %logistic3A_1626 : vector<8x128xf32>
      %logistic3A_1628 = arith.constant 1.000000e+00 : f32
      %logistic3A_1629 = vector.broadcast %logistic3A_1628 : f32 to vector<8x128xf32>
      %logistic3A_1630 = arith.addf %logistic3A_1629, %logistic3A_1627 : vector<8x128xf32>
      %logistic3A_1631 = arith.divf %logistic3A_1629, %logistic3A_1630 : vector<8x128xf32>
      %slice3A_1632 = vector.extract_strided_slice %add3A_1617 {offsets = [0, 256], sizes = [8, 128], strides = [1, 1]} : vector<8x2048xf32> to vector<8x128xf32>
      %tanh3A_1633 = math.tanh %slice3A_1632 : vector<8x128xf32>
      %slice3A_1634 = vector.extract_strided_slice %add3A_1617 {offsets = [0, 384], sizes = [8, 128], strides = [1, 1]} : vector<8x2048xf32> to vector<8x128xf32>
      %logistic3A_1635 = arith.negf %slice3A_1634 : vector<8x128xf32>
      %logistic3A_1636 = math.exp %logistic3A_1635 : vector<8x128xf32>
      %logistic3A_1637 = arith.constant 1.000000e+00 : f32
      %logistic3A_1638 = vector.broadcast %logistic3A_1637 : f32 to vector<8x128xf32>
      %logistic3A_1639 = arith.addf %logistic3A_1638, %logistic3A_1636 : vector<8x128xf32>
      %logistic3A_1640 = arith.divf %logistic3A_1638, %logistic3A_1639 : vector<8x128xf32>
      %slice3A_1641 = vector.extract_strided_slice %concatenate3A_1603 {offsets = [0, 0], sizes = [8, 128], strides = [1, 1]} : vector<8x512xf32> to vector<8x128xf32>
      %mul3A_1642 = arith.mulf %logistic3A_1631, %slice3A_1641 : vector<8x128xf32>
      %mul3A_1643 = arith.mulf %logistic3A_1624, %tanh3A_1633 : vector<8x128xf32>
      %add3A_1644 = arith.addf %mul3A_1642, %mul3A_1643 : vector<8x128xf32>
      %tanh3A_1645 = math.tanh %add3A_1644 : vector<8x128xf32>
      %mul3A_1646 = arith.mulf %logistic3A_1640, %tanh3A_1645 : vector<8x128xf32>
      %slice3A_1647 = vector.extract_strided_slice %add3A_1617 {offsets = [0, 512], sizes = [8, 128], strides = [1, 1]} : vector<8x2048xf32> to vector<8x128xf32>
      %logistic3A_1648 = arith.negf %slice3A_1647 : vector<8x128xf32>
      %logistic3A_1649 = math.exp %logistic3A_1648 : vector<8x128xf32>
      %logistic3A_1650 = arith.constant 1.000000e+00 : f32
      %logistic3A_1651 = vector.broadcast %logistic3A_1650 : f32 to vector<8x128xf32>
      %logistic3A_1652 = arith.addf %logistic3A_1651, %logistic3A_1649 : vector<8x128xf32>
      %logistic3A_1653 = arith.divf %logistic3A_1651, %logistic3A_1652 : vector<8x128xf32>
      %slice3A_1654 = vector.extract_strided_slice %add3A_1617 {offsets = [0, 640], sizes = [8, 128], strides = [1, 1]} : vector<8x2048xf32> to vector<8x128xf32>
      %logistic3A_1655 = arith.negf %slice3A_1654 : vector<8x128xf32>
      %logistic3A_1656 = math.exp %logistic3A_1655 : vector<8x128xf32>
      %logistic3A_1657 = arith.constant 1.000000e+00 : f32
      %logistic3A_1658 = vector.broadcast %logistic3A_1657 : f32 to vector<8x128xf32>
      %logistic3A_1659 = arith.addf %logistic3A_1658, %logistic3A_1656 : vector<8x128xf32>
      %logistic3A_1660 = arith.divf %logistic3A_1658, %logistic3A_1659 : vector<8x128xf32>
      %slice3A_1661 = vector.extract_strided_slice %add3A_1617 {offsets = [0, 768], sizes = [8, 128], strides = [1, 1]} : vector<8x2048xf32> to vector<8x128xf32>
      %tanh3A_1662 = math.tanh %slice3A_1661 : vector<8x128xf32>
      %slice3A_1663 = vector.extract_strided_slice %add3A_1617 {offsets = [0, 896], sizes = [8, 128], strides = [1, 1]} : vector<8x2048xf32> to vector<8x128xf32>
      %logistic3A_1664 = arith.negf %slice3A_1663 : vector<8x128xf32>
      %logistic3A_1665 = math.exp %logistic3A_1664 : vector<8x128xf32>
      %logistic3A_1666 = arith.constant 1.000000e+00 : f32
      %logistic3A_1667 = vector.broadcast %logistic3A_1666 : f32 to vector<8x128xf32>
      %logistic3A_1668 = arith.addf %logistic3A_1667, %logistic3A_1665 : vector<8x128xf32>
      %logistic3A_1669 = arith.divf %logistic3A_1667, %logistic3A_1668 : vector<8x128xf32>
      %slice3A_1670 = vector.extract_strided_slice %concatenate3A_1603 {offsets = [0, 128], sizes = [8, 128], strides = [1, 1]} : vector<8x512xf32> to vector<8x128xf32>
      %mul3A_1671 = arith.mulf %logistic3A_1660, %slice3A_1670 : vector<8x128xf32>
      %mul3A_1672 = arith.mulf %logistic3A_1653, %tanh3A_1662 : vector<8x128xf32>
      %add3A_1673 = arith.addf %mul3A_1671, %mul3A_1672 : vector<8x128xf32>
      %tanh3A_1674 = math.tanh %add3A_1673 : vector<8x128xf32>
      %mul3A_1675 = arith.mulf %logistic3A_1669, %tanh3A_1674 : vector<8x128xf32>
      %slice3A_1676 = vector.extract_strided_slice %add3A_1617 {offsets = [0, 1024], sizes = [8, 128], strides = [1, 1]} : vector<8x2048xf32> to vector<8x128xf32>
      %logistic3A_1677 = arith.negf %slice3A_1676 : vector<8x128xf32>
      %logistic3A_1678 = math.exp %logistic3A_1677 : vector<8x128xf32>
      %logistic3A_1679 = arith.constant 1.000000e+00 : f32
      %logistic3A_1680 = vector.broadcast %logistic3A_1679 : f32 to vector<8x128xf32>
      %logistic3A_1681 = arith.addf %logistic3A_1680, %logistic3A_1678 : vector<8x128xf32>
      %logistic3A_1682 = arith.divf %logistic3A_1680, %logistic3A_1681 : vector<8x128xf32>
      %slice3A_1683 = vector.extract_strided_slice %add3A_1617 {offsets = [0, 1152], sizes = [8, 128], strides = [1, 1]} : vector<8x2048xf32> to vector<8x128xf32>
      %logistic3A_1684 = arith.negf %slice3A_1683 : vector<8x128xf32>
      %logistic3A_1685 = math.exp %logistic3A_1684 : vector<8x128xf32>
      %logistic3A_1686 = arith.constant 1.000000e+00 : f32
      %logistic3A_1687 = vector.broadcast %logistic3A_1686 : f32 to vector<8x128xf32>
      %logistic3A_1688 = arith.addf %logistic3A_1687, %logistic3A_1685 : vector<8x128xf32>
      %logistic3A_1689 = arith.divf %logistic3A_1687, %logistic3A_1688 : vector<8x128xf32>
      %slice3A_1690 = vector.extract_strided_slice %add3A_1617 {offsets = [0, 1280], sizes = [8, 128], strides = [1, 1]} : vector<8x2048xf32> to vector<8x128xf32>
      %tanh3A_1691 = math.tanh %slice3A_1690 : vector<8x128xf32>
      %slice3A_1692 = vector.extract_strided_slice %add3A_1617 {offsets = [0, 1408], sizes = [8, 128], strides = [1, 1]} : vector<8x2048xf32> to vector<8x128xf32>
      %logistic3A_1693 = arith.negf %slice3A_1692 : vector<8x128xf32>
      %logistic3A_1694 = math.exp %logistic3A_1693 : vector<8x128xf32>
      %logistic3A_1695 = arith.constant 1.000000e+00 : f32
      %logistic3A_1696 = vector.broadcast %logistic3A_1695 : f32 to vector<8x128xf32>
      %logistic3A_1697 = arith.addf %logistic3A_1696, %logistic3A_1694 : vector<8x128xf32>
      %logistic3A_1698 = arith.divf %logistic3A_1696, %logistic3A_1697 : vector<8x128xf32>
      %slice3A_1699 = vector.extract_strided_slice %concatenate3A_1603 {offsets = [0, 256], sizes = [8, 128], strides = [1, 1]} : vector<8x512xf32> to vector<8x128xf32>
      %mul3A_1700 = arith.mulf %logistic3A_1689, %slice3A_1699 : vector<8x128xf32>
      %mul3A_1701 = arith.mulf %logistic3A_1682, %tanh3A_1691 : vector<8x128xf32>
      %add3A_1702 = arith.addf %mul3A_1700, %mul3A_1701 : vector<8x128xf32>
      %tanh3A_1703 = math.tanh %add3A_1702 : vector<8x128xf32>
      %mul3A_1704 = arith.mulf %logistic3A_1698, %tanh3A_1703 : vector<8x128xf32>
      %slice3A_1705 = vector.extract_strided_slice %add3A_1617 {offsets = [0, 1536], sizes = [8, 128], strides = [1, 1]} : vector<8x2048xf32> to vector<8x128xf32>
      %logistic3A_1706 = arith.negf %slice3A_1705 : vector<8x128xf32>
      %logistic3A_1707 = math.exp %logistic3A_1706 : vector<8x128xf32>
      %logistic3A_1708 = arith.constant 1.000000e+00 : f32
      %logistic3A_1709 = vector.broadcast %logistic3A_1708 : f32 to vector<8x128xf32>
      %logistic3A_1710 = arith.addf %logistic3A_1709, %logistic3A_1707 : vector<8x128xf32>
      %logistic3A_1711 = arith.divf %logistic3A_1709, %logistic3A_1710 : vector<8x128xf32>
      %slice3A_1712 = vector.extract_strided_slice %add3A_1617 {offsets = [0, 1664], sizes = [8, 128], strides = [1, 1]} : vector<8x2048xf32> to vector<8x128xf32>
      %logistic3A_1713 = arith.negf %slice3A_1712 : vector<8x128xf32>
      %logistic3A_1714 = math.exp %logistic3A_1713 : vector<8x128xf32>
      %logistic3A_1715 = arith.constant 1.000000e+00 : f32
      %logistic3A_1716 = vector.broadcast %logistic3A_1715 : f32 to vector<8x128xf32>
      %logistic3A_1717 = arith.addf %logistic3A_1716, %logistic3A_1714 : vector<8x128xf32>
      %logistic3A_1718 = arith.divf %logistic3A_1716, %logistic3A_1717 : vector<8x128xf32>
      %slice3A_1719 = vector.extract_strided_slice %add3A_1617 {offsets = [0, 1792], sizes = [8, 128], strides = [1, 1]} : vector<8x2048xf32> to vector<8x128xf32>
      %tanh3A_1720 = math.tanh %slice3A_1719 : vector<8x128xf32>
      %slice3A_1721 = vector.extract_strided_slice %add3A_1617 {offsets = [0, 1920], sizes = [8, 128], strides = [1, 1]} : vector<8x2048xf32> to vector<8x128xf32>
      %logistic3A_1722 = arith.negf %slice3A_1721 : vector<8x128xf32>
      %logistic3A_1723 = math.exp %logistic3A_1722 : vector<8x128xf32>
      %logistic3A_1724 = arith.constant 1.000000e+00 : f32
      %logistic3A_1725 = vector.broadcast %logistic3A_1724 : f32 to vector<8x128xf32>
      %logistic3A_1726 = arith.addf %logistic3A_1725, %logistic3A_1723 : vector<8x128xf32>
      %logistic3A_1727 = arith.divf %logistic3A_1725, %logistic3A_1726 : vector<8x128xf32>
      %slice3A_1728 = vector.extract_strided_slice %concatenate3A_1603 {offsets = [0, 384], sizes = [8, 128], strides = [1, 1]} : vector<8x512xf32> to vector<8x128xf32>
      %mul3A_1729 = arith.mulf %logistic3A_1718, %slice3A_1728 : vector<8x128xf32>
      %mul3A_1730 = arith.mulf %logistic3A_1711, %tanh3A_1720 : vector<8x128xf32>
      %add3A_1731 = arith.addf %mul3A_1729, %mul3A_1730 : vector<8x128xf32>
      %tanh3A_1732 = math.tanh %add3A_1731 : vector<8x128xf32>
      %mul3A_1733 = arith.mulf %logistic3A_1727, %tanh3A_1732 : vector<8x128xf32>
      %concatenate3A_1734 = tpu.concatenate %mul3A_1646, %mul3A_1675, %mul3A_1704, %mul3A_1733 in 1 : vector<8x128xf32>, vector<8x128xf32>, vector<8x128xf32>, vector<8x128xf32> -> vector<8x512xf32>
      %concatenate3A_1735 = tpu.concatenate %add3A_1644, %add3A_1673, %add3A_1702, %add3A_1731 in 1 : vector<8x128xf32>, vector<8x128xf32>, vector<8x128xf32>, vector<8x128xf32> -> vector<8x512xf32>
      %scan3A_1736 = arith.constant 13 : i32
      %scan3A_1737 = arith.addi %scan3A_23, %scan3A_1736 : i32
      %mul3A_1738 = arith.constant 8 : i32
      %mul3A_1739 = arith.muli %scan3A_1737, %mul3A_1738 : i32
      %get3A_1740 = arith.index_cast %mul3A_1739 : i32 to index
      %get3A_1741 = arith.constant 0 : index
      %get3A_1742 = vector.load %arg5[%get3A_1740, %get3A_1741] : memref<896x2048xf32, #tpu.memory_space<vmem>>, vector<8x2048xf32>
      %convert_element_type3A_1743 = arith.truncf %concatenate3A_1734 : vector<8x512xf32> to vector<8x512xbf16>
      %get3A_1744 = arith.constant 0 : index
      %get3A_1745 = arith.constant 0 : index
      %get3A_1746 = vector.load %arg2[%get3A_1744, %get3A_1745] : memref<512x2048xbf16, #tpu.memory_space<vmem>>, vector<512x2048xbf16>
      %dot_general3A_1747 = arith.constant dense<0.000000e+00> : vector<8x2048xf32>
      %dot_general3A_1748 = tpu.matmul %convert_element_type3A_1743, %get3A_1746, %dot_general3A_1747 {dimension_numbers = #tpu.dot_dimension_numbers<[1], [0], [0], [1], [0, 0, 1, 1], [], []>, transpose_lhs_hint = false} : vector<8x512xbf16>, vector<512x2048xbf16>, vector<8x2048xf32> -> vector<8x2048xf32>
      %add3A_1749 = arith.addf %get3A_1742, %dot_general3A_1748 : vector<8x2048xf32>
      %slice3A_1750 = vector.extract_strided_slice %add3A_1749 {offsets = [0, 0], sizes = [8, 128], strides = [1, 1]} : vector<8x2048xf32> to vector<8x128xf32>
      %logistic3A_1751 = arith.negf %slice3A_1750 : vector<8x128xf32>
      %logistic3A_1752 = math.exp %logistic3A_1751 : vector<8x128xf32>
      %logistic3A_1753 = arith.constant 1.000000e+00 : f32
      %logistic3A_1754 = vector.broadcast %logistic3A_1753 : f32 to vector<8x128xf32>
      %logistic3A_1755 = arith.addf %logistic3A_1754, %logistic3A_1752 : vector<8x128xf32>
      %logistic3A_1756 = arith.divf %logistic3A_1754, %logistic3A_1755 : vector<8x128xf32>
      %slice3A_1757 = vector.extract_strided_slice %add3A_1749 {offsets = [0, 128], sizes = [8, 128], strides = [1, 1]} : vector<8x2048xf32> to vector<8x128xf32>
      %logistic3A_1758 = arith.negf %slice3A_1757 : vector<8x128xf32>
      %logistic3A_1759 = math.exp %logistic3A_1758 : vector<8x128xf32>
      %logistic3A_1760 = arith.constant 1.000000e+00 : f32
      %logistic3A_1761 = vector.broadcast %logistic3A_1760 : f32 to vector<8x128xf32>
      %logistic3A_1762 = arith.addf %logistic3A_1761, %logistic3A_1759 : vector<8x128xf32>
      %logistic3A_1763 = arith.divf %logistic3A_1761, %logistic3A_1762 : vector<8x128xf32>
      %slice3A_1764 = vector.extract_strided_slice %add3A_1749 {offsets = [0, 256], sizes = [8, 128], strides = [1, 1]} : vector<8x2048xf32> to vector<8x128xf32>
      %tanh3A_1765 = math.tanh %slice3A_1764 : vector<8x128xf32>
      %slice3A_1766 = vector.extract_strided_slice %add3A_1749 {offsets = [0, 384], sizes = [8, 128], strides = [1, 1]} : vector<8x2048xf32> to vector<8x128xf32>
      %logistic3A_1767 = arith.negf %slice3A_1766 : vector<8x128xf32>
      %logistic3A_1768 = math.exp %logistic3A_1767 : vector<8x128xf32>
      %logistic3A_1769 = arith.constant 1.000000e+00 : f32
      %logistic3A_1770 = vector.broadcast %logistic3A_1769 : f32 to vector<8x128xf32>
      %logistic3A_1771 = arith.addf %logistic3A_1770, %logistic3A_1768 : vector<8x128xf32>
      %logistic3A_1772 = arith.divf %logistic3A_1770, %logistic3A_1771 : vector<8x128xf32>
      %slice3A_1773 = vector.extract_strided_slice %concatenate3A_1735 {offsets = [0, 0], sizes = [8, 128], strides = [1, 1]} : vector<8x512xf32> to vector<8x128xf32>
      %mul3A_1774 = arith.mulf %logistic3A_1763, %slice3A_1773 : vector<8x128xf32>
      %mul3A_1775 = arith.mulf %logistic3A_1756, %tanh3A_1765 : vector<8x128xf32>
      %add3A_1776 = arith.addf %mul3A_1774, %mul3A_1775 : vector<8x128xf32>
      %tanh3A_1777 = math.tanh %add3A_1776 : vector<8x128xf32>
      %mul3A_1778 = arith.mulf %logistic3A_1772, %tanh3A_1777 : vector<8x128xf32>
      %slice3A_1779 = vector.extract_strided_slice %add3A_1749 {offsets = [0, 512], sizes = [8, 128], strides = [1, 1]} : vector<8x2048xf32> to vector<8x128xf32>
      %logistic3A_1780 = arith.negf %slice3A_1779 : vector<8x128xf32>
      %logistic3A_1781 = math.exp %logistic3A_1780 : vector<8x128xf32>
      %logistic3A_1782 = arith.constant 1.000000e+00 : f32
      %logistic3A_1783 = vector.broadcast %logistic3A_1782 : f32 to vector<8x128xf32>
      %logistic3A_1784 = arith.addf %logistic3A_1783, %logistic3A_1781 : vector<8x128xf32>
      %logistic3A_1785 = arith.divf %logistic3A_1783, %logistic3A_1784 : vector<8x128xf32>
      %slice3A_1786 = vector.extract_strided_slice %add3A_1749 {offsets = [0, 640], sizes = [8, 128], strides = [1, 1]} : vector<8x2048xf32> to vector<8x128xf32>
      %logistic3A_1787 = arith.negf %slice3A_1786 : vector<8x128xf32>
      %logistic3A_1788 = math.exp %logistic3A_1787 : vector<8x128xf32>
      %logistic3A_1789 = arith.constant 1.000000e+00 : f32
      %logistic3A_1790 = vector.broadcast %logistic3A_1789 : f32 to vector<8x128xf32>
      %logistic3A_1791 = arith.addf %logistic3A_1790, %logistic3A_1788 : vector<8x128xf32>
      %logistic3A_1792 = arith.divf %logistic3A_1790, %logistic3A_1791 : vector<8x128xf32>
      %slice3A_1793 = vector.extract_strided_slice %add3A_1749 {offsets = [0, 768], sizes = [8, 128], strides = [1, 1]} : vector<8x2048xf32> to vector<8x128xf32>
      %tanh3A_1794 = math.tanh %slice3A_1793 : vector<8x128xf32>
      %slice3A_1795 = vector.extract_strided_slice %add3A_1749 {offsets = [0, 896], sizes = [8, 128], strides = [1, 1]} : vector<8x2048xf32> to vector<8x128xf32>
      %logistic3A_1796 = arith.negf %slice3A_1795 : vector<8x128xf32>
      %logistic3A_1797 = math.exp %logistic3A_1796 : vector<8x128xf32>
      %logistic3A_1798 = arith.constant 1.000000e+00 : f32
      %logistic3A_1799 = vector.broadcast %logistic3A_1798 : f32 to vector<8x128xf32>
      %logistic3A_1800 = arith.addf %logistic3A_1799, %logistic3A_1797 : vector<8x128xf32>
      %logistic3A_1801 = arith.divf %logistic3A_1799, %logistic3A_1800 : vector<8x128xf32>
      %slice3A_1802 = vector.extract_strided_slice %concatenate3A_1735 {offsets = [0, 128], sizes = [8, 128], strides = [1, 1]} : vector<8x512xf32> to vector<8x128xf32>
      %mul3A_1803 = arith.mulf %logistic3A_1792, %slice3A_1802 : vector<8x128xf32>
      %mul3A_1804 = arith.mulf %logistic3A_1785, %tanh3A_1794 : vector<8x128xf32>
      %add3A_1805 = arith.addf %mul3A_1803, %mul3A_1804 : vector<8x128xf32>
      %tanh3A_1806 = math.tanh %add3A_1805 : vector<8x128xf32>
      %mul3A_1807 = arith.mulf %logistic3A_1801, %tanh3A_1806 : vector<8x128xf32>
      %slice3A_1808 = vector.extract_strided_slice %add3A_1749 {offsets = [0, 1024], sizes = [8, 128], strides = [1, 1]} : vector<8x2048xf32> to vector<8x128xf32>
      %logistic3A_1809 = arith.negf %slice3A_1808 : vector<8x128xf32>
      %logistic3A_1810 = math.exp %logistic3A_1809 : vector<8x128xf32>
      %logistic3A_1811 = arith.constant 1.000000e+00 : f32
      %logistic3A_1812 = vector.broadcast %logistic3A_1811 : f32 to vector<8x128xf32>
      %logistic3A_1813 = arith.addf %logistic3A_1812, %logistic3A_1810 : vector<8x128xf32>
      %logistic3A_1814 = arith.divf %logistic3A_1812, %logistic3A_1813 : vector<8x128xf32>
      %slice3A_1815 = vector.extract_strided_slice %add3A_1749 {offsets = [0, 1152], sizes = [8, 128], strides = [1, 1]} : vector<8x2048xf32> to vector<8x128xf32>
      %logistic3A_1816 = arith.negf %slice3A_1815 : vector<8x128xf32>
      %logistic3A_1817 = math.exp %logistic3A_1816 : vector<8x128xf32>
      %logistic3A_1818 = arith.constant 1.000000e+00 : f32
      %logistic3A_1819 = vector.broadcast %logistic3A_1818 : f32 to vector<8x128xf32>
      %logistic3A_1820 = arith.addf %logistic3A_1819, %logistic3A_1817 : vector<8x128xf32>
      %logistic3A_1821 = arith.divf %logistic3A_1819, %logistic3A_1820 : vector<8x128xf32>
      %slice3A_1822 = vector.extract_strided_slice %add3A_1749 {offsets = [0, 1280], sizes = [8, 128], strides = [1, 1]} : vector<8x2048xf32> to vector<8x128xf32>
      %tanh3A_1823 = math.tanh %slice3A_1822 : vector<8x128xf32>
      %slice3A_1824 = vector.extract_strided_slice %add3A_1749 {offsets = [0, 1408], sizes = [8, 128], strides = [1, 1]} : vector<8x2048xf32> to vector<8x128xf32>
      %logistic3A_1825 = arith.negf %slice3A_1824 : vector<8x128xf32>
      %logistic3A_1826 = math.exp %logistic3A_1825 : vector<8x128xf32>
      %logistic3A_1827 = arith.constant 1.000000e+00 : f32
      %logistic3A_1828 = vector.broadcast %logistic3A_1827 : f32 to vector<8x128xf32>
      %logistic3A_1829 = arith.addf %logistic3A_1828, %logistic3A_1826 : vector<8x128xf32>
      %logistic3A_1830 = arith.divf %logistic3A_1828, %logistic3A_1829 : vector<8x128xf32>
      %slice3A_1831 = vector.extract_strided_slice %concatenate3A_1735 {offsets = [0, 256], sizes = [8, 128], strides = [1, 1]} : vector<8x512xf32> to vector<8x128xf32>
      %mul3A_1832 = arith.mulf %logistic3A_1821, %slice3A_1831 : vector<8x128xf32>
      %mul3A_1833 = arith.mulf %logistic3A_1814, %tanh3A_1823 : vector<8x128xf32>
      %add3A_1834 = arith.addf %mul3A_1832, %mul3A_1833 : vector<8x128xf32>
      %tanh3A_1835 = math.tanh %add3A_1834 : vector<8x128xf32>
      %mul3A_1836 = arith.mulf %logistic3A_1830, %tanh3A_1835 : vector<8x128xf32>
      %slice3A_1837 = vector.extract_strided_slice %add3A_1749 {offsets = [0, 1536], sizes = [8, 128], strides = [1, 1]} : vector<8x2048xf32> to vector<8x128xf32>
      %logistic3A_1838 = arith.negf %slice3A_1837 : vector<8x128xf32>
      %logistic3A_1839 = math.exp %logistic3A_1838 : vector<8x128xf32>
      %logistic3A_1840 = arith.constant 1.000000e+00 : f32
      %logistic3A_1841 = vector.broadcast %logistic3A_1840 : f32 to vector<8x128xf32>
      %logistic3A_1842 = arith.addf %logistic3A_1841, %logistic3A_1839 : vector<8x128xf32>
      %logistic3A_1843 = arith.divf %logistic3A_1841, %logistic3A_1842 : vector<8x128xf32>
      %slice3A_1844 = vector.extract_strided_slice %add3A_1749 {offsets = [0, 1664], sizes = [8, 128], strides = [1, 1]} : vector<8x2048xf32> to vector<8x128xf32>
      %logistic3A_1845 = arith.negf %slice3A_1844 : vector<8x128xf32>
      %logistic3A_1846 = math.exp %logistic3A_1845 : vector<8x128xf32>
      %logistic3A_1847 = arith.constant 1.000000e+00 : f32
      %logistic3A_1848 = vector.broadcast %logistic3A_1847 : f32 to vector<8x128xf32>
      %logistic3A_1849 = arith.addf %logistic3A_1848, %logistic3A_1846 : vector<8x128xf32>
      %logistic3A_1850 = arith.divf %logistic3A_1848, %logistic3A_1849 : vector<8x128xf32>
      %slice3A_1851 = vector.extract_strided_slice %add3A_1749 {offsets = [0, 1792], sizes = [8, 128], strides = [1, 1]} : vector<8x2048xf32> to vector<8x128xf32>
      %tanh3A_1852 = math.tanh %slice3A_1851 : vector<8x128xf32>
      %slice3A_1853 = vector.extract_strided_slice %add3A_1749 {offsets = [0, 1920], sizes = [8, 128], strides = [1, 1]} : vector<8x2048xf32> to vector<8x128xf32>
      %logistic3A_1854 = arith.negf %slice3A_1853 : vector<8x128xf32>
      %logistic3A_1855 = math.exp %logistic3A_1854 : vector<8x128xf32>
      %logistic3A_1856 = arith.constant 1.000000e+00 : f32
      %logistic3A_1857 = vector.broadcast %logistic3A_1856 : f32 to vector<8x128xf32>
      %logistic3A_1858 = arith.addf %logistic3A_1857, %logistic3A_1855 : vector<8x128xf32>
      %logistic3A_1859 = arith.divf %logistic3A_1857, %logistic3A_1858 : vector<8x128xf32>
      %slice3A_1860 = vector.extract_strided_slice %concatenate3A_1735 {offsets = [0, 384], sizes = [8, 128], strides = [1, 1]} : vector<8x512xf32> to vector<8x128xf32>
      %mul3A_1861 = arith.mulf %logistic3A_1850, %slice3A_1860 : vector<8x128xf32>
      %mul3A_1862 = arith.mulf %logistic3A_1843, %tanh3A_1852 : vector<8x128xf32>
      %add3A_1863 = arith.addf %mul3A_1861, %mul3A_1862 : vector<8x128xf32>
      %tanh3A_1864 = math.tanh %add3A_1863 : vector<8x128xf32>
      %mul3A_1865 = arith.mulf %logistic3A_1859, %tanh3A_1864 : vector<8x128xf32>
      %concatenate3A_1866 = tpu.concatenate %mul3A_1778, %mul3A_1807, %mul3A_1836, %mul3A_1865 in 1 : vector<8x128xf32>, vector<8x128xf32>, vector<8x128xf32>, vector<8x128xf32> -> vector<8x512xf32>
      %concatenate3A_1867 = tpu.concatenate %add3A_1776, %add3A_1805, %add3A_1834, %add3A_1863 in 1 : vector<8x128xf32>, vector<8x128xf32>, vector<8x128xf32>, vector<8x128xf32> -> vector<8x512xf32>
      %scan3A_1868 = arith.constant 14 : i32
      %scan3A_1869 = arith.addi %scan3A_23, %scan3A_1868 : i32
      %mul3A_1870 = arith.constant 8 : i32
      %mul3A_1871 = arith.muli %scan3A_1869, %mul3A_1870 : i32
      %get3A_1872 = arith.index_cast %mul3A_1871 : i32 to index
      %get3A_1873 = arith.constant 0 : index
      %get3A_1874 = vector.load %arg5[%get3A_1872, %get3A_1873] : memref<896x2048xf32, #tpu.memory_space<vmem>>, vector<8x2048xf32>
      %convert_element_type3A_1875 = arith.truncf %concatenate3A_1866 : vector<8x512xf32> to vector<8x512xbf16>
      %get3A_1876 = arith.constant 0 : index
      %get3A_1877 = arith.constant 0 : index
      %get3A_1878 = vector.load %arg2[%get3A_1876, %get3A_1877] : memref<512x2048xbf16, #tpu.memory_space<vmem>>, vector<512x2048xbf16>
      %dot_general3A_1879 = arith.constant dense<0.000000e+00> : vector<8x2048xf32>
      %dot_general3A_1880 = tpu.matmul %convert_element_type3A_1875, %get3A_1878, %dot_general3A_1879 {dimension_numbers = #tpu.dot_dimension_numbers<[1], [0], [0], [1], [0, 0, 1, 1], [], []>, transpose_lhs_hint = false} : vector<8x512xbf16>, vector<512x2048xbf16>, vector<8x2048xf32> -> vector<8x2048xf32>
      %add3A_1881 = arith.addf %get3A_1874, %dot_general3A_1880 : vector<8x2048xf32>
      %slice3A_1882 = vector.extract_strided_slice %add3A_1881 {offsets = [0, 0], sizes = [8, 128], strides = [1, 1]} : vector<8x2048xf32> to vector<8x128xf32>
      %logistic3A_1883 = arith.negf %slice3A_1882 : vector<8x128xf32>
      %logistic3A_1884 = math.exp %logistic3A_1883 : vector<8x128xf32>
      %logistic3A_1885 = arith.constant 1.000000e+00 : f32
      %logistic3A_1886 = vector.broadcast %logistic3A_1885 : f32 to vector<8x128xf32>
      %logistic3A_1887 = arith.addf %logistic3A_1886, %logistic3A_1884 : vector<8x128xf32>
      %logistic3A_1888 = arith.divf %logistic3A_1886, %logistic3A_1887 : vector<8x128xf32>
      %slice3A_1889 = vector.extract_strided_slice %add3A_1881 {offsets = [0, 128], sizes = [8, 128], strides = [1, 1]} : vector<8x2048xf32> to vector<8x128xf32>
      %logistic3A_1890 = arith.negf %slice3A_1889 : vector<8x128xf32>
      %logistic3A_1891 = math.exp %logistic3A_1890 : vector<8x128xf32>
      %logistic3A_1892 = arith.constant 1.000000e+00 : f32
      %logistic3A_1893 = vector.broadcast %logistic3A_1892 : f32 to vector<8x128xf32>
      %logistic3A_1894 = arith.addf %logistic3A_1893, %logistic3A_1891 : vector<8x128xf32>
      %logistic3A_1895 = arith.divf %logistic3A_1893, %logistic3A_1894 : vector<8x128xf32>
      %slice3A_1896 = vector.extract_strided_slice %add3A_1881 {offsets = [0, 256], sizes = [8, 128], strides = [1, 1]} : vector<8x2048xf32> to vector<8x128xf32>
      %tanh3A_1897 = math.tanh %slice3A_1896 : vector<8x128xf32>
      %slice3A_1898 = vector.extract_strided_slice %add3A_1881 {offsets = [0, 384], sizes = [8, 128], strides = [1, 1]} : vector<8x2048xf32> to vector<8x128xf32>
      %logistic3A_1899 = arith.negf %slice3A_1898 : vector<8x128xf32>
      %logistic3A_1900 = math.exp %logistic3A_1899 : vector<8x128xf32>
      %logistic3A_1901 = arith.constant 1.000000e+00 : f32
      %logistic3A_1902 = vector.broadcast %logistic3A_1901 : f32 to vector<8x128xf32>
      %logistic3A_1903 = arith.addf %logistic3A_1902, %logistic3A_1900 : vector<8x128xf32>
      %logistic3A_1904 = arith.divf %logistic3A_1902, %logistic3A_1903 : vector<8x128xf32>
      %slice3A_1905 = vector.extract_strided_slice %concatenate3A_1867 {offsets = [0, 0], sizes = [8, 128], strides = [1, 1]} : vector<8x512xf32> to vector<8x128xf32>
      %mul3A_1906 = arith.mulf %logistic3A_1895, %slice3A_1905 : vector<8x128xf32>
      %mul3A_1907 = arith.mulf %logistic3A_1888, %tanh3A_1897 : vector<8x128xf32>
      %add3A_1908 = arith.addf %mul3A_1906, %mul3A_1907 : vector<8x128xf32>
      %tanh3A_1909 = math.tanh %add3A_1908 : vector<8x128xf32>
      %mul3A_1910 = arith.mulf %logistic3A_1904, %tanh3A_1909 : vector<8x128xf32>
      %slice3A_1911 = vector.extract_strided_slice %add3A_1881 {offsets = [0, 512], sizes = [8, 128], strides = [1, 1]} : vector<8x2048xf32> to vector<8x128xf32>
      %logistic3A_1912 = arith.negf %slice3A_1911 : vector<8x128xf32>
      %logistic3A_1913 = math.exp %logistic3A_1912 : vector<8x128xf32>
      %logistic3A_1914 = arith.constant 1.000000e+00 : f32
      %logistic3A_1915 = vector.broadcast %logistic3A_1914 : f32 to vector<8x128xf32>
      %logistic3A_1916 = arith.addf %logistic3A_1915, %logistic3A_1913 : vector<8x128xf32>
      %logistic3A_1917 = arith.divf %logistic3A_1915, %logistic3A_1916 : vector<8x128xf32>
      %slice3A_1918 = vector.extract_strided_slice %add3A_1881 {offsets = [0, 640], sizes = [8, 128], strides = [1, 1]} : vector<8x2048xf32> to vector<8x128xf32>
      %logistic3A_1919 = arith.negf %slice3A_1918 : vector<8x128xf32>
      %logistic3A_1920 = math.exp %logistic3A_1919 : vector<8x128xf32>
      %logistic3A_1921 = arith.constant 1.000000e+00 : f32
      %logistic3A_1922 = vector.broadcast %logistic3A_1921 : f32 to vector<8x128xf32>
      %logistic3A_1923 = arith.addf %logistic3A_1922, %logistic3A_1920 : vector<8x128xf32>
      %logistic3A_1924 = arith.divf %logistic3A_1922, %logistic3A_1923 : vector<8x128xf32>
      %slice3A_1925 = vector.extract_strided_slice %add3A_1881 {offsets = [0, 768], sizes = [8, 128], strides = [1, 1]} : vector<8x2048xf32> to vector<8x128xf32>
      %tanh3A_1926 = math.tanh %slice3A_1925 : vector<8x128xf32>
      %slice3A_1927 = vector.extract_strided_slice %add3A_1881 {offsets = [0, 896], sizes = [8, 128], strides = [1, 1]} : vector<8x2048xf32> to vector<8x128xf32>
      %logistic3A_1928 = arith.negf %slice3A_1927 : vector<8x128xf32>
      %logistic3A_1929 = math.exp %logistic3A_1928 : vector<8x128xf32>
      %logistic3A_1930 = arith.constant 1.000000e+00 : f32
      %logistic3A_1931 = vector.broadcast %logistic3A_1930 : f32 to vector<8x128xf32>
      %logistic3A_1932 = arith.addf %logistic3A_1931, %logistic3A_1929 : vector<8x128xf32>
      %logistic3A_1933 = arith.divf %logistic3A_1931, %logistic3A_1932 : vector<8x128xf32>
      %slice3A_1934 = vector.extract_strided_slice %concatenate3A_1867 {offsets = [0, 128], sizes = [8, 128], strides = [1, 1]} : vector<8x512xf32> to vector<8x128xf32>
      %mul3A_1935 = arith.mulf %logistic3A_1924, %slice3A_1934 : vector<8x128xf32>
      %mul3A_1936 = arith.mulf %logistic3A_1917, %tanh3A_1926 : vector<8x128xf32>
      %add3A_1937 = arith.addf %mul3A_1935, %mul3A_1936 : vector<8x128xf32>
      %tanh3A_1938 = math.tanh %add3A_1937 : vector<8x128xf32>
      %mul3A_1939 = arith.mulf %logistic3A_1933, %tanh3A_1938 : vector<8x128xf32>
      %slice3A_1940 = vector.extract_strided_slice %add3A_1881 {offsets = [0, 1024], sizes = [8, 128], strides = [1, 1]} : vector<8x2048xf32> to vector<8x128xf32>
      %logistic3A_1941 = arith.negf %slice3A_1940 : vector<8x128xf32>
      %logistic3A_1942 = math.exp %logistic3A_1941 : vector<8x128xf32>
      %logistic3A_1943 = arith.constant 1.000000e+00 : f32
      %logistic3A_1944 = vector.broadcast %logistic3A_1943 : f32 to vector<8x128xf32>
      %logistic3A_1945 = arith.addf %logistic3A_1944, %logistic3A_1942 : vector<8x128xf32>
      %logistic3A_1946 = arith.divf %logistic3A_1944, %logistic3A_1945 : vector<8x128xf32>
      %slice3A_1947 = vector.extract_strided_slice %add3A_1881 {offsets = [0, 1152], sizes = [8, 128], strides = [1, 1]} : vector<8x2048xf32> to vector<8x128xf32>
      %logistic3A_1948 = arith.negf %slice3A_1947 : vector<8x128xf32>
      %logistic3A_1949 = math.exp %logistic3A_1948 : vector<8x128xf32>
      %logistic3A_1950 = arith.constant 1.000000e+00 : f32
      %logistic3A_1951 = vector.broadcast %logistic3A_1950 : f32 to vector<8x128xf32>
      %logistic3A_1952 = arith.addf %logistic3A_1951, %logistic3A_1949 : vector<8x128xf32>
      %logistic3A_1953 = arith.divf %logistic3A_1951, %logistic3A_1952 : vector<8x128xf32>
      %slice3A_1954 = vector.extract_strided_slice %add3A_1881 {offsets = [0, 1280], sizes = [8, 128], strides = [1, 1]} : vector<8x2048xf32> to vector<8x128xf32>
      %tanh3A_1955 = math.tanh %slice3A_1954 : vector<8x128xf32>
      %slice3A_1956 = vector.extract_strided_slice %add3A_1881 {offsets = [0, 1408], sizes = [8, 128], strides = [1, 1]} : vector<8x2048xf32> to vector<8x128xf32>
      %logistic3A_1957 = arith.negf %slice3A_1956 : vector<8x128xf32>
      %logistic3A_1958 = math.exp %logistic3A_1957 : vector<8x128xf32>
      %logistic3A_1959 = arith.constant 1.000000e+00 : f32
      %logistic3A_1960 = vector.broadcast %logistic3A_1959 : f32 to vector<8x128xf32>
      %logistic3A_1961 = arith.addf %logistic3A_1960, %logistic3A_1958 : vector<8x128xf32>
      %logistic3A_1962 = arith.divf %logistic3A_1960, %logistic3A_1961 : vector<8x128xf32>
      %slice3A_1963 = vector.extract_strided_slice %concatenate3A_1867 {offsets = [0, 256], sizes = [8, 128], strides = [1, 1]} : vector<8x512xf32> to vector<8x128xf32>
      %mul3A_1964 = arith.mulf %logistic3A_1953, %slice3A_1963 : vector<8x128xf32>
      %mul3A_1965 = arith.mulf %logistic3A_1946, %tanh3A_1955 : vector<8x128xf32>
      %add3A_1966 = arith.addf %mul3A_1964, %mul3A_1965 : vector<8x128xf32>
      %tanh3A_1967 = math.tanh %add3A_1966 : vector<8x128xf32>
      %mul3A_1968 = arith.mulf %logistic3A_1962, %tanh3A_1967 : vector<8x128xf32>
      %slice3A_1969 = vector.extract_strided_slice %add3A_1881 {offsets = [0, 1536], sizes = [8, 128], strides = [1, 1]} : vector<8x2048xf32> to vector<8x128xf32>
      %logistic3A_1970 = arith.negf %slice3A_1969 : vector<8x128xf32>
      %logistic3A_1971 = math.exp %logistic3A_1970 : vector<8x128xf32>
      %logistic3A_1972 = arith.constant 1.000000e+00 : f32
      %logistic3A_1973 = vector.broadcast %logistic3A_1972 : f32 to vector<8x128xf32>
      %logistic3A_1974 = arith.addf %logistic3A_1973, %logistic3A_1971 : vector<8x128xf32>
      %logistic3A_1975 = arith.divf %logistic3A_1973, %logistic3A_1974 : vector<8x128xf32>
      %slice3A_1976 = vector.extract_strided_slice %add3A_1881 {offsets = [0, 1664], sizes = [8, 128], strides = [1, 1]} : vector<8x2048xf32> to vector<8x128xf32>
      %logistic3A_1977 = arith.negf %slice3A_1976 : vector<8x128xf32>
      %logistic3A_1978 = math.exp %logistic3A_1977 : vector<8x128xf32>
      %logistic3A_1979 = arith.constant 1.000000e+00 : f32
      %logistic3A_1980 = vector.broadcast %logistic3A_1979 : f32 to vector<8x128xf32>
      %logistic3A_1981 = arith.addf %logistic3A_1980, %logistic3A_1978 : vector<8x128xf32>
      %logistic3A_1982 = arith.divf %logistic3A_1980, %logistic3A_1981 : vector<8x128xf32>
      %slice3A_1983 = vector.extract_strided_slice %add3A_1881 {offsets = [0, 1792], sizes = [8, 128], strides = [1, 1]} : vector<8x2048xf32> to vector<8x128xf32>
      %tanh3A_1984 = math.tanh %slice3A_1983 : vector<8x128xf32>
      %slice3A_1985 = vector.extract_strided_slice %add3A_1881 {offsets = [0, 1920], sizes = [8, 128], strides = [1, 1]} : vector<8x2048xf32> to vector<8x128xf32>
      %logistic3A_1986 = arith.negf %slice3A_1985 : vector<8x128xf32>
      %logistic3A_1987 = math.exp %logistic3A_1986 : vector<8x128xf32>
      %logistic3A_1988 = arith.constant 1.000000e+00 : f32
      %logistic3A_1989 = vector.broadcast %logistic3A_1988 : f32 to vector<8x128xf32>
      %logistic3A_1990 = arith.addf %logistic3A_1989, %logistic3A_1987 : vector<8x128xf32>
      %logistic3A_1991 = arith.divf %logistic3A_1989, %logistic3A_1990 : vector<8x128xf32>
      %slice3A_1992 = vector.extract_strided_slice %concatenate3A_1867 {offsets = [0, 384], sizes = [8, 128], strides = [1, 1]} : vector<8x512xf32> to vector<8x128xf32>
      %mul3A_1993 = arith.mulf %logistic3A_1982, %slice3A_1992 : vector<8x128xf32>
      %mul3A_1994 = arith.mulf %logistic3A_1975, %tanh3A_1984 : vector<8x128xf32>
      %add3A_1995 = arith.addf %mul3A_1993, %mul3A_1994 : vector<8x128xf32>
      %tanh3A_1996 = math.tanh %add3A_1995 : vector<8x128xf32>
      %mul3A_1997 = arith.mulf %logistic3A_1991, %tanh3A_1996 : vector<8x128xf32>
      %concatenate3A_1998 = tpu.concatenate %mul3A_1910, %mul3A_1939, %mul3A_1968, %mul3A_1997 in 1 : vector<8x128xf32>, vector<8x128xf32>, vector<8x128xf32>, vector<8x128xf32> -> vector<8x512xf32>
      %concatenate3A_1999 = tpu.concatenate %add3A_1908, %add3A_1937, %add3A_1966, %add3A_1995 in 1 : vector<8x128xf32>, vector<8x128xf32>, vector<8x128xf32>, vector<8x128xf32> -> vector<8x512xf32>
      %scan3A_2000 = arith.constant 15 : i32
      %scan3A_2001 = arith.addi %scan3A_23, %scan3A_2000 : i32
      %mul3A_2002 = arith.constant 8 : i32
      %mul3A_2003 = arith.muli %scan3A_2001, %mul3A_2002 : i32
      %get3A_2004 = arith.index_cast %mul3A_2003 : i32 to index
      %get3A_2005 = arith.constant 0 : index
      %get3A_2006 = vector.load %arg5[%get3A_2004, %get3A_2005] : memref<896x2048xf32, #tpu.memory_space<vmem>>, vector<8x2048xf32>
      %convert_element_type3A_2007 = arith.truncf %concatenate3A_1998 : vector<8x512xf32> to vector<8x512xbf16>
      %get3A_2008 = arith.constant 0 : index
      %get3A_2009 = arith.constant 0 : index
      %get3A_2010 = vector.load %arg2[%get3A_2008, %get3A_2009] : memref<512x2048xbf16, #tpu.memory_space<vmem>>, vector<512x2048xbf16>
      %dot_general3A_2011 = arith.constant dense<0.000000e+00> : vector<8x2048xf32>
      %dot_general3A_2012 = tpu.matmul %convert_element_type3A_2007, %get3A_2010, %dot_general3A_2011 {dimension_numbers = #tpu.dot_dimension_numbers<[1], [0], [0], [1], [0, 0, 1, 1], [], []>, transpose_lhs_hint = false} : vector<8x512xbf16>, vector<512x2048xbf16>, vector<8x2048xf32> -> vector<8x2048xf32>
      %add3A_2013 = arith.addf %get3A_2006, %dot_general3A_2012 : vector<8x2048xf32>
      %slice3A_2014 = vector.extract_strided_slice %add3A_2013 {offsets = [0, 0], sizes = [8, 128], strides = [1, 1]} : vector<8x2048xf32> to vector<8x128xf32>
      %logistic3A_2015 = arith.negf %slice3A_2014 : vector<8x128xf32>
      %logistic3A_2016 = math.exp %logistic3A_2015 : vector<8x128xf32>
      %logistic3A_2017 = arith.constant 1.000000e+00 : f32
      %logistic3A_2018 = vector.broadcast %logistic3A_2017 : f32 to vector<8x128xf32>
      %logistic3A_2019 = arith.addf %logistic3A_2018, %logistic3A_2016 : vector<8x128xf32>
      %logistic3A_2020 = arith.divf %logistic3A_2018, %logistic3A_2019 : vector<8x128xf32>
      %slice3A_2021 = vector.extract_strided_slice %add3A_2013 {offsets = [0, 128], sizes = [8, 128], strides = [1, 1]} : vector<8x2048xf32> to vector<8x128xf32>
      %logistic3A_2022 = arith.negf %slice3A_2021 : vector<8x128xf32>
      %logistic3A_2023 = math.exp %logistic3A_2022 : vector<8x128xf32>
      %logistic3A_2024 = arith.constant 1.000000e+00 : f32
      %logistic3A_2025 = vector.broadcast %logistic3A_2024 : f32 to vector<8x128xf32>
      %logistic3A_2026 = arith.addf %logistic3A_2025, %logistic3A_2023 : vector<8x128xf32>
      %logistic3A_2027 = arith.divf %logistic3A_2025, %logistic3A_2026 : vector<8x128xf32>
      %slice3A_2028 = vector.extract_strided_slice %add3A_2013 {offsets = [0, 256], sizes = [8, 128], strides = [1, 1]} : vector<8x2048xf32> to vector<8x128xf32>
      %tanh3A_2029 = math.tanh %slice3A_2028 : vector<8x128xf32>
      %slice3A_2030 = vector.extract_strided_slice %add3A_2013 {offsets = [0, 384], sizes = [8, 128], strides = [1, 1]} : vector<8x2048xf32> to vector<8x128xf32>
      %logistic3A_2031 = arith.negf %slice3A_2030 : vector<8x128xf32>
      %logistic3A_2032 = math.exp %logistic3A_2031 : vector<8x128xf32>
      %logistic3A_2033 = arith.constant 1.000000e+00 : f32
      %logistic3A_2034 = vector.broadcast %logistic3A_2033 : f32 to vector<8x128xf32>
      %logistic3A_2035 = arith.addf %logistic3A_2034, %logistic3A_2032 : vector<8x128xf32>
      %logistic3A_2036 = arith.divf %logistic3A_2034, %logistic3A_2035 : vector<8x128xf32>
      %slice3A_2037 = vector.extract_strided_slice %concatenate3A_1999 {offsets = [0, 0], sizes = [8, 128], strides = [1, 1]} : vector<8x512xf32> to vector<8x128xf32>
      %mul3A_2038 = arith.mulf %logistic3A_2027, %slice3A_2037 : vector<8x128xf32>
      %mul3A_2039 = arith.mulf %logistic3A_2020, %tanh3A_2029 : vector<8x128xf32>
      %add3A_2040 = arith.addf %mul3A_2038, %mul3A_2039 : vector<8x128xf32>
      %tanh3A_2041 = math.tanh %add3A_2040 : vector<8x128xf32>
      %mul3A_2042 = arith.mulf %logistic3A_2036, %tanh3A_2041 : vector<8x128xf32>
      %slice3A_2043 = vector.extract_strided_slice %add3A_2013 {offsets = [0, 512], sizes = [8, 128], strides = [1, 1]} : vector<8x2048xf32> to vector<8x128xf32>
      %logistic3A_2044 = arith.negf %slice3A_2043 : vector<8x128xf32>
      %logistic3A_2045 = math.exp %logistic3A_2044 : vector<8x128xf32>
      %logistic3A_2046 = arith.constant 1.000000e+00 : f32
      %logistic3A_2047 = vector.broadcast %logistic3A_2046 : f32 to vector<8x128xf32>
      %logistic3A_2048 = arith.addf %logistic3A_2047, %logistic3A_2045 : vector<8x128xf32>
      %logistic3A_2049 = arith.divf %logistic3A_2047, %logistic3A_2048 : vector<8x128xf32>
      %slice3A_2050 = vector.extract_strided_slice %add3A_2013 {offsets = [0, 640], sizes = [8, 128], strides = [1, 1]} : vector<8x2048xf32> to vector<8x128xf32>
      %logistic3A_2051 = arith.negf %slice3A_2050 : vector<8x128xf32>
      %logistic3A_2052 = math.exp %logistic3A_2051 : vector<8x128xf32>
      %logistic3A_2053 = arith.constant 1.000000e+00 : f32
      %logistic3A_2054 = vector.broadcast %logistic3A_2053 : f32 to vector<8x128xf32>
      %logistic3A_2055 = arith.addf %logistic3A_2054, %logistic3A_2052 : vector<8x128xf32>
      %logistic3A_2056 = arith.divf %logistic3A_2054, %logistic3A_2055 : vector<8x128xf32>
      %slice3A_2057 = vector.extract_strided_slice %add3A_2013 {offsets = [0, 768], sizes = [8, 128], strides = [1, 1]} : vector<8x2048xf32> to vector<8x128xf32>
      %tanh3A_2058 = math.tanh %slice3A_2057 : vector<8x128xf32>
      %slice3A_2059 = vector.extract_strided_slice %add3A_2013 {offsets = [0, 896], sizes = [8, 128], strides = [1, 1]} : vector<8x2048xf32> to vector<8x128xf32>
      %logistic3A_2060 = arith.negf %slice3A_2059 : vector<8x128xf32>
      %logistic3A_2061 = math.exp %logistic3A_2060 : vector<8x128xf32>
      %logistic3A_2062 = arith.constant 1.000000e+00 : f32
      %logistic3A_2063 = vector.broadcast %logistic3A_2062 : f32 to vector<8x128xf32>
      %logistic3A_2064 = arith.addf %logistic3A_2063, %logistic3A_2061 : vector<8x128xf32>
      %logistic3A_2065 = arith.divf %logistic3A_2063, %logistic3A_2064 : vector<8x128xf32>
      %slice3A_2066 = vector.extract_strided_slice %concatenate3A_1999 {offsets = [0, 128], sizes = [8, 128], strides = [1, 1]} : vector<8x512xf32> to vector<8x128xf32>
      %mul3A_2067 = arith.mulf %logistic3A_2056, %slice3A_2066 : vector<8x128xf32>
      %mul3A_2068 = arith.mulf %logistic3A_2049, %tanh3A_2058 : vector<8x128xf32>
      %add3A_2069 = arith.addf %mul3A_2067, %mul3A_2068 : vector<8x128xf32>
      %tanh3A_2070 = math.tanh %add3A_2069 : vector<8x128xf32>
      %mul3A_2071 = arith.mulf %logistic3A_2065, %tanh3A_2070 : vector<8x128xf32>
      %slice3A_2072 = vector.extract_strided_slice %add3A_2013 {offsets = [0, 1024], sizes = [8, 128], strides = [1, 1]} : vector<8x2048xf32> to vector<8x128xf32>
      %logistic3A_2073 = arith.negf %slice3A_2072 : vector<8x128xf32>
      %logistic3A_2074 = math.exp %logistic3A_2073 : vector<8x128xf32>
      %logistic3A_2075 = arith.constant 1.000000e+00 : f32
      %logistic3A_2076 = vector.broadcast %logistic3A_2075 : f32 to vector<8x128xf32>
      %logistic3A_2077 = arith.addf %logistic3A_2076, %logistic3A_2074 : vector<8x128xf32>
      %logistic3A_2078 = arith.divf %logistic3A_2076, %logistic3A_2077 : vector<8x128xf32>
      %slice3A_2079 = vector.extract_strided_slice %add3A_2013 {offsets = [0, 1152], sizes = [8, 128], strides = [1, 1]} : vector<8x2048xf32> to vector<8x128xf32>
      %logistic3A_2080 = arith.negf %slice3A_2079 : vector<8x128xf32>
      %logistic3A_2081 = math.exp %logistic3A_2080 : vector<8x128xf32>
      %logistic3A_2082 = arith.constant 1.000000e+00 : f32
      %logistic3A_2083 = vector.broadcast %logistic3A_2082 : f32 to vector<8x128xf32>
      %logistic3A_2084 = arith.addf %logistic3A_2083, %logistic3A_2081 : vector<8x128xf32>
      %logistic3A_2085 = arith.divf %logistic3A_2083, %logistic3A_2084 : vector<8x128xf32>
      %slice3A_2086 = vector.extract_strided_slice %add3A_2013 {offsets = [0, 1280], sizes = [8, 128], strides = [1, 1]} : vector<8x2048xf32> to vector<8x128xf32>
      %tanh3A_2087 = math.tanh %slice3A_2086 : vector<8x128xf32>
      %slice3A_2088 = vector.extract_strided_slice %add3A_2013 {offsets = [0, 1408], sizes = [8, 128], strides = [1, 1]} : vector<8x2048xf32> to vector<8x128xf32>
      %logistic3A_2089 = arith.negf %slice3A_2088 : vector<8x128xf32>
      %logistic3A_2090 = math.exp %logistic3A_2089 : vector<8x128xf32>
      %logistic3A_2091 = arith.constant 1.000000e+00 : f32
      %logistic3A_2092 = vector.broadcast %logistic3A_2091 : f32 to vector<8x128xf32>
      %logistic3A_2093 = arith.addf %logistic3A_2092, %logistic3A_2090 : vector<8x128xf32>
      %logistic3A_2094 = arith.divf %logistic3A_2092, %logistic3A_2093 : vector<8x128xf32>
      %slice3A_2095 = vector.extract_strided_slice %concatenate3A_1999 {offsets = [0, 256], sizes = [8, 128], strides = [1, 1]} : vector<8x512xf32> to vector<8x128xf32>
      %mul3A_2096 = arith.mulf %logistic3A_2085, %slice3A_2095 : vector<8x128xf32>
      %mul3A_2097 = arith.mulf %logistic3A_2078, %tanh3A_2087 : vector<8x128xf32>
      %add3A_2098 = arith.addf %mul3A_2096, %mul3A_2097 : vector<8x128xf32>
      %tanh3A_2099 = math.tanh %add3A_2098 : vector<8x128xf32>
      %mul3A_2100 = arith.mulf %logistic3A_2094, %tanh3A_2099 : vector<8x128xf32>
      %slice3A_2101 = vector.extract_strided_slice %add3A_2013 {offsets = [0, 1536], sizes = [8, 128], strides = [1, 1]} : vector<8x2048xf32> to vector<8x128xf32>
      %logistic3A_2102 = arith.negf %slice3A_2101 : vector<8x128xf32>
      %logistic3A_2103 = math.exp %logistic3A_2102 : vector<8x128xf32>
      %logistic3A_2104 = arith.constant 1.000000e+00 : f32
      %logistic3A_2105 = vector.broadcast %logistic3A_2104 : f32 to vector<8x128xf32>
      %logistic3A_2106 = arith.addf %logistic3A_2105, %logistic3A_2103 : vector<8x128xf32>
      %logistic3A_2107 = arith.divf %logistic3A_2105, %logistic3A_2106 : vector<8x128xf32>
      %slice3A_2108 = vector.extract_strided_slice %add3A_2013 {offsets = [0, 1664], sizes = [8, 128], strides = [1, 1]} : vector<8x2048xf32> to vector<8x128xf32>
      %logistic3A_2109 = arith.negf %slice3A_2108 : vector<8x128xf32>
      %logistic3A_2110 = math.exp %logistic3A_2109 : vector<8x128xf32>
      %logistic3A_2111 = arith.constant 1.000000e+00 : f32
      %logistic3A_2112 = vector.broadcast %logistic3A_2111 : f32 to vector<8x128xf32>
      %logistic3A_2113 = arith.addf %logistic3A_2112, %logistic3A_2110 : vector<8x128xf32>
      %logistic3A_2114 = arith.divf %logistic3A_2112, %logistic3A_2113 : vector<8x128xf32>
      %slice3A_2115 = vector.extract_strided_slice %add3A_2013 {offsets = [0, 1792], sizes = [8, 128], strides = [1, 1]} : vector<8x2048xf32> to vector<8x128xf32>
      %tanh3A_2116 = math.tanh %slice3A_2115 : vector<8x128xf32>
      %slice3A_2117 = vector.extract_strided_slice %add3A_2013 {offsets = [0, 1920], sizes = [8, 128], strides = [1, 1]} : vector<8x2048xf32> to vector<8x128xf32>
      %logistic3A_2118 = arith.negf %slice3A_2117 : vector<8x128xf32>
      %logistic3A_2119 = math.exp %logistic3A_2118 : vector<8x128xf32>
      %logistic3A_2120 = arith.constant 1.000000e+00 : f32
      %logistic3A_2121 = vector.broadcast %logistic3A_2120 : f32 to vector<8x128xf32>
      %logistic3A_2122 = arith.addf %logistic3A_2121, %logistic3A_2119 : vector<8x128xf32>
      %logistic3A_2123 = arith.divf %logistic3A_2121, %logistic3A_2122 : vector<8x128xf32>
      %slice3A_2124 = vector.extract_strided_slice %concatenate3A_1999 {offsets = [0, 384], sizes = [8, 128], strides = [1, 1]} : vector<8x512xf32> to vector<8x128xf32>
      %mul3A_2125 = arith.mulf %logistic3A_2114, %slice3A_2124 : vector<8x128xf32>
      %mul3A_2126 = arith.mulf %logistic3A_2107, %tanh3A_2116 : vector<8x128xf32>
      %add3A_2127 = arith.addf %mul3A_2125, %mul3A_2126 : vector<8x128xf32>
      %tanh3A_2128 = math.tanh %add3A_2127 : vector<8x128xf32>
      %mul3A_2129 = arith.mulf %logistic3A_2123, %tanh3A_2128 : vector<8x128xf32>
      %concatenate3A_2130 = tpu.concatenate %mul3A_2042, %mul3A_2071, %mul3A_2100, %mul3A_2129 in 1 : vector<8x128xf32>, vector<8x128xf32>, vector<8x128xf32>, vector<8x128xf32> -> vector<8x512xf32>
      %concatenate3A_2131 = tpu.concatenate %add3A_2040, %add3A_2069, %add3A_2098, %add3A_2127 in 1 : vector<8x128xf32>, vector<8x128xf32>, vector<8x128xf32>, vector<8x128xf32> -> vector<8x512xf32>
      scf.yield %concatenate3A_2130, %concatenate3A_2131 : vector<8x512xf32>, vector<8x512xf32>
    }
    %scan3A_19 = arith.constant 112 : i32
    %concatenate3A = tpu.concatenate %scan3A_18#0, %scan3A_18#1 in 0 : vector<8x512xf32>, vector<8x512xf32> -> vector<16x512xf32>
    %swap3A_20 = arith.constant 0 : index
    %swap3A_21 = arith.constant 0 : index
    %swap3A_22 = vector.load %arg4[%swap3A_20, %swap3A_21] : memref<16x512xf32, #tpu.memory_space<vmem>>, vector<16x512xf32>
    tpu.vector_store %arg4[%swap3A_20, %swap3A_21], %concatenate3A {strides = array<i32>} : memref<16x512xf32, #tpu.memory_space<vmem>>, vector<16x512xf32>,
    return
  }
}

</mosaic_0001>

<sc_bundles>
// kernel: kernel.6.cloned.1.call-start
scs
__scs_entry_jumppad:
0x0: {  	(pc) =	sbr.rel $0x88, $3  }
0x1: {  	(tag) =	ssettag $0x0;
	lr =	simm.s32 $0x1  }
0x2: {  	[smem:$0x3F97] =	sst lr;
	_ =	strace $0xD0000000  }
0x3: {  	_ = 	snop  }
0x4: {  	_ = 	snop  }
0x5: {  	_ = 	snop  }
0x6: {  	_ = 	snop  }
0x7: {  	_ = 	snop  }
__scs_overlays_trampoline_lowered:
0x8: {  	[smem:$0x3FA6] =	sst s0  }
0x9: {  	[smem:$0x3FA7] =	sst s1  }
0xa: {  	[smem:$0x3FA8] =	sst s2  }
0xb: {  	[smem:$0x3FA9] =	sst s3  }
0xc: {  	[smem:$0x3FAA] =	sst s4  }
0xd: {  	[smem:$0x3FAB] =	sst s5  }
0xe: {  	[smem:$0x3FAC] =	sst s6  }
0xf: {  	[smem:$0x3FAD] =	sst s7  }
0x10: {  	[smem:$0x3FAE] =	sst s8  }
0x11: {  	[smem:$0x3FAF] =	sst s9;
	s0 =	simm.s32 @!p0 $0x0  }
0x12: {  	s1 =	sld [smem:$0x3F95];
	s0 =	simm.s32 @p0 $0x1  }
0x13: {  	[smem:$0x3FB0] =	sst s0;
	s0 =	simm.s32 @!p1 $0x0  }
0x14: {  	s2 =	sld [smem:$0x3F94];
	s0 =	simm.s32 @p1 $0x1  }
0x15: {  	[smem:$0x3FB1] =	sst s0;
	s0 =	simm.s32 @!p2 $0x0  }
0x16: {  	s3 =	sld [smem:$0x3FDB];
	s0 =	simm.s32 @p2 $0x1  }
0x17: {  	s4 =	simm.s32 $0x1BF5;
	[smem:$0x3FB3] =	sst s0  }
0x18: {  	s0 =	sld [smem:$0x3F96];
	_ =	swait.ge [sflag:s4], $0x0  }
0x19: {  	s7 =	sld [smem:$0x3F97]  }
0x1a: {  	s8 =	sadd.s32 $0xFFFFE003, lr  }
0x1b: {  	s9 =	sadd.s32 $0xFFFFFEF7, lr;
	s5 =	simm.s32 $0xFFFFFFFF;
	p2 =	slt.u32 s8, $0xFFFFF086  }
0x1c: {  	p1 =	slt.u32 s9, $0xF7A;
	s5 =	simm.s32 @!p2 $0x0  }
0x1d: {  	s5 =	simm.s32 @p1 $0x1;
	p0 =	seq.s32 s7, s2  }
0x1e: {  	s7 =	smul.u32 @!p0 $0xF7A, s2;
	p2 =	seq.s32 @!p0 s5, $0x0  }
0x1f: {  	s9 =	smul.u32 $0xF7A, s1;
	s8 =	simm.s32 @!p0 $0x1BF5;
	p2 =	por !p2, p0  }
0x20: {  	[sflag:s8] =	ssyncset.s32 @!p0 $0xFFFFF086;
	s6 =	sadd.s32 @!p0 s3, s7;
	s7 =	simm.s32 @!p0 $0x108  }
0x21: {  	s3 =	sadd.s32 s3, s9;
	s6 =	sadd.s32 @!p0 $0x88, s6;
	s7 =	simm.s32 @p2 $0x1082  }
0x22: {  	[simem:s7], [sflag:s8] =	dma.local @!p0 [hbm:s6], $0xF7A  }
0x23: {  	s9 =	sor.u32 $0xD0000000, s2;
	s6 =	simm.s32 $0x108;
	_ =	swait.ge @!p0 [sflag:s8], $0x0  }
0x24: {  	s3 =	sadd.s32 $0x88, s3;
	s6 =	simm.s32 @!p1 $0x1082;
	[sflag:s4] =	ssyncset.s32 $0xFFFFF086  }
0x25: {  	[simem:s6], [sflag:s4] =	dma.local [hbm:s3], $0xF7A  }
0x26: {  	[smem:$0x3F97] =	sst s1;
	(tag) =	ssettag s2;
	_ =	strace s9  }
0x27: {  	s1 =	sld [smem:$0x3FA7]  }
0x28: {  	s2 =	sld [smem:$0x3FA8]  }
0x29: {  	s4 =	sld [smem:$0x3FAA]  }
0x2a: {  	p0 =	seq.s32 s5, $0x0;
	s5 =	sld [smem:$0x3FAB]  }
0x2b: {  	s6 =	sld [smem:$0x3FAC]  }
0x2c: {  	s7 =	sld [smem:$0x3FAD]  }
0x2d: {  	s3 =	simm.s32 $0x108;
	s8 =	sld [smem:$0x3FAE]  }
0x2e: {  	s3 =	simm.s32 @!p0 $0x1082;
	s9 =	sld [smem:$0x3FAF]  }
0x2f: {  	lr =	sadd.s32 s0, s3;
	s0 =	sld [smem:$0x3FA6]  }
0x30: {  	s3 =	sld [smem:$0x3FA9]  }
0x31: {  	[smem:$0x3FB2] =	sst s10  }
0x32: {  	s10 =	sld [smem:$0x3FB0];
	_ =	sdelay $0x3  }
0x33: {  	p0 =	seq.s32 s10, $0x1;
	s10 =	sld [smem:$0x3FB2];
	_ =	sdelay $0x3  }
0x34: {  	[smem:$0x3FB2] =	sst s10  }
0x35: {  	s10 =	sld [smem:$0x3FB1];
	_ =	sdelay $0x3  }
0x36: {  	p1 =	seq.s32 s10, $0x1;
	s10 =	sld [smem:$0x3FB2];
	_ =	sdelay $0x3  }
0x37: {  	[smem:$0x3FB2] =	sst s10  }
0x38: {  	s10 =	sld [smem:$0x3FB3]  }
0x39: {  	_ = 	snop;
	(pc) =	sbr.ind lr, $3  }
0x3a: {  	_ = 	snop  }
0x3b: {  	_ = 	snop  }
0x3c: {  	p2 =	seq.s32 s10, $0x1;
	s10 =	sld [smem:$0x3FB2]  }
0x3d: {  	_ =	shalt  }
0x3e: {  	_ =	shalt  }
0x3f: {  	_ =	shalt  }
0x40: {  	_ =	shalt  }
0x41: {  	_ =	shalt  }
0x42: {  	_ =	shalt  }
0x43: {  	_ =	shalt  }
0x44: {  	_ =	shalt  }
0x45: {  	_ =	shalt  }
0x46: {  	_ =	shalt  }
0x47: {  	_ =	shalt  }
0x48: {  	_ =	shalt  }
0x49: {  	_ =	shalt  }
0x4a: {  	_ =	shalt  }
0x4b: {  	_ =	shalt  }
0x4c: {  	_ =	shalt  }
0x4d: {  	_ =	shalt  }
0x4e: {  	_ =	shalt  }
0x4f: {  	_ =	shalt  }
0x50: {  	_ =	shalt  }
0x51: {  	_ =	shalt  }
0x52: {  	_ =	shalt  }
0x53: {  	_ =	shalt  }
0x54: {  	_ =	shalt  }
0x55: {  	_ =	shalt  }
0x56: {  	_ =	shalt  }
0x57: {  	_ =	shalt  }
0x58: {  	_ =	shalt  }
0x59: {  	_ =	shalt  }
0x5a: {  	_ =	shalt  }
0x5b: {  	_ =	shalt  }
0x5c: {  	_ =	shalt  }
0x5d: {  	_ =	shalt  }
0x5e: {  	_ =	shalt  }
0x5f: {  	_ =	shalt  }
0x60: {  	_ =	shalt  }
0x61: {  	_ =	shalt  }
0x62: {  	_ =	shalt  }
0x63: {  	_ =	shalt  }
0x64: {  	_ =	shalt  }
0x65: {  	_ =	shalt  }
0x66: {  	_ =	shalt  }
0x67: {  	_ =	shalt  }
0x68: {  	_ =	shalt  }
0x69: {  	_ =	shalt  }
0x6a: {  	_ =	shalt  }
0x6b: {  	_ =	shalt  }
0x6c: {  	_ =	shalt  }
0x6d: {  	_ =	shalt  }
0x6e: {  	_ =	shalt  }
0x6f: {  	_ =	shalt  }
0x70: {  	_ =	shalt  }
0x71: {  	_ =	shalt  }
0x72: {  	_ =	shalt  }
0x73: {  	_ =	shalt  }
0x74: {  	_ =	shalt  }
0x75: {  	_ =	shalt  }
0x76: {  	_ =	shalt  }
0x77: {  	_ =	shalt  }
0x78: {  	_ =	shalt  }
0x79: {  	_ =	shalt  }
0x7a: {  	_ =	shalt  }
0x7b: {  	_ =	shalt  }
0x7c: {  	_ =	shalt  }
0x7d: {  	_ =	shalt  }
0x7e: {  	_ =	shalt  }
0x7f: {  	_ =	shalt  }
0x80: {  	_ =	shalt  }
0x81: {  	_ =	shalt  }
0x82: {  	_ =	shalt  }
0x83: {  	_ =	shalt  }
0x84: {  	_ =	shalt  }
0x85: {  	_ =	shalt  }
0x86: {  	_ =	shalt  }
0x87: {  	_ =	shalt  }
.Lfunc_end0:
.L_simem_size_0:
called_computation_lowered:
.L_overlay_start_0:
0x88: {  	s2 =	sld [smem:$0x3FD9]  }
0x89: {  	s3 =	sld [smem:$0x3FFE];
	_ =	sdelay $0x1  }
0x8a: {  	s1 =	srdreg.scid  }
0x8b: {  	s0 =	sand.u32 $0x1, s1  }
0x8c: {  	s17 =	sshll.u32 s0, $0xA;
	s2 =	sadd.s32 s3, s2  }
0x8d: {  	s2 =	sadd.s32 s2, s17  }
0x8e: {  	[smem:$0x3FBE] =	sst s2  }
0x8f: {  	_ = 	snop  }
0x90: {  	s2 =	sld [smem:$0x3FC8];
	(tm) =	ssettm $0x1  }
0x91: {  	s18 =	sld [smem:$0x3FFB];
	_ =	sdelay $0x3  }
0x92: {  	_ =	strace s18  }
0x93: {  	s3 =	sld [smem:$0x3FFC];
	_ =	sdelay $0x3  }
0x94: {  	_ =	strace s3  }
0x95: {  	s3 =	sld [smem:$0x3FFD];
	_ =	sdelay $0x3  }
0x96: {  	_ =	strace s3  }
0x97: {  	_ =	strace $0x8FFFFFFF  }
0x98: {  	s19 =	sld [smem:$0x3FDB];
	_ =	sdelay $0x1  }
0x99: {  	s4 =	simm.s32 $_scs_section_size  }
0x9a: {  	s5 =	simm.s32 $_size__tile_overlayer_lowered;
	s6 =	simm.s32 $_tile_overlayer_lowered  }
0x9b: {  	s22 =	simm.s32 $0x1BFF;
	s21 =	sshll.u32 s6, $0x1;
	s3 =	sadd.s32 s4, s19  }
0x9c: {  	s7 =	simm.s32 $0x0;
	s20 =	sshll.u32 s5, $0x1;
	s5 =	sadd.s32 s21, s3  }
0x9d: {  	[timem:s7], [sflag:s22] =	dma.local [hbm:s5], s20  }
0x9e: {  	_ =	swait.ge [sflag:s22], s20  }
0x9f: {  	s4 =	ssub.s32 $0x0, s20;
	[sflag:s22] =	ssyncset.done $0x0  }
0xa0: {  	[sflag:s22] =	ssyncadd.s32 s4;
	_ =	sdelay $0x1  }
0xa1: {  	s23 =	simm.s32 $0x1B8B  }
0xa2: {  	_ =	swait.ge [sflag:s23], $0x1  }
0xa3: {  	[sflag:s23] =	ssyncset.done $0x0  }
0xa4: {  	s25 =	simm.s32 $0x1B8E;
	s24 =	sld [smem:$0x3FFE];
	[sflag:s23] =	ssyncadd.s32 $0xFFFFFFFF  }
0xa5: {  	s26 =	simm.s32 $execute0_lowered;
	[smem:$0x3FD2] =	sst s25  }
0xa6: {  	s5 =	sshll.u32 s26, $0x1;
	_ =	strace $0x80000046;
	[dreg:$0x1] =	wrdreg $0xFFFFFFFF  }
0xa7: {  	s28 =	simm.s32 $_size_execute0_lowered;
	s3 =	sadd.s32 s3, s5;
	[dreg:$0x0] =	wrdreg $0x0  }
0xa8: {  	s5 =	sshll.u32 s28, $0x1;
	[dreg:$0x2] =	wrdreg s3  }
0xa9: {  	[dreg:$0x3] =	wrdreg s5  }
0xaa: {  	[dreg:$0x4] =	wrdreg $0xC0  }
0xab: {  	_ =	task [dreg:s7], $0x5FFFF  }
0xac: {  	[dreg:$0x1] =	wrdreg $0xFFFFFFFF  }
0xad: {  	[dreg:$0x0] =	wrdreg $0x60  }
0xae: {  	[dreg:$0x2] =	wrdreg s2  }
0xaf: {  	[dreg:$0x3] =	wrdreg s24  }
0xb0: {  	[dreg:$0x4] =	wrdreg $0x9  }
0xb1: {  	_ =	task.clear_ibuf [dreg:s7], $0x5FFFF;
	_ =	strace $0x90000046  }
0xb2: {  	s29 =	simm.s32 $0x9;
	_ =	strace $0x8000004F  }
0xb3: {  	_ =	swait.ge [sflag:s29], $0x1  }
0xb4: {  	[sflag:s29] =	ssyncadd.s32 $0xFFFFFFFF  }
0xb5: {  	_ =	strace $0x9000004F  }
0xb6: {  	_ =	sfence  }
0xb7: {  	s30 =	sld [smem:$0x0];
	_ =	sdelay $0x2  }
0xb8: {  	s31 =	sshll.u32 s1, $0xD;
	s1 =	sshrl.u32 s1, $0x2  }
0xb9: {  	s3 =	sand.u32 $0x4000, s31;
	s1 =	sadd.s32 s1, s30  }
0xba: {  	s0 =	sor.u32 s3, s0;
	s1 =	sshll.u32 s1, $0x11  }
0xbb: {  	s0 =	sor.u32 s1, s0  }
0xbc: {  	s0 =	sadd.s32 $0x8F2B, s0  }
0xbd: {  	[sflag:s0] =	ssyncadd.remote.s32 $0x1  }
0xbe: {  	_ =	sfence.sel $0xFFFF  }
0xbf: {  	[dreg:$0x0] =	wrdreg $0xFFFFFFFF;
	(pc) =	sbr.abs _section_cstart, $3  }
0xc0: {  	[dreg:$0x1] =	wrdreg $0xFFFFFFFF  }
0xc1: {  	_ =	task.clear_ibuf [dreg:s7], $0x2FFFF;
	_ =	strace $0x9FFFFFFF  }
0xc2: {  	(tm) =	ssettm $0x7FFFFFFF  }
0xc3: {  	_ =	shalt  }
tec
execute0_lowered:
.L_overlay_start_1:
0x0: {  	(tag) =	ssettag $0x1  }
0x1: {  	s0 =	srdreg.scid  }
0x2: {  	s15 =	sand.u32 $0x1, s0  }
0x3: {  	s1 =	stileid.u32;
	s4 =	sshll.u32 s15, $0x4  }
0x4: {  	s4 =	sor.u32 s1, s4  }
0x5: {  	p0 =	sgt.u32 s4, $0x2  }
.Ltmp0:
0x6: {  	_ = 	snop;
	(pc) =	sbr.rel @p0 .LBB2_4-.Ltmp0, $4  }
0x7: {  	s2 =	rddreg [dreg:$0x0]  }
0x8: {  	s10 =	rddreg [dreg:$0x1];
	s3 =	simm.s32 $0x0  }
0x9: {  	[smem:$0x7FF] =	sst s3  }
0xa: {  	s0 =	rddreg [dreg:$0x2];
	_ =	strace $0x80000047  }
0xb: {  	s11 =	smin.u32 s4, $0x3  }
0xc: {  	s30 =	sadd.s32 $0x1E00, s10;
	s5 =	sshll.u32 s11, $0x4  }
0xd: {  	_ =	strace $0x80000048;
	s4 =	sadd.s32 s30, s5  }
0xe: {  	[tilespmem:s3], [sflag:$0x1] =	stream.linear.gather [hbm4b:s4+s3], $0x80, $0x200038;
	[tilespmem:$0x8100] =	vst v63  }
0xf: {  	_ =	strace $0x90000048  }
0x10: {  	s6 =	simm.s32 $0x80;
	s5 =	sadd.s32 $0x30, s4;
	_ =	strace $0x80000049  }
0x11: {  	[tilespmem:s6], [sflag:$0x2] =	stream.linear.gather [hbm4b:s5+s3], $0x80, $0x200038;
	[tilespmem:$0x8100] =	vst v63  }
0x12: {  	_ =	strace $0x90000049  }
0x13: {  	s7 =	simm.s32 $0x1;
	_ =	strace $0x8000004A  }
0x14: {  	_ =	swait.ge [sflag:s7], $0x80  }
0x15: {  	[sflag:s7] =	ssyncset.done $0x0  }
0x16: {  	[sflag:s7] =	ssyncadd.s32 $0xFFFFFF80  }
0x17: {  	_ =	strace $0x9000004A  }
0x18: {  	s8 =	simm.s32 $0x100;
	s9 =	simm.s32 $0x5;
	_ =	strace $0x8000004B  }
0x19: {  	[tilespmem:s8], [sflag:$0x5] =	stream.indirect.gather [hbm4b:s2+s6], $0x80, s3, s6, $0x2000b8;
	[tilespmem:$0x8100] =	vst v63  }
0x1a: {  	_ =	swait.ge [sflag:s9], $0x4000  }
0x1b: {  	[sflag:s9] =	ssyncset.done $0x0  }
0x1c: {  	[sflag:s9] =	ssyncadd.s32 $0xFFFFC000  }
0x1d: {  	s31 =	sadd.s32 $0x2000, s10;
	s11 =	sshll.u32 s11, $0xB;
	_ =	strace $0x9000004B  }
0x1e: {  	s10 =	sadd.s32 s31, s11;
	_ =	strace $0x8000004C  }
0x1f: {  	[hbm4b:s10+s3] =	stream.linear.scatter [tilespmem:s8], [sflag:$0x3], $0x4000, $0x200038;
	[tilespmem:$0x8100] =	vst v63  }
0x20: {  	_ =	strace $0x9000004C  }
0x21: {  	s11 =	simm.s32 $0x2;
	_ =	strace $0x8000004A  }
0x22: {  	_ =	swait.ge [sflag:s11], $0x80  }
0x23: {  	[sflag:s11] =	ssyncset.done $0x0  }
0x24: {  	[sflag:s11] =	ssyncadd.s32 $0xFFFFFF80  }
0x25: {  	_ =	strace $0x9000004A  }
0x26: {  	s12 =	simm.s32 $0x4100;
	_ =	strace $0x8000004B  }
0x27: {  	[tilespmem:s12], [sflag:$0x5] =	stream.indirect.gather [hbm4b:s2+s6], $0x80, s6, s6, $0x2000b8;
	[tilespmem:$0x8100] =	vst v63  }
0x28: {  	_ =	swait.ge [sflag:s9], $0x4000  }
0x29: {  	[sflag:s9] =	ssyncset.done $0x0  }
0x2a: {  	[sflag:s9] =	ssyncadd.s32 $0xFFFFC000  }
0x2b: {  	_ =	strace $0x9000004B  }
0x2c: {  	s13 =	sadd.s32 $0x1800, s10;
	_ =	strace $0x8000004C  }
0x2d: {  	[hbm4b:s13+s3] =	stream.linear.scatter [tilespmem:s12], [sflag:$0x4], $0x4000, $0x200038;
	[tilespmem:$0x8100] =	vst v63  }
0x2e: {  	s15 =	ssub.s32 $0x2, s15;
	_ =	strace $0x9000004C  }
0x2f: {  	s14 =	simm.s32 $0x3;
	s16 =	sshrl.u32 s15, $0x1;
	_ =	strace $0x8000004D  }
0x30: {  	s16 =	ssub.s32 s15, s16;
	_ =	swait.ge [sflag:s14], $0x4000  }
0x31: {  	s16 =	smax.u32 s16, $0x1;
	[sflag:s14] =	ssyncset.done $0x0  }
0x32: {  	p0 =	sne.s32 s16, $0x1;
	[sflag:s14] =	ssyncadd.s32 $0xFFFFC000  }
.Ltmp1:
0x33: {  	_ =	strace $0x9000004D;
	(pc) =	sbr.rel @!p0 .LBB2_3-.Ltmp1, $4  }
0x34: {  	s15 =	simm.s32 $0x4;
	_ =	strace $0x8000004E  }
0x35: {  	_ =	swait.ge [sflag:s15], $0x4000  }
0x36: {  	[sflag:s15] =	ssyncset.done $0x0  }
0x37: {  	s16 =	sadd.s32 $0xFFFFFFFF, s16;
	[sflag:s15] =	ssyncadd.s32 $0xFFFFC000  }
.LBB2_2:
0x38: {  	p0 =	sne.s32 s16, $0x1;
	s16 =	sadd.s32 $0xFFFFFFFF, s16;
	_ =	strace $0x9000004E  }
0x39: {  	_ =	strace $0x80000048  }
0x3a: {  	[tilespmem:s3], [sflag:$0x1] =	stream.linear.gather [hbm4b:s4+s3], $0x80, $0x200038;
	[tilespmem:$0x8100] =	vst v63  }
0x3b: {  	_ =	strace $0x90000048  }
0x3c: {  	_ =	strace $0x80000049  }
0x3d: {  	[tilespmem:s6], [sflag:$0x2] =	stream.linear.gather [hbm4b:s5+s3], $0x80, $0x200038;
	[tilespmem:$0x8100] =	vst v63  }
0x3e: {  	_ =	strace $0x90000049  }
0x3f: {  	_ =	strace $0x8000004A  }
0x40: {  	_ =	swait.ge [sflag:s7], $0x80  }
0x41: {  	[sflag:s7] =	ssyncset.done $0x0  }
0x42: {  	[sflag:s7] =	ssyncadd.s32 $0xFFFFFF80  }
0x43: {  	_ =	strace $0x9000004A  }
0x44: {  	_ =	strace $0x8000004B  }
0x45: {  	[tilespmem:s8], [sflag:$0x5] =	stream.indirect.gather [hbm4b:s2+s6], $0x80, s3, s6, $0x2000b8;
	[tilespmem:$0x8100] =	vst v63  }
0x46: {  	_ =	swait.ge [sflag:s9], $0x4000  }
0x47: {  	[sflag:s9] =	ssyncset.done $0x0  }
0x48: {  	[sflag:s9] =	ssyncadd.s32 $0xFFFFC000  }
0x49: {  	_ =	strace $0x9000004B  }
0x4a: {  	_ =	strace $0x8000004C  }
0x4b: {  	[hbm4b:s10+s3] =	stream.linear.scatter [tilespmem:s8], [sflag:$0x3], $0x4000, $0x200038;
	[tilespmem:$0x8100] =	vst v63  }
0x4c: {  	_ =	strace $0x9000004C  }
0x4d: {  	_ =	strace $0x8000004A  }
0x4e: {  	_ =	swait.ge [sflag:s11], $0x80  }
0x4f: {  	[sflag:s11] =	ssyncset.done $0x0  }
0x50: {  	[sflag:s11] =	ssyncadd.s32 $0xFFFFFF80  }
0x51: {  	_ =	strace $0x9000004A  }
0x52: {  	_ =	strace $0x8000004B  }
0x53: {  	[tilespmem:s12], [sflag:$0x5] =	stream.indirect.gather [hbm4b:s2+s6], $0x80, s6, s6, $0x2000b8;
	[tilespmem:$0x8100] =	vst v63  }
0x54: {  	_ =	swait.ge [sflag:s9], $0x4000  }
0x55: {  	[sflag:s9] =	ssyncset.done $0x0  }
0x56: {  	[sflag:s9] =	ssyncadd.s32 $0xFFFFC000  }
0x57: {  	_ =	strace $0x9000004B  }
0x58: {  	_ =	strace $0x8000004C  }
0x59: {  	[hbm4b:s13+s3] =	stream.linear.scatter [tilespmem:s12], [sflag:$0x4], $0x4000, $0x200038;
	[tilespmem:$0x8100] =	vst v63  }
0x5a: {  	_ =	strace $0x9000004C  }
0x5b: {  	_ =	strace $0x8000004D  }
0x5c: {  	_ =	swait.ge [sflag:s14], $0x4000  }
0x5d: {  	[sflag:s14] =	ssyncset.done $0x0  }
0x5e: {  	[sflag:s14] =	ssyncadd.s32 $0xFFFFC000  }
.Ltmp2:
0x5f: {  	_ =	strace $0x9000004D;
	(pc) =	sbr.rel @p0 .LBB2_2-.Ltmp2, $4  }
0x60: {  	_ =	strace $0x8000004E  }
0x61: {  	_ =	swait.ge [sflag:s15], $0x4000  }
0x62: {  	[sflag:s15] =	ssyncset.done $0x0  }
0x63: {  	[sflag:s15] =	ssyncadd.s32 $0xFFFFC000  }
.LBB2_3:
0x64: {  	_ =	strace $0x9000004E  }
.LBB2_4:
0x65: {  	_ =	sfence.sel $0x180000  }
0x66: {  	[bflag:$0x0] =	sbarrier.arrive $0xFFFF  }
0x67: {  	p0 =	sne.s32 s1, $0x0;
	_ =	strace $0x90000047  }
0x68: {  	s0 =	sadd.s32 @!p0 $0x100000, s0;
	[bflag:$0x2] =	sbarrier.arrive $0xFFFF  }
0x69: {  	[sflag:s0] =	ssyncadd.tile.s32 @!p0 $0x1;
	_ =	shalt  }
.Lfunc_end2:
_tile_overlayer_lowered:
.L_overlay_start_2:
0x6a: {  	(tag) =	ssettag $0x2  }
0x6b: {  	s0 =	rddreg [dreg:$0x0];
	s2 =	stileid.u32  }
0x6c: {  	s1 =	rddreg [dreg:$0x1];
	p0 =	sne.s32 s2, $0x0  }
0x6d: {  	s3 =	rddreg [dreg:$0x2];
	[bflag:$0x3] =	sbarrier.arrive $0xFFFF;
	s2 =	simm.s32 @!p0 $0x1C01  }
0x6e: {  	[timem:s3], [sflag:s2] =	dma.local @!p0 [hbm:s0], s1  }
0x6f: {  	s0 =	simm.s32 @!p0 $0x1  }
0x70: {  	_ =	swait.ge @!p0 [sflag:s0], s1  }
0x71: {  	s1 =	ssub.s32 @!p0 $0x0, s1;
	[sflag:s0] =	ssyncset.done @!p0 $0x0  }
0x72: {  	[sflag:s0] =	ssyncadd.s32 @!p0 s1  }
0x73: {  	[bflag:$0x3] =	sbarrier.arrive $0xFFFF  }
0x74: {  	_ =	shalt  }

// kernel: kernel.9.cloned.1.call-start
scs
__scs_entry_jumppad:
0x0: {  	(pc) =	sbr.rel $0x88, $3  }
0x1: {  	(tag) =	ssettag $0x0;
	lr =	simm.s32 $0x1  }
0x2: {  	[smem:$0x3F97] =	sst lr;
	_ =	strace $0xD0000000  }
0x3: {  	_ = 	snop  }
0x4: {  	_ = 	snop  }
0x5: {  	_ = 	snop  }
0x6: {  	_ = 	snop  }
0x7: {  	_ = 	snop  }
__scs_overlays_trampoline_lowered:
0x8: {  	[smem:$0x3FA6] =	sst s0  }
0x9: {  	[smem:$0x3FA7] =	sst s1  }
0xa: {  	[smem:$0x3FA8] =	sst s2  }
0xb: {  	[smem:$0x3FA9] =	sst s3  }
0xc: {  	[smem:$0x3FAA] =	sst s4  }
0xd: {  	[smem:$0x3FAB] =	sst s5  }
0xe: {  	[smem:$0x3FAC] =	sst s6  }
0xf: {  	[smem:$0x3FAD] =	sst s7  }
0x10: {  	[smem:$0x3FAE] =	sst s8  }
0x11: {  	[smem:$0x3FAF] =	sst s9;
	s0 =	simm.s32 @!p0 $0x0  }
0x12: {  	s1 =	sld [smem:$0x3F95];
	s0 =	simm.s32 @p0 $0x1  }
0x13: {  	[smem:$0x3FB0] =	sst s0;
	s0 =	simm.s32 @!p1 $0x0  }
0x14: {  	s2 =	sld [smem:$0x3F94];
	s0 =	simm.s32 @p1 $0x1  }
0x15: {  	[smem:$0x3FB1] =	sst s0;
	s0 =	simm.s32 @!p2 $0x0  }
0x16: {  	s3 =	sld [smem:$0x3FDB];
	s0 =	simm.s32 @p2 $0x1  }
0x17: {  	s4 =	simm.s32 $0x1BF5;
	[smem:$0x3FB3] =	sst s0  }
0x18: {  	s0 =	sld [smem:$0x3F96];
	_ =	swait.ge [sflag:s4], $0x0  }
0x19: {  	s7 =	sld [smem:$0x3F97]  }
0x1a: {  	s8 =	sadd.s32 $0xFFFFE003, lr  }
0x1b: {  	s9 =	sadd.s32 $0xFFFFFEF7, lr;
	s5 =	simm.s32 $0xFFFFFFFF;
	p2 =	slt.u32 s8, $0xFFFFF086  }
0x1c: {  	p1 =	slt.u32 s9, $0xF7A;
	s5 =	simm.s32 @!p2 $0x0  }
0x1d: {  	s5 =	simm.s32 @p1 $0x1;
	p0 =	seq.s32 s7, s2  }
0x1e: {  	s7 =	smul.u32 @!p0 $0xF7A, s2;
	p2 =	seq.s32 @!p0 s5, $0x0  }
0x1f: {  	s9 =	smul.u32 $0xF7A, s1;
	s8 =	simm.s32 @!p0 $0x1BF5;
	p2 =	por !p2, p0  }
0x20: {  	[sflag:s8] =	ssyncset.s32 @!p0 $0xFFFFF086;
	s6 =	sadd.s32 @!p0 s3, s7;
	s7 =	simm.s32 @!p0 $0x108  }
0x21: {  	s3 =	sadd.s32 s3, s9;
	s6 =	sadd.s32 @!p0 $0x88, s6;
	s7 =	simm.s32 @p2 $0x1082  }
0x22: {  	[simem:s7], [sflag:s8] =	dma.local @!p0 [hbm:s6], $0xF7A  }
0x23: {  	s9 =	sor.u32 $0xD0000000, s2;
	s6 =	simm.s32 $0x108;
	_ =	swait.ge @!p0 [sflag:s8], $0x0  }
0x24: {  	s3 =	sadd.s32 $0x88, s3;
	s6 =	simm.s32 @!p1 $0x1082;
	[sflag:s4] =	ssyncset.s32 $0xFFFFF086  }
0x25: {  	[simem:s6], [sflag:s4] =	dma.local [hbm:s3], $0xF7A  }
0x26: {  	[smem:$0x3F97] =	sst s1;
	(tag) =	ssettag s2;
	_ =	strace s9  }
0x27: {  	s1 =	sld [smem:$0x3FA7]  }
0x28: {  	s2 =	sld [smem:$0x3FA8]  }
0x29: {  	s4 =	sld [smem:$0x3FAA]  }
0x2a: {  	p0 =	seq.s32 s5, $0x0;
	s5 =	sld [smem:$0x3FAB]  }
0x2b: {  	s6 =	sld [smem:$0x3FAC]  }
0x2c: {  	s7 =	sld [smem:$0x3FAD]  }
0x2d: {  	s3 =	simm.s32 $0x108;
	s8 =	sld [smem:$0x3FAE]  }
0x2e: {  	s3 =	simm.s32 @!p0 $0x1082;
	s9 =	sld [smem:$0x3FAF]  }
0x2f: {  	lr =	sadd.s32 s0, s3;
	s0 =	sld [smem:$0x3FA6]  }
0x30: {  	s3 =	sld [smem:$0x3FA9]  }
0x31: {  	[smem:$0x3FB2] =	sst s10  }
0x32: {  	s10 =	sld [smem:$0x3FB0];
	_ =	sdelay $0x3  }
0x33: {  	p0 =	seq.s32 s10, $0x1;
	s10 =	sld [smem:$0x3FB2];
	_ =	sdelay $0x3  }
0x34: {  	[smem:$0x3FB2] =	sst s10  }
0x35: {  	s10 =	sld [smem:$0x3FB1];
	_ =	sdelay $0x3  }
0x36: {  	p1 =	seq.s32 s10, $0x1;
	s10 =	sld [smem:$0x3FB2];
	_ =	sdelay $0x3  }
0x37: {  	[smem:$0x3FB2] =	sst s10  }
0x38: {  	s10 =	sld [smem:$0x3FB3]  }
0x39: {  	_ = 	snop;
	(pc) =	sbr.ind lr, $3  }
0x3a: {  	_ = 	snop  }
0x3b: {  	_ = 	snop  }
0x3c: {  	p2 =	seq.s32 s10, $0x1;
	s10 =	sld [smem:$0x3FB2]  }
0x3d: {  	_ =	shalt  }
0x3e: {  	_ =	shalt  }
0x3f: {  	_ =	shalt  }
0x40: {  	_ =	shalt  }
0x41: {  	_ =	shalt  }
0x42: {  	_ =	shalt  }
0x43: {  	_ =	shalt  }
0x44: {  	_ =	shalt  }
0x45: {  	_ =	shalt  }
0x46: {  	_ =	shalt  }
0x47: {  	_ =	shalt  }
0x48: {  	_ =	shalt  }
0x49: {  	_ =	shalt  }
0x4a: {  	_ =	shalt  }
0x4b: {  	_ =	shalt  }
0x4c: {  	_ =	shalt  }
0x4d: {  	_ =	shalt  }
0x4e: {  	_ =	shalt  }
0x4f: {  	_ =	shalt  }
0x50: {  	_ =	shalt  }
0x51: {  	_ =	shalt  }
0x52: {  	_ =	shalt  }
0x53: {  	_ =	shalt  }
0x54: {  	_ =	shalt  }
0x55: {  	_ =	shalt  }
0x56: {  	_ =	shalt  }
0x57: {  	_ =	shalt  }
0x58: {  	_ =	shalt  }
0x59: {  	_ =	shalt  }
0x5a: {  	_ =	shalt  }
0x5b: {  	_ =	shalt  }
0x5c: {  	_ =	shalt  }
0x5d: {  	_ =	shalt  }
0x5e: {  	_ =	shalt  }
0x5f: {  	_ =	shalt  }
0x60: {  	_ =	shalt  }
0x61: {  	_ =	shalt  }
0x62: {  	_ =	shalt  }
0x63: {  	_ =	shalt  }
0x64: {  	_ =	shalt  }
0x65: {  	_ =	shalt  }
0x66: {  	_ =	shalt  }
0x67: {  	_ =	shalt  }
0x68: {  	_ =	shalt  }
0x69: {  	_ =	shalt  }
0x6a: {  	_ =	shalt  }
0x6b: {  	_ =	shalt  }
0x6c: {  	_ =	shalt  }
0x6d: {  	_ =	shalt  }
0x6e: {  	_ =	shalt  }
0x6f: {  	_ =	shalt  }
0x70: {  	_ =	shalt  }
0x71: {  	_ =	shalt  }
0x72: {  	_ =	shalt  }
0x73: {  	_ =	shalt  }
0x74: {  	_ =	shalt  }
0x75: {  	_ =	shalt  }
0x76: {  	_ =	shalt  }
0x77: {  	_ =	shalt  }
0x78: {  	_ =	shalt  }
0x79: {  	_ =	shalt  }
0x7a: {  	_ =	shalt  }
0x7b: {  	_ =	shalt  }
0x7c: {  	_ =	shalt  }
0x7d: {  	_ =	shalt  }
0x7e: {  	_ =	shalt  }
0x7f: {  	_ =	shalt  }
0x80: {  	_ =	shalt  }
0x81: {  	_ =	shalt  }
0x82: {  	_ =	shalt  }
0x83: {  	_ =	shalt  }
0x84: {  	_ =	shalt  }
0x85: {  	_ =	shalt  }
0x86: {  	_ =	shalt  }
0x87: {  	_ =	shalt  }
.Lfunc_end0:
.L_simem_size_0:
called_computation.1_lowered:
.L_overlay_start_0:
0x88: {  	s2 =	sld [smem:$0x3FD9]  }
0x89: {  	s3 =	sld [smem:$0x3FFE];
	_ =	sdelay $0x1  }
0x8a: {  	s1 =	srdreg.scid  }
0x8b: {  	s0 =	sand.u32 $0x1, s1  }
0x8c: {  	s17 =	sshll.u32 s0, $0xA;
	s2 =	sadd.s32 s3, s2  }
0x8d: {  	s2 =	sadd.s32 s2, s17  }
0x8e: {  	[smem:$0x3FBE] =	sst s2  }
0x8f: {  	_ = 	snop  }
0x90: {  	s18 =	sld [smem:$0x3FC8];
	(tm) =	ssettm $0x1  }
0x91: {  	s19 =	sld [smem:$0x3FFB];
	_ =	sdelay $0x3  }
0x92: {  	_ =	strace s19  }
0x93: {  	s2 =	sld [smem:$0x3FFC];
	_ =	sdelay $0x3  }
0x94: {  	_ =	strace s2  }
0x95: {  	s2 =	sld [smem:$0x3FFD];
	_ =	sdelay $0x3  }
0x96: {  	_ =	strace s2  }
0x97: {  	_ =	strace $0x8FFFFFFF  }
0x98: {  	s20 =	sld [smem:$0x3FDB];
	_ =	sdelay $0x1  }
0x99: {  	s4 =	simm.s32 $_scs_section_size  }
0x9a: {  	s5 =	simm.s32 $_size__tile_overlayer_lowered;
	s6 =	simm.s32 $_tile_overlayer_lowered  }
0x9b: {  	s7 =	simm.s32 $0x1BFF;
	s21 =	sshll.u32 s6, $0x1;
	s4 =	sadd.s32 s4, s20  }
0x9c: {  	s22 =	simm.s32 $0x0;
	s5 =	sshll.u32 s5, $0x1;
	s6 =	sadd.s32 s21, s4  }
0x9d: {  	[timem:s22], [sflag:s7] =	dma.local [hbm:s6], s5  }
0x9e: {  	_ =	swait.ge [sflag:s7], s5  }
0x9f: {  	s5 =	ssub.s32 $0x0, s5;
	[sflag:s7] =	ssyncset.done $0x0  }
0xa0: {  	[sflag:s7] =	ssyncadd.s32 s5;
	_ =	sdelay $0x1  }
0xa1: {  	s23 =	simm.s32 $0x1B8B  }
0xa2: {  	_ =	swait.ge [sflag:s23], $0x1  }
0xa3: {  	[sflag:s23] =	ssyncset.done $0x0  }
0xa4: {  	[sflag:s23] =	ssyncadd.s32 $0xFFFFFFFF  }
0xa5: {  	s5 =	sld [smem:$0x0]  }
0xa6: {  	s6 =	sand.u32 $0xFFFFFFFE, s1  }
0xa7: {  	p0 =	sne.s32 s1, s6  }
0xa8: {  	s6 =	sshll.u32 @p0 s6, $0xE  }
0xa9: {  	s6 =	sadd.s32 @p0 $0x11B8D, s6;
	s7 =	sshll.u32 @p0 s5, $0x11  }
0xaa: {  	s6 =	sor.u32 @p0 s7, s6  }
0xab: {  	[sflag:s6] =	ssyncadd.remote.s32 @p0 $0x1;
	_ =	sdelay $0x1  }
0xac: {  	s6 =	simm.s32 @p0 $0x1B8D  }
0xad: {  	_ =	swait.eq @p0 [sflag:s6], $0x1  }
0xae: {  	[sflag:s6] =	ssyncadd.s32 @p0 $0xFFFFFFFF  }
0xaf: {  	s7 =	sshll.u32 @!p0 s1, $0xE  }
0xb0: {  	s7 =	sor.u32 @!p0 $0x4000, s7;
	s6 =	simm.s32 @!p0 $0x1B8D  }
0xb1: {  	s5 =	sshll.u32 @!p0 s5, $0x11;
	s7 =	sadd.s32 @!p0 $0x11B8D, s7;
	_ =	swait.eq @!p0 [sflag:s6], $0x1  }
0xb2: {  	s5 =	sor.u32 @!p0 s5, s7;
	[sflag:s6] =	ssyncadd.s32 @!p0 $0xFFFFFFFF  }
0xb3: {  	s25 =	simm.s32 $0x1B8E;
	s24 =	sld [smem:$0x3FFE];
	[sflag:s5] =	ssyncadd.remote.s32 @!p0 $0x1  }
0xb4: {  	s26 =	simm.s32 $execute0_lowered;
	[smem:$0x3FD2] =	sst s25  }
0xb5: {  	s6 =	sshll.u32 s26, $0x1;
	_ =	strace $0x80000050;
	[dreg:$0x1] =	wrdreg $0xFFFFFFFF  }
0xb6: {  	s28 =	simm.s32 $_size_execute0_lowered;
	s4 =	sadd.s32 s4, s6;
	[dreg:$0x0] =	wrdreg $0x0  }
0xb7: {  	s6 =	sshll.u32 s28, $0x1;
	[dreg:$0x2] =	wrdreg s4  }
0xb8: {  	[dreg:$0x3] =	wrdreg s6  }
0xb9: {  	[dreg:$0x4] =	wrdreg $0xC0  }
0xba: {  	_ =	task [dreg:s22], $0x5FFFF  }
0xbb: {  	[dreg:$0x1] =	wrdreg $0xFFFFFFFF  }
0xbc: {  	[dreg:$0x0] =	wrdreg $0x60  }
0xbd: {  	[dreg:$0x2] =	wrdreg s18  }
0xbe: {  	[dreg:$0x3] =	wrdreg s24  }
0xbf: {  	[dreg:$0x4] =	wrdreg $0xA  }
0xc0: {  	_ =	task.clear_ibuf [dreg:s22], $0x5FFFF;
	_ =	strace $0x90000050  }
0xc1: {  	s29 =	simm.s32 $0xA;
	_ =	strace $0x80000059  }
0xc2: {  	_ =	swait.ge [sflag:s29], $0x1  }
0xc3: {  	[sflag:s29] =	ssyncadd.s32 $0xFFFFFFFF  }
0xc4: {  	_ =	strace $0x90000059  }
0xc5: {  	_ =	sfence  }
0xc6: {  	s30 =	sld [smem:$0x0];
	_ =	sdelay $0x2  }
0xc7: {  	s31 =	sshll.u32 s1, $0xD;
	s1 =	sshrl.u32 s1, $0x2  }
0xc8: {  	s4 =	sand.u32 $0x4000, s31;
	s1 =	sadd.s32 s1, s30  }
0xc9: {  	s0 =	sor.u32 s4, s0;
	s1 =	sshll.u32 s1, $0x11  }
0xca: {  	s0 =	sor.u32 s1, s0  }
0xcb: {  	s0 =	sadd.s32 $0x8F2B, s0  }
0xcc: {  	[sflag:s0] =	ssyncadd.remote.s32 $0x1  }
0xcd: {  	_ =	sfence.sel $0xFFFF  }
0xce: {  	[dreg:$0x0] =	wrdreg $0xFFFFFFFF;
	(pc) =	sbr.abs _section_cstart, $3  }
0xcf: {  	[dreg:$0x1] =	wrdreg $0xFFFFFFFF  }
0xd0: {  	_ =	task.clear_ibuf [dreg:s22], $0x2FFFF;
	_ =	strace $0x9FFFFFFF  }
0xd1: {  	(tm) =	ssettm $0x7FFFFFFF  }
tec
execute0_lowered:
.L_overlay_start_1:
0x0: {  	(tag) =	ssettag $0x1  }
0x1: {  	s0 =	srdreg.scid  }
0x2: {  	s15 =	sand.u32 $0x1, s0  }
0x3: {  	s1 =	stileid.u32;
	s4 =	sshll.u32 s15, $0x4  }
0x4: {  	s4 =	sor.u32 s1, s4  }
0x5: {  	p0 =	sgt.u32 s4, $0x2  }
.Ltmp0:
0x6: {  	_ = 	snop;
	(pc) =	sbr.rel @p0 .LBB2_4-.Ltmp0, $4  }
0x7: {  	s2 =	rddreg [dreg:$0x0]  }
0x8: {  	s10 =	rddreg [dreg:$0x1];
	s3 =	simm.s32 $0x0  }
0x9: {  	[smem:$0x7FF] =	sst s3  }
0xa: {  	s0 =	rddreg [dreg:$0x2];
	_ =	strace $0x80000051  }
0xb: {  	s11 =	smin.u32 s4, $0x3  }
0xc: {  	s30 =	sadd.s32 $0x5800, s10;
	s5 =	sshll.u32 s11, $0x4  }
0xd: {  	_ =	strace $0x80000052;
	s4 =	sadd.s32 s30, s5  }
0xe: {  	[tilespmem:s3], [sflag:$0x1] =	stream.linear.gather [hbm4b:s4+s3], $0x80, $0x200038;
	[tilespmem:$0x8100] =	vst v63  }
0xf: {  	_ =	strace $0x90000052  }
0x10: {  	s6 =	simm.s32 $0x80;
	s5 =	sadd.s32 $0x30, s4;
	_ =	strace $0x80000053  }
0x11: {  	[tilespmem:s6], [sflag:$0x2] =	stream.linear.gather [hbm4b:s5+s3], $0x80, $0x200038;
	[tilespmem:$0x8100] =	vst v63  }
0x12: {  	_ =	strace $0x90000053  }
0x13: {  	s7 =	simm.s32 $0x1;
	_ =	strace $0x80000054  }
0x14: {  	_ =	swait.ge [sflag:s7], $0x80  }
0x15: {  	[sflag:s7] =	ssyncset.done $0x0  }
0x16: {  	[sflag:s7] =	ssyncadd.s32 $0xFFFFFF80  }
0x17: {  	_ =	strace $0x90000054  }
0x18: {  	s8 =	simm.s32 $0x100;
	s9 =	simm.s32 $0x5;
	_ =	strace $0x80000055  }
0x19: {  	[tilespmem:s8], [sflag:$0x5] =	stream.indirect.gather [hbm4b:s2+s6], $0x80, s3, s6, $0x2000b8;
	[tilespmem:$0x8100] =	vst v63  }
0x1a: {  	_ =	swait.ge [sflag:s9], $0x4000  }
0x1b: {  	[sflag:s9] =	ssyncset.done $0x0  }
0x1c: {  	[sflag:s9] =	ssyncadd.s32 $0xFFFFC000  }
0x1d: {  	s31 =	sadd.s32 $0x5A00, s10;
	s11 =	sshll.u32 s11, $0xB;
	_ =	strace $0x90000055  }
0x1e: {  	s10 =	sadd.s32 s31, s11;
	_ =	strace $0x80000056  }
0x1f: {  	[hbm4b:s10+s3] =	stream.linear.scatter [tilespmem:s8], [sflag:$0x3], $0x4000, $0x200038;
	[tilespmem:$0x8100] =	vst v63  }
0x20: {  	_ =	strace $0x90000056  }
0x21: {  	s11 =	simm.s32 $0x2;
	_ =	strace $0x80000054  }
0x22: {  	_ =	swait.ge [sflag:s11], $0x80  }
0x23: {  	[sflag:s11] =	ssyncset.done $0x0  }
0x24: {  	[sflag:s11] =	ssyncadd.s32 $0xFFFFFF80  }
0x25: {  	_ =	strace $0x90000054  }
0x26: {  	s12 =	simm.s32 $0x4100;
	_ =	strace $0x80000055  }
0x27: {  	[tilespmem:s12], [sflag:$0x5] =	stream.indirect.gather [hbm4b:s2+s6], $0x80, s6, s6, $0x2000b8;
	[tilespmem:$0x8100] =	vst v63  }
0x28: {  	_ =	swait.ge [sflag:s9], $0x4000  }
0x29: {  	[sflag:s9] =	ssyncset.done $0x0  }
0x2a: {  	[sflag:s9] =	ssyncadd.s32 $0xFFFFC000  }
0x2b: {  	_ =	strace $0x90000055  }
0x2c: {  	s13 =	sadd.s32 $0x1800, s10;
	_ =	strace $0x80000056  }
0x2d: {  	[hbm4b:s13+s3] =	stream.linear.scatter [tilespmem:s12], [sflag:$0x4], $0x4000, $0x200038;
	[tilespmem:$0x8100] =	vst v63  }
0x2e: {  	s15 =	ssub.s32 $0x2, s15;
	_ =	strace $0x90000056  }
0x2f: {  	s14 =	simm.s32 $0x3;
	s16 =	sshrl.u32 s15, $0x1;
	_ =	strace $0x80000057  }
0x30: {  	s16 =	ssub.s32 s15, s16;
	_ =	swait.ge [sflag:s14], $0x4000  }
0x31: {  	s16 =	smax.u32 s16, $0x1;
	[sflag:s14] =	ssyncset.done $0x0  }
0x32: {  	p0 =	sne.s32 s16, $0x1;
	[sflag:s14] =	ssyncadd.s32 $0xFFFFC000  }
.Ltmp1:
0x33: {  	_ =	strace $0x90000057;
	(pc) =	sbr.rel @!p0 .LBB2_3-.Ltmp1, $4  }
0x34: {  	s15 =	simm.s32 $0x4;
	_ =	strace $0x80000058  }
0x35: {  	_ =	swait.ge [sflag:s15], $0x4000  }
0x36: {  	[sflag:s15] =	ssyncset.done $0x0  }
0x37: {  	s16 =	sadd.s32 $0xFFFFFFFF, s16;
	[sflag:s15] =	ssyncadd.s32 $0xFFFFC000  }
.LBB2_2:
0x38: {  	p0 =	sne.s32 s16, $0x1;
	s16 =	sadd.s32 $0xFFFFFFFF, s16;
	_ =	strace $0x90000058  }
0x39: {  	_ =	strace $0x80000052  }
0x3a: {  	[tilespmem:s3], [sflag:$0x1] =	stream.linear.gather [hbm4b:s4+s3], $0x80, $0x200038;
	[tilespmem:$0x8100] =	vst v63  }
0x3b: {  	_ =	strace $0x90000052  }
0x3c: {  	_ =	strace $0x80000053  }
0x3d: {  	[tilespmem:s6], [sflag:$0x2] =	stream.linear.gather [hbm4b:s5+s3], $0x80, $0x200038;
	[tilespmem:$0x8100] =	vst v63  }
0x3e: {  	_ =	strace $0x90000053  }
0x3f: {  	_ =	strace $0x80000054  }
0x40: {  	_ =	swait.ge [sflag:s7], $0x80  }
0x41: {  	[sflag:s7] =	ssyncset.done $0x0  }
0x42: {  	[sflag:s7] =	ssyncadd.s32 $0xFFFFFF80  }
0x43: {  	_ =	strace $0x90000054  }
0x44: {  	_ =	strace $0x80000055  }
0x45: {  	[tilespmem:s8], [sflag:$0x5] =	stream.indirect.gather [hbm4b:s2+s6], $0x80, s3, s6, $0x2000b8;
	[tilespmem:$0x8100] =	vst v63  }
0x46: {  	_ =	swait.ge [sflag:s9], $0x4000  }
0x47: {  	[sflag:s9] =	ssyncset.done $0x0  }
0x48: {  	[sflag:s9] =	ssyncadd.s32 $0xFFFFC000  }
0x49: {  	_ =	strace $0x90000055  }
0x4a: {  	_ =	strace $0x80000056  }
0x4b: {  	[hbm4b:s10+s3] =	stream.linear.scatter [tilespmem:s8], [sflag:$0x3], $0x4000, $0x200038;
	[tilespmem:$0x8100] =	vst v63  }
0x4c: {  	_ =	strace $0x90000056  }
0x4d: {  	_ =	strace $0x80000054  }
0x4e: {  	_ =	swait.ge [sflag:s11], $0x80  }
0x4f: {  	[sflag:s11] =	ssyncset.done $0x0  }
0x50: {  	[sflag:s11] =	ssyncadd.s32 $0xFFFFFF80  }
0x51: {  	_ =	strace $0x90000054  }
0x52: {  	_ =	strace $0x80000055  }
0x53: {  	[tilespmem:s12], [sflag:$0x5] =	stream.indirect.gather [hbm4b:s2+s6], $0x80, s6, s6, $0x2000b8;
	[tilespmem:$0x8100] =	vst v63  }
0x54: {  	_ =	swait.ge [sflag:s9], $0x4000  }
0x55: {  	[sflag:s9] =	ssyncset.done $0x0  }
0x56: {  	[sflag:s9] =	ssyncadd.s32 $0xFFFFC000  }
0x57: {  	_ =	strace $0x90000055  }
0x58: {  	_ =	strace $0x80000056  }
0x59: {  	[hbm4b:s13+s3] =	stream.linear.scatter [tilespmem:s12], [sflag:$0x4], $0x4000, $0x200038;
	[tilespmem:$0x8100] =	vst v63  }
0x5a: {  	_ =	strace $0x90000056  }
0x5b: {  	_ =	strace $0x80000057  }
0x5c: {  	_ =	swait.ge [sflag:s14], $0x4000  }
0x5d: {  	[sflag:s14] =	ssyncset.done $0x0  }
0x5e: {  	[sflag:s14] =	ssyncadd.s32 $0xFFFFC000  }
.Ltmp2:
0x5f: {  	_ =	strace $0x90000057;
	(pc) =	sbr.rel @p0 .LBB2_2-.Ltmp2, $4  }
0x60: {  	_ =	strace $0x80000058  }
0x61: {  	_ =	swait.ge [sflag:s15], $0x4000  }
0x62: {  	[sflag:s15] =	ssyncset.done $0x0  }
0x63: {  	[sflag:s15] =	ssyncadd.s32 $0xFFFFC000  }
.LBB2_3:
0x64: {  	_ =	strace $0x90000058  }
.LBB2_4:
0x65: {  	_ =	sfence.sel $0x180000  }
0x66: {  	[bflag:$0x0] =	sbarrier.arrive $0xFFFF  }
0x67: {  	p0 =	sne.s32 s1, $0x0;
	_ =	strace $0x90000051  }
0x68: {  	s0 =	sadd.s32 @!p0 $0x100000, s0;
	[bflag:$0x2] =	sbarrier.arrive $0xFFFF  }
0x69: {  	[sflag:s0] =	ssyncadd.tile.s32 @!p0 $0x1;
	_ =	shalt  }
.Lfunc_end2:
_tile_overlayer_lowered:
.L_overlay_start_2:
0x6a: {  	(tag) =	ssettag $0x2  }
0x6b: {  	s0 =	rddreg [dreg:$0x0];
	s2 =	stileid.u32  }
0x6c: {  	s1 =	rddreg [dreg:$0x1];
	p0 =	sne.s32 s2, $0x0  }
0x6d: {  	s3 =	rddreg [dreg:$0x2];
	[bflag:$0x3] =	sbarrier.arrive $0xFFFF;
	s2 =	simm.s32 @!p0 $0x1C01  }
0x6e: {  	[timem:s3], [sflag:s2] =	dma.local @!p0 [hbm:s0], s1  }
0x6f: {  	s0 =	simm.s32 @!p0 $0x1  }
0x70: {  	_ =	swait.ge @!p0 [sflag:s0], s1  }
0x71: {  	s1 =	ssub.s32 @!p0 $0x0, s1;
	[sflag:s0] =	ssyncset.done @!p0 $0x0  }
0x72: {  	[sflag:s0] =	ssyncadd.s32 @!p0 s1  }
0x73: {  	[bflag:$0x3] =	sbarrier.arrive $0xFFFF  }
0x74: {  	_ =	shalt  }

</sc_bundles>
